<compile_context>
chip_gen: v7x
topology: tpu7x:2x2x1
jax: 0.10.2.dev20260603
libtpu: 0.0.44.dev20260713+nightly
codegen_flags: <defaults>
</compile_context>

<pallas_src>
import functools

import jax
import jax.numpy as jnp
from jax import lax
from jax.experimental import pallas as pl
from jax.experimental.pallas import tpu as pltpu
from jax.experimental.pallas import tpu_sc as plsc

N_V = 1000
N_D = 64
B = 4096
T = 200
NW = 32
DG = 8
WPG = NW // DG
TPW = T // WPG
NG = B // 16
CHUNK = 32 * 8 * 128


@jax.jit
def _sc_embedding_lookup(idx_t, table):
  mesh = plsc.VectorSubcoreMesh(
      core_axis_name="c", subcore_axis_name="s", num_cores=2, num_subcores=16)

  @functools.partial(
      pl.kernel,
      mesh=mesh,
      out_type=jax.ShapeDtypeStruct((T, DG, 32, 8, 128), jnp.float32),
      compiler_params=pltpu.CompilerParams(
          use_tc_tiling_on_sc=False, needs_layout_passes=False),
      scratch_types=(
          [pltpu.VMEM((DG, N_V), jnp.float32)]
          + [pltpu.VMEM((B,), jnp.int32) for _ in range(2)]
          + [pltpu.VMEM((32, 8, 128), jnp.float32) for _ in range(2)]
          + [pltpu.SemaphoreType.DMA for _ in range(4)]
      ),
  )
  def k(idx_hbm, table_hbm, out_hbm, tsf, ib0, ib1, ob0, ob1,
        isem0, isem1, osem0, osem1):
    ibs = (ib0, ib1)
    obs = (ob0, ob1)
    isems = (isem0, isem1)
    osems = (osem0, osem1)

    wid = lax.axis_index("s") * 2 + lax.axis_index("c")
    dt = wid // WPG
    t0 = (wid % WPG) * TPW

    pltpu.sync_copy(table_hbm.at[pl.ds(dt * DG, DG)], tsf)

    pltpu.async_copy(idx_hbm.at[t0], ibs[0], isems[0])
    pltpu.async_copy(idx_hbm.at[t0 + 1], ibs[1], isems[1])

    def unit(u, ib, ob, isem, osem):
      t = t0 + u
      pltpu.make_async_copy(idx_hbm.at[t], ib, isem).wait()

      @pl.when(u >= 2)
      def _():
        pltpu.make_async_copy(
            ob, out_hbm.at[t - 2, dt], osem).wait()

      @plsc.parallel_loop(0, 32, 1, unroll=2)
      def group(bt):
        for gl in range(8):
          idx16 = ib[pl.ds(bt * 128 + gl * 16, 16)]
          for dl in range(DG):
            vals = plsc.load_gather(tsf.at[dl], [idx16])
            ob[bt, dl, pl.ds(gl * 16, 16)] = vals

      pltpu.async_copy(ob, out_hbm.at[t, dt], osem)

      @pl.when(u + 2 < TPW)
      def _():
        pltpu.async_copy(idx_hbm.at[t + 2], ib, isem)

    def pair(p, carry):
      unit(p * 2, ibs[0], obs[0], isems[0], osems[0])
      unit(p * 2 + 1, ibs[1], obs[1], isems[1], osems[1])
      return carry

    lax.fori_loop(0, TPW // 2, pair, 0)

    pltpu.make_async_copy(
        obs[0], out_hbm.at[t0 + TPW - 2, dt], osems[0]).wait()
    pltpu.make_async_copy(
        obs[1], out_hbm.at[t0 + TPW - 1, dt], osems[1]).wait()

  return k(idx_t, table)


def kernel(input_, table):
  out5 = _sc_embedding_lookup(input_.T, table.T)
  return out5.transpose(2, 4, 0, 1, 3).reshape(B, T, N_D)

# --- scband reference (transcript-rebuilt; emitter-appended) ---
"""Pipeline reference for scband-embeddings-3075196584308 (READ-ONLY COPY).

The authoritative reference and input builder live on the scoring server;
editing this copy changes nothing except your own understanding.
"""

import jax, jax.numpy as jnp
import numpy as np

N_V = 1000
N_D = 64
PAD_ID = 0


def setup_inputs(seed: int = 0) -> dict:
    key = jax.random.key(seed)
    k_tab, k_idx = jax.random.split(key)
    scale = float(np.sqrt(3.0 / N_D))
    # uniform init in [-scale, scale]; note torch's .uniform_ overwrites the
    # zeroed padding row, so the pad row is also uniform before normalization
    table = jax.random.uniform(k_tab, (N_V, N_D), minval=-scale, maxval=scale, dtype=jnp.float32)
    # normalize=True: divide each row by its L2 norm
    norms = jnp.linalg.norm(table, ord=2, axis=1, keepdims=True)
    table = table / norms
    input_ = jax.random.randint(k_idx, (4096, 200), 0, N_V, dtype=jnp.int32)
    return {"input_": input_, "table": table}


def reference(input_, table):
    # Embeddings.forward: plain embedding lookup
    return jnp.take(table, input_, axis=0)

if __name__ == "__main__":
    import jax
    _d = setup_inputs()
    print(jax.jit(kernel)(*tuple(_d.values())))

</pallas_src>

<mosaic_0001>
#map = affine_map<(d0, d1) -> (0, 0)>
#map1 = affine_map<(d0, d1) -> (0, 0, 0, 0, 0)>
module attributes {stable_mosaic.version = 14 : i64} {
  func.func @k(%arg0: i32, %arg1: i32, %arg2: memref<200x4096xi32, #tpu.memory_space<hbm>>, %arg3: memref<64x1000xf32, #tpu.memory_space<hbm>>, %arg4: memref<200x8x32x8x128xf32, #tpu.memory_space<hbm>>, %arg5: memref<8x1000xf32, #tpu.memory_space<vmem>>, %arg6: memref<4096xi32, #tpu.memory_space<vmem>>, %arg7: memref<4096xi32, #tpu.memory_space<vmem>>, %arg8: memref<32x8x128xf32, #tpu.memory_space<vmem>>, %arg9: memref<32x8x128xf32, #tpu.memory_space<vmem>>, %arg10: memref<!tpu.dma_semaphore, #tpu.memory_space<semaphore_mem>>, %arg11: memref<!tpu.dma_semaphore, #tpu.memory_space<semaphore_mem>>, %arg12: memref<!tpu.dma_semaphore, #tpu.memory_space<semaphore_mem>>, %arg13: memref<!tpu.dma_semaphore, #tpu.memory_space<semaphore_mem>>) attributes {dimension_semantics = [#tpu.dimension_semantics<core_parallel>, #tpu.dimension_semantics<subcore_parallel>], iteration_bounds = array<i64: 2, 16>, scalar_prefetch = 0 : i64, scratch_operands = 9 : i64, tpu.core_type = #tpu.core_type<sc_vector_subcore>, window_params = [{transform_indices = #map}, {transform_indices = #map}, {transform_indices = #map1}]} {
    %mul3A = arith.constant 2 : i32
    %mul3A_0 = arith.muli %arg1, %mul3A : i32
    %add3A = arith.addi %mul3A_0, %arg0 : i32
    %jit3A = arith.constant 4 : i32
    %div3A = arith.divsi %add3A, %jit3A : i32
    %sign3A = arith.constant 0 : i32
    %sign3A_1 = arith.cmpi sgt, %add3A, %sign3A : i32
    %sign3A_2 = arith.extui %sign3A_1 : i1 to i32
    %sign3A_3 = arith.constant 0 : i32
    %sign3A_4 = arith.cmpi slt, %add3A, %sign3A_3 : i32
    %sign3A_5 = arith.extui %sign3A_4 : i1 to i32
    %sign3A_6 = arith.subi %sign3A_2, %sign3A_5 : i32
    %sign3A_7 = arith.constant 0 : i32
    %sign3A_8 = arith.cmpi sgt, %jit3A, %sign3A_7 : i32
    %sign3A_9 = arith.extui %sign3A_8 : i1 to i32
    %sign3A_10 = arith.constant 0 : i32
    %sign3A_11 = arith.cmpi slt, %jit3A, %sign3A_10 : i32
    %sign3A_12 = arith.extui %sign3A_11 : i1 to i32
    %sign3A_13 = arith.subi %sign3A_9, %sign3A_12 : i32
    %ne3A = arith.cmpi ne, %sign3A_6, %sign3A_13 : i32
    %rem3A = arith.remsi %add3A, %jit3A : i32
    %ne3A_14 = arith.constant 0 : i32
    %ne3A_15 = arith.cmpi ne, %rem3A, %ne3A_14 : i32
    %and3A = arith.andi %ne3A, %ne3A_15 : i1
    %sub3A = arith.constant 1 : i32
    %sub3A_16 = arith.subi %div3A, %sub3A : i32
    %select_n3A = arith.select %and3A, %sub3A_16, %div3A : i32
    %jit3A_17 = arith.constant 4 : i32
    %eq3A = arith.constant 0 : i32
    %eq3A_18 = arith.cmpi eq, %jit3A_17, %eq3A : i32
    %jit3A_19 = arith.constant 1 : i32
    %select_n3A_20 = arith.select %eq3A_18, %jit3A_19, %jit3A_17 : i32
    %rem3A_21 = arith.remsi %add3A, %select_n3A_20 : i32
    %ne3A_22 = arith.constant 0 : i32
    %ne3A_23 = arith.cmpi ne, %rem3A_21, %ne3A_22 : i32
    %lt3A = arith.constant 0 : i32
    %lt3A_24 = arith.cmpi slt, %rem3A_21, %lt3A : i32
    %lt3A_25 = arith.constant 0 : i32
    %lt3A_26 = arith.cmpi slt, %select_n3A_20, %lt3A_25 : i32
    %ne3A_27 = arith.xori %lt3A_24, %lt3A_26 : i1
    %and3A_28 = arith.andi %ne3A_27, %ne3A_23 : i1
    %add3A_29 = arith.addi %rem3A_21, %select_n3A_20 : i32
    %select_n3A_30 = arith.select %and3A_28, %add3A_29, %rem3A_21 : i32
    %mul3A_31 = arith.constant 50 : i32
    %mul3A_32 = arith.muli %select_n3A_30, %mul3A_31 : i32
    %mul3A_33 = arith.constant 8 : i32
    %mul3A_34 = arith.muli %select_n3A, %mul3A_33 : i32
    "tpu.region"() ({
      %run_scoped3A = tpu.sem_alloc : memref<!tpu.dma_semaphore, #tpu.memory_space<semaphore_mem>>
      %dma_start3A_80 = arith.constant 0 : i32
      %dma_start3A_81 = tpu.memref_slice %arg3[%mul3A_34, %dma_start3A_80] : memref<64x1000xf32, #tpu.memory_space<hbm>> -> memref<8x1000xf32, #tpu.memory_space<hbm>>
      %dma_start3A_82 = arith.constant 0 : i32
      %dma_start3A_83 = tpu.memref_slice %arg3[%mul3A_34, %dma_start3A_82] : memref<64x1000xf32, #tpu.memory_space<hbm>> -> memref<8x1000xf32, #tpu.memory_space<hbm>>
      tpu.enqueue_dma source(%dma_start3A_83 : memref<8x1000xf32, #tpu.memory_space<hbm>>) target(%arg5 : memref<8x1000xf32, #tpu.memory_space<vmem>>) target_semaphore(%run_scoped3A : memref<!tpu.dma_semaphore, #tpu.memory_space<semaphore_mem>>)
      %dma_wait3A_84 = arith.constant 0 : i32
      %dma_wait3A_85 = tpu.memref_slice %arg3[%mul3A_34, %dma_wait3A_84] : memref<64x1000xf32, #tpu.memory_space<hbm>> -> memref<8x1000xf32, #tpu.memory_space<hbm>>
      %dma_wait3A_86 = arith.constant 0 : i32
      %dma_wait3A_87 = tpu.memref_slice %arg3[%mul3A_34, %dma_wait3A_86] : memref<64x1000xf32, #tpu.memory_space<hbm>> -> memref<8x1000xf32, #tpu.memory_space<hbm>>
      tpu.wait_dma2 semaphore(%run_scoped3A : memref<!tpu.dma_semaphore, #tpu.memory_space<semaphore_mem>>) src(%dma_wait3A_87 : memref<8x1000xf32, #tpu.memory_space<hbm>>) dst(%arg5 : memref<8x1000xf32, #tpu.memory_space<vmem>>)
      tpu.yield
    }) : () -> ()
    %dma_start3A = arith.constant 0 : i32
    %dma_start3A_35 = tpu.memref_slice %arg2[%mul3A_32, %dma_start3A] : memref<200x4096xi32, #tpu.memory_space<hbm>> -> memref<1x4096xi32, #tpu.memory_space<hbm>>
    %dma_start3A_36 = tpu.memref_squeeze %dma_start3A_35 : memref<1x4096xi32, #tpu.memory_space<hbm>> -> memref<4096xi32, #tpu.memory_space<hbm>>
    %dma_start3A_37 = arith.constant 0 : i32
    %dma_start3A_38 = tpu.memref_slice %arg2[%mul3A_32, %dma_start3A_37] : memref<200x4096xi32, #tpu.memory_space<hbm>> -> memref<1x4096xi32, #tpu.memory_space<hbm>>
    %dma_start3A_39 = tpu.memref_squeeze %dma_start3A_38 : memref<1x4096xi32, #tpu.memory_space<hbm>> -> memref<4096xi32, #tpu.memory_space<hbm>>
    tpu.enqueue_dma source(%dma_start3A_39 : memref<4096xi32, #tpu.memory_space<hbm>>) target(%arg6 : memref<4096xi32, #tpu.memory_space<vmem>>) target_semaphore(%arg10 : memref<!tpu.dma_semaphore, #tpu.memory_space<semaphore_mem>>)
    %add3A_40 = arith.constant 1 : i32
    %add3A_41 = arith.addi %mul3A_32, %add3A_40 : i32
    %dma_start3A_42 = arith.constant 0 : i32
    %dma_start3A_43 = tpu.memref_slice %arg2[%add3A_41, %dma_start3A_42] : memref<200x4096xi32, #tpu.memory_space<hbm>> -> memref<1x4096xi32, #tpu.memory_space<hbm>>
    %dma_start3A_44 = tpu.memref_squeeze %dma_start3A_43 : memref<1x4096xi32, #tpu.memory_space<hbm>> -> memref<4096xi32, #tpu.memory_space<hbm>>
    %dma_start3A_45 = arith.constant 0 : i32
    %dma_start3A_46 = tpu.memref_slice %arg2[%add3A_41, %dma_start3A_45] : memref<200x4096xi32, #tpu.memory_space<hbm>> -> memref<1x4096xi32, #tpu.memory_space<hbm>>
    %dma_start3A_47 = tpu.memref_squeeze %dma_start3A_46 : memref<1x4096xi32, #tpu.memory_space<hbm>> -> memref<4096xi32, #tpu.memory_space<hbm>>
    tpu.enqueue_dma source(%dma_start3A_47 : memref<4096xi32, #tpu.memory_space<hbm>>) target(%arg7 : memref<4096xi32, #tpu.memory_space<vmem>>) target_semaphore(%arg11 : memref<!tpu.dma_semaphore, #tpu.memory_space<semaphore_mem>>)
    %scan3A = arith.constant 0 : i32
    %scan3A_48 = arith.constant 0 : i32
    %scan3A_49 = arith.constant 25 : i32
    %scan3A_50 = arith.addi %scan3A_48, %scan3A_49 : i32
    %scan3A_51 = arith.constant 1 : i32
    scf.for %scan3A_80 = %scan3A_48 to %scan3A_50 step %scan3A_51  : i32 {
      %mul3A_81 = arith.constant 2 : i32
      %mul3A_82 = arith.muli %scan3A_80, %mul3A_81 : i32
      %add3A_83 = arith.addi %mul3A_32, %mul3A_82 : i32
      %dma_wait3A_84 = arith.constant 0 : i32
      %dma_wait3A_85 = tpu.memref_slice %arg2[%add3A_83, %dma_wait3A_84] : memref<200x4096xi32, #tpu.memory_space<hbm>> -> memref<1x4096xi32, #tpu.memory_space<hbm>>
      %dma_wait3A_86 = tpu.memref_squeeze %dma_wait3A_85 : memref<1x4096xi32, #tpu.memory_space<hbm>> -> memref<4096xi32, #tpu.memory_space<hbm>>
      %dma_wait3A_87 = arith.constant 0 : i32
      %dma_wait3A_88 = tpu.memref_slice %arg2[%add3A_83, %dma_wait3A_87] : memref<200x4096xi32, #tpu.memory_space<hbm>> -> memref<1x4096xi32, #tpu.memory_space<hbm>>
      %dma_wait3A_89 = tpu.memref_squeeze %dma_wait3A_88 : memref<1x4096xi32, #tpu.memory_space<hbm>> -> memref<4096xi32, #tpu.memory_space<hbm>>
      tpu.wait_dma2 semaphore(%arg10 : memref<!tpu.dma_semaphore, #tpu.memory_space<semaphore_mem>>) src(%dma_wait3A_89 : memref<4096xi32, #tpu.memory_space<hbm>>) dst(%arg6 : memref<4096xi32, #tpu.memory_space<vmem>>)
      %ge3A = arith.constant 2 : i32
      %ge3A_90 = arith.cmpi sge, %mul3A_82, %ge3A : i32
      %convert_element_type3A = arith.extui %ge3A_90 : i1 to i32
      %cond3A = arith.constant 0 : i32
      %cond3A_91 = arith.cmpi ne, %convert_element_type3A, %cond3A : i32
      scf.if %cond3A_91 {
        %sub3A_147 = arith.constant 2 : i32
        %sub3A_148 = arith.subi %add3A_83, %sub3A_147 : i32
        %dma_wait3A_149 = arith.constant 0 : i32
        %dma_wait3A_150 = arith.constant 0 : i32
        %dma_wait3A_151 = arith.constant 0 : i32
        %dma_wait3A_152 = tpu.memref_slice %arg4[%sub3A_148, %select_n3A, %dma_wait3A_149, %dma_wait3A_150, %dma_wait3A_151] : memref<200x8x32x8x128xf32, #tpu.memory_space<hbm>> -> memref<1x1x32x8x128xf32, #tpu.memory_space<hbm>>
        %dma_wait3A_153 = tpu.memref_squeeze %dma_wait3A_152 : memref<1x1x32x8x128xf32, #tpu.memory_space<hbm>> -> memref<32x8x128xf32, #tpu.memory_space<hbm>>
        %dma_wait3A_154 = arith.constant 0 : i32
        %dma_wait3A_155 = arith.constant 0 : i32
        %dma_wait3A_156 = arith.constant 0 : i32
        %dma_wait3A_157 = tpu.memref_slice %arg4[%sub3A_148, %select_n3A, %dma_wait3A_154, %dma_wait3A_155, %dma_wait3A_156] : memref<200x8x32x8x128xf32, #tpu.memory_space<hbm>> -> memref<1x1x32x8x128xf32, #tpu.memory_space<hbm>>
        %dma_wait3A_158 = tpu.memref_squeeze %dma_wait3A_157 : memref<1x1x32x8x128xf32, #tpu.memory_space<hbm>> -> memref<32x8x128xf32, #tpu.memory_space<hbm>>
        tpu.wait_dma2 semaphore(%arg12 : memref<!tpu.dma_semaphore, #tpu.memory_space<semaphore_mem>>) src(%arg8 : memref<32x8x128xf32, #tpu.memory_space<vmem>>) dst(%dma_wait3A_158 : memref<32x8x128xf32, #tpu.memory_space<hbm>>)
      } else {
      }
      %parallel_loop3A = arith.constant 0 : i32
      %parallel_loop3A_92 = arith.constant 32 : i32
      %parallel_loop3A_93 = arith.constant 1 : i32
      scf.for %parallel_loop3A_147 = %parallel_loop3A to %parallel_loop3A_92 step %parallel_loop3A_93  : i32 {
        %parallel_loop3A_148 = arith.constant 128 : i32
        %parallel_loop3A_149 = arith.muli %parallel_loop3A_147, %parallel_loop3A_148 : i32
        %parallel_loop3A_150 = arith.constant 0 : i32
        %parallel_loop3A_151 = arith.addi %parallel_loop3A_149, %parallel_loop3A_150 : i32
        %parallel_loop3A_152 = arith.index_cast %parallel_loop3A_151 : i32 to index
        %parallel_loop3A_153 = tpu.vector_load %arg6[%parallel_loop3A_152] {strides = array<i32>} : memref<4096xi32, #tpu.memory_space<vmem>>, vector<16xi32>,
        %parallel_loop3A_154 = arith.constant 0 : i32
        %parallel_loop3A_155 = arith.constant 0 : i32
        %parallel_loop3A_156 = tpu.memref_slice %arg5[%parallel_loop3A_154, %parallel_loop3A_155] : memref<8x1000xf32, #tpu.memory_space<vmem>> -> memref<1x1000xf32, #tpu.memory_space<vmem>>
        %parallel_loop3A_157 = tpu.memref_squeeze %parallel_loop3A_156 : memref<1x1000xf32, #tpu.memory_space<vmem>> -> memref<1000xf32, #tpu.memory_space<vmem>>
        %parallel_loop3A_158 = tpu.vector_load_idx %parallel_loop3A_157[%parallel_loop3A_153] : memref<1000xf32, #tpu.memory_space<vmem>>[vector<16xi32>], vector<16xf32>,
        %parallel_loop3A_159 = arith.constant 0 : i32
        %parallel_loop3A_160 = arith.index_cast %parallel_loop3A_147 : i32 to index
        %parallel_loop3A_161 = arith.index_cast %parallel_loop3A_159 : i32 to index
        %parallel_loop3A_162 = arith.constant 0 : index
        %parallel_loop3A_163 = tpu.vector_load %arg8[%parallel_loop3A_160, %parallel_loop3A_161, %parallel_loop3A_162] {strides = array<i32>} : memref<32x8x128xf32, #tpu.memory_space<vmem>>, vector<16xf32>,
        tpu.vector_store %arg8[%parallel_loop3A_160, %parallel_loop3A_161, %parallel_loop3A_162], %parallel_loop3A_158 {strides = array<i32>} : memref<32x8x128xf32, #tpu.memory_space<vmem>>, vector<16xf32>,
        %parallel_loop3A_164 = arith.constant 1 : i32
        %parallel_loop3A_165 = arith.constant 0 : i32
        %parallel_loop3A_166 = tpu.memref_slice %arg5[%parallel_loop3A_164, %parallel_loop3A_165] : memref<8x1000xf32, #tpu.memory_space<vmem>> -> memref<1x1000xf32, #tpu.memory_space<vmem>>
        %parallel_loop3A_167 = tpu.memref_squeeze %parallel_loop3A_166 : memref<1x1000xf32, #tpu.memory_space<vmem>> -> memref<1000xf32, #tpu.memory_space<vmem>>
        %parallel_loop3A_168 = tpu.vector_load_idx %parallel_loop3A_167[%parallel_loop3A_153] : memref<1000xf32, #tpu.memory_space<vmem>>[vector<16xi32>], vector<16xf32>,
        %parallel_loop3A_169 = arith.constant 1 : i32
        %parallel_loop3A_170 = arith.index_cast %parallel_loop3A_147 : i32 to index
        %parallel_loop3A_171 = arith.index_cast %parallel_loop3A_169 : i32 to index
        %parallel_loop3A_172 = arith.constant 0 : index
        %parallel_loop3A_173 = tpu.vector_load %arg8[%parallel_loop3A_170, %parallel_loop3A_171, %parallel_loop3A_172] {strides = array<i32>} : memref<32x8x128xf32, #tpu.memory_space<vmem>>, vector<16xf32>,
        tpu.vector_store %arg8[%parallel_loop3A_170, %parallel_loop3A_171, %parallel_loop3A_172], %parallel_loop3A_168 {strides = array<i32>} : memref<32x8x128xf32, #tpu.memory_space<vmem>>, vector<16xf32>,
        %parallel_loop3A_174 = arith.constant 2 : i32
        %parallel_loop3A_175 = arith.constant 0 : i32
        %parallel_loop3A_176 = tpu.memref_slice %arg5[%parallel_loop3A_174, %parallel_loop3A_175] : memref<8x1000xf32, #tpu.memory_space<vmem>> -> memref<1x1000xf32, #tpu.memory_space<vmem>>
        %parallel_loop3A_177 = tpu.memref_squeeze %parallel_loop3A_176 : memref<1x1000xf32, #tpu.memory_space<vmem>> -> memref<1000xf32, #tpu.memory_space<vmem>>
        %parallel_loop3A_178 = tpu.vector_load_idx %parallel_loop3A_177[%parallel_loop3A_153] : memref<1000xf32, #tpu.memory_space<vmem>>[vector<16xi32>], vector<16xf32>,
        %parallel_loop3A_179 = arith.constant 2 : i32
        %parallel_loop3A_180 = arith.index_cast %parallel_loop3A_147 : i32 to index
        %parallel_loop3A_181 = arith.index_cast %parallel_loop3A_179 : i32 to index
        %parallel_loop3A_182 = arith.constant 0 : index
        %parallel_loop3A_183 = tpu.vector_load %arg8[%parallel_loop3A_180, %parallel_loop3A_181, %parallel_loop3A_182] {strides = array<i32>} : memref<32x8x128xf32, #tpu.memory_space<vmem>>, vector<16xf32>,
        tpu.vector_store %arg8[%parallel_loop3A_180, %parallel_loop3A_181, %parallel_loop3A_182], %parallel_loop3A_178 {strides = array<i32>} : memref<32x8x128xf32, #tpu.memory_space<vmem>>, vector<16xf32>,
        %parallel_loop3A_184 = arith.constant 3 : i32
        %parallel_loop3A_185 = arith.constant 0 : i32
        %parallel_loop3A_186 = tpu.memref_slice %arg5[%parallel_loop3A_184, %parallel_loop3A_185] : memref<8x1000xf32, #tpu.memory_space<vmem>> -> memref<1x1000xf32, #tpu.memory_space<vmem>>
        %parallel_loop3A_187 = tpu.memref_squeeze %parallel_loop3A_186 : memref<1x1000xf32, #tpu.memory_space<vmem>> -> memref<1000xf32, #tpu.memory_space<vmem>>
        %parallel_loop3A_188 = tpu.vector_load_idx %parallel_loop3A_187[%parallel_loop3A_153] : memref<1000xf32, #tpu.memory_space<vmem>>[vector<16xi32>], vector<16xf32>,
        %parallel_loop3A_189 = arith.constant 3 : i32
        %parallel_loop3A_190 = arith.index_cast %parallel_loop3A_147 : i32 to index
        %parallel_loop3A_191 = arith.index_cast %parallel_loop3A_189 : i32 to index
        %parallel_loop3A_192 = arith.constant 0 : index
        %parallel_loop3A_193 = tpu.vector_load %arg8[%parallel_loop3A_190, %parallel_loop3A_191, %parallel_loop3A_192] {strides = array<i32>} : memref<32x8x128xf32, #tpu.memory_space<vmem>>, vector<16xf32>,
        tpu.vector_store %arg8[%parallel_loop3A_190, %parallel_loop3A_191, %parallel_loop3A_192], %parallel_loop3A_188 {strides = array<i32>} : memref<32x8x128xf32, #tpu.memory_space<vmem>>, vector<16xf32>,
        %parallel_loop3A_194 = arith.constant 4 : i32
        %parallel_loop3A_195 = arith.constant 0 : i32
        %parallel_loop3A_196 = tpu.memref_slice %arg5[%parallel_loop3A_194, %parallel_loop3A_195] : memref<8x1000xf32, #tpu.memory_space<vmem>> -> memref<1x1000xf32, #tpu.memory_space<vmem>>
        %parallel_loop3A_197 = tpu.memref_squeeze %parallel_loop3A_196 : memref<1x1000xf32, #tpu.memory_space<vmem>> -> memref<1000xf32, #tpu.memory_space<vmem>>
        %parallel_loop3A_198 = tpu.vector_load_idx %parallel_loop3A_197[%parallel_loop3A_153] : memref<1000xf32, #tpu.memory_space<vmem>>[vector<16xi32>], vector<16xf32>,
        %parallel_loop3A_199 = arith.constant 4 : i32
        %parallel_loop3A_200 = arith.index_cast %parallel_loop3A_147 : i32 to index
        %parallel_loop3A_201 = arith.index_cast %parallel_loop3A_199 : i32 to index
        %parallel_loop3A_202 = arith.constant 0 : index
        %parallel_loop3A_203 = tpu.vector_load %arg8[%parallel_loop3A_200, %parallel_loop3A_201, %parallel_loop3A_202] {strides = array<i32>} : memref<32x8x128xf32, #tpu.memory_space<vmem>>, vector<16xf32>,
        tpu.vector_store %arg8[%parallel_loop3A_200, %parallel_loop3A_201, %parallel_loop3A_202], %parallel_loop3A_198 {strides = array<i32>} : memref<32x8x128xf32, #tpu.memory_space<vmem>>, vector<16xf32>,
        %parallel_loop3A_204 = arith.constant 5 : i32
        %parallel_loop3A_205 = arith.constant 0 : i32
        %parallel_loop3A_206 = tpu.memref_slice %arg5[%parallel_loop3A_204, %parallel_loop3A_205] : memref<8x1000xf32, #tpu.memory_space<vmem>> -> memref<1x1000xf32, #tpu.memory_space<vmem>>
        %parallel_loop3A_207 = tpu.memref_squeeze %parallel_loop3A_206 : memref<1x1000xf32, #tpu.memory_space<vmem>> -> memref<1000xf32, #tpu.memory_space<vmem>>
        %parallel_loop3A_208 = tpu.vector_load_idx %parallel_loop3A_207[%parallel_loop3A_153] : memref<1000xf32, #tpu.memory_space<vmem>>[vector<16xi32>], vector<16xf32>,
        %parallel_loop3A_209 = arith.constant 5 : i32
        %parallel_loop3A_210 = arith.index_cast %parallel_loop3A_147 : i32 to index
        %parallel_loop3A_211 = arith.index_cast %parallel_loop3A_209 : i32 to index
        %parallel_loop3A_212 = arith.constant 0 : index
        %parallel_loop3A_213 = tpu.vector_load %arg8[%parallel_loop3A_210, %parallel_loop3A_211, %parallel_loop3A_212] {strides = array<i32>} : memref<32x8x128xf32, #tpu.memory_space<vmem>>, vector<16xf32>,
        tpu.vector_store %arg8[%parallel_loop3A_210, %parallel_loop3A_211, %parallel_loop3A_212], %parallel_loop3A_208 {strides = array<i32>} : memref<32x8x128xf32, #tpu.memory_space<vmem>>, vector<16xf32>,
        %parallel_loop3A_214 = arith.constant 6 : i32
        %parallel_loop3A_215 = arith.constant 0 : i32
        %parallel_loop3A_216 = tpu.memref_slice %arg5[%parallel_loop3A_214, %parallel_loop3A_215] : memref<8x1000xf32, #tpu.memory_space<vmem>> -> memref<1x1000xf32, #tpu.memory_space<vmem>>
        %parallel_loop3A_217 = tpu.memref_squeeze %parallel_loop3A_216 : memref<1x1000xf32, #tpu.memory_space<vmem>> -> memref<1000xf32, #tpu.memory_space<vmem>>
        %parallel_loop3A_218 = tpu.vector_load_idx %parallel_loop3A_217[%parallel_loop3A_153] : memref<1000xf32, #tpu.memory_space<vmem>>[vector<16xi32>], vector<16xf32>,
        %parallel_loop3A_219 = arith.constant 6 : i32
        %parallel_loop3A_220 = arith.index_cast %parallel_loop3A_147 : i32 to index
        %parallel_loop3A_221 = arith.index_cast %parallel_loop3A_219 : i32 to index
        %parallel_loop3A_222 = arith.constant 0 : index
        %parallel_loop3A_223 = tpu.vector_load %arg8[%parallel_loop3A_220, %parallel_loop3A_221, %parallel_loop3A_222] {strides = array<i32>} : memref<32x8x128xf32, #tpu.memory_space<vmem>>, vector<16xf32>,
        tpu.vector_store %arg8[%parallel_loop3A_220, %parallel_loop3A_221, %parallel_loop3A_222], %parallel_loop3A_218 {strides = array<i32>} : memref<32x8x128xf32, #tpu.memory_space<vmem>>, vector<16xf32>,
        %parallel_loop3A_224 = arith.constant 7 : i32
        %parallel_loop3A_225 = arith.constant 0 : i32
        %parallel_loop3A_226 = tpu.memref_slice %arg5[%parallel_loop3A_224, %parallel_loop3A_225] : memref<8x1000xf32, #tpu.memory_space<vmem>> -> memref<1x1000xf32, #tpu.memory_space<vmem>>
        %parallel_loop3A_227 = tpu.memref_squeeze %parallel_loop3A_226 : memref<1x1000xf32, #tpu.memory_space<vmem>> -> memref<1000xf32, #tpu.memory_space<vmem>>
        %parallel_loop3A_228 = tpu.vector_load_idx %parallel_loop3A_227[%parallel_loop3A_153] : memref<1000xf32, #tpu.memory_space<vmem>>[vector<16xi32>], vector<16xf32>,
        %parallel_loop3A_229 = arith.constant 7 : i32
        %parallel_loop3A_230 = arith.index_cast %parallel_loop3A_147 : i32 to index
        %parallel_loop3A_231 = arith.index_cast %parallel_loop3A_229 : i32 to index
        %parallel_loop3A_232 = arith.constant 0 : index
        %parallel_loop3A_233 = tpu.vector_load %arg8[%parallel_loop3A_230, %parallel_loop3A_231, %parallel_loop3A_232] {strides = array<i32>} : memref<32x8x128xf32, #tpu.memory_space<vmem>>, vector<16xf32>,
        tpu.vector_store %arg8[%parallel_loop3A_230, %parallel_loop3A_231, %parallel_loop3A_232], %parallel_loop3A_228 {strides = array<i32>} : memref<32x8x128xf32, #tpu.memory_space<vmem>>, vector<16xf32>,
        %parallel_loop3A_234 = arith.constant 128 : i32
        %parallel_loop3A_235 = arith.muli %parallel_loop3A_147, %parallel_loop3A_234 : i32
        %parallel_loop3A_236 = arith.constant 16 : i32
        %parallel_loop3A_237 = arith.addi %parallel_loop3A_235, %parallel_loop3A_236 : i32
        %parallel_loop3A_238 = arith.index_cast %parallel_loop3A_237 : i32 to index
        %parallel_loop3A_239 = tpu.vector_load %arg6[%parallel_loop3A_238] {strides = array<i32>} : memref<4096xi32, #tpu.memory_space<vmem>>, vector<16xi32>,
        %parallel_loop3A_240 = arith.constant 0 : i32
        %parallel_loop3A_241 = arith.constant 0 : i32
        %parallel_loop3A_242 = tpu.memref_slice %arg5[%parallel_loop3A_240, %parallel_loop3A_241] : memref<8x1000xf32, #tpu.memory_space<vmem>> -> memref<1x1000xf32, #tpu.memory_space<vmem>>
        %parallel_loop3A_243 = tpu.memref_squeeze %parallel_loop3A_242 : memref<1x1000xf32, #tpu.memory_space<vmem>> -> memref<1000xf32, #tpu.memory_space<vmem>>
        %parallel_loop3A_244 = tpu.vector_load_idx %parallel_loop3A_243[%parallel_loop3A_239] : memref<1000xf32, #tpu.memory_space<vmem>>[vector<16xi32>], vector<16xf32>,
        %parallel_loop3A_245 = arith.constant 0 : i32
        %parallel_loop3A_246 = arith.index_cast %parallel_loop3A_147 : i32 to index
        %parallel_loop3A_247 = arith.index_cast %parallel_loop3A_245 : i32 to index
        %parallel_loop3A_248 = arith.constant 16 : index
        %parallel_loop3A_249 = tpu.vector_load %arg8[%parallel_loop3A_246, %parallel_loop3A_247, %parallel_loop3A_248] {strides = array<i32>} : memref<32x8x128xf32, #tpu.memory_space<vmem>>, vector<16xf32>,
        tpu.vector_store %arg8[%parallel_loop3A_246, %parallel_loop3A_247, %parallel_loop3A_248], %parallel_loop3A_244 {strides = array<i32>} : memref<32x8x128xf32, #tpu.memory_space<vmem>>, vector<16xf32>,
        %parallel_loop3A_250 = arith.constant 1 : i32
        %parallel_loop3A_251 = arith.constant 0 : i32
        %parallel_loop3A_252 = tpu.memref_slice %arg5[%parallel_loop3A_250, %parallel_loop3A_251] : memref<8x1000xf32, #tpu.memory_space<vmem>> -> memref<1x1000xf32, #tpu.memory_space<vmem>>
        %parallel_loop3A_253 = tpu.memref_squeeze %parallel_loop3A_252 : memref<1x1000xf32, #tpu.memory_space<vmem>> -> memref<1000xf32, #tpu.memory_space<vmem>>
        %parallel_loop3A_254 = tpu.vector_load_idx %parallel_loop3A_253[%parallel_loop3A_239] : memref<1000xf32, #tpu.memory_space<vmem>>[vector<16xi32>], vector<16xf32>,
        %parallel_loop3A_255 = arith.constant 1 : i32
        %parallel_loop3A_256 = arith.index_cast %parallel_loop3A_147 : i32 to index
        %parallel_loop3A_257 = arith.index_cast %parallel_loop3A_255 : i32 to index
        %parallel_loop3A_258 = arith.constant 16 : index
        %parallel_loop3A_259 = tpu.vector_load %arg8[%parallel_loop3A_256, %parallel_loop3A_257, %parallel_loop3A_258] {strides = array<i32>} : memref<32x8x128xf32, #tpu.memory_space<vmem>>, vector<16xf32>,
        tpu.vector_store %arg8[%parallel_loop3A_256, %parallel_loop3A_257, %parallel_loop3A_258], %parallel_loop3A_254 {strides = array<i32>} : memref<32x8x128xf32, #tpu.memory_space<vmem>>, vector<16xf32>,
        %parallel_loop3A_260 = arith.constant 2 : i32
        %parallel_loop3A_261 = arith.constant 0 : i32
        %parallel_loop3A_262 = tpu.memref_slice %arg5[%parallel_loop3A_260, %parallel_loop3A_261] : memref<8x1000xf32, #tpu.memory_space<vmem>> -> memref<1x1000xf32, #tpu.memory_space<vmem>>
        %parallel_loop3A_263 = tpu.memref_squeeze %parallel_loop3A_262 : memref<1x1000xf32, #tpu.memory_space<vmem>> -> memref<1000xf32, #tpu.memory_space<vmem>>
        %parallel_loop3A_264 = tpu.vector_load_idx %parallel_loop3A_263[%parallel_loop3A_239] : memref<1000xf32, #tpu.memory_space<vmem>>[vector<16xi32>], vector<16xf32>,
        %parallel_loop3A_265 = arith.constant 2 : i32
        %parallel_loop3A_266 = arith.index_cast %parallel_loop3A_147 : i32 to index
        %parallel_loop3A_267 = arith.index_cast %parallel_loop3A_265 : i32 to index
        %parallel_loop3A_268 = arith.constant 16 : index
        %parallel_loop3A_269 = tpu.vector_load %arg8[%parallel_loop3A_266, %parallel_loop3A_267, %parallel_loop3A_268] {strides = array<i32>} : memref<32x8x128xf32, #tpu.memory_space<vmem>>, vector<16xf32>,
        tpu.vector_store %arg8[%parallel_loop3A_266, %parallel_loop3A_267, %parallel_loop3A_268], %parallel_loop3A_264 {strides = array<i32>} : memref<32x8x128xf32, #tpu.memory_space<vmem>>, vector<16xf32>,
        %parallel_loop3A_270 = arith.constant 3 : i32
        %parallel_loop3A_271 = arith.constant 0 : i32
        %parallel_loop3A_272 = tpu.memref_slice %arg5[%parallel_loop3A_270, %parallel_loop3A_271] : memref<8x1000xf32, #tpu.memory_space<vmem>> -> memref<1x1000xf32, #tpu.memory_space<vmem>>
        %parallel_loop3A_273 = tpu.memref_squeeze %parallel_loop3A_272 : memref<1x1000xf32, #tpu.memory_space<vmem>> -> memref<1000xf32, #tpu.memory_space<vmem>>
        %parallel_loop3A_274 = tpu.vector_load_idx %parallel_loop3A_273[%parallel_loop3A_239] : memref<1000xf32, #tpu.memory_space<vmem>>[vector<16xi32>], vector<16xf32>,
        %parallel_loop3A_275 = arith.constant 3 : i32
        %parallel_loop3A_276 = arith.index_cast %parallel_loop3A_147 : i32 to index
        %parallel_loop3A_277 = arith.index_cast %parallel_loop3A_275 : i32 to index
        %parallel_loop3A_278 = arith.constant 16 : index
        %parallel_loop3A_279 = tpu.vector_load %arg8[%parallel_loop3A_276, %parallel_loop3A_277, %parallel_loop3A_278] {strides = array<i32>} : memref<32x8x128xf32, #tpu.memory_space<vmem>>, vector<16xf32>,
        tpu.vector_store %arg8[%parallel_loop3A_276, %parallel_loop3A_277, %parallel_loop3A_278], %parallel_loop3A_274 {strides = array<i32>} : memref<32x8x128xf32, #tpu.memory_space<vmem>>, vector<16xf32>,
        %parallel_loop3A_280 = arith.constant 4 : i32
        %parallel_loop3A_281 = arith.constant 0 : i32
        %parallel_loop3A_282 = tpu.memref_slice %arg5[%parallel_loop3A_280, %parallel_loop3A_281] : memref<8x1000xf32, #tpu.memory_space<vmem>> -> memref<1x1000xf32, #tpu.memory_space<vmem>>
        %parallel_loop3A_283 = tpu.memref_squeeze %parallel_loop3A_282 : memref<1x1000xf32, #tpu.memory_space<vmem>> -> memref<1000xf32, #tpu.memory_space<vmem>>
        %parallel_loop3A_284 = tpu.vector_load_idx %parallel_loop3A_283[%parallel_loop3A_239] : memref<1000xf32, #tpu.memory_space<vmem>>[vector<16xi32>], vector<16xf32>,
        %parallel_loop3A_285 = arith.constant 4 : i32
        %parallel_loop3A_286 = arith.index_cast %parallel_loop3A_147 : i32 to index
        %parallel_loop3A_287 = arith.index_cast %parallel_loop3A_285 : i32 to index
        %parallel_loop3A_288 = arith.constant 16 : index
        %parallel_loop3A_289 = tpu.vector_load %arg8[%parallel_loop3A_286, %parallel_loop3A_287, %parallel_loop3A_288] {strides = array<i32>} : memref<32x8x128xf32, #tpu.memory_space<vmem>>, vector<16xf32>,
        tpu.vector_store %arg8[%parallel_loop3A_286, %parallel_loop3A_287, %parallel_loop3A_288], %parallel_loop3A_284 {strides = array<i32>} : memref<32x8x128xf32, #tpu.memory_space<vmem>>, vector<16xf32>,
        %parallel_loop3A_290 = arith.constant 5 : i32
        %parallel_loop3A_291 = arith.constant 0 : i32
        %parallel_loop3A_292 = tpu.memref_slice %arg5[%parallel_loop3A_290, %parallel_loop3A_291] : memref<8x1000xf32, #tpu.memory_space<vmem>> -> memref<1x1000xf32, #tpu.memory_space<vmem>>
        %parallel_loop3A_293 = tpu.memref_squeeze %parallel_loop3A_292 : memref<1x1000xf32, #tpu.memory_space<vmem>> -> memref<1000xf32, #tpu.memory_space<vmem>>
        %parallel_loop3A_294 = tpu.vector_load_idx %parallel_loop3A_293[%parallel_loop3A_239] : memref<1000xf32, #tpu.memory_space<vmem>>[vector<16xi32>], vector<16xf32>,
        %parallel_loop3A_295 = arith.constant 5 : i32
        %parallel_loop3A_296 = arith.index_cast %parallel_loop3A_147 : i32 to index
        %parallel_loop3A_297 = arith.index_cast %parallel_loop3A_295 : i32 to index
        %parallel_loop3A_298 = arith.constant 16 : index
        %parallel_loop3A_299 = tpu.vector_load %arg8[%parallel_loop3A_296, %parallel_loop3A_297, %parallel_loop3A_298] {strides = array<i32>} : memref<32x8x128xf32, #tpu.memory_space<vmem>>, vector<16xf32>,
        tpu.vector_store %arg8[%parallel_loop3A_296, %parallel_loop3A_297, %parallel_loop3A_298], %parallel_loop3A_294 {strides = array<i32>} : memref<32x8x128xf32, #tpu.memory_space<vmem>>, vector<16xf32>,
        %parallel_loop3A_300 = arith.constant 6 : i32
        %parallel_loop3A_301 = arith.constant 0 : i32
        %parallel_loop3A_302 = tpu.memref_slice %arg5[%parallel_loop3A_300, %parallel_loop3A_301] : memref<8x1000xf32, #tpu.memory_space<vmem>> -> memref<1x1000xf32, #tpu.memory_space<vmem>>
        %parallel_loop3A_303 = tpu.memref_squeeze %parallel_loop3A_302 : memref<1x1000xf32, #tpu.memory_space<vmem>> -> memref<1000xf32, #tpu.memory_space<vmem>>
        %parallel_loop3A_304 = tpu.vector_load_idx %parallel_loop3A_303[%parallel_loop3A_239] : memref<1000xf32, #tpu.memory_space<vmem>>[vector<16xi32>], vector<16xf32>,
        %parallel_loop3A_305 = arith.constant 6 : i32
        %parallel_loop3A_306 = arith.index_cast %parallel_loop3A_147 : i32 to index
        %parallel_loop3A_307 = arith.index_cast %parallel_loop3A_305 : i32 to index
        %parallel_loop3A_308 = arith.constant 16 : index
        %parallel_loop3A_309 = tpu.vector_load %arg8[%parallel_loop3A_306, %parallel_loop3A_307, %parallel_loop3A_308] {strides = array<i32>} : memref<32x8x128xf32, #tpu.memory_space<vmem>>, vector<16xf32>,
        tpu.vector_store %arg8[%parallel_loop3A_306, %parallel_loop3A_307, %parallel_loop3A_308], %parallel_loop3A_304 {strides = array<i32>} : memref<32x8x128xf32, #tpu.memory_space<vmem>>, vector<16xf32>,
        %parallel_loop3A_310 = arith.constant 7 : i32
        %parallel_loop3A_311 = arith.constant 0 : i32
        %parallel_loop3A_312 = tpu.memref_slice %arg5[%parallel_loop3A_310, %parallel_loop3A_311] : memref<8x1000xf32, #tpu.memory_space<vmem>> -> memref<1x1000xf32, #tpu.memory_space<vmem>>
        %parallel_loop3A_313 = tpu.memref_squeeze %parallel_loop3A_312 : memref<1x1000xf32, #tpu.memory_space<vmem>> -> memref<1000xf32, #tpu.memory_space<vmem>>
        %parallel_loop3A_314 = tpu.vector_load_idx %parallel_loop3A_313[%parallel_loop3A_239] : memref<1000xf32, #tpu.memory_space<vmem>>[vector<16xi32>], vector<16xf32>,
        %parallel_loop3A_315 = arith.constant 7 : i32
        %parallel_loop3A_316 = arith.index_cast %parallel_loop3A_147 : i32 to index
        %parallel_loop3A_317 = arith.index_cast %parallel_loop3A_315 : i32 to index
        %parallel_loop3A_318 = arith.constant 16 : index
        %parallel_loop3A_319 = tpu.vector_load %arg8[%parallel_loop3A_316, %parallel_loop3A_317, %parallel_loop3A_318] {strides = array<i32>} : memref<32x8x128xf32, #tpu.memory_space<vmem>>, vector<16xf32>,
        tpu.vector_store %arg8[%parallel_loop3A_316, %parallel_loop3A_317, %parallel_loop3A_318], %parallel_loop3A_314 {strides = array<i32>} : memref<32x8x128xf32, #tpu.memory_space<vmem>>, vector<16xf32>,
        %parallel_loop3A_320 = arith.constant 128 : i32
        %parallel_loop3A_321 = arith.muli %parallel_loop3A_147, %parallel_loop3A_320 : i32
        %parallel_loop3A_322 = arith.constant 32 : i32
        %parallel_loop3A_323 = arith.addi %parallel_loop3A_321, %parallel_loop3A_322 : i32
        %parallel_loop3A_324 = arith.index_cast %parallel_loop3A_323 : i32 to index
        %parallel_loop3A_325 = tpu.vector_load %arg6[%parallel_loop3A_324] {strides = array<i32>} : memref<4096xi32, #tpu.memory_space<vmem>>, vector<16xi32>,
        %parallel_loop3A_326 = arith.constant 0 : i32
        %parallel_loop3A_327 = arith.constant 0 : i32
        %parallel_loop3A_328 = tpu.memref_slice %arg5[%parallel_loop3A_326, %parallel_loop3A_327] : memref<8x1000xf32, #tpu.memory_space<vmem>> -> memref<1x1000xf32, #tpu.memory_space<vmem>>
        %parallel_loop3A_329 = tpu.memref_squeeze %parallel_loop3A_328 : memref<1x1000xf32, #tpu.memory_space<vmem>> -> memref<1000xf32, #tpu.memory_space<vmem>>
        %parallel_loop3A_330 = tpu.vector_load_idx %parallel_loop3A_329[%parallel_loop3A_325] : memref<1000xf32, #tpu.memory_space<vmem>>[vector<16xi32>], vector<16xf32>,
        %parallel_loop3A_331 = arith.constant 0 : i32
        %parallel_loop3A_332 = arith.index_cast %parallel_loop3A_147 : i32 to index
        %parallel_loop3A_333 = arith.index_cast %parallel_loop3A_331 : i32 to index
        %parallel_loop3A_334 = arith.constant 32 : index
        %parallel_loop3A_335 = tpu.vector_load %arg8[%parallel_loop3A_332, %parallel_loop3A_333, %parallel_loop3A_334] {strides = array<i32>} : memref<32x8x128xf32, #tpu.memory_space<vmem>>, vector<16xf32>,
        tpu.vector_store %arg8[%parallel_loop3A_332, %parallel_loop3A_333, %parallel_loop3A_334], %parallel_loop3A_330 {strides = array<i32>} : memref<32x8x128xf32, #tpu.memory_space<vmem>>, vector<16xf32>,
        %parallel_loop3A_336 = arith.constant 1 : i32
        %parallel_loop3A_337 = arith.constant 0 : i32
        %parallel_loop3A_338 = tpu.memref_slice %arg5[%parallel_loop3A_336, %parallel_loop3A_337] : memref<8x1000xf32, #tpu.memory_space<vmem>> -> memref<1x1000xf32, #tpu.memory_space<vmem>>
        %parallel_loop3A_339 = tpu.memref_squeeze %parallel_loop3A_338 : memref<1x1000xf32, #tpu.memory_space<vmem>> -> memref<1000xf32, #tpu.memory_space<vmem>>
        %parallel_loop3A_340 = tpu.vector_load_idx %parallel_loop3A_339[%parallel_loop3A_325] : memref<1000xf32, #tpu.memory_space<vmem>>[vector<16xi32>], vector<16xf32>,
        %parallel_loop3A_341 = arith.constant 1 : i32
        %parallel_loop3A_342 = arith.index_cast %parallel_loop3A_147 : i32 to index
        %parallel_loop3A_343 = arith.index_cast %parallel_loop3A_341 : i32 to index
        %parallel_loop3A_344 = arith.constant 32 : index
        %parallel_loop3A_345 = tpu.vector_load %arg8[%parallel_loop3A_342, %parallel_loop3A_343, %parallel_loop3A_344] {strides = array<i32>} : memref<32x8x128xf32, #tpu.memory_space<vmem>>, vector<16xf32>,
        tpu.vector_store %arg8[%parallel_loop3A_342, %parallel_loop3A_343, %parallel_loop3A_344], %parallel_loop3A_340 {strides = array<i32>} : memref<32x8x128xf32, #tpu.memory_space<vmem>>, vector<16xf32>,
        %parallel_loop3A_346 = arith.constant 2 : i32
        %parallel_loop3A_347 = arith.constant 0 : i32
        %parallel_loop3A_348 = tpu.memref_slice %arg5[%parallel_loop3A_346, %parallel_loop3A_347] : memref<8x1000xf32, #tpu.memory_space<vmem>> -> memref<1x1000xf32, #tpu.memory_space<vmem>>
        %parallel_loop3A_349 = tpu.memref_squeeze %parallel_loop3A_348 : memref<1x1000xf32, #tpu.memory_space<vmem>> -> memref<1000xf32, #tpu.memory_space<vmem>>
        %parallel_loop3A_350 = tpu.vector_load_idx %parallel_loop3A_349[%parallel_loop3A_325] : memref<1000xf32, #tpu.memory_space<vmem>>[vector<16xi32>], vector<16xf32>,
        %parallel_loop3A_351 = arith.constant 2 : i32
        %parallel_loop3A_352 = arith.index_cast %parallel_loop3A_147 : i32 to index
        %parallel_loop3A_353 = arith.index_cast %parallel_loop3A_351 : i32 to index
        %parallel_loop3A_354 = arith.constant 32 : index
        %parallel_loop3A_355 = tpu.vector_load %arg8[%parallel_loop3A_352, %parallel_loop3A_353, %parallel_loop3A_354] {strides = array<i32>} : memref<32x8x128xf32, #tpu.memory_space<vmem>>, vector<16xf32>,
        tpu.vector_store %arg8[%parallel_loop3A_352, %parallel_loop3A_353, %parallel_loop3A_354], %parallel_loop3A_350 {strides = array<i32>} : memref<32x8x128xf32, #tpu.memory_space<vmem>>, vector<16xf32>,
        %parallel_loop3A_356 = arith.constant 3 : i32
        %parallel_loop3A_357 = arith.constant 0 : i32
        %parallel_loop3A_358 = tpu.memref_slice %arg5[%parallel_loop3A_356, %parallel_loop3A_357] : memref<8x1000xf32, #tpu.memory_space<vmem>> -> memref<1x1000xf32, #tpu.memory_space<vmem>>
        %parallel_loop3A_359 = tpu.memref_squeeze %parallel_loop3A_358 : memref<1x1000xf32, #tpu.memory_space<vmem>> -> memref<1000xf32, #tpu.memory_space<vmem>>
        %parallel_loop3A_360 = tpu.vector_load_idx %parallel_loop3A_359[%parallel_loop3A_325] : memref<1000xf32, #tpu.memory_space<vmem>>[vector<16xi32>], vector<16xf32>,
        %parallel_loop3A_361 = arith.constant 3 : i32
        %parallel_loop3A_362 = arith.index_cast %parallel_loop3A_147 : i32 to index
        %parallel_loop3A_363 = arith.index_cast %parallel_loop3A_361 : i32 to index
        %parallel_loop3A_364 = arith.constant 32 : index
        %parallel_loop3A_365 = tpu.vector_load %arg8[%parallel_loop3A_362, %parallel_loop3A_363, %parallel_loop3A_364] {strides = array<i32>} : memref<32x8x128xf32, #tpu.memory_space<vmem>>, vector<16xf32>,
        tpu.vector_store %arg8[%parallel_loop3A_362, %parallel_loop3A_363, %parallel_loop3A_364], %parallel_loop3A_360 {strides = array<i32>} : memref<32x8x128xf32, #tpu.memory_space<vmem>>, vector<16xf32>,
        %parallel_loop3A_366 = arith.constant 4 : i32
        %parallel_loop3A_367 = arith.constant 0 : i32
        %parallel_loop3A_368 = tpu.memref_slice %arg5[%parallel_loop3A_366, %parallel_loop3A_367] : memref<8x1000xf32, #tpu.memory_space<vmem>> -> memref<1x1000xf32, #tpu.memory_space<vmem>>
        %parallel_loop3A_369 = tpu.memref_squeeze %parallel_loop3A_368 : memref<1x1000xf32, #tpu.memory_space<vmem>> -> memref<1000xf32, #tpu.memory_space<vmem>>
        %parallel_loop3A_370 = tpu.vector_load_idx %parallel_loop3A_369[%parallel_loop3A_325] : memref<1000xf32, #tpu.memory_space<vmem>>[vector<16xi32>], vector<16xf32>,
        %parallel_loop3A_371 = arith.constant 4 : i32
        %parallel_loop3A_372 = arith.index_cast %parallel_loop3A_147 : i32 to index
        %parallel_loop3A_373 = arith.index_cast %parallel_loop3A_371 : i32 to index
        %parallel_loop3A_374 = arith.constant 32 : index
        %parallel_loop3A_375 = tpu.vector_load %arg8[%parallel_loop3A_372, %parallel_loop3A_373, %parallel_loop3A_374] {strides = array<i32>} : memref<32x8x128xf32, #tpu.memory_space<vmem>>, vector<16xf32>,
        tpu.vector_store %arg8[%parallel_loop3A_372, %parallel_loop3A_373, %parallel_loop3A_374], %parallel_loop3A_370 {strides = array<i32>} : memref<32x8x128xf32, #tpu.memory_space<vmem>>, vector<16xf32>,
        %parallel_loop3A_376 = arith.constant 5 : i32
        %parallel_loop3A_377 = arith.constant 0 : i32
        %parallel_loop3A_378 = tpu.memref_slice %arg5[%parallel_loop3A_376, %parallel_loop3A_377] : memref<8x1000xf32, #tpu.memory_space<vmem>> -> memref<1x1000xf32, #tpu.memory_space<vmem>>
        %parallel_loop3A_379 = tpu.memref_squeeze %parallel_loop3A_378 : memref<1x1000xf32, #tpu.memory_space<vmem>> -> memref<1000xf32, #tpu.memory_space<vmem>>
        %parallel_loop3A_380 = tpu.vector_load_idx %parallel_loop3A_379[%parallel_loop3A_325] : memref<1000xf32, #tpu.memory_space<vmem>>[vector<16xi32>], vector<16xf32>,
        %parallel_loop3A_381 = arith.constant 5 : i32
        %parallel_loop3A_382 = arith.index_cast %parallel_loop3A_147 : i32 to index
        %parallel_loop3A_383 = arith.index_cast %parallel_loop3A_381 : i32 to index
        %parallel_loop3A_384 = arith.constant 32 : index
        %parallel_loop3A_385 = tpu.vector_load %arg8[%parallel_loop3A_382, %parallel_loop3A_383, %parallel_loop3A_384] {strides = array<i32>} : memref<32x8x128xf32, #tpu.memory_space<vmem>>, vector<16xf32>,
        tpu.vector_store %arg8[%parallel_loop3A_382, %parallel_loop3A_383, %parallel_loop3A_384], %parallel_loop3A_380 {strides = array<i32>} : memref<32x8x128xf32, #tpu.memory_space<vmem>>, vector<16xf32>,
        %parallel_loop3A_386 = arith.constant 6 : i32
        %parallel_loop3A_387 = arith.constant 0 : i32
        %parallel_loop3A_388 = tpu.memref_slice %arg5[%parallel_loop3A_386, %parallel_loop3A_387] : memref<8x1000xf32, #tpu.memory_space<vmem>> -> memref<1x1000xf32, #tpu.memory_space<vmem>>
        %parallel_loop3A_389 = tpu.memref_squeeze %parallel_loop3A_388 : memref<1x1000xf32, #tpu.memory_space<vmem>> -> memref<1000xf32, #tpu.memory_space<vmem>>
        %parallel_loop3A_390 = tpu.vector_load_idx %parallel_loop3A_389[%parallel_loop3A_325] : memref<1000xf32, #tpu.memory_space<vmem>>[vector<16xi32>], vector<16xf32>,
        %parallel_loop3A_391 = arith.constant 6 : i32
        %parallel_loop3A_392 = arith.index_cast %parallel_loop3A_147 : i32 to index
        %parallel_loop3A_393 = arith.index_cast %parallel_loop3A_391 : i32 to index
        %parallel_loop3A_394 = arith.constant 32 : index
        %parallel_loop3A_395 = tpu.vector_load %arg8[%parallel_loop3A_392, %parallel_loop3A_393, %parallel_loop3A_394] {strides = array<i32>} : memref<32x8x128xf32, #tpu.memory_space<vmem>>, vector<16xf32>,
        tpu.vector_store %arg8[%parallel_loop3A_392, %parallel_loop3A_393, %parallel_loop3A_394], %parallel_loop3A_390 {strides = array<i32>} : memref<32x8x128xf32, #tpu.memory_space<vmem>>, vector<16xf32>,
        %parallel_loop3A_396 = arith.constant 7 : i32
        %parallel_loop3A_397 = arith.constant 0 : i32
        %parallel_loop3A_398 = tpu.memref_slice %arg5[%parallel_loop3A_396, %parallel_loop3A_397] : memref<8x1000xf32, #tpu.memory_space<vmem>> -> memref<1x1000xf32, #tpu.memory_space<vmem>>
        %parallel_loop3A_399 = tpu.memref_squeeze %parallel_loop3A_398 : memref<1x1000xf32, #tpu.memory_space<vmem>> -> memref<1000xf32, #tpu.memory_space<vmem>>
        %parallel_loop3A_400 = tpu.vector_load_idx %parallel_loop3A_399[%parallel_loop3A_325] : memref<1000xf32, #tpu.memory_space<vmem>>[vector<16xi32>], vector<16xf32>,
        %parallel_loop3A_401 = arith.constant 7 : i32
        %parallel_loop3A_402 = arith.index_cast %parallel_loop3A_147 : i32 to index
        %parallel_loop3A_403 = arith.index_cast %parallel_loop3A_401 : i32 to index
        %parallel_loop3A_404 = arith.constant 32 : index
        %parallel_loop3A_405 = tpu.vector_load %arg8[%parallel_loop3A_402, %parallel_loop3A_403, %parallel_loop3A_404] {strides = array<i32>} : memref<32x8x128xf32, #tpu.memory_space<vmem>>, vector<16xf32>,
        tpu.vector_store %arg8[%parallel_loop3A_402, %parallel_loop3A_403, %parallel_loop3A_404], %parallel_loop3A_400 {strides = array<i32>} : memref<32x8x128xf32, #tpu.memory_space<vmem>>, vector<16xf32>,
        %parallel_loop3A_406 = arith.constant 128 : i32
        %parallel_loop3A_407 = arith.muli %parallel_loop3A_147, %parallel_loop3A_406 : i32
        %parallel_loop3A_408 = arith.constant 48 : i32
        %parallel_loop3A_409 = arith.addi %parallel_loop3A_407, %parallel_loop3A_408 : i32
        %parallel_loop3A_410 = arith.index_cast %parallel_loop3A_409 : i32 to index
        %parallel_loop3A_411 = tpu.vector_load %arg6[%parallel_loop3A_410] {strides = array<i32>} : memref<4096xi32, #tpu.memory_space<vmem>>, vector<16xi32>,
        %parallel_loop3A_412 = arith.constant 0 : i32
        %parallel_loop3A_413 = arith.constant 0 : i32
        %parallel_loop3A_414 = tpu.memref_slice %arg5[%parallel_loop3A_412, %parallel_loop3A_413] : memref<8x1000xf32, #tpu.memory_space<vmem>> -> memref<1x1000xf32, #tpu.memory_space<vmem>>
        %parallel_loop3A_415 = tpu.memref_squeeze %parallel_loop3A_414 : memref<1x1000xf32, #tpu.memory_space<vmem>> -> memref<1000xf32, #tpu.memory_space<vmem>>
        %parallel_loop3A_416 = tpu.vector_load_idx %parallel_loop3A_415[%parallel_loop3A_411] : memref<1000xf32, #tpu.memory_space<vmem>>[vector<16xi32>], vector<16xf32>,
        %parallel_loop3A_417 = arith.constant 0 : i32
        %parallel_loop3A_418 = arith.index_cast %parallel_loop3A_147 : i32 to index
        %parallel_loop3A_419 = arith.index_cast %parallel_loop3A_417 : i32 to index
        %parallel_loop3A_420 = arith.constant 48 : index
        %parallel_loop3A_421 = tpu.vector_load %arg8[%parallel_loop3A_418, %parallel_loop3A_419, %parallel_loop3A_420] {strides = array<i32>} : memref<32x8x128xf32, #tpu.memory_space<vmem>>, vector<16xf32>,
        tpu.vector_store %arg8[%parallel_loop3A_418, %parallel_loop3A_419, %parallel_loop3A_420], %parallel_loop3A_416 {strides = array<i32>} : memref<32x8x128xf32, #tpu.memory_space<vmem>>, vector<16xf32>,
        %parallel_loop3A_422 = arith.constant 1 : i32
        %parallel_loop3A_423 = arith.constant 0 : i32
        %parallel_loop3A_424 = tpu.memref_slice %arg5[%parallel_loop3A_422, %parallel_loop3A_423] : memref<8x1000xf32, #tpu.memory_space<vmem>> -> memref<1x1000xf32, #tpu.memory_space<vmem>>
        %parallel_loop3A_425 = tpu.memref_squeeze %parallel_loop3A_424 : memref<1x1000xf32, #tpu.memory_space<vmem>> -> memref<1000xf32, #tpu.memory_space<vmem>>
        %parallel_loop3A_426 = tpu.vector_load_idx %parallel_loop3A_425[%parallel_loop3A_411] : memref<1000xf32, #tpu.memory_space<vmem>>[vector<16xi32>], vector<16xf32>,
        %parallel_loop3A_427 = arith.constant 1 : i32
        %parallel_loop3A_428 = arith.index_cast %parallel_loop3A_147 : i32 to index
        %parallel_loop3A_429 = arith.index_cast %parallel_loop3A_427 : i32 to index
        %parallel_loop3A_430 = arith.constant 48 : index
        %parallel_loop3A_431 = tpu.vector_load %arg8[%parallel_loop3A_428, %parallel_loop3A_429, %parallel_loop3A_430] {strides = array<i32>} : memref<32x8x128xf32, #tpu.memory_space<vmem>>, vector<16xf32>,
        tpu.vector_store %arg8[%parallel_loop3A_428, %parallel_loop3A_429, %parallel_loop3A_430], %parallel_loop3A_426 {strides = array<i32>} : memref<32x8x128xf32, #tpu.memory_space<vmem>>, vector<16xf32>,
        %parallel_loop3A_432 = arith.constant 2 : i32
        %parallel_loop3A_433 = arith.constant 0 : i32
        %parallel_loop3A_434 = tpu.memref_slice %arg5[%parallel_loop3A_432, %parallel_loop3A_433] : memref<8x1000xf32, #tpu.memory_space<vmem>> -> memref<1x1000xf32, #tpu.memory_space<vmem>>
        %parallel_loop3A_435 = tpu.memref_squeeze %parallel_loop3A_434 : memref<1x1000xf32, #tpu.memory_space<vmem>> -> memref<1000xf32, #tpu.memory_space<vmem>>
        %parallel_loop3A_436 = tpu.vector_load_idx %parallel_loop3A_435[%parallel_loop3A_411] : memref<1000xf32, #tpu.memory_space<vmem>>[vector<16xi32>], vector<16xf32>,
        %parallel_loop3A_437 = arith.constant 2 : i32
        %parallel_loop3A_438 = arith.index_cast %parallel_loop3A_147 : i32 to index
        %parallel_loop3A_439 = arith.index_cast %parallel_loop3A_437 : i32 to index
        %parallel_loop3A_440 = arith.constant 48 : index
        %parallel_loop3A_441 = tpu.vector_load %arg8[%parallel_loop3A_438, %parallel_loop3A_439, %parallel_loop3A_440] {strides = array<i32>} : memref<32x8x128xf32, #tpu.memory_space<vmem>>, vector<16xf32>,
        tpu.vector_store %arg8[%parallel_loop3A_438, %parallel_loop3A_439, %parallel_loop3A_440], %parallel_loop3A_436 {strides = array<i32>} : memref<32x8x128xf32, #tpu.memory_space<vmem>>, vector<16xf32>,
        %parallel_loop3A_442 = arith.constant 3 : i32
        %parallel_loop3A_443 = arith.constant 0 : i32
        %parallel_loop3A_444 = tpu.memref_slice %arg5[%parallel_loop3A_442, %parallel_loop3A_443] : memref<8x1000xf32, #tpu.memory_space<vmem>> -> memref<1x1000xf32, #tpu.memory_space<vmem>>
        %parallel_loop3A_445 = tpu.memref_squeeze %parallel_loop3A_444 : memref<1x1000xf32, #tpu.memory_space<vmem>> -> memref<1000xf32, #tpu.memory_space<vmem>>
        %parallel_loop3A_446 = tpu.vector_load_idx %parallel_loop3A_445[%parallel_loop3A_411] : memref<1000xf32, #tpu.memory_space<vmem>>[vector<16xi32>], vector<16xf32>,
        %parallel_loop3A_447 = arith.constant 3 : i32
        %parallel_loop3A_448 = arith.index_cast %parallel_loop3A_147 : i32 to index
        %parallel_loop3A_449 = arith.index_cast %parallel_loop3A_447 : i32 to index
        %parallel_loop3A_450 = arith.constant 48 : index
        %parallel_loop3A_451 = tpu.vector_load %arg8[%parallel_loop3A_448, %parallel_loop3A_449, %parallel_loop3A_450] {strides = array<i32>} : memref<32x8x128xf32, #tpu.memory_space<vmem>>, vector<16xf32>,
        tpu.vector_store %arg8[%parallel_loop3A_448, %parallel_loop3A_449, %parallel_loop3A_450], %parallel_loop3A_446 {strides = array<i32>} : memref<32x8x128xf32, #tpu.memory_space<vmem>>, vector<16xf32>,
        %parallel_loop3A_452 = arith.constant 4 : i32
        %parallel_loop3A_453 = arith.constant 0 : i32
        %parallel_loop3A_454 = tpu.memref_slice %arg5[%parallel_loop3A_452, %parallel_loop3A_453] : memref<8x1000xf32, #tpu.memory_space<vmem>> -> memref<1x1000xf32, #tpu.memory_space<vmem>>
        %parallel_loop3A_455 = tpu.memref_squeeze %parallel_loop3A_454 : memref<1x1000xf32, #tpu.memory_space<vmem>> -> memref<1000xf32, #tpu.memory_space<vmem>>
        %parallel_loop3A_456 = tpu.vector_load_idx %parallel_loop3A_455[%parallel_loop3A_411] : memref<1000xf32, #tpu.memory_space<vmem>>[vector<16xi32>], vector<16xf32>,
        %parallel_loop3A_457 = arith.constant 4 : i32
        %parallel_loop3A_458 = arith.index_cast %parallel_loop3A_147 : i32 to index
        %parallel_loop3A_459 = arith.index_cast %parallel_loop3A_457 : i32 to index
        %parallel_loop3A_460 = arith.constant 48 : index
        %parallel_loop3A_461 = tpu.vector_load %arg8[%parallel_loop3A_458, %parallel_loop3A_459, %parallel_loop3A_460] {strides = array<i32>} : memref<32x8x128xf32, #tpu.memory_space<vmem>>, vector<16xf32>,
        tpu.vector_store %arg8[%parallel_loop3A_458, %parallel_loop3A_459, %parallel_loop3A_460], %parallel_loop3A_456 {strides = array<i32>} : memref<32x8x128xf32, #tpu.memory_space<vmem>>, vector<16xf32>,
        %parallel_loop3A_462 = arith.constant 5 : i32
        %parallel_loop3A_463 = arith.constant 0 : i32
        %parallel_loop3A_464 = tpu.memref_slice %arg5[%parallel_loop3A_462, %parallel_loop3A_463] : memref<8x1000xf32, #tpu.memory_space<vmem>> -> memref<1x1000xf32, #tpu.memory_space<vmem>>
        %parallel_loop3A_465 = tpu.memref_squeeze %parallel_loop3A_464 : memref<1x1000xf32, #tpu.memory_space<vmem>> -> memref<1000xf32, #tpu.memory_space<vmem>>
        %parallel_loop3A_466 = tpu.vector_load_idx %parallel_loop3A_465[%parallel_loop3A_411] : memref<1000xf32, #tpu.memory_space<vmem>>[vector<16xi32>], vector<16xf32>,
        %parallel_loop3A_467 = arith.constant 5 : i32
        %parallel_loop3A_468 = arith.index_cast %parallel_loop3A_147 : i32 to index
        %parallel_loop3A_469 = arith.index_cast %parallel_loop3A_467 : i32 to index
        %parallel_loop3A_470 = arith.constant 48 : index
        %parallel_loop3A_471 = tpu.vector_load %arg8[%parallel_loop3A_468, %parallel_loop3A_469, %parallel_loop3A_470] {strides = array<i32>} : memref<32x8x128xf32, #tpu.memory_space<vmem>>, vector<16xf32>,
        tpu.vector_store %arg8[%parallel_loop3A_468, %parallel_loop3A_469, %parallel_loop3A_470], %parallel_loop3A_466 {strides = array<i32>} : memref<32x8x128xf32, #tpu.memory_space<vmem>>, vector<16xf32>,
        %parallel_loop3A_472 = arith.constant 6 : i32
        %parallel_loop3A_473 = arith.constant 0 : i32
        %parallel_loop3A_474 = tpu.memref_slice %arg5[%parallel_loop3A_472, %parallel_loop3A_473] : memref<8x1000xf32, #tpu.memory_space<vmem>> -> memref<1x1000xf32, #tpu.memory_space<vmem>>
        %parallel_loop3A_475 = tpu.memref_squeeze %parallel_loop3A_474 : memref<1x1000xf32, #tpu.memory_space<vmem>> -> memref<1000xf32, #tpu.memory_space<vmem>>
        %parallel_loop3A_476 = tpu.vector_load_idx %parallel_loop3A_475[%parallel_loop3A_411] : memref<1000xf32, #tpu.memory_space<vmem>>[vector<16xi32>], vector<16xf32>,
        %parallel_loop3A_477 = arith.constant 6 : i32
        %parallel_loop3A_478 = arith.index_cast %parallel_loop3A_147 : i32 to index
        %parallel_loop3A_479 = arith.index_cast %parallel_loop3A_477 : i32 to index
        %parallel_loop3A_480 = arith.constant 48 : index
        %parallel_loop3A_481 = tpu.vector_load %arg8[%parallel_loop3A_478, %parallel_loop3A_479, %parallel_loop3A_480] {strides = array<i32>} : memref<32x8x128xf32, #tpu.memory_space<vmem>>, vector<16xf32>,
        tpu.vector_store %arg8[%parallel_loop3A_478, %parallel_loop3A_479, %parallel_loop3A_480], %parallel_loop3A_476 {strides = array<i32>} : memref<32x8x128xf32, #tpu.memory_space<vmem>>, vector<16xf32>,
        %parallel_loop3A_482 = arith.constant 7 : i32
        %parallel_loop3A_483 = arith.constant 0 : i32
        %parallel_loop3A_484 = tpu.memref_slice %arg5[%parallel_loop3A_482, %parallel_loop3A_483] : memref<8x1000xf32, #tpu.memory_space<vmem>> -> memref<1x1000xf32, #tpu.memory_space<vmem>>
        %parallel_loop3A_485 = tpu.memref_squeeze %parallel_loop3A_484 : memref<1x1000xf32, #tpu.memory_space<vmem>> -> memref<1000xf32, #tpu.memory_space<vmem>>
        %parallel_loop3A_486 = tpu.vector_load_idx %parallel_loop3A_485[%parallel_loop3A_411] : memref<1000xf32, #tpu.memory_space<vmem>>[vector<16xi32>], vector<16xf32>,
        %parallel_loop3A_487 = arith.constant 7 : i32
        %parallel_loop3A_488 = arith.index_cast %parallel_loop3A_147 : i32 to index
        %parallel_loop3A_489 = arith.index_cast %parallel_loop3A_487 : i32 to index
        %parallel_loop3A_490 = arith.constant 48 : index
        %parallel_loop3A_491 = tpu.vector_load %arg8[%parallel_loop3A_488, %parallel_loop3A_489, %parallel_loop3A_490] {strides = array<i32>} : memref<32x8x128xf32, #tpu.memory_space<vmem>>, vector<16xf32>,
        tpu.vector_store %arg8[%parallel_loop3A_488, %parallel_loop3A_489, %parallel_loop3A_490], %parallel_loop3A_486 {strides = array<i32>} : memref<32x8x128xf32, #tpu.memory_space<vmem>>, vector<16xf32>,
        %parallel_loop3A_492 = arith.constant 128 : i32
        %parallel_loop3A_493 = arith.muli %parallel_loop3A_147, %parallel_loop3A_492 : i32
        %parallel_loop3A_494 = arith.constant 64 : i32
        %parallel_loop3A_495 = arith.addi %parallel_loop3A_493, %parallel_loop3A_494 : i32
        %parallel_loop3A_496 = arith.index_cast %parallel_loop3A_495 : i32 to index
        %parallel_loop3A_497 = tpu.vector_load %arg6[%parallel_loop3A_496] {strides = array<i32>} : memref<4096xi32, #tpu.memory_space<vmem>>, vector<16xi32>,
        %parallel_loop3A_498 = arith.constant 0 : i32
        %parallel_loop3A_499 = arith.constant 0 : i32
        %parallel_loop3A_500 = tpu.memref_slice %arg5[%parallel_loop3A_498, %parallel_loop3A_499] : memref<8x1000xf32, #tpu.memory_space<vmem>> -> memref<1x1000xf32, #tpu.memory_space<vmem>>
        %parallel_loop3A_501 = tpu.memref_squeeze %parallel_loop3A_500 : memref<1x1000xf32, #tpu.memory_space<vmem>> -> memref<1000xf32, #tpu.memory_space<vmem>>
        %parallel_loop3A_502 = tpu.vector_load_idx %parallel_loop3A_501[%parallel_loop3A_497] : memref<1000xf32, #tpu.memory_space<vmem>>[vector<16xi32>], vector<16xf32>,
        %parallel_loop3A_503 = arith.constant 0 : i32
        %parallel_loop3A_504 = arith.index_cast %parallel_loop3A_147 : i32 to index
        %parallel_loop3A_505 = arith.index_cast %parallel_loop3A_503 : i32 to index
        %parallel_loop3A_506 = arith.constant 64 : index
        %parallel_loop3A_507 = tpu.vector_load %arg8[%parallel_loop3A_504, %parallel_loop3A_505, %parallel_loop3A_506] {strides = array<i32>} : memref<32x8x128xf32, #tpu.memory_space<vmem>>, vector<16xf32>,
        tpu.vector_store %arg8[%parallel_loop3A_504, %parallel_loop3A_505, %parallel_loop3A_506], %parallel_loop3A_502 {strides = array<i32>} : memref<32x8x128xf32, #tpu.memory_space<vmem>>, vector<16xf32>,
        %parallel_loop3A_508 = arith.constant 1 : i32
        %parallel_loop3A_509 = arith.constant 0 : i32
        %parallel_loop3A_510 = tpu.memref_slice %arg5[%parallel_loop3A_508, %parallel_loop3A_509] : memref<8x1000xf32, #tpu.memory_space<vmem>> -> memref<1x1000xf32, #tpu.memory_space<vmem>>
        %parallel_loop3A_511 = tpu.memref_squeeze %parallel_loop3A_510 : memref<1x1000xf32, #tpu.memory_space<vmem>> -> memref<1000xf32, #tpu.memory_space<vmem>>
        %parallel_loop3A_512 = tpu.vector_load_idx %parallel_loop3A_511[%parallel_loop3A_497] : memref<1000xf32, #tpu.memory_space<vmem>>[vector<16xi32>], vector<16xf32>,
        %parallel_loop3A_513 = arith.constant 1 : i32
        %parallel_loop3A_514 = arith.index_cast %parallel_loop3A_147 : i32 to index
        %parallel_loop3A_515 = arith.index_cast %parallel_loop3A_513 : i32 to index
        %parallel_loop3A_516 = arith.constant 64 : index
        %parallel_loop3A_517 = tpu.vector_load %arg8[%parallel_loop3A_514, %parallel_loop3A_515, %parallel_loop3A_516] {strides = array<i32>} : memref<32x8x128xf32, #tpu.memory_space<vmem>>, vector<16xf32>,
        tpu.vector_store %arg8[%parallel_loop3A_514, %parallel_loop3A_515, %parallel_loop3A_516], %parallel_loop3A_512 {strides = array<i32>} : memref<32x8x128xf32, #tpu.memory_space<vmem>>, vector<16xf32>,
        %parallel_loop3A_518 = arith.constant 2 : i32
        %parallel_loop3A_519 = arith.constant 0 : i32
        %parallel_loop3A_520 = tpu.memref_slice %arg5[%parallel_loop3A_518, %parallel_loop3A_519] : memref<8x1000xf32, #tpu.memory_space<vmem>> -> memref<1x1000xf32, #tpu.memory_space<vmem>>
        %parallel_loop3A_521 = tpu.memref_squeeze %parallel_loop3A_520 : memref<1x1000xf32, #tpu.memory_space<vmem>> -> memref<1000xf32, #tpu.memory_space<vmem>>
        %parallel_loop3A_522 = tpu.vector_load_idx %parallel_loop3A_521[%parallel_loop3A_497] : memref<1000xf32, #tpu.memory_space<vmem>>[vector<16xi32>], vector<16xf32>,
        %parallel_loop3A_523 = arith.constant 2 : i32
        %parallel_loop3A_524 = arith.index_cast %parallel_loop3A_147 : i32 to index
        %parallel_loop3A_525 = arith.index_cast %parallel_loop3A_523 : i32 to index
        %parallel_loop3A_526 = arith.constant 64 : index
        %parallel_loop3A_527 = tpu.vector_load %arg8[%parallel_loop3A_524, %parallel_loop3A_525, %parallel_loop3A_526] {strides = array<i32>} : memref<32x8x128xf32, #tpu.memory_space<vmem>>, vector<16xf32>,
        tpu.vector_store %arg8[%parallel_loop3A_524, %parallel_loop3A_525, %parallel_loop3A_526], %parallel_loop3A_522 {strides = array<i32>} : memref<32x8x128xf32, #tpu.memory_space<vmem>>, vector<16xf32>,
        %parallel_loop3A_528 = arith.constant 3 : i32
        %parallel_loop3A_529 = arith.constant 0 : i32
        %parallel_loop3A_530 = tpu.memref_slice %arg5[%parallel_loop3A_528, %parallel_loop3A_529] : memref<8x1000xf32, #tpu.memory_space<vmem>> -> memref<1x1000xf32, #tpu.memory_space<vmem>>
        %parallel_loop3A_531 = tpu.memref_squeeze %parallel_loop3A_530 : memref<1x1000xf32, #tpu.memory_space<vmem>> -> memref<1000xf32, #tpu.memory_space<vmem>>
        %parallel_loop3A_532 = tpu.vector_load_idx %parallel_loop3A_531[%parallel_loop3A_497] : memref<1000xf32, #tpu.memory_space<vmem>>[vector<16xi32>], vector<16xf32>,
        %parallel_loop3A_533 = arith.constant 3 : i32
        %parallel_loop3A_534 = arith.index_cast %parallel_loop3A_147 : i32 to index
        %parallel_loop3A_535 = arith.index_cast %parallel_loop3A_533 : i32 to index
        %parallel_loop3A_536 = arith.constant 64 : index
        %parallel_loop3A_537 = tpu.vector_load %arg8[%parallel_loop3A_534, %parallel_loop3A_535, %parallel_loop3A_536] {strides = array<i32>} : memref<32x8x128xf32, #tpu.memory_space<vmem>>, vector<16xf32>,
        tpu.vector_store %arg8[%parallel_loop3A_534, %parallel_loop3A_535, %parallel_loop3A_536], %parallel_loop3A_532 {strides = array<i32>} : memref<32x8x128xf32, #tpu.memory_space<vmem>>, vector<16xf32>,
        %parallel_loop3A_538 = arith.constant 4 : i32
        %parallel_loop3A_539 = arith.constant 0 : i32
        %parallel_loop3A_540 = tpu.memref_slice %arg5[%parallel_loop3A_538, %parallel_loop3A_539] : memref<8x1000xf32, #tpu.memory_space<vmem>> -> memref<1x1000xf32, #tpu.memory_space<vmem>>
        %parallel_loop3A_541 = tpu.memref_squeeze %parallel_loop3A_540 : memref<1x1000xf32, #tpu.memory_space<vmem>> -> memref<1000xf32, #tpu.memory_space<vmem>>
        %parallel_loop3A_542 = tpu.vector_load_idx %parallel_loop3A_541[%parallel_loop3A_497] : memref<1000xf32, #tpu.memory_space<vmem>>[vector<16xi32>], vector<16xf32>,
        %parallel_loop3A_543 = arith.constant 4 : i32
        %parallel_loop3A_544 = arith.index_cast %parallel_loop3A_147 : i32 to index
        %parallel_loop3A_545 = arith.index_cast %parallel_loop3A_543 : i32 to index
        %parallel_loop3A_546 = arith.constant 64 : index
        %parallel_loop3A_547 = tpu.vector_load %arg8[%parallel_loop3A_544, %parallel_loop3A_545, %parallel_loop3A_546] {strides = array<i32>} : memref<32x8x128xf32, #tpu.memory_space<vmem>>, vector<16xf32>,
        tpu.vector_store %arg8[%parallel_loop3A_544, %parallel_loop3A_545, %parallel_loop3A_546], %parallel_loop3A_542 {strides = array<i32>} : memref<32x8x128xf32, #tpu.memory_space<vmem>>, vector<16xf32>,
        %parallel_loop3A_548 = arith.constant 5 : i32
        %parallel_loop3A_549 = arith.constant 0 : i32
        %parallel_loop3A_550 = tpu.memref_slice %arg5[%parallel_loop3A_548, %parallel_loop3A_549] : memref<8x1000xf32, #tpu.memory_space<vmem>> -> memref<1x1000xf32, #tpu.memory_space<vmem>>
        %parallel_loop3A_551 = tpu.memref_squeeze %parallel_loop3A_550 : memref<1x1000xf32, #tpu.memory_space<vmem>> -> memref<1000xf32, #tpu.memory_space<vmem>>
        %parallel_loop3A_552 = tpu.vector_load_idx %parallel_loop3A_551[%parallel_loop3A_497] : memref<1000xf32, #tpu.memory_space<vmem>>[vector<16xi32>], vector<16xf32>,
        %parallel_loop3A_553 = arith.constant 5 : i32
        %parallel_loop3A_554 = arith.index_cast %parallel_loop3A_147 : i32 to index
        %parallel_loop3A_555 = arith.index_cast %parallel_loop3A_553 : i32 to index
        %parallel_loop3A_556 = arith.constant 64 : index
        %parallel_loop3A_557 = tpu.vector_load %arg8[%parallel_loop3A_554, %parallel_loop3A_555, %parallel_loop3A_556] {strides = array<i32>} : memref<32x8x128xf32, #tpu.memory_space<vmem>>, vector<16xf32>,
        tpu.vector_store %arg8[%parallel_loop3A_554, %parallel_loop3A_555, %parallel_loop3A_556], %parallel_loop3A_552 {strides = array<i32>} : memref<32x8x128xf32, #tpu.memory_space<vmem>>, vector<16xf32>,
        %parallel_loop3A_558 = arith.constant 6 : i32
        %parallel_loop3A_559 = arith.constant 0 : i32
        %parallel_loop3A_560 = tpu.memref_slice %arg5[%parallel_loop3A_558, %parallel_loop3A_559] : memref<8x1000xf32, #tpu.memory_space<vmem>> -> memref<1x1000xf32, #tpu.memory_space<vmem>>
        %parallel_loop3A_561 = tpu.memref_squeeze %parallel_loop3A_560 : memref<1x1000xf32, #tpu.memory_space<vmem>> -> memref<1000xf32, #tpu.memory_space<vmem>>
        %parallel_loop3A_562 = tpu.vector_load_idx %parallel_loop3A_561[%parallel_loop3A_497] : memref<1000xf32, #tpu.memory_space<vmem>>[vector<16xi32>], vector<16xf32>,
        %parallel_loop3A_563 = arith.constant 6 : i32
        %parallel_loop3A_564 = arith.index_cast %parallel_loop3A_147 : i32 to index
        %parallel_loop3A_565 = arith.index_cast %parallel_loop3A_563 : i32 to index
        %parallel_loop3A_566 = arith.constant 64 : index
        %parallel_loop3A_567 = tpu.vector_load %arg8[%parallel_loop3A_564, %parallel_loop3A_565, %parallel_loop3A_566] {strides = array<i32>} : memref<32x8x128xf32, #tpu.memory_space<vmem>>, vector<16xf32>,
        tpu.vector_store %arg8[%parallel_loop3A_564, %parallel_loop3A_565, %parallel_loop3A_566], %parallel_loop3A_562 {strides = array<i32>} : memref<32x8x128xf32, #tpu.memory_space<vmem>>, vector<16xf32>,
        %parallel_loop3A_568 = arith.constant 7 : i32
        %parallel_loop3A_569 = arith.constant 0 : i32
        %parallel_loop3A_570 = tpu.memref_slice %arg5[%parallel_loop3A_568, %parallel_loop3A_569] : memref<8x1000xf32, #tpu.memory_space<vmem>> -> memref<1x1000xf32, #tpu.memory_space<vmem>>
        %parallel_loop3A_571 = tpu.memref_squeeze %parallel_loop3A_570 : memref<1x1000xf32, #tpu.memory_space<vmem>> -> memref<1000xf32, #tpu.memory_space<vmem>>
        %parallel_loop3A_572 = tpu.vector_load_idx %parallel_loop3A_571[%parallel_loop3A_497] : memref<1000xf32, #tpu.memory_space<vmem>>[vector<16xi32>], vector<16xf32>,
        %parallel_loop3A_573 = arith.constant 7 : i32
        %parallel_loop3A_574 = arith.index_cast %parallel_loop3A_147 : i32 to index
        %parallel_loop3A_575 = arith.index_cast %parallel_loop3A_573 : i32 to index
        %parallel_loop3A_576 = arith.constant 64 : index
        %parallel_loop3A_577 = tpu.vector_load %arg8[%parallel_loop3A_574, %parallel_loop3A_575, %parallel_loop3A_576] {strides = array<i32>} : memref<32x8x128xf32, #tpu.memory_space<vmem>>, vector<16xf32>,
        tpu.vector_store %arg8[%parallel_loop3A_574, %parallel_loop3A_575, %parallel_loop3A_576], %parallel_loop3A_572 {strides = array<i32>} : memref<32x8x128xf32, #tpu.memory_space<vmem>>, vector<16xf32>,
        %parallel_loop3A_578 = arith.constant 128 : i32
        %parallel_loop3A_579 = arith.muli %parallel_loop3A_147, %parallel_loop3A_578 : i32
        %parallel_loop3A_580 = arith.constant 80 : i32
        %parallel_loop3A_581 = arith.addi %parallel_loop3A_579, %parallel_loop3A_580 : i32
        %parallel_loop3A_582 = arith.index_cast %parallel_loop3A_581 : i32 to index
        %parallel_loop3A_583 = tpu.vector_load %arg6[%parallel_loop3A_582] {strides = array<i32>} : memref<4096xi32, #tpu.memory_space<vmem>>, vector<16xi32>,
        %parallel_loop3A_584 = arith.constant 0 : i32
        %parallel_loop3A_585 = arith.constant 0 : i32
        %parallel_loop3A_586 = tpu.memref_slice %arg5[%parallel_loop3A_584, %parallel_loop3A_585] : memref<8x1000xf32, #tpu.memory_space<vmem>> -> memref<1x1000xf32, #tpu.memory_space<vmem>>
        %parallel_loop3A_587 = tpu.memref_squeeze %parallel_loop3A_586 : memref<1x1000xf32, #tpu.memory_space<vmem>> -> memref<1000xf32, #tpu.memory_space<vmem>>
        %parallel_loop3A_588 = tpu.vector_load_idx %parallel_loop3A_587[%parallel_loop3A_583] : memref<1000xf32, #tpu.memory_space<vmem>>[vector<16xi32>], vector<16xf32>,
        %parallel_loop3A_589 = arith.constant 0 : i32
        %parallel_loop3A_590 = arith.index_cast %parallel_loop3A_147 : i32 to index
        %parallel_loop3A_591 = arith.index_cast %parallel_loop3A_589 : i32 to index
        %parallel_loop3A_592 = arith.constant 80 : index
        %parallel_loop3A_593 = tpu.vector_load %arg8[%parallel_loop3A_590, %parallel_loop3A_591, %parallel_loop3A_592] {strides = array<i32>} : memref<32x8x128xf32, #tpu.memory_space<vmem>>, vector<16xf32>,
        tpu.vector_store %arg8[%parallel_loop3A_590, %parallel_loop3A_591, %parallel_loop3A_592], %parallel_loop3A_588 {strides = array<i32>} : memref<32x8x128xf32, #tpu.memory_space<vmem>>, vector<16xf32>,
        %parallel_loop3A_594 = arith.constant 1 : i32
        %parallel_loop3A_595 = arith.constant 0 : i32
        %parallel_loop3A_596 = tpu.memref_slice %arg5[%parallel_loop3A_594, %parallel_loop3A_595] : memref<8x1000xf32, #tpu.memory_space<vmem>> -> memref<1x1000xf32, #tpu.memory_space<vmem>>
        %parallel_loop3A_597 = tpu.memref_squeeze %parallel_loop3A_596 : memref<1x1000xf32, #tpu.memory_space<vmem>> -> memref<1000xf32, #tpu.memory_space<vmem>>
        %parallel_loop3A_598 = tpu.vector_load_idx %parallel_loop3A_597[%parallel_loop3A_583] : memref<1000xf32, #tpu.memory_space<vmem>>[vector<16xi32>], vector<16xf32>,
        %parallel_loop3A_599 = arith.constant 1 : i32
        %parallel_loop3A_600 = arith.index_cast %parallel_loop3A_147 : i32 to index
        %parallel_loop3A_601 = arith.index_cast %parallel_loop3A_599 : i32 to index
        %parallel_loop3A_602 = arith.constant 80 : index
        %parallel_loop3A_603 = tpu.vector_load %arg8[%parallel_loop3A_600, %parallel_loop3A_601, %parallel_loop3A_602] {strides = array<i32>} : memref<32x8x128xf32, #tpu.memory_space<vmem>>, vector<16xf32>,
        tpu.vector_store %arg8[%parallel_loop3A_600, %parallel_loop3A_601, %parallel_loop3A_602], %parallel_loop3A_598 {strides = array<i32>} : memref<32x8x128xf32, #tpu.memory_space<vmem>>, vector<16xf32>,
        %parallel_loop3A_604 = arith.constant 2 : i32
        %parallel_loop3A_605 = arith.constant 0 : i32
        %parallel_loop3A_606 = tpu.memref_slice %arg5[%parallel_loop3A_604, %parallel_loop3A_605] : memref<8x1000xf32, #tpu.memory_space<vmem>> -> memref<1x1000xf32, #tpu.memory_space<vmem>>
        %parallel_loop3A_607 = tpu.memref_squeeze %parallel_loop3A_606 : memref<1x1000xf32, #tpu.memory_space<vmem>> -> memref<1000xf32, #tpu.memory_space<vmem>>
        %parallel_loop3A_608 = tpu.vector_load_idx %parallel_loop3A_607[%parallel_loop3A_583] : memref<1000xf32, #tpu.memory_space<vmem>>[vector<16xi32>], vector<16xf32>,
        %parallel_loop3A_609 = arith.constant 2 : i32
        %parallel_loop3A_610 = arith.index_cast %parallel_loop3A_147 : i32 to index
        %parallel_loop3A_611 = arith.index_cast %parallel_loop3A_609 : i32 to index
        %parallel_loop3A_612 = arith.constant 80 : index
        %parallel_loop3A_613 = tpu.vector_load %arg8[%parallel_loop3A_610, %parallel_loop3A_611, %parallel_loop3A_612] {strides = array<i32>} : memref<32x8x128xf32, #tpu.memory_space<vmem>>, vector<16xf32>,
        tpu.vector_store %arg8[%parallel_loop3A_610, %parallel_loop3A_611, %parallel_loop3A_612], %parallel_loop3A_608 {strides = array<i32>} : memref<32x8x128xf32, #tpu.memory_space<vmem>>, vector<16xf32>,
        %parallel_loop3A_614 = arith.constant 3 : i32
        %parallel_loop3A_615 = arith.constant 0 : i32
        %parallel_loop3A_616 = tpu.memref_slice %arg5[%parallel_loop3A_614, %parallel_loop3A_615] : memref<8x1000xf32, #tpu.memory_space<vmem>> -> memref<1x1000xf32, #tpu.memory_space<vmem>>
        %parallel_loop3A_617 = tpu.memref_squeeze %parallel_loop3A_616 : memref<1x1000xf32, #tpu.memory_space<vmem>> -> memref<1000xf32, #tpu.memory_space<vmem>>
        %parallel_loop3A_618 = tpu.vector_load_idx %parallel_loop3A_617[%parallel_loop3A_583] : memref<1000xf32, #tpu.memory_space<vmem>>[vector<16xi32>], vector<16xf32>,
        %parallel_loop3A_619 = arith.constant 3 : i32
        %parallel_loop3A_620 = arith.index_cast %parallel_loop3A_147 : i32 to index
        %parallel_loop3A_621 = arith.index_cast %parallel_loop3A_619 : i32 to index
        %parallel_loop3A_622 = arith.constant 80 : index
        %parallel_loop3A_623 = tpu.vector_load %arg8[%parallel_loop3A_620, %parallel_loop3A_621, %parallel_loop3A_622] {strides = array<i32>} : memref<32x8x128xf32, #tpu.memory_space<vmem>>, vector<16xf32>,
        tpu.vector_store %arg8[%parallel_loop3A_620, %parallel_loop3A_621, %parallel_loop3A_622], %parallel_loop3A_618 {strides = array<i32>} : memref<32x8x128xf32, #tpu.memory_space<vmem>>, vector<16xf32>,
        %parallel_loop3A_624 = arith.constant 4 : i32
        %parallel_loop3A_625 = arith.constant 0 : i32
        %parallel_loop3A_626 = tpu.memref_slice %arg5[%parallel_loop3A_624, %parallel_loop3A_625] : memref<8x1000xf32, #tpu.memory_space<vmem>> -> memref<1x1000xf32, #tpu.memory_space<vmem>>
        %parallel_loop3A_627 = tpu.memref_squeeze %parallel_loop3A_626 : memref<1x1000xf32, #tpu.memory_space<vmem>> -> memref<1000xf32, #tpu.memory_space<vmem>>
        %parallel_loop3A_628 = tpu.vector_load_idx %parallel_loop3A_627[%parallel_loop3A_583] : memref<1000xf32, #tpu.memory_space<vmem>>[vector<16xi32>], vector<16xf32>,
        %parallel_loop3A_629 = arith.constant 4 : i32
        %parallel_loop3A_630 = arith.index_cast %parallel_loop3A_147 : i32 to index
        %parallel_loop3A_631 = arith.index_cast %parallel_loop3A_629 : i32 to index
        %parallel_loop3A_632 = arith.constant 80 : index
        %parallel_loop3A_633 = tpu.vector_load %arg8[%parallel_loop3A_630, %parallel_loop3A_631, %parallel_loop3A_632] {strides = array<i32>} : memref<32x8x128xf32, #tpu.memory_space<vmem>>, vector<16xf32>,
        tpu.vector_store %arg8[%parallel_loop3A_630, %parallel_loop3A_631, %parallel_loop3A_632], %parallel_loop3A_628 {strides = array<i32>} : memref<32x8x128xf32, #tpu.memory_space<vmem>>, vector<16xf32>,
        %parallel_loop3A_634 = arith.constant 5 : i32
        %parallel_loop3A_635 = arith.constant 0 : i32
        %parallel_loop3A_636 = tpu.memref_slice %arg5[%parallel_loop3A_634, %parallel_loop3A_635] : memref<8x1000xf32, #tpu.memory_space<vmem>> -> memref<1x1000xf32, #tpu.memory_space<vmem>>
        %parallel_loop3A_637 = tpu.memref_squeeze %parallel_loop3A_636 : memref<1x1000xf32, #tpu.memory_space<vmem>> -> memref<1000xf32, #tpu.memory_space<vmem>>
        %parallel_loop3A_638 = tpu.vector_load_idx %parallel_loop3A_637[%parallel_loop3A_583] : memref<1000xf32, #tpu.memory_space<vmem>>[vector<16xi32>], vector<16xf32>,
        %parallel_loop3A_639 = arith.constant 5 : i32
        %parallel_loop3A_640 = arith.index_cast %parallel_loop3A_147 : i32 to index
        %parallel_loop3A_641 = arith.index_cast %parallel_loop3A_639 : i32 to index
        %parallel_loop3A_642 = arith.constant 80 : index
        %parallel_loop3A_643 = tpu.vector_load %arg8[%parallel_loop3A_640, %parallel_loop3A_641, %parallel_loop3A_642] {strides = array<i32>} : memref<32x8x128xf32, #tpu.memory_space<vmem>>, vector<16xf32>,
        tpu.vector_store %arg8[%parallel_loop3A_640, %parallel_loop3A_641, %parallel_loop3A_642], %parallel_loop3A_638 {strides = array<i32>} : memref<32x8x128xf32, #tpu.memory_space<vmem>>, vector<16xf32>,
        %parallel_loop3A_644 = arith.constant 6 : i32
        %parallel_loop3A_645 = arith.constant 0 : i32
        %parallel_loop3A_646 = tpu.memref_slice %arg5[%parallel_loop3A_644, %parallel_loop3A_645] : memref<8x1000xf32, #tpu.memory_space<vmem>> -> memref<1x1000xf32, #tpu.memory_space<vmem>>
        %parallel_loop3A_647 = tpu.memref_squeeze %parallel_loop3A_646 : memref<1x1000xf32, #tpu.memory_space<vmem>> -> memref<1000xf32, #tpu.memory_space<vmem>>
        %parallel_loop3A_648 = tpu.vector_load_idx %parallel_loop3A_647[%parallel_loop3A_583] : memref<1000xf32, #tpu.memory_space<vmem>>[vector<16xi32>], vector<16xf32>,
        %parallel_loop3A_649 = arith.constant 6 : i32
        %parallel_loop3A_650 = arith.index_cast %parallel_loop3A_147 : i32 to index
        %parallel_loop3A_651 = arith.index_cast %parallel_loop3A_649 : i32 to index
        %parallel_loop3A_652 = arith.constant 80 : index
        %parallel_loop3A_653 = tpu.vector_load %arg8[%parallel_loop3A_650, %parallel_loop3A_651, %parallel_loop3A_652] {strides = array<i32>} : memref<32x8x128xf32, #tpu.memory_space<vmem>>, vector<16xf32>,
        tpu.vector_store %arg8[%parallel_loop3A_650, %parallel_loop3A_651, %parallel_loop3A_652], %parallel_loop3A_648 {strides = array<i32>} : memref<32x8x128xf32, #tpu.memory_space<vmem>>, vector<16xf32>,
        %parallel_loop3A_654 = arith.constant 7 : i32
        %parallel_loop3A_655 = arith.constant 0 : i32
        %parallel_loop3A_656 = tpu.memref_slice %arg5[%parallel_loop3A_654, %parallel_loop3A_655] : memref<8x1000xf32, #tpu.memory_space<vmem>> -> memref<1x1000xf32, #tpu.memory_space<vmem>>
        %parallel_loop3A_657 = tpu.memref_squeeze %parallel_loop3A_656 : memref<1x1000xf32, #tpu.memory_space<vmem>> -> memref<1000xf32, #tpu.memory_space<vmem>>
        %parallel_loop3A_658 = tpu.vector_load_idx %parallel_loop3A_657[%parallel_loop3A_583] : memref<1000xf32, #tpu.memory_space<vmem>>[vector<16xi32>], vector<16xf32>,
        %parallel_loop3A_659 = arith.constant 7 : i32
        %parallel_loop3A_660 = arith.index_cast %parallel_loop3A_147 : i32 to index
        %parallel_loop3A_661 = arith.index_cast %parallel_loop3A_659 : i32 to index
        %parallel_loop3A_662 = arith.constant 80 : index
        %parallel_loop3A_663 = tpu.vector_load %arg8[%parallel_loop3A_660, %parallel_loop3A_661, %parallel_loop3A_662] {strides = array<i32>} : memref<32x8x128xf32, #tpu.memory_space<vmem>>, vector<16xf32>,
        tpu.vector_store %arg8[%parallel_loop3A_660, %parallel_loop3A_661, %parallel_loop3A_662], %parallel_loop3A_658 {strides = array<i32>} : memref<32x8x128xf32, #tpu.memory_space<vmem>>, vector<16xf32>,
        %parallel_loop3A_664 = arith.constant 128 : i32
        %parallel_loop3A_665 = arith.muli %parallel_loop3A_147, %parallel_loop3A_664 : i32
        %parallel_loop3A_666 = arith.constant 96 : i32
        %parallel_loop3A_667 = arith.addi %parallel_loop3A_665, %parallel_loop3A_666 : i32
        %parallel_loop3A_668 = arith.index_cast %parallel_loop3A_667 : i32 to index
        %parallel_loop3A_669 = tpu.vector_load %arg6[%parallel_loop3A_668] {strides = array<i32>} : memref<4096xi32, #tpu.memory_space<vmem>>, vector<16xi32>,
        %parallel_loop3A_670 = arith.constant 0 : i32
        %parallel_loop3A_671 = arith.constant 0 : i32
        %parallel_loop3A_672 = tpu.memref_slice %arg5[%parallel_loop3A_670, %parallel_loop3A_671] : memref<8x1000xf32, #tpu.memory_space<vmem>> -> memref<1x1000xf32, #tpu.memory_space<vmem>>
        %parallel_loop3A_673 = tpu.memref_squeeze %parallel_loop3A_672 : memref<1x1000xf32, #tpu.memory_space<vmem>> -> memref<1000xf32, #tpu.memory_space<vmem>>
        %parallel_loop3A_674 = tpu.vector_load_idx %parallel_loop3A_673[%parallel_loop3A_669] : memref<1000xf32, #tpu.memory_space<vmem>>[vector<16xi32>], vector<16xf32>,
        %parallel_loop3A_675 = arith.constant 0 : i32
        %parallel_loop3A_676 = arith.index_cast %parallel_loop3A_147 : i32 to index
        %parallel_loop3A_677 = arith.index_cast %parallel_loop3A_675 : i32 to index
        %parallel_loop3A_678 = arith.constant 96 : index
        %parallel_loop3A_679 = tpu.vector_load %arg8[%parallel_loop3A_676, %parallel_loop3A_677, %parallel_loop3A_678] {strides = array<i32>} : memref<32x8x128xf32, #tpu.memory_space<vmem>>, vector<16xf32>,
        tpu.vector_store %arg8[%parallel_loop3A_676, %parallel_loop3A_677, %parallel_loop3A_678], %parallel_loop3A_674 {strides = array<i32>} : memref<32x8x128xf32, #tpu.memory_space<vmem>>, vector<16xf32>,
        %parallel_loop3A_680 = arith.constant 1 : i32
        %parallel_loop3A_681 = arith.constant 0 : i32
        %parallel_loop3A_682 = tpu.memref_slice %arg5[%parallel_loop3A_680, %parallel_loop3A_681] : memref<8x1000xf32, #tpu.memory_space<vmem>> -> memref<1x1000xf32, #tpu.memory_space<vmem>>
        %parallel_loop3A_683 = tpu.memref_squeeze %parallel_loop3A_682 : memref<1x1000xf32, #tpu.memory_space<vmem>> -> memref<1000xf32, #tpu.memory_space<vmem>>
        %parallel_loop3A_684 = tpu.vector_load_idx %parallel_loop3A_683[%parallel_loop3A_669] : memref<1000xf32, #tpu.memory_space<vmem>>[vector<16xi32>], vector<16xf32>,
        %parallel_loop3A_685 = arith.constant 1 : i32
        %parallel_loop3A_686 = arith.index_cast %parallel_loop3A_147 : i32 to index
        %parallel_loop3A_687 = arith.index_cast %parallel_loop3A_685 : i32 to index
        %parallel_loop3A_688 = arith.constant 96 : index
        %parallel_loop3A_689 = tpu.vector_load %arg8[%parallel_loop3A_686, %parallel_loop3A_687, %parallel_loop3A_688] {strides = array<i32>} : memref<32x8x128xf32, #tpu.memory_space<vmem>>, vector<16xf32>,
        tpu.vector_store %arg8[%parallel_loop3A_686, %parallel_loop3A_687, %parallel_loop3A_688], %parallel_loop3A_684 {strides = array<i32>} : memref<32x8x128xf32, #tpu.memory_space<vmem>>, vector<16xf32>,
        %parallel_loop3A_690 = arith.constant 2 : i32
        %parallel_loop3A_691 = arith.constant 0 : i32
        %parallel_loop3A_692 = tpu.memref_slice %arg5[%parallel_loop3A_690, %parallel_loop3A_691] : memref<8x1000xf32, #tpu.memory_space<vmem>> -> memref<1x1000xf32, #tpu.memory_space<vmem>>
        %parallel_loop3A_693 = tpu.memref_squeeze %parallel_loop3A_692 : memref<1x1000xf32, #tpu.memory_space<vmem>> -> memref<1000xf32, #tpu.memory_space<vmem>>
        %parallel_loop3A_694 = tpu.vector_load_idx %parallel_loop3A_693[%parallel_loop3A_669] : memref<1000xf32, #tpu.memory_space<vmem>>[vector<16xi32>], vector<16xf32>,
        %parallel_loop3A_695 = arith.constant 2 : i32
        %parallel_loop3A_696 = arith.index_cast %parallel_loop3A_147 : i32 to index
        %parallel_loop3A_697 = arith.index_cast %parallel_loop3A_695 : i32 to index
        %parallel_loop3A_698 = arith.constant 96 : index
        %parallel_loop3A_699 = tpu.vector_load %arg8[%parallel_loop3A_696, %parallel_loop3A_697, %parallel_loop3A_698] {strides = array<i32>} : memref<32x8x128xf32, #tpu.memory_space<vmem>>, vector<16xf32>,
        tpu.vector_store %arg8[%parallel_loop3A_696, %parallel_loop3A_697, %parallel_loop3A_698], %parallel_loop3A_694 {strides = array<i32>} : memref<32x8x128xf32, #tpu.memory_space<vmem>>, vector<16xf32>,
        %parallel_loop3A_700 = arith.constant 3 : i32
        %parallel_loop3A_701 = arith.constant 0 : i32
        %parallel_loop3A_702 = tpu.memref_slice %arg5[%parallel_loop3A_700, %parallel_loop3A_701] : memref<8x1000xf32, #tpu.memory_space<vmem>> -> memref<1x1000xf32, #tpu.memory_space<vmem>>
        %parallel_loop3A_703 = tpu.memref_squeeze %parallel_loop3A_702 : memref<1x1000xf32, #tpu.memory_space<vmem>> -> memref<1000xf32, #tpu.memory_space<vmem>>
        %parallel_loop3A_704 = tpu.vector_load_idx %parallel_loop3A_703[%parallel_loop3A_669] : memref<1000xf32, #tpu.memory_space<vmem>>[vector<16xi32>], vector<16xf32>,
        %parallel_loop3A_705 = arith.constant 3 : i32
        %parallel_loop3A_706 = arith.index_cast %parallel_loop3A_147 : i32 to index
        %parallel_loop3A_707 = arith.index_cast %parallel_loop3A_705 : i32 to index
        %parallel_loop3A_708 = arith.constant 96 : index
        %parallel_loop3A_709 = tpu.vector_load %arg8[%parallel_loop3A_706, %parallel_loop3A_707, %parallel_loop3A_708] {strides = array<i32>} : memref<32x8x128xf32, #tpu.memory_space<vmem>>, vector<16xf32>,
        tpu.vector_store %arg8[%parallel_loop3A_706, %parallel_loop3A_707, %parallel_loop3A_708], %parallel_loop3A_704 {strides = array<i32>} : memref<32x8x128xf32, #tpu.memory_space<vmem>>, vector<16xf32>,
        %parallel_loop3A_710 = arith.constant 4 : i32
        %parallel_loop3A_711 = arith.constant 0 : i32
        %parallel_loop3A_712 = tpu.memref_slice %arg5[%parallel_loop3A_710, %parallel_loop3A_711] : memref<8x1000xf32, #tpu.memory_space<vmem>> -> memref<1x1000xf32, #tpu.memory_space<vmem>>
        %parallel_loop3A_713 = tpu.memref_squeeze %parallel_loop3A_712 : memref<1x1000xf32, #tpu.memory_space<vmem>> -> memref<1000xf32, #tpu.memory_space<vmem>>
        %parallel_loop3A_714 = tpu.vector_load_idx %parallel_loop3A_713[%parallel_loop3A_669] : memref<1000xf32, #tpu.memory_space<vmem>>[vector<16xi32>], vector<16xf32>,
        %parallel_loop3A_715 = arith.constant 4 : i32
        %parallel_loop3A_716 = arith.index_cast %parallel_loop3A_147 : i32 to index
        %parallel_loop3A_717 = arith.index_cast %parallel_loop3A_715 : i32 to index
        %parallel_loop3A_718 = arith.constant 96 : index
        %parallel_loop3A_719 = tpu.vector_load %arg8[%parallel_loop3A_716, %parallel_loop3A_717, %parallel_loop3A_718] {strides = array<i32>} : memref<32x8x128xf32, #tpu.memory_space<vmem>>, vector<16xf32>,
        tpu.vector_store %arg8[%parallel_loop3A_716, %parallel_loop3A_717, %parallel_loop3A_718], %parallel_loop3A_714 {strides = array<i32>} : memref<32x8x128xf32, #tpu.memory_space<vmem>>, vector<16xf32>,
        %parallel_loop3A_720 = arith.constant 5 : i32
        %parallel_loop3A_721 = arith.constant 0 : i32
        %parallel_loop3A_722 = tpu.memref_slice %arg5[%parallel_loop3A_720, %parallel_loop3A_721] : memref<8x1000xf32, #tpu.memory_space<vmem>> -> memref<1x1000xf32, #tpu.memory_space<vmem>>
        %parallel_loop3A_723 = tpu.memref_squeeze %parallel_loop3A_722 : memref<1x1000xf32, #tpu.memory_space<vmem>> -> memref<1000xf32, #tpu.memory_space<vmem>>
        %parallel_loop3A_724 = tpu.vector_load_idx %parallel_loop3A_723[%parallel_loop3A_669] : memref<1000xf32, #tpu.memory_space<vmem>>[vector<16xi32>], vector<16xf32>,
        %parallel_loop3A_725 = arith.constant 5 : i32
        %parallel_loop3A_726 = arith.index_cast %parallel_loop3A_147 : i32 to index
        %parallel_loop3A_727 = arith.index_cast %parallel_loop3A_725 : i32 to index
        %parallel_loop3A_728 = arith.constant 96 : index
        %parallel_loop3A_729 = tpu.vector_load %arg8[%parallel_loop3A_726, %parallel_loop3A_727, %parallel_loop3A_728] {strides = array<i32>} : memref<32x8x128xf32, #tpu.memory_space<vmem>>, vector<16xf32>,
        tpu.vector_store %arg8[%parallel_loop3A_726, %parallel_loop3A_727, %parallel_loop3A_728], %parallel_loop3A_724 {strides = array<i32>} : memref<32x8x128xf32, #tpu.memory_space<vmem>>, vector<16xf32>,
        %parallel_loop3A_730 = arith.constant 6 : i32
        %parallel_loop3A_731 = arith.constant 0 : i32
        %parallel_loop3A_732 = tpu.memref_slice %arg5[%parallel_loop3A_730, %parallel_loop3A_731] : memref<8x1000xf32, #tpu.memory_space<vmem>> -> memref<1x1000xf32, #tpu.memory_space<vmem>>
        %parallel_loop3A_733 = tpu.memref_squeeze %parallel_loop3A_732 : memref<1x1000xf32, #tpu.memory_space<vmem>> -> memref<1000xf32, #tpu.memory_space<vmem>>
        %parallel_loop3A_734 = tpu.vector_load_idx %parallel_loop3A_733[%parallel_loop3A_669] : memref<1000xf32, #tpu.memory_space<vmem>>[vector<16xi32>], vector<16xf32>,
        %parallel_loop3A_735 = arith.constant 6 : i32
        %parallel_loop3A_736 = arith.index_cast %parallel_loop3A_147 : i32 to index
        %parallel_loop3A_737 = arith.index_cast %parallel_loop3A_735 : i32 to index
        %parallel_loop3A_738 = arith.constant 96 : index
        %parallel_loop3A_739 = tpu.vector_load %arg8[%parallel_loop3A_736, %parallel_loop3A_737, %parallel_loop3A_738] {strides = array<i32>} : memref<32x8x128xf32, #tpu.memory_space<vmem>>, vector<16xf32>,
        tpu.vector_store %arg8[%parallel_loop3A_736, %parallel_loop3A_737, %parallel_loop3A_738], %parallel_loop3A_734 {strides = array<i32>} : memref<32x8x128xf32, #tpu.memory_space<vmem>>, vector<16xf32>,
        %parallel_loop3A_740 = arith.constant 7 : i32
        %parallel_loop3A_741 = arith.constant 0 : i32
        %parallel_loop3A_742 = tpu.memref_slice %arg5[%parallel_loop3A_740, %parallel_loop3A_741] : memref<8x1000xf32, #tpu.memory_space<vmem>> -> memref<1x1000xf32, #tpu.memory_space<vmem>>
        %parallel_loop3A_743 = tpu.memref_squeeze %parallel_loop3A_742 : memref<1x1000xf32, #tpu.memory_space<vmem>> -> memref<1000xf32, #tpu.memory_space<vmem>>
        %parallel_loop3A_744 = tpu.vector_load_idx %parallel_loop3A_743[%parallel_loop3A_669] : memref<1000xf32, #tpu.memory_space<vmem>>[vector<16xi32>], vector<16xf32>,
        %parallel_loop3A_745 = arith.constant 7 : i32
        %parallel_loop3A_746 = arith.index_cast %parallel_loop3A_147 : i32 to index
        %parallel_loop3A_747 = arith.index_cast %parallel_loop3A_745 : i32 to index
        %parallel_loop3A_748 = arith.constant 96 : index
        %parallel_loop3A_749 = tpu.vector_load %arg8[%parallel_loop3A_746, %parallel_loop3A_747, %parallel_loop3A_748] {strides = array<i32>} : memref<32x8x128xf32, #tpu.memory_space<vmem>>, vector<16xf32>,
        tpu.vector_store %arg8[%parallel_loop3A_746, %parallel_loop3A_747, %parallel_loop3A_748], %parallel_loop3A_744 {strides = array<i32>} : memref<32x8x128xf32, #tpu.memory_space<vmem>>, vector<16xf32>,
        %parallel_loop3A_750 = arith.constant 128 : i32
        %parallel_loop3A_751 = arith.muli %parallel_loop3A_147, %parallel_loop3A_750 : i32
        %parallel_loop3A_752 = arith.constant 112 : i32
        %parallel_loop3A_753 = arith.addi %parallel_loop3A_751, %parallel_loop3A_752 : i32
        %parallel_loop3A_754 = arith.index_cast %parallel_loop3A_753 : i32 to index
        %parallel_loop3A_755 = tpu.vector_load %arg6[%parallel_loop3A_754] {strides = array<i32>} : memref<4096xi32, #tpu.memory_space<vmem>>, vector<16xi32>,
        %parallel_loop3A_756 = arith.constant 0 : i32
        %parallel_loop3A_757 = arith.constant 0 : i32
        %parallel_loop3A_758 = tpu.memref_slice %arg5[%parallel_loop3A_756, %parallel_loop3A_757] : memref<8x1000xf32, #tpu.memory_space<vmem>> -> memref<1x1000xf32, #tpu.memory_space<vmem>>
        %parallel_loop3A_759 = tpu.memref_squeeze %parallel_loop3A_758 : memref<1x1000xf32, #tpu.memory_space<vmem>> -> memref<1000xf32, #tpu.memory_space<vmem>>
        %parallel_loop3A_760 = tpu.vector_load_idx %parallel_loop3A_759[%parallel_loop3A_755] : memref<1000xf32, #tpu.memory_space<vmem>>[vector<16xi32>], vector<16xf32>,
        %parallel_loop3A_761 = arith.constant 0 : i32
        %parallel_loop3A_762 = arith.index_cast %parallel_loop3A_147 : i32 to index
        %parallel_loop3A_763 = arith.index_cast %parallel_loop3A_761 : i32 to index
        %parallel_loop3A_764 = arith.constant 112 : index
        %parallel_loop3A_765 = tpu.vector_load %arg8[%parallel_loop3A_762, %parallel_loop3A_763, %parallel_loop3A_764] {strides = array<i32>} : memref<32x8x128xf32, #tpu.memory_space<vmem>>, vector<16xf32>,
        tpu.vector_store %arg8[%parallel_loop3A_762, %parallel_loop3A_763, %parallel_loop3A_764], %parallel_loop3A_760 {strides = array<i32>} : memref<32x8x128xf32, #tpu.memory_space<vmem>>, vector<16xf32>,
        %parallel_loop3A_766 = arith.constant 1 : i32
        %parallel_loop3A_767 = arith.constant 0 : i32
        %parallel_loop3A_768 = tpu.memref_slice %arg5[%parallel_loop3A_766, %parallel_loop3A_767] : memref<8x1000xf32, #tpu.memory_space<vmem>> -> memref<1x1000xf32, #tpu.memory_space<vmem>>
        %parallel_loop3A_769 = tpu.memref_squeeze %parallel_loop3A_768 : memref<1x1000xf32, #tpu.memory_space<vmem>> -> memref<1000xf32, #tpu.memory_space<vmem>>
        %parallel_loop3A_770 = tpu.vector_load_idx %parallel_loop3A_769[%parallel_loop3A_755] : memref<1000xf32, #tpu.memory_space<vmem>>[vector<16xi32>], vector<16xf32>,
        %parallel_loop3A_771 = arith.constant 1 : i32
        %parallel_loop3A_772 = arith.index_cast %parallel_loop3A_147 : i32 to index
        %parallel_loop3A_773 = arith.index_cast %parallel_loop3A_771 : i32 to index
        %parallel_loop3A_774 = arith.constant 112 : index
        %parallel_loop3A_775 = tpu.vector_load %arg8[%parallel_loop3A_772, %parallel_loop3A_773, %parallel_loop3A_774] {strides = array<i32>} : memref<32x8x128xf32, #tpu.memory_space<vmem>>, vector<16xf32>,
        tpu.vector_store %arg8[%parallel_loop3A_772, %parallel_loop3A_773, %parallel_loop3A_774], %parallel_loop3A_770 {strides = array<i32>} : memref<32x8x128xf32, #tpu.memory_space<vmem>>, vector<16xf32>,
        %parallel_loop3A_776 = arith.constant 2 : i32
        %parallel_loop3A_777 = arith.constant 0 : i32
        %parallel_loop3A_778 = tpu.memref_slice %arg5[%parallel_loop3A_776, %parallel_loop3A_777] : memref<8x1000xf32, #tpu.memory_space<vmem>> -> memref<1x1000xf32, #tpu.memory_space<vmem>>
        %parallel_loop3A_779 = tpu.memref_squeeze %parallel_loop3A_778 : memref<1x1000xf32, #tpu.memory_space<vmem>> -> memref<1000xf32, #tpu.memory_space<vmem>>
        %parallel_loop3A_780 = tpu.vector_load_idx %parallel_loop3A_779[%parallel_loop3A_755] : memref<1000xf32, #tpu.memory_space<vmem>>[vector<16xi32>], vector<16xf32>,
        %parallel_loop3A_781 = arith.constant 2 : i32
        %parallel_loop3A_782 = arith.index_cast %parallel_loop3A_147 : i32 to index
        %parallel_loop3A_783 = arith.index_cast %parallel_loop3A_781 : i32 to index
        %parallel_loop3A_784 = arith.constant 112 : index
        %parallel_loop3A_785 = tpu.vector_load %arg8[%parallel_loop3A_782, %parallel_loop3A_783, %parallel_loop3A_784] {strides = array<i32>} : memref<32x8x128xf32, #tpu.memory_space<vmem>>, vector<16xf32>,
        tpu.vector_store %arg8[%parallel_loop3A_782, %parallel_loop3A_783, %parallel_loop3A_784], %parallel_loop3A_780 {strides = array<i32>} : memref<32x8x128xf32, #tpu.memory_space<vmem>>, vector<16xf32>,
        %parallel_loop3A_786 = arith.constant 3 : i32
        %parallel_loop3A_787 = arith.constant 0 : i32
        %parallel_loop3A_788 = tpu.memref_slice %arg5[%parallel_loop3A_786, %parallel_loop3A_787] : memref<8x1000xf32, #tpu.memory_space<vmem>> -> memref<1x1000xf32, #tpu.memory_space<vmem>>
        %parallel_loop3A_789 = tpu.memref_squeeze %parallel_loop3A_788 : memref<1x1000xf32, #tpu.memory_space<vmem>> -> memref<1000xf32, #tpu.memory_space<vmem>>
        %parallel_loop3A_790 = tpu.vector_load_idx %parallel_loop3A_789[%parallel_loop3A_755] : memref<1000xf32, #tpu.memory_space<vmem>>[vector<16xi32>], vector<16xf32>,
        %parallel_loop3A_791 = arith.constant 3 : i32
        %parallel_loop3A_792 = arith.index_cast %parallel_loop3A_147 : i32 to index
        %parallel_loop3A_793 = arith.index_cast %parallel_loop3A_791 : i32 to index
        %parallel_loop3A_794 = arith.constant 112 : index
        %parallel_loop3A_795 = tpu.vector_load %arg8[%parallel_loop3A_792, %parallel_loop3A_793, %parallel_loop3A_794] {strides = array<i32>} : memref<32x8x128xf32, #tpu.memory_space<vmem>>, vector<16xf32>,
        tpu.vector_store %arg8[%parallel_loop3A_792, %parallel_loop3A_793, %parallel_loop3A_794], %parallel_loop3A_790 {strides = array<i32>} : memref<32x8x128xf32, #tpu.memory_space<vmem>>, vector<16xf32>,
        %parallel_loop3A_796 = arith.constant 4 : i32
        %parallel_loop3A_797 = arith.constant 0 : i32
        %parallel_loop3A_798 = tpu.memref_slice %arg5[%parallel_loop3A_796, %parallel_loop3A_797] : memref<8x1000xf32, #tpu.memory_space<vmem>> -> memref<1x1000xf32, #tpu.memory_space<vmem>>
        %parallel_loop3A_799 = tpu.memref_squeeze %parallel_loop3A_798 : memref<1x1000xf32, #tpu.memory_space<vmem>> -> memref<1000xf32, #tpu.memory_space<vmem>>
        %parallel_loop3A_800 = tpu.vector_load_idx %parallel_loop3A_799[%parallel_loop3A_755] : memref<1000xf32, #tpu.memory_space<vmem>>[vector<16xi32>], vector<16xf32>,
        %parallel_loop3A_801 = arith.constant 4 : i32
        %parallel_loop3A_802 = arith.index_cast %parallel_loop3A_147 : i32 to index
        %parallel_loop3A_803 = arith.index_cast %parallel_loop3A_801 : i32 to index
        %parallel_loop3A_804 = arith.constant 112 : index
        %parallel_loop3A_805 = tpu.vector_load %arg8[%parallel_loop3A_802, %parallel_loop3A_803, %parallel_loop3A_804] {strides = array<i32>} : memref<32x8x128xf32, #tpu.memory_space<vmem>>, vector<16xf32>,
        tpu.vector_store %arg8[%parallel_loop3A_802, %parallel_loop3A_803, %parallel_loop3A_804], %parallel_loop3A_800 {strides = array<i32>} : memref<32x8x128xf32, #tpu.memory_space<vmem>>, vector<16xf32>,
        %parallel_loop3A_806 = arith.constant 5 : i32
        %parallel_loop3A_807 = arith.constant 0 : i32
        %parallel_loop3A_808 = tpu.memref_slice %arg5[%parallel_loop3A_806, %parallel_loop3A_807] : memref<8x1000xf32, #tpu.memory_space<vmem>> -> memref<1x1000xf32, #tpu.memory_space<vmem>>
        %parallel_loop3A_809 = tpu.memref_squeeze %parallel_loop3A_808 : memref<1x1000xf32, #tpu.memory_space<vmem>> -> memref<1000xf32, #tpu.memory_space<vmem>>
        %parallel_loop3A_810 = tpu.vector_load_idx %parallel_loop3A_809[%parallel_loop3A_755] : memref<1000xf32, #tpu.memory_space<vmem>>[vector<16xi32>], vector<16xf32>,
        %parallel_loop3A_811 = arith.constant 5 : i32
        %parallel_loop3A_812 = arith.index_cast %parallel_loop3A_147 : i32 to index
        %parallel_loop3A_813 = arith.index_cast %parallel_loop3A_811 : i32 to index
        %parallel_loop3A_814 = arith.constant 112 : index
        %parallel_loop3A_815 = tpu.vector_load %arg8[%parallel_loop3A_812, %parallel_loop3A_813, %parallel_loop3A_814] {strides = array<i32>} : memref<32x8x128xf32, #tpu.memory_space<vmem>>, vector<16xf32>,
        tpu.vector_store %arg8[%parallel_loop3A_812, %parallel_loop3A_813, %parallel_loop3A_814], %parallel_loop3A_810 {strides = array<i32>} : memref<32x8x128xf32, #tpu.memory_space<vmem>>, vector<16xf32>,
        %parallel_loop3A_816 = arith.constant 6 : i32
        %parallel_loop3A_817 = arith.constant 0 : i32
        %parallel_loop3A_818 = tpu.memref_slice %arg5[%parallel_loop3A_816, %parallel_loop3A_817] : memref<8x1000xf32, #tpu.memory_space<vmem>> -> memref<1x1000xf32, #tpu.memory_space<vmem>>
        %parallel_loop3A_819 = tpu.memref_squeeze %parallel_loop3A_818 : memref<1x1000xf32, #tpu.memory_space<vmem>> -> memref<1000xf32, #tpu.memory_space<vmem>>
        %parallel_loop3A_820 = tpu.vector_load_idx %parallel_loop3A_819[%parallel_loop3A_755] : memref<1000xf32, #tpu.memory_space<vmem>>[vector<16xi32>], vector<16xf32>,
        %parallel_loop3A_821 = arith.constant 6 : i32
        %parallel_loop3A_822 = arith.index_cast %parallel_loop3A_147 : i32 to index
        %parallel_loop3A_823 = arith.index_cast %parallel_loop3A_821 : i32 to index
        %parallel_loop3A_824 = arith.constant 112 : index
        %parallel_loop3A_825 = tpu.vector_load %arg8[%parallel_loop3A_822, %parallel_loop3A_823, %parallel_loop3A_824] {strides = array<i32>} : memref<32x8x128xf32, #tpu.memory_space<vmem>>, vector<16xf32>,
        tpu.vector_store %arg8[%parallel_loop3A_822, %parallel_loop3A_823, %parallel_loop3A_824], %parallel_loop3A_820 {strides = array<i32>} : memref<32x8x128xf32, #tpu.memory_space<vmem>>, vector<16xf32>,
        %parallel_loop3A_826 = arith.constant 7 : i32
        %parallel_loop3A_827 = arith.constant 0 : i32
        %parallel_loop3A_828 = tpu.memref_slice %arg5[%parallel_loop3A_826, %parallel_loop3A_827] : memref<8x1000xf32, #tpu.memory_space<vmem>> -> memref<1x1000xf32, #tpu.memory_space<vmem>>
        %parallel_loop3A_829 = tpu.memref_squeeze %parallel_loop3A_828 : memref<1x1000xf32, #tpu.memory_space<vmem>> -> memref<1000xf32, #tpu.memory_space<vmem>>
        %parallel_loop3A_830 = tpu.vector_load_idx %parallel_loop3A_829[%parallel_loop3A_755] : memref<1000xf32, #tpu.memory_space<vmem>>[vector<16xi32>], vector<16xf32>,
        %parallel_loop3A_831 = arith.constant 7 : i32
        %parallel_loop3A_832 = arith.index_cast %parallel_loop3A_147 : i32 to index
        %parallel_loop3A_833 = arith.index_cast %parallel_loop3A_831 : i32 to index
        %parallel_loop3A_834 = arith.constant 112 : index
        %parallel_loop3A_835 = tpu.vector_load %arg8[%parallel_loop3A_832, %parallel_loop3A_833, %parallel_loop3A_834] {strides = array<i32>} : memref<32x8x128xf32, #tpu.memory_space<vmem>>, vector<16xf32>,
        tpu.vector_store %arg8[%parallel_loop3A_832, %parallel_loop3A_833, %parallel_loop3A_834], %parallel_loop3A_830 {strides = array<i32>} : memref<32x8x128xf32, #tpu.memory_space<vmem>>, vector<16xf32>,
      } {sc.loop_unroll_factor = 2 : i64, sc.parallel_access}
      %dma_start3A_94 = arith.constant 0 : i32
      %dma_start3A_95 = arith.constant 0 : i32
      %dma_start3A_96 = arith.constant 0 : i32
      %dma_start3A_97 = tpu.memref_slice %arg4[%add3A_83, %select_n3A, %dma_start3A_94, %dma_start3A_95, %dma_start3A_96] : memref<200x8x32x8x128xf32, #tpu.memory_space<hbm>> -> memref<1x1x32x8x128xf32, #tpu.memory_space<hbm>>
      %dma_start3A_98 = tpu.memref_squeeze %dma_start3A_97 : memref<1x1x32x8x128xf32, #tpu.memory_space<hbm>> -> memref<32x8x128xf32, #tpu.memory_space<hbm>>
      %dma_start3A_99 = arith.constant 0 : i32
      %dma_start3A_100 = arith.constant 0 : i32
      %dma_start3A_101 = arith.constant 0 : i32
      %dma_start3A_102 = tpu.memref_slice %arg4[%add3A_83, %select_n3A, %dma_start3A_99, %dma_start3A_100, %dma_start3A_101] : memref<200x8x32x8x128xf32, #tpu.memory_space<hbm>> -> memref<1x1x32x8x128xf32, #tpu.memory_space<hbm>>
      %dma_start3A_103 = tpu.memref_squeeze %dma_start3A_102 : memref<1x1x32x8x128xf32, #tpu.memory_space<hbm>> -> memref<32x8x128xf32, #tpu.memory_space<hbm>>
      tpu.enqueue_dma source(%arg8 : memref<32x8x128xf32, #tpu.memory_space<vmem>>) target(%dma_start3A_103 : memref<32x8x128xf32, #tpu.memory_space<hbm>>) target_semaphore(%arg12 : memref<!tpu.dma_semaphore, #tpu.memory_space<semaphore_mem>>)
      %add3A_104 = arith.constant 2 : i32
      %add3A_105 = arith.addi %mul3A_82, %add3A_104 : i32
      %lt3A_106 = arith.constant 50 : i32
      %lt3A_107 = arith.cmpi slt, %add3A_105, %lt3A_106 : i32
      %convert_element_type3A_108 = arith.extui %lt3A_107 : i1 to i32
      %cond3A_109 = arith.constant 0 : i32
      %cond3A_110 = arith.cmpi ne, %convert_element_type3A_108, %cond3A_109 : i32
      scf.if %cond3A_110 {
        %add3A_147 = arith.constant 2 : i32
        %add3A_148 = arith.addi %add3A_83, %add3A_147 : i32
        %dma_start3A_149 = arith.constant 0 : i32
        %dma_start3A_150 = tpu.memref_slice %arg2[%add3A_148, %dma_start3A_149] : memref<200x4096xi32, #tpu.memory_space<hbm>> -> memref<1x4096xi32, #tpu.memory_space<hbm>>
        %dma_start3A_151 = tpu.memref_squeeze %dma_start3A_150 : memref<1x4096xi32, #tpu.memory_space<hbm>> -> memref<4096xi32, #tpu.memory_space<hbm>>
        %dma_start3A_152 = arith.constant 0 : i32
        %dma_start3A_153 = tpu.memref_slice %arg2[%add3A_148, %dma_start3A_152] : memref<200x4096xi32, #tpu.memory_space<hbm>> -> memref<1x4096xi32, #tpu.memory_space<hbm>>
        %dma_start3A_154 = tpu.memref_squeeze %dma_start3A_153 : memref<1x4096xi32, #tpu.memory_space<hbm>> -> memref<4096xi32, #tpu.memory_space<hbm>>
        tpu.enqueue_dma source(%dma_start3A_154 : memref<4096xi32, #tpu.memory_space<hbm>>) target(%arg6 : memref<4096xi32, #tpu.memory_space<vmem>>) target_semaphore(%arg10 : memref<!tpu.dma_semaphore, #tpu.memory_space<semaphore_mem>>)
      } else {
      }
      %mul3A_111 = arith.constant 2 : i32
      %mul3A_112 = arith.muli %scan3A_80, %mul3A_111 : i32
      %add3A_113 = arith.constant 1 : i32
      %add3A_114 = arith.addi %mul3A_112, %add3A_113 : i32
      %add3A_115 = arith.addi %mul3A_32, %add3A_114 : i32
      %dma_wait3A_116 = arith.constant 0 : i32
      %dma_wait3A_117 = tpu.memref_slice %arg2[%add3A_115, %dma_wait3A_116] : memref<200x4096xi32, #tpu.memory_space<hbm>> -> memref<1x4096xi32, #tpu.memory_space<hbm>>
      %dma_wait3A_118 = tpu.memref_squeeze %dma_wait3A_117 : memref<1x4096xi32, #tpu.memory_space<hbm>> -> memref<4096xi32, #tpu.memory_space<hbm>>
      %dma_wait3A_119 = arith.constant 0 : i32
      %dma_wait3A_120 = tpu.memref_slice %arg2[%add3A_115, %dma_wait3A_119] : memref<200x4096xi32, #tpu.memory_space<hbm>> -> memref<1x4096xi32, #tpu.memory_space<hbm>>
      %dma_wait3A_121 = tpu.memref_squeeze %dma_wait3A_120 : memref<1x4096xi32, #tpu.memory_space<hbm>> -> memref<4096xi32, #tpu.memory_space<hbm>>
      tpu.wait_dma2 semaphore(%arg11 : memref<!tpu.dma_semaphore, #tpu.memory_space<semaphore_mem>>) src(%dma_wait3A_121 : memref<4096xi32, #tpu.memory_space<hbm>>) dst(%arg7 : memref<4096xi32, #tpu.memory_space<vmem>>)
      %ge3A_122 = arith.constant 2 : i32
      %ge3A_123 = arith.cmpi sge, %add3A_114, %ge3A_122 : i32
      %convert_element_type3A_124 = arith.extui %ge3A_123 : i1 to i32
      %cond3A_125 = arith.constant 0 : i32
      %cond3A_126 = arith.cmpi ne, %convert_element_type3A_124, %cond3A_125 : i32
      scf.if %cond3A_126 {
        %sub3A_147 = arith.constant 2 : i32
        %sub3A_148 = arith.subi %add3A_115, %sub3A_147 : i32
        %dma_wait3A_149 = arith.constant 0 : i32
        %dma_wait3A_150 = arith.constant 0 : i32
        %dma_wait3A_151 = arith.constant 0 : i32
        %dma_wait3A_152 = tpu.memref_slice %arg4[%sub3A_148, %select_n3A, %dma_wait3A_149, %dma_wait3A_150, %dma_wait3A_151] : memref<200x8x32x8x128xf32, #tpu.memory_space<hbm>> -> memref<1x1x32x8x128xf32, #tpu.memory_space<hbm>>
        %dma_wait3A_153 = tpu.memref_squeeze %dma_wait3A_152 : memref<1x1x32x8x128xf32, #tpu.memory_space<hbm>> -> memref<32x8x128xf32, #tpu.memory_space<hbm>>
        %dma_wait3A_154 = arith.constant 0 : i32
        %dma_wait3A_155 = arith.constant 0 : i32
        %dma_wait3A_156 = arith.constant 0 : i32
        %dma_wait3A_157 = tpu.memref_slice %arg4[%sub3A_148, %select_n3A, %dma_wait3A_154, %dma_wait3A_155, %dma_wait3A_156] : memref<200x8x32x8x128xf32, #tpu.memory_space<hbm>> -> memref<1x1x32x8x128xf32, #tpu.memory_space<hbm>>
        %dma_wait3A_158 = tpu.memref_squeeze %dma_wait3A_157 : memref<1x1x32x8x128xf32, #tpu.memory_space<hbm>> -> memref<32x8x128xf32, #tpu.memory_space<hbm>>
        tpu.wait_dma2 semaphore(%arg13 : memref<!tpu.dma_semaphore, #tpu.memory_space<semaphore_mem>>) src(%arg9 : memref<32x8x128xf32, #tpu.memory_space<vmem>>) dst(%dma_wait3A_158 : memref<32x8x128xf32, #tpu.memory_space<hbm>>)
      } else {
      }
      %parallel_loop3A_127 = arith.constant 0 : i32
      %parallel_loop3A_128 = arith.constant 32 : i32
      %parallel_loop3A_129 = arith.constant 1 : i32
      scf.for %parallel_loop3A_147 = %parallel_loop3A_127 to %parallel_loop3A_128 step %parallel_loop3A_129  : i32 {
        %parallel_loop3A_148 = arith.constant 128 : i32
        %parallel_loop3A_149 = arith.muli %parallel_loop3A_147, %parallel_loop3A_148 : i32
        %parallel_loop3A_150 = arith.constant 0 : i32
        %parallel_loop3A_151 = arith.addi %parallel_loop3A_149, %parallel_loop3A_150 : i32
        %parallel_loop3A_152 = arith.index_cast %parallel_loop3A_151 : i32 to index
        %parallel_loop3A_153 = tpu.vector_load %arg7[%parallel_loop3A_152] {strides = array<i32>} : memref<4096xi32, #tpu.memory_space<vmem>>, vector<16xi32>,
        %parallel_loop3A_154 = arith.constant 0 : i32
        %parallel_loop3A_155 = arith.constant 0 : i32
        %parallel_loop3A_156 = tpu.memref_slice %arg5[%parallel_loop3A_154, %parallel_loop3A_155] : memref<8x1000xf32, #tpu.memory_space<vmem>> -> memref<1x1000xf32, #tpu.memory_space<vmem>>
        %parallel_loop3A_157 = tpu.memref_squeeze %parallel_loop3A_156 : memref<1x1000xf32, #tpu.memory_space<vmem>> -> memref<1000xf32, #tpu.memory_space<vmem>>
        %parallel_loop3A_158 = tpu.vector_load_idx %parallel_loop3A_157[%parallel_loop3A_153] : memref<1000xf32, #tpu.memory_space<vmem>>[vector<16xi32>], vector<16xf32>,
        %parallel_loop3A_159 = arith.constant 0 : i32
        %parallel_loop3A_160 = arith.index_cast %parallel_loop3A_147 : i32 to index
        %parallel_loop3A_161 = arith.index_cast %parallel_loop3A_159 : i32 to index
        %parallel_loop3A_162 = arith.constant 0 : index
        %parallel_loop3A_163 = tpu.vector_load %arg9[%parallel_loop3A_160, %parallel_loop3A_161, %parallel_loop3A_162] {strides = array<i32>} : memref<32x8x128xf32, #tpu.memory_space<vmem>>, vector<16xf32>,
        tpu.vector_store %arg9[%parallel_loop3A_160, %parallel_loop3A_161, %parallel_loop3A_162], %parallel_loop3A_158 {strides = array<i32>} : memref<32x8x128xf32, #tpu.memory_space<vmem>>, vector<16xf32>,
        %parallel_loop3A_164 = arith.constant 1 : i32
        %parallel_loop3A_165 = arith.constant 0 : i32
        %parallel_loop3A_166 = tpu.memref_slice %arg5[%parallel_loop3A_164, %parallel_loop3A_165] : memref<8x1000xf32, #tpu.memory_space<vmem>> -> memref<1x1000xf32, #tpu.memory_space<vmem>>
        %parallel_loop3A_167 = tpu.memref_squeeze %parallel_loop3A_166 : memref<1x1000xf32, #tpu.memory_space<vmem>> -> memref<1000xf32, #tpu.memory_space<vmem>>
        %parallel_loop3A_168 = tpu.vector_load_idx %parallel_loop3A_167[%parallel_loop3A_153] : memref<1000xf32, #tpu.memory_space<vmem>>[vector<16xi32>], vector<16xf32>,
        %parallel_loop3A_169 = arith.constant 1 : i32
        %parallel_loop3A_170 = arith.index_cast %parallel_loop3A_147 : i32 to index
        %parallel_loop3A_171 = arith.index_cast %parallel_loop3A_169 : i32 to index
        %parallel_loop3A_172 = arith.constant 0 : index
        %parallel_loop3A_173 = tpu.vector_load %arg9[%parallel_loop3A_170, %parallel_loop3A_171, %parallel_loop3A_172] {strides = array<i32>} : memref<32x8x128xf32, #tpu.memory_space<vmem>>, vector<16xf32>,
        tpu.vector_store %arg9[%parallel_loop3A_170, %parallel_loop3A_171, %parallel_loop3A_172], %parallel_loop3A_168 {strides = array<i32>} : memref<32x8x128xf32, #tpu.memory_space<vmem>>, vector<16xf32>,
        %parallel_loop3A_174 = arith.constant 2 : i32
        %parallel_loop3A_175 = arith.constant 0 : i32
        %parallel_loop3A_176 = tpu.memref_slice %arg5[%parallel_loop3A_174, %parallel_loop3A_175] : memref<8x1000xf32, #tpu.memory_space<vmem>> -> memref<1x1000xf32, #tpu.memory_space<vmem>>
        %parallel_loop3A_177 = tpu.memref_squeeze %parallel_loop3A_176 : memref<1x1000xf32, #tpu.memory_space<vmem>> -> memref<1000xf32, #tpu.memory_space<vmem>>
        %parallel_loop3A_178 = tpu.vector_load_idx %parallel_loop3A_177[%parallel_loop3A_153] : memref<1000xf32, #tpu.memory_space<vmem>>[vector<16xi32>], vector<16xf32>,
        %parallel_loop3A_179 = arith.constant 2 : i32
        %parallel_loop3A_180 = arith.index_cast %parallel_loop3A_147 : i32 to index
        %parallel_loop3A_181 = arith.index_cast %parallel_loop3A_179 : i32 to index
        %parallel_loop3A_182 = arith.constant 0 : index
        %parallel_loop3A_183 = tpu.vector_load %arg9[%parallel_loop3A_180, %parallel_loop3A_181, %parallel_loop3A_182] {strides = array<i32>} : memref<32x8x128xf32, #tpu.memory_space<vmem>>, vector<16xf32>,
        tpu.vector_store %arg9[%parallel_loop3A_180, %parallel_loop3A_181, %parallel_loop3A_182], %parallel_loop3A_178 {strides = array<i32>} : memref<32x8x128xf32, #tpu.memory_space<vmem>>, vector<16xf32>,
        %parallel_loop3A_184 = arith.constant 3 : i32
        %parallel_loop3A_185 = arith.constant 0 : i32
        %parallel_loop3A_186 = tpu.memref_slice %arg5[%parallel_loop3A_184, %parallel_loop3A_185] : memref<8x1000xf32, #tpu.memory_space<vmem>> -> memref<1x1000xf32, #tpu.memory_space<vmem>>
        %parallel_loop3A_187 = tpu.memref_squeeze %parallel_loop3A_186 : memref<1x1000xf32, #tpu.memory_space<vmem>> -> memref<1000xf32, #tpu.memory_space<vmem>>
        %parallel_loop3A_188 = tpu.vector_load_idx %parallel_loop3A_187[%parallel_loop3A_153] : memref<1000xf32, #tpu.memory_space<vmem>>[vector<16xi32>], vector<16xf32>,
        %parallel_loop3A_189 = arith.constant 3 : i32
        %parallel_loop3A_190 = arith.index_cast %parallel_loop3A_147 : i32 to index
        %parallel_loop3A_191 = arith.index_cast %parallel_loop3A_189 : i32 to index
        %parallel_loop3A_192 = arith.constant 0 : index
        %parallel_loop3A_193 = tpu.vector_load %arg9[%parallel_loop3A_190, %parallel_loop3A_191, %parallel_loop3A_192] {strides = array<i32>} : memref<32x8x128xf32, #tpu.memory_space<vmem>>, vector<16xf32>,
        tpu.vector_store %arg9[%parallel_loop3A_190, %parallel_loop3A_191, %parallel_loop3A_192], %parallel_loop3A_188 {strides = array<i32>} : memref<32x8x128xf32, #tpu.memory_space<vmem>>, vector<16xf32>,
        %parallel_loop3A_194 = arith.constant 4 : i32
        %parallel_loop3A_195 = arith.constant 0 : i32
        %parallel_loop3A_196 = tpu.memref_slice %arg5[%parallel_loop3A_194, %parallel_loop3A_195] : memref<8x1000xf32, #tpu.memory_space<vmem>> -> memref<1x1000xf32, #tpu.memory_space<vmem>>
        %parallel_loop3A_197 = tpu.memref_squeeze %parallel_loop3A_196 : memref<1x1000xf32, #tpu.memory_space<vmem>> -> memref<1000xf32, #tpu.memory_space<vmem>>
        %parallel_loop3A_198 = tpu.vector_load_idx %parallel_loop3A_197[%parallel_loop3A_153] : memref<1000xf32, #tpu.memory_space<vmem>>[vector<16xi32>], vector<16xf32>,
        %parallel_loop3A_199 = arith.constant 4 : i32
        %parallel_loop3A_200 = arith.index_cast %parallel_loop3A_147 : i32 to index
        %parallel_loop3A_201 = arith.index_cast %parallel_loop3A_199 : i32 to index
        %parallel_loop3A_202 = arith.constant 0 : index
        %parallel_loop3A_203 = tpu.vector_load %arg9[%parallel_loop3A_200, %parallel_loop3A_201, %parallel_loop3A_202] {strides = array<i32>} : memref<32x8x128xf32, #tpu.memory_space<vmem>>, vector<16xf32>,
        tpu.vector_store %arg9[%parallel_loop3A_200, %parallel_loop3A_201, %parallel_loop3A_202], %parallel_loop3A_198 {strides = array<i32>} : memref<32x8x128xf32, #tpu.memory_space<vmem>>, vector<16xf32>,
        %parallel_loop3A_204 = arith.constant 5 : i32
        %parallel_loop3A_205 = arith.constant 0 : i32
        %parallel_loop3A_206 = tpu.memref_slice %arg5[%parallel_loop3A_204, %parallel_loop3A_205] : memref<8x1000xf32, #tpu.memory_space<vmem>> -> memref<1x1000xf32, #tpu.memory_space<vmem>>
        %parallel_loop3A_207 = tpu.memref_squeeze %parallel_loop3A_206 : memref<1x1000xf32, #tpu.memory_space<vmem>> -> memref<1000xf32, #tpu.memory_space<vmem>>
        %parallel_loop3A_208 = tpu.vector_load_idx %parallel_loop3A_207[%parallel_loop3A_153] : memref<1000xf32, #tpu.memory_space<vmem>>[vector<16xi32>], vector<16xf32>,
        %parallel_loop3A_209 = arith.constant 5 : i32
        %parallel_loop3A_210 = arith.index_cast %parallel_loop3A_147 : i32 to index
        %parallel_loop3A_211 = arith.index_cast %parallel_loop3A_209 : i32 to index
        %parallel_loop3A_212 = arith.constant 0 : index
        %parallel_loop3A_213 = tpu.vector_load %arg9[%parallel_loop3A_210, %parallel_loop3A_211, %parallel_loop3A_212] {strides = array<i32>} : memref<32x8x128xf32, #tpu.memory_space<vmem>>, vector<16xf32>,
        tpu.vector_store %arg9[%parallel_loop3A_210, %parallel_loop3A_211, %parallel_loop3A_212], %parallel_loop3A_208 {strides = array<i32>} : memref<32x8x128xf32, #tpu.memory_space<vmem>>, vector<16xf32>,
        %parallel_loop3A_214 = arith.constant 6 : i32
        %parallel_loop3A_215 = arith.constant 0 : i32
        %parallel_loop3A_216 = tpu.memref_slice %arg5[%parallel_loop3A_214, %parallel_loop3A_215] : memref<8x1000xf32, #tpu.memory_space<vmem>> -> memref<1x1000xf32, #tpu.memory_space<vmem>>
        %parallel_loop3A_217 = tpu.memref_squeeze %parallel_loop3A_216 : memref<1x1000xf32, #tpu.memory_space<vmem>> -> memref<1000xf32, #tpu.memory_space<vmem>>
        %parallel_loop3A_218 = tpu.vector_load_idx %parallel_loop3A_217[%parallel_loop3A_153] : memref<1000xf32, #tpu.memory_space<vmem>>[vector<16xi32>], vector<16xf32>,
        %parallel_loop3A_219 = arith.constant 6 : i32
        %parallel_loop3A_220 = arith.index_cast %parallel_loop3A_147 : i32 to index
        %parallel_loop3A_221 = arith.index_cast %parallel_loop3A_219 : i32 to index
        %parallel_loop3A_222 = arith.constant 0 : index
        %parallel_loop3A_223 = tpu.vector_load %arg9[%parallel_loop3A_220, %parallel_loop3A_221, %parallel_loop3A_222] {strides = array<i32>} : memref<32x8x128xf32, #tpu.memory_space<vmem>>, vector<16xf32>,
        tpu.vector_store %arg9[%parallel_loop3A_220, %parallel_loop3A_221, %parallel_loop3A_222], %parallel_loop3A_218 {strides = array<i32>} : memref<32x8x128xf32, #tpu.memory_space<vmem>>, vector<16xf32>,
        %parallel_loop3A_224 = arith.constant 7 : i32
        %parallel_loop3A_225 = arith.constant 0 : i32
        %parallel_loop3A_226 = tpu.memref_slice %arg5[%parallel_loop3A_224, %parallel_loop3A_225] : memref<8x1000xf32, #tpu.memory_space<vmem>> -> memref<1x1000xf32, #tpu.memory_space<vmem>>
        %parallel_loop3A_227 = tpu.memref_squeeze %parallel_loop3A_226 : memref<1x1000xf32, #tpu.memory_space<vmem>> -> memref<1000xf32, #tpu.memory_space<vmem>>
        %parallel_loop3A_228 = tpu.vector_load_idx %parallel_loop3A_227[%parallel_loop3A_153] : memref<1000xf32, #tpu.memory_space<vmem>>[vector<16xi32>], vector<16xf32>,
        %parallel_loop3A_229 = arith.constant 7 : i32
        %parallel_loop3A_230 = arith.index_cast %parallel_loop3A_147 : i32 to index
        %parallel_loop3A_231 = arith.index_cast %parallel_loop3A_229 : i32 to index
        %parallel_loop3A_232 = arith.constant 0 : index
        %parallel_loop3A_233 = tpu.vector_load %arg9[%parallel_loop3A_230, %parallel_loop3A_231, %parallel_loop3A_232] {strides = array<i32>} : memref<32x8x128xf32, #tpu.memory_space<vmem>>, vector<16xf32>,
        tpu.vector_store %arg9[%parallel_loop3A_230, %parallel_loop3A_231, %parallel_loop3A_232], %parallel_loop3A_228 {strides = array<i32>} : memref<32x8x128xf32, #tpu.memory_space<vmem>>, vector<16xf32>,
        %parallel_loop3A_234 = arith.constant 128 : i32
        %parallel_loop3A_235 = arith.muli %parallel_loop3A_147, %parallel_loop3A_234 : i32
        %parallel_loop3A_236 = arith.constant 16 : i32
        %parallel_loop3A_237 = arith.addi %parallel_loop3A_235, %parallel_loop3A_236 : i32
        %parallel_loop3A_238 = arith.index_cast %parallel_loop3A_237 : i32 to index
        %parallel_loop3A_239 = tpu.vector_load %arg7[%parallel_loop3A_238] {strides = array<i32>} : memref<4096xi32, #tpu.memory_space<vmem>>, vector<16xi32>,
        %parallel_loop3A_240 = arith.constant 0 : i32
        %parallel_loop3A_241 = arith.constant 0 : i32
        %parallel_loop3A_242 = tpu.memref_slice %arg5[%parallel_loop3A_240, %parallel_loop3A_241] : memref<8x1000xf32, #tpu.memory_space<vmem>> -> memref<1x1000xf32, #tpu.memory_space<vmem>>
        %parallel_loop3A_243 = tpu.memref_squeeze %parallel_loop3A_242 : memref<1x1000xf32, #tpu.memory_space<vmem>> -> memref<1000xf32, #tpu.memory_space<vmem>>
        %parallel_loop3A_244 = tpu.vector_load_idx %parallel_loop3A_243[%parallel_loop3A_239] : memref<1000xf32, #tpu.memory_space<vmem>>[vector<16xi32>], vector<16xf32>,
        %parallel_loop3A_245 = arith.constant 0 : i32
        %parallel_loop3A_246 = arith.index_cast %parallel_loop3A_147 : i32 to index
        %parallel_loop3A_247 = arith.index_cast %parallel_loop3A_245 : i32 to index
        %parallel_loop3A_248 = arith.constant 16 : index
        %parallel_loop3A_249 = tpu.vector_load %arg9[%parallel_loop3A_246, %parallel_loop3A_247, %parallel_loop3A_248] {strides = array<i32>} : memref<32x8x128xf32, #tpu.memory_space<vmem>>, vector<16xf32>,
        tpu.vector_store %arg9[%parallel_loop3A_246, %parallel_loop3A_247, %parallel_loop3A_248], %parallel_loop3A_244 {strides = array<i32>} : memref<32x8x128xf32, #tpu.memory_space<vmem>>, vector<16xf32>,
        %parallel_loop3A_250 = arith.constant 1 : i32
        %parallel_loop3A_251 = arith.constant 0 : i32
        %parallel_loop3A_252 = tpu.memref_slice %arg5[%parallel_loop3A_250, %parallel_loop3A_251] : memref<8x1000xf32, #tpu.memory_space<vmem>> -> memref<1x1000xf32, #tpu.memory_space<vmem>>
        %parallel_loop3A_253 = tpu.memref_squeeze %parallel_loop3A_252 : memref<1x1000xf32, #tpu.memory_space<vmem>> -> memref<1000xf32, #tpu.memory_space<vmem>>
        %parallel_loop3A_254 = tpu.vector_load_idx %parallel_loop3A_253[%parallel_loop3A_239] : memref<1000xf32, #tpu.memory_space<vmem>>[vector<16xi32>], vector<16xf32>,
        %parallel_loop3A_255 = arith.constant 1 : i32
        %parallel_loop3A_256 = arith.index_cast %parallel_loop3A_147 : i32 to index
        %parallel_loop3A_257 = arith.index_cast %parallel_loop3A_255 : i32 to index
        %parallel_loop3A_258 = arith.constant 16 : index
        %parallel_loop3A_259 = tpu.vector_load %arg9[%parallel_loop3A_256, %parallel_loop3A_257, %parallel_loop3A_258] {strides = array<i32>} : memref<32x8x128xf32, #tpu.memory_space<vmem>>, vector<16xf32>,
        tpu.vector_store %arg9[%parallel_loop3A_256, %parallel_loop3A_257, %parallel_loop3A_258], %parallel_loop3A_254 {strides = array<i32>} : memref<32x8x128xf32, #tpu.memory_space<vmem>>, vector<16xf32>,
        %parallel_loop3A_260 = arith.constant 2 : i32
        %parallel_loop3A_261 = arith.constant 0 : i32
        %parallel_loop3A_262 = tpu.memref_slice %arg5[%parallel_loop3A_260, %parallel_loop3A_261] : memref<8x1000xf32, #tpu.memory_space<vmem>> -> memref<1x1000xf32, #tpu.memory_space<vmem>>
        %parallel_loop3A_263 = tpu.memref_squeeze %parallel_loop3A_262 : memref<1x1000xf32, #tpu.memory_space<vmem>> -> memref<1000xf32, #tpu.memory_space<vmem>>
        %parallel_loop3A_264 = tpu.vector_load_idx %parallel_loop3A_263[%parallel_loop3A_239] : memref<1000xf32, #tpu.memory_space<vmem>>[vector<16xi32>], vector<16xf32>,
        %parallel_loop3A_265 = arith.constant 2 : i32
        %parallel_loop3A_266 = arith.index_cast %parallel_loop3A_147 : i32 to index
        %parallel_loop3A_267 = arith.index_cast %parallel_loop3A_265 : i32 to index
        %parallel_loop3A_268 = arith.constant 16 : index
        %parallel_loop3A_269 = tpu.vector_load %arg9[%parallel_loop3A_266, %parallel_loop3A_267, %parallel_loop3A_268] {strides = array<i32>} : memref<32x8x128xf32, #tpu.memory_space<vmem>>, vector<16xf32>,
        tpu.vector_store %arg9[%parallel_loop3A_266, %parallel_loop3A_267, %parallel_loop3A_268], %parallel_loop3A_264 {strides = array<i32>} : memref<32x8x128xf32, #tpu.memory_space<vmem>>, vector<16xf32>,
        %parallel_loop3A_270 = arith.constant 3 : i32
        %parallel_loop3A_271 = arith.constant 0 : i32
        %parallel_loop3A_272 = tpu.memref_slice %arg5[%parallel_loop3A_270, %parallel_loop3A_271] : memref<8x1000xf32, #tpu.memory_space<vmem>> -> memref<1x1000xf32, #tpu.memory_space<vmem>>
        %parallel_loop3A_273 = tpu.memref_squeeze %parallel_loop3A_272 : memref<1x1000xf32, #tpu.memory_space<vmem>> -> memref<1000xf32, #tpu.memory_space<vmem>>
        %parallel_loop3A_274 = tpu.vector_load_idx %parallel_loop3A_273[%parallel_loop3A_239] : memref<1000xf32, #tpu.memory_space<vmem>>[vector<16xi32>], vector<16xf32>,
        %parallel_loop3A_275 = arith.constant 3 : i32
        %parallel_loop3A_276 = arith.index_cast %parallel_loop3A_147 : i32 to index
        %parallel_loop3A_277 = arith.index_cast %parallel_loop3A_275 : i32 to index
        %parallel_loop3A_278 = arith.constant 16 : index
        %parallel_loop3A_279 = tpu.vector_load %arg9[%parallel_loop3A_276, %parallel_loop3A_277, %parallel_loop3A_278] {strides = array<i32>} : memref<32x8x128xf32, #tpu.memory_space<vmem>>, vector<16xf32>,
        tpu.vector_store %arg9[%parallel_loop3A_276, %parallel_loop3A_277, %parallel_loop3A_278], %parallel_loop3A_274 {strides = array<i32>} : memref<32x8x128xf32, #tpu.memory_space<vmem>>, vector<16xf32>,
        %parallel_loop3A_280 = arith.constant 4 : i32
        %parallel_loop3A_281 = arith.constant 0 : i32
        %parallel_loop3A_282 = tpu.memref_slice %arg5[%parallel_loop3A_280, %parallel_loop3A_281] : memref<8x1000xf32, #tpu.memory_space<vmem>> -> memref<1x1000xf32, #tpu.memory_space<vmem>>
        %parallel_loop3A_283 = tpu.memref_squeeze %parallel_loop3A_282 : memref<1x1000xf32, #tpu.memory_space<vmem>> -> memref<1000xf32, #tpu.memory_space<vmem>>
        %parallel_loop3A_284 = tpu.vector_load_idx %parallel_loop3A_283[%parallel_loop3A_239] : memref<1000xf32, #tpu.memory_space<vmem>>[vector<16xi32>], vector<16xf32>,
        %parallel_loop3A_285 = arith.constant 4 : i32
        %parallel_loop3A_286 = arith.index_cast %parallel_loop3A_147 : i32 to index
        %parallel_loop3A_287 = arith.index_cast %parallel_loop3A_285 : i32 to index
        %parallel_loop3A_288 = arith.constant 16 : index
        %parallel_loop3A_289 = tpu.vector_load %arg9[%parallel_loop3A_286, %parallel_loop3A_287, %parallel_loop3A_288] {strides = array<i32>} : memref<32x8x128xf32, #tpu.memory_space<vmem>>, vector<16xf32>,
        tpu.vector_store %arg9[%parallel_loop3A_286, %parallel_loop3A_287, %parallel_loop3A_288], %parallel_loop3A_284 {strides = array<i32>} : memref<32x8x128xf32, #tpu.memory_space<vmem>>, vector<16xf32>,
        %parallel_loop3A_290 = arith.constant 5 : i32
        %parallel_loop3A_291 = arith.constant 0 : i32
        %parallel_loop3A_292 = tpu.memref_slice %arg5[%parallel_loop3A_290, %parallel_loop3A_291] : memref<8x1000xf32, #tpu.memory_space<vmem>> -> memref<1x1000xf32, #tpu.memory_space<vmem>>
        %parallel_loop3A_293 = tpu.memref_squeeze %parallel_loop3A_292 : memref<1x1000xf32, #tpu.memory_space<vmem>> -> memref<1000xf32, #tpu.memory_space<vmem>>
        %parallel_loop3A_294 = tpu.vector_load_idx %parallel_loop3A_293[%parallel_loop3A_239] : memref<1000xf32, #tpu.memory_space<vmem>>[vector<16xi32>], vector<16xf32>,
        %parallel_loop3A_295 = arith.constant 5 : i32
        %parallel_loop3A_296 = arith.index_cast %parallel_loop3A_147 : i32 to index
        %parallel_loop3A_297 = arith.index_cast %parallel_loop3A_295 : i32 to index
        %parallel_loop3A_298 = arith.constant 16 : index
        %parallel_loop3A_299 = tpu.vector_load %arg9[%parallel_loop3A_296, %parallel_loop3A_297, %parallel_loop3A_298] {strides = array<i32>} : memref<32x8x128xf32, #tpu.memory_space<vmem>>, vector<16xf32>,
        tpu.vector_store %arg9[%parallel_loop3A_296, %parallel_loop3A_297, %parallel_loop3A_298], %parallel_loop3A_294 {strides = array<i32>} : memref<32x8x128xf32, #tpu.memory_space<vmem>>, vector<16xf32>,
        %parallel_loop3A_300 = arith.constant 6 : i32
        %parallel_loop3A_301 = arith.constant 0 : i32
        %parallel_loop3A_302 = tpu.memref_slice %arg5[%parallel_loop3A_300, %parallel_loop3A_301] : memref<8x1000xf32, #tpu.memory_space<vmem>> -> memref<1x1000xf32, #tpu.memory_space<vmem>>
        %parallel_loop3A_303 = tpu.memref_squeeze %parallel_loop3A_302 : memref<1x1000xf32, #tpu.memory_space<vmem>> -> memref<1000xf32, #tpu.memory_space<vmem>>
        %parallel_loop3A_304 = tpu.vector_load_idx %parallel_loop3A_303[%parallel_loop3A_239] : memref<1000xf32, #tpu.memory_space<vmem>>[vector<16xi32>], vector<16xf32>,
        %parallel_loop3A_305 = arith.constant 6 : i32
        %parallel_loop3A_306 = arith.index_cast %parallel_loop3A_147 : i32 to index
        %parallel_loop3A_307 = arith.index_cast %parallel_loop3A_305 : i32 to index
        %parallel_loop3A_308 = arith.constant 16 : index
        %parallel_loop3A_309 = tpu.vector_load %arg9[%parallel_loop3A_306, %parallel_loop3A_307, %parallel_loop3A_308] {strides = array<i32>} : memref<32x8x128xf32, #tpu.memory_space<vmem>>, vector<16xf32>,
        tpu.vector_store %arg9[%parallel_loop3A_306, %parallel_loop3A_307, %parallel_loop3A_308], %parallel_loop3A_304 {strides = array<i32>} : memref<32x8x128xf32, #tpu.memory_space<vmem>>, vector<16xf32>,
        %parallel_loop3A_310 = arith.constant 7 : i32
        %parallel_loop3A_311 = arith.constant 0 : i32
        %parallel_loop3A_312 = tpu.memref_slice %arg5[%parallel_loop3A_310, %parallel_loop3A_311] : memref<8x1000xf32, #tpu.memory_space<vmem>> -> memref<1x1000xf32, #tpu.memory_space<vmem>>
        %parallel_loop3A_313 = tpu.memref_squeeze %parallel_loop3A_312 : memref<1x1000xf32, #tpu.memory_space<vmem>> -> memref<1000xf32, #tpu.memory_space<vmem>>
        %parallel_loop3A_314 = tpu.vector_load_idx %parallel_loop3A_313[%parallel_loop3A_239] : memref<1000xf32, #tpu.memory_space<vmem>>[vector<16xi32>], vector<16xf32>,
        %parallel_loop3A_315 = arith.constant 7 : i32
        %parallel_loop3A_316 = arith.index_cast %parallel_loop3A_147 : i32 to index
        %parallel_loop3A_317 = arith.index_cast %parallel_loop3A_315 : i32 to index
        %parallel_loop3A_318 = arith.constant 16 : index
        %parallel_loop3A_319 = tpu.vector_load %arg9[%parallel_loop3A_316, %parallel_loop3A_317, %parallel_loop3A_318] {strides = array<i32>} : memref<32x8x128xf32, #tpu.memory_space<vmem>>, vector<16xf32>,
        tpu.vector_store %arg9[%parallel_loop3A_316, %parallel_loop3A_317, %parallel_loop3A_318], %parallel_loop3A_314 {strides = array<i32>} : memref<32x8x128xf32, #tpu.memory_space<vmem>>, vector<16xf32>,
        %parallel_loop3A_320 = arith.constant 128 : i32
        %parallel_loop3A_321 = arith.muli %parallel_loop3A_147, %parallel_loop3A_320 : i32
        %parallel_loop3A_322 = arith.constant 32 : i32
        %parallel_loop3A_323 = arith.addi %parallel_loop3A_321, %parallel_loop3A_322 : i32
        %parallel_loop3A_324 = arith.index_cast %parallel_loop3A_323 : i32 to index
        %parallel_loop3A_325 = tpu.vector_load %arg7[%parallel_loop3A_324] {strides = array<i32>} : memref<4096xi32, #tpu.memory_space<vmem>>, vector<16xi32>,
        %parallel_loop3A_326 = arith.constant 0 : i32
        %parallel_loop3A_327 = arith.constant 0 : i32
        %parallel_loop3A_328 = tpu.memref_slice %arg5[%parallel_loop3A_326, %parallel_loop3A_327] : memref<8x1000xf32, #tpu.memory_space<vmem>> -> memref<1x1000xf32, #tpu.memory_space<vmem>>
        %parallel_loop3A_329 = tpu.memref_squeeze %parallel_loop3A_328 : memref<1x1000xf32, #tpu.memory_space<vmem>> -> memref<1000xf32, #tpu.memory_space<vmem>>
        %parallel_loop3A_330 = tpu.vector_load_idx %parallel_loop3A_329[%parallel_loop3A_325] : memref<1000xf32, #tpu.memory_space<vmem>>[vector<16xi32>], vector<16xf32>,
        %parallel_loop3A_331 = arith.constant 0 : i32
        %parallel_loop3A_332 = arith.index_cast %parallel_loop3A_147 : i32 to index
        %parallel_loop3A_333 = arith.index_cast %parallel_loop3A_331 : i32 to index
        %parallel_loop3A_334 = arith.constant 32 : index
        %parallel_loop3A_335 = tpu.vector_load %arg9[%parallel_loop3A_332, %parallel_loop3A_333, %parallel_loop3A_334] {strides = array<i32>} : memref<32x8x128xf32, #tpu.memory_space<vmem>>, vector<16xf32>,
        tpu.vector_store %arg9[%parallel_loop3A_332, %parallel_loop3A_333, %parallel_loop3A_334], %parallel_loop3A_330 {strides = array<i32>} : memref<32x8x128xf32, #tpu.memory_space<vmem>>, vector<16xf32>,
        %parallel_loop3A_336 = arith.constant 1 : i32
        %parallel_loop3A_337 = arith.constant 0 : i32
        %parallel_loop3A_338 = tpu.memref_slice %arg5[%parallel_loop3A_336, %parallel_loop3A_337] : memref<8x1000xf32, #tpu.memory_space<vmem>> -> memref<1x1000xf32, #tpu.memory_space<vmem>>
        %parallel_loop3A_339 = tpu.memref_squeeze %parallel_loop3A_338 : memref<1x1000xf32, #tpu.memory_space<vmem>> -> memref<1000xf32, #tpu.memory_space<vmem>>
        %parallel_loop3A_340 = tpu.vector_load_idx %parallel_loop3A_339[%parallel_loop3A_325] : memref<1000xf32, #tpu.memory_space<vmem>>[vector<16xi32>], vector<16xf32>,
        %parallel_loop3A_341 = arith.constant 1 : i32
        %parallel_loop3A_342 = arith.index_cast %parallel_loop3A_147 : i32 to index
        %parallel_loop3A_343 = arith.index_cast %parallel_loop3A_341 : i32 to index
        %parallel_loop3A_344 = arith.constant 32 : index
        %parallel_loop3A_345 = tpu.vector_load %arg9[%parallel_loop3A_342, %parallel_loop3A_343, %parallel_loop3A_344] {strides = array<i32>} : memref<32x8x128xf32, #tpu.memory_space<vmem>>, vector<16xf32>,
        tpu.vector_store %arg9[%parallel_loop3A_342, %parallel_loop3A_343, %parallel_loop3A_344], %parallel_loop3A_340 {strides = array<i32>} : memref<32x8x128xf32, #tpu.memory_space<vmem>>, vector<16xf32>,
        %parallel_loop3A_346 = arith.constant 2 : i32
        %parallel_loop3A_347 = arith.constant 0 : i32
        %parallel_loop3A_348 = tpu.memref_slice %arg5[%parallel_loop3A_346, %parallel_loop3A_347] : memref<8x1000xf32, #tpu.memory_space<vmem>> -> memref<1x1000xf32, #tpu.memory_space<vmem>>
        %parallel_loop3A_349 = tpu.memref_squeeze %parallel_loop3A_348 : memref<1x1000xf32, #tpu.memory_space<vmem>> -> memref<1000xf32, #tpu.memory_space<vmem>>
        %parallel_loop3A_350 = tpu.vector_load_idx %parallel_loop3A_349[%parallel_loop3A_325] : memref<1000xf32, #tpu.memory_space<vmem>>[vector<16xi32>], vector<16xf32>,
        %parallel_loop3A_351 = arith.constant 2 : i32
        %parallel_loop3A_352 = arith.index_cast %parallel_loop3A_147 : i32 to index
        %parallel_loop3A_353 = arith.index_cast %parallel_loop3A_351 : i32 to index
        %parallel_loop3A_354 = arith.constant 32 : index
        %parallel_loop3A_355 = tpu.vector_load %arg9[%parallel_loop3A_352, %parallel_loop3A_353, %parallel_loop3A_354] {strides = array<i32>} : memref<32x8x128xf32, #tpu.memory_space<vmem>>, vector<16xf32>,
        tpu.vector_store %arg9[%parallel_loop3A_352, %parallel_loop3A_353, %parallel_loop3A_354], %parallel_loop3A_350 {strides = array<i32>} : memref<32x8x128xf32, #tpu.memory_space<vmem>>, vector<16xf32>,
        %parallel_loop3A_356 = arith.constant 3 : i32
        %parallel_loop3A_357 = arith.constant 0 : i32
        %parallel_loop3A_358 = tpu.memref_slice %arg5[%parallel_loop3A_356, %parallel_loop3A_357] : memref<8x1000xf32, #tpu.memory_space<vmem>> -> memref<1x1000xf32, #tpu.memory_space<vmem>>
        %parallel_loop3A_359 = tpu.memref_squeeze %parallel_loop3A_358 : memref<1x1000xf32, #tpu.memory_space<vmem>> -> memref<1000xf32, #tpu.memory_space<vmem>>
        %parallel_loop3A_360 = tpu.vector_load_idx %parallel_loop3A_359[%parallel_loop3A_325] : memref<1000xf32, #tpu.memory_space<vmem>>[vector<16xi32>], vector<16xf32>,
        %parallel_loop3A_361 = arith.constant 3 : i32
        %parallel_loop3A_362 = arith.index_cast %parallel_loop3A_147 : i32 to index
        %parallel_loop3A_363 = arith.index_cast %parallel_loop3A_361 : i32 to index
        %parallel_loop3A_364 = arith.constant 32 : index
        %parallel_loop3A_365 = tpu.vector_load %arg9[%parallel_loop3A_362, %parallel_loop3A_363, %parallel_loop3A_364] {strides = array<i32>} : memref<32x8x128xf32, #tpu.memory_space<vmem>>, vector<16xf32>,
        tpu.vector_store %arg9[%parallel_loop3A_362, %parallel_loop3A_363, %parallel_loop3A_364], %parallel_loop3A_360 {strides = array<i32>} : memref<32x8x128xf32, #tpu.memory_space<vmem>>, vector<16xf32>,
        %parallel_loop3A_366 = arith.constant 4 : i32
        %parallel_loop3A_367 = arith.constant 0 : i32
        %parallel_loop3A_368 = tpu.memref_slice %arg5[%parallel_loop3A_366, %parallel_loop3A_367] : memref<8x1000xf32, #tpu.memory_space<vmem>> -> memref<1x1000xf32, #tpu.memory_space<vmem>>
        %parallel_loop3A_369 = tpu.memref_squeeze %parallel_loop3A_368 : memref<1x1000xf32, #tpu.memory_space<vmem>> -> memref<1000xf32, #tpu.memory_space<vmem>>
        %parallel_loop3A_370 = tpu.vector_load_idx %parallel_loop3A_369[%parallel_loop3A_325] : memref<1000xf32, #tpu.memory_space<vmem>>[vector<16xi32>], vector<16xf32>,
        %parallel_loop3A_371 = arith.constant 4 : i32
        %parallel_loop3A_372 = arith.index_cast %parallel_loop3A_147 : i32 to index
        %parallel_loop3A_373 = arith.index_cast %parallel_loop3A_371 : i32 to index
        %parallel_loop3A_374 = arith.constant 32 : index
        %parallel_loop3A_375 = tpu.vector_load %arg9[%parallel_loop3A_372, %parallel_loop3A_373, %parallel_loop3A_374] {strides = array<i32>} : memref<32x8x128xf32, #tpu.memory_space<vmem>>, vector<16xf32>,
        tpu.vector_store %arg9[%parallel_loop3A_372, %parallel_loop3A_373, %parallel_loop3A_374], %parallel_loop3A_370 {strides = array<i32>} : memref<32x8x128xf32, #tpu.memory_space<vmem>>, vector<16xf32>,
        %parallel_loop3A_376 = arith.constant 5 : i32
        %parallel_loop3A_377 = arith.constant 0 : i32
        %parallel_loop3A_378 = tpu.memref_slice %arg5[%parallel_loop3A_376, %parallel_loop3A_377] : memref<8x1000xf32, #tpu.memory_space<vmem>> -> memref<1x1000xf32, #tpu.memory_space<vmem>>
        %parallel_loop3A_379 = tpu.memref_squeeze %parallel_loop3A_378 : memref<1x1000xf32, #tpu.memory_space<vmem>> -> memref<1000xf32, #tpu.memory_space<vmem>>
        %parallel_loop3A_380 = tpu.vector_load_idx %parallel_loop3A_379[%parallel_loop3A_325] : memref<1000xf32, #tpu.memory_space<vmem>>[vector<16xi32>], vector<16xf32>,
        %parallel_loop3A_381 = arith.constant 5 : i32
        %parallel_loop3A_382 = arith.index_cast %parallel_loop3A_147 : i32 to index
        %parallel_loop3A_383 = arith.index_cast %parallel_loop3A_381 : i32 to index
        %parallel_loop3A_384 = arith.constant 32 : index
        %parallel_loop3A_385 = tpu.vector_load %arg9[%parallel_loop3A_382, %parallel_loop3A_383, %parallel_loop3A_384] {strides = array<i32>} : memref<32x8x128xf32, #tpu.memory_space<vmem>>, vector<16xf32>,
        tpu.vector_store %arg9[%parallel_loop3A_382, %parallel_loop3A_383, %parallel_loop3A_384], %parallel_loop3A_380 {strides = array<i32>} : memref<32x8x128xf32, #tpu.memory_space<vmem>>, vector<16xf32>,
        %parallel_loop3A_386 = arith.constant 6 : i32
        %parallel_loop3A_387 = arith.constant 0 : i32
        %parallel_loop3A_388 = tpu.memref_slice %arg5[%parallel_loop3A_386, %parallel_loop3A_387] : memref<8x1000xf32, #tpu.memory_space<vmem>> -> memref<1x1000xf32, #tpu.memory_space<vmem>>
        %parallel_loop3A_389 = tpu.memref_squeeze %parallel_loop3A_388 : memref<1x1000xf32, #tpu.memory_space<vmem>> -> memref<1000xf32, #tpu.memory_space<vmem>>
        %parallel_loop3A_390 = tpu.vector_load_idx %parallel_loop3A_389[%parallel_loop3A_325] : memref<1000xf32, #tpu.memory_space<vmem>>[vector<16xi32>], vector<16xf32>,
        %parallel_loop3A_391 = arith.constant 6 : i32
        %parallel_loop3A_392 = arith.index_cast %parallel_loop3A_147 : i32 to index
        %parallel_loop3A_393 = arith.index_cast %parallel_loop3A_391 : i32 to index
        %parallel_loop3A_394 = arith.constant 32 : index
        %parallel_loop3A_395 = tpu.vector_load %arg9[%parallel_loop3A_392, %parallel_loop3A_393, %parallel_loop3A_394] {strides = array<i32>} : memref<32x8x128xf32, #tpu.memory_space<vmem>>, vector<16xf32>,
        tpu.vector_store %arg9[%parallel_loop3A_392, %parallel_loop3A_393, %parallel_loop3A_394], %parallel_loop3A_390 {strides = array<i32>} : memref<32x8x128xf32, #tpu.memory_space<vmem>>, vector<16xf32>,
        %parallel_loop3A_396 = arith.constant 7 : i32
        %parallel_loop3A_397 = arith.constant 0 : i32
        %parallel_loop3A_398 = tpu.memref_slice %arg5[%parallel_loop3A_396, %parallel_loop3A_397] : memref<8x1000xf32, #tpu.memory_space<vmem>> -> memref<1x1000xf32, #tpu.memory_space<vmem>>
        %parallel_loop3A_399 = tpu.memref_squeeze %parallel_loop3A_398 : memref<1x1000xf32, #tpu.memory_space<vmem>> -> memref<1000xf32, #tpu.memory_space<vmem>>
        %parallel_loop3A_400 = tpu.vector_load_idx %parallel_loop3A_399[%parallel_loop3A_325] : memref<1000xf32, #tpu.memory_space<vmem>>[vector<16xi32>], vector<16xf32>,
        %parallel_loop3A_401 = arith.constant 7 : i32
        %parallel_loop3A_402 = arith.index_cast %parallel_loop3A_147 : i32 to index
        %parallel_loop3A_403 = arith.index_cast %parallel_loop3A_401 : i32 to index
        %parallel_loop3A_404 = arith.constant 32 : index
        %parallel_loop3A_405 = tpu.vector_load %arg9[%parallel_loop3A_402, %parallel_loop3A_403, %parallel_loop3A_404] {strides = array<i32>} : memref<32x8x128xf32, #tpu.memory_space<vmem>>, vector<16xf32>,
        tpu.vector_store %arg9[%parallel_loop3A_402, %parallel_loop3A_403, %parallel_loop3A_404], %parallel_loop3A_400 {strides = array<i32>} : memref<32x8x128xf32, #tpu.memory_space<vmem>>, vector<16xf32>,
        %parallel_loop3A_406 = arith.constant 128 : i32
        %parallel_loop3A_407 = arith.muli %parallel_loop3A_147, %parallel_loop3A_406 : i32
        %parallel_loop3A_408 = arith.constant 48 : i32
        %parallel_loop3A_409 = arith.addi %parallel_loop3A_407, %parallel_loop3A_408 : i32
        %parallel_loop3A_410 = arith.index_cast %parallel_loop3A_409 : i32 to index
        %parallel_loop3A_411 = tpu.vector_load %arg7[%parallel_loop3A_410] {strides = array<i32>} : memref<4096xi32, #tpu.memory_space<vmem>>, vector<16xi32>,
        %parallel_loop3A_412 = arith.constant 0 : i32
        %parallel_loop3A_413 = arith.constant 0 : i32
        %parallel_loop3A_414 = tpu.memref_slice %arg5[%parallel_loop3A_412, %parallel_loop3A_413] : memref<8x1000xf32, #tpu.memory_space<vmem>> -> memref<1x1000xf32, #tpu.memory_space<vmem>>
        %parallel_loop3A_415 = tpu.memref_squeeze %parallel_loop3A_414 : memref<1x1000xf32, #tpu.memory_space<vmem>> -> memref<1000xf32, #tpu.memory_space<vmem>>
        %parallel_loop3A_416 = tpu.vector_load_idx %parallel_loop3A_415[%parallel_loop3A_411] : memref<1000xf32, #tpu.memory_space<vmem>>[vector<16xi32>], vector<16xf32>,
        %parallel_loop3A_417 = arith.constant 0 : i32
        %parallel_loop3A_418 = arith.index_cast %parallel_loop3A_147 : i32 to index
        %parallel_loop3A_419 = arith.index_cast %parallel_loop3A_417 : i32 to index
        %parallel_loop3A_420 = arith.constant 48 : index
        %parallel_loop3A_421 = tpu.vector_load %arg9[%parallel_loop3A_418, %parallel_loop3A_419, %parallel_loop3A_420] {strides = array<i32>} : memref<32x8x128xf32, #tpu.memory_space<vmem>>, vector<16xf32>,
        tpu.vector_store %arg9[%parallel_loop3A_418, %parallel_loop3A_419, %parallel_loop3A_420], %parallel_loop3A_416 {strides = array<i32>} : memref<32x8x128xf32, #tpu.memory_space<vmem>>, vector<16xf32>,
        %parallel_loop3A_422 = arith.constant 1 : i32
        %parallel_loop3A_423 = arith.constant 0 : i32
        %parallel_loop3A_424 = tpu.memref_slice %arg5[%parallel_loop3A_422, %parallel_loop3A_423] : memref<8x1000xf32, #tpu.memory_space<vmem>> -> memref<1x1000xf32, #tpu.memory_space<vmem>>
        %parallel_loop3A_425 = tpu.memref_squeeze %parallel_loop3A_424 : memref<1x1000xf32, #tpu.memory_space<vmem>> -> memref<1000xf32, #tpu.memory_space<vmem>>
        %parallel_loop3A_426 = tpu.vector_load_idx %parallel_loop3A_425[%parallel_loop3A_411] : memref<1000xf32, #tpu.memory_space<vmem>>[vector<16xi32>], vector<16xf32>,
        %parallel_loop3A_427 = arith.constant 1 : i32
        %parallel_loop3A_428 = arith.index_cast %parallel_loop3A_147 : i32 to index
        %parallel_loop3A_429 = arith.index_cast %parallel_loop3A_427 : i32 to index
        %parallel_loop3A_430 = arith.constant 48 : index
        %parallel_loop3A_431 = tpu.vector_load %arg9[%parallel_loop3A_428, %parallel_loop3A_429, %parallel_loop3A_430] {strides = array<i32>} : memref<32x8x128xf32, #tpu.memory_space<vmem>>, vector<16xf32>,
        tpu.vector_store %arg9[%parallel_loop3A_428, %parallel_loop3A_429, %parallel_loop3A_430], %parallel_loop3A_426 {strides = array<i32>} : memref<32x8x128xf32, #tpu.memory_space<vmem>>, vector<16xf32>,
        %parallel_loop3A_432 = arith.constant 2 : i32
        %parallel_loop3A_433 = arith.constant 0 : i32
        %parallel_loop3A_434 = tpu.memref_slice %arg5[%parallel_loop3A_432, %parallel_loop3A_433] : memref<8x1000xf32, #tpu.memory_space<vmem>> -> memref<1x1000xf32, #tpu.memory_space<vmem>>
        %parallel_loop3A_435 = tpu.memref_squeeze %parallel_loop3A_434 : memref<1x1000xf32, #tpu.memory_space<vmem>> -> memref<1000xf32, #tpu.memory_space<vmem>>
        %parallel_loop3A_436 = tpu.vector_load_idx %parallel_loop3A_435[%parallel_loop3A_411] : memref<1000xf32, #tpu.memory_space<vmem>>[vector<16xi32>], vector<16xf32>,
        %parallel_loop3A_437 = arith.constant 2 : i32
        %parallel_loop3A_438 = arith.index_cast %parallel_loop3A_147 : i32 to index
        %parallel_loop3A_439 = arith.index_cast %parallel_loop3A_437 : i32 to index
        %parallel_loop3A_440 = arith.constant 48 : index
        %parallel_loop3A_441 = tpu.vector_load %arg9[%parallel_loop3A_438, %parallel_loop3A_439, %parallel_loop3A_440] {strides = array<i32>} : memref<32x8x128xf32, #tpu.memory_space<vmem>>, vector<16xf32>,
        tpu.vector_store %arg9[%parallel_loop3A_438, %parallel_loop3A_439, %parallel_loop3A_440], %parallel_loop3A_436 {strides = array<i32>} : memref<32x8x128xf32, #tpu.memory_space<vmem>>, vector<16xf32>,
        %parallel_loop3A_442 = arith.constant 3 : i32
        %parallel_loop3A_443 = arith.constant 0 : i32
        %parallel_loop3A_444 = tpu.memref_slice %arg5[%parallel_loop3A_442, %parallel_loop3A_443] : memref<8x1000xf32, #tpu.memory_space<vmem>> -> memref<1x1000xf32, #tpu.memory_space<vmem>>
        %parallel_loop3A_445 = tpu.memref_squeeze %parallel_loop3A_444 : memref<1x1000xf32, #tpu.memory_space<vmem>> -> memref<1000xf32, #tpu.memory_space<vmem>>
        %parallel_loop3A_446 = tpu.vector_load_idx %parallel_loop3A_445[%parallel_loop3A_411] : memref<1000xf32, #tpu.memory_space<vmem>>[vector<16xi32>], vector<16xf32>,
        %parallel_loop3A_447 = arith.constant 3 : i32
        %parallel_loop3A_448 = arith.index_cast %parallel_loop3A_147 : i32 to index
        %parallel_loop3A_449 = arith.index_cast %parallel_loop3A_447 : i32 to index
        %parallel_loop3A_450 = arith.constant 48 : index
        %parallel_loop3A_451 = tpu.vector_load %arg9[%parallel_loop3A_448, %parallel_loop3A_449, %parallel_loop3A_450] {strides = array<i32>} : memref<32x8x128xf32, #tpu.memory_space<vmem>>, vector<16xf32>,
        tpu.vector_store %arg9[%parallel_loop3A_448, %parallel_loop3A_449, %parallel_loop3A_450], %parallel_loop3A_446 {strides = array<i32>} : memref<32x8x128xf32, #tpu.memory_space<vmem>>, vector<16xf32>,
        %parallel_loop3A_452 = arith.constant 4 : i32
        %parallel_loop3A_453 = arith.constant 0 : i32
        %parallel_loop3A_454 = tpu.memref_slice %arg5[%parallel_loop3A_452, %parallel_loop3A_453] : memref<8x1000xf32, #tpu.memory_space<vmem>> -> memref<1x1000xf32, #tpu.memory_space<vmem>>
        %parallel_loop3A_455 = tpu.memref_squeeze %parallel_loop3A_454 : memref<1x1000xf32, #tpu.memory_space<vmem>> -> memref<1000xf32, #tpu.memory_space<vmem>>
        %parallel_loop3A_456 = tpu.vector_load_idx %parallel_loop3A_455[%parallel_loop3A_411] : memref<1000xf32, #tpu.memory_space<vmem>>[vector<16xi32>], vector<16xf32>,
        %parallel_loop3A_457 = arith.constant 4 : i32
        %parallel_loop3A_458 = arith.index_cast %parallel_loop3A_147 : i32 to index
        %parallel_loop3A_459 = arith.index_cast %parallel_loop3A_457 : i32 to index
        %parallel_loop3A_460 = arith.constant 48 : index
        %parallel_loop3A_461 = tpu.vector_load %arg9[%parallel_loop3A_458, %parallel_loop3A_459, %parallel_loop3A_460] {strides = array<i32>} : memref<32x8x128xf32, #tpu.memory_space<vmem>>, vector<16xf32>,
        tpu.vector_store %arg9[%parallel_loop3A_458, %parallel_loop3A_459, %parallel_loop3A_460], %parallel_loop3A_456 {strides = array<i32>} : memref<32x8x128xf32, #tpu.memory_space<vmem>>, vector<16xf32>,
        %parallel_loop3A_462 = arith.constant 5 : i32
        %parallel_loop3A_463 = arith.constant 0 : i32
        %parallel_loop3A_464 = tpu.memref_slice %arg5[%parallel_loop3A_462, %parallel_loop3A_463] : memref<8x1000xf32, #tpu.memory_space<vmem>> -> memref<1x1000xf32, #tpu.memory_space<vmem>>
        %parallel_loop3A_465 = tpu.memref_squeeze %parallel_loop3A_464 : memref<1x1000xf32, #tpu.memory_space<vmem>> -> memref<1000xf32, #tpu.memory_space<vmem>>
        %parallel_loop3A_466 = tpu.vector_load_idx %parallel_loop3A_465[%parallel_loop3A_411] : memref<1000xf32, #tpu.memory_space<vmem>>[vector<16xi32>], vector<16xf32>,
        %parallel_loop3A_467 = arith.constant 5 : i32
        %parallel_loop3A_468 = arith.index_cast %parallel_loop3A_147 : i32 to index
        %parallel_loop3A_469 = arith.index_cast %parallel_loop3A_467 : i32 to index
        %parallel_loop3A_470 = arith.constant 48 : index
        %parallel_loop3A_471 = tpu.vector_load %arg9[%parallel_loop3A_468, %parallel_loop3A_469, %parallel_loop3A_470] {strides = array<i32>} : memref<32x8x128xf32, #tpu.memory_space<vmem>>, vector<16xf32>,
        tpu.vector_store %arg9[%parallel_loop3A_468, %parallel_loop3A_469, %parallel_loop3A_470], %parallel_loop3A_466 {strides = array<i32>} : memref<32x8x128xf32, #tpu.memory_space<vmem>>, vector<16xf32>,
        %parallel_loop3A_472 = arith.constant 6 : i32
        %parallel_loop3A_473 = arith.constant 0 : i32
        %parallel_loop3A_474 = tpu.memref_slice %arg5[%parallel_loop3A_472, %parallel_loop3A_473] : memref<8x1000xf32, #tpu.memory_space<vmem>> -> memref<1x1000xf32, #tpu.memory_space<vmem>>
        %parallel_loop3A_475 = tpu.memref_squeeze %parallel_loop3A_474 : memref<1x1000xf32, #tpu.memory_space<vmem>> -> memref<1000xf32, #tpu.memory_space<vmem>>
        %parallel_loop3A_476 = tpu.vector_load_idx %parallel_loop3A_475[%parallel_loop3A_411] : memref<1000xf32, #tpu.memory_space<vmem>>[vector<16xi32>], vector<16xf32>,
        %parallel_loop3A_477 = arith.constant 6 : i32
        %parallel_loop3A_478 = arith.index_cast %parallel_loop3A_147 : i32 to index
        %parallel_loop3A_479 = arith.index_cast %parallel_loop3A_477 : i32 to index
        %parallel_loop3A_480 = arith.constant 48 : index
        %parallel_loop3A_481 = tpu.vector_load %arg9[%parallel_loop3A_478, %parallel_loop3A_479, %parallel_loop3A_480] {strides = array<i32>} : memref<32x8x128xf32, #tpu.memory_space<vmem>>, vector<16xf32>,
        tpu.vector_store %arg9[%parallel_loop3A_478, %parallel_loop3A_479, %parallel_loop3A_480], %parallel_loop3A_476 {strides = array<i32>} : memref<32x8x128xf32, #tpu.memory_space<vmem>>, vector<16xf32>,
        %parallel_loop3A_482 = arith.constant 7 : i32
        %parallel_loop3A_483 = arith.constant 0 : i32
        %parallel_loop3A_484 = tpu.memref_slice %arg5[%parallel_loop3A_482, %parallel_loop3A_483] : memref<8x1000xf32, #tpu.memory_space<vmem>> -> memref<1x1000xf32, #tpu.memory_space<vmem>>
        %parallel_loop3A_485 = tpu.memref_squeeze %parallel_loop3A_484 : memref<1x1000xf32, #tpu.memory_space<vmem>> -> memref<1000xf32, #tpu.memory_space<vmem>>
        %parallel_loop3A_486 = tpu.vector_load_idx %parallel_loop3A_485[%parallel_loop3A_411] : memref<1000xf32, #tpu.memory_space<vmem>>[vector<16xi32>], vector<16xf32>,
        %parallel_loop3A_487 = arith.constant 7 : i32
        %parallel_loop3A_488 = arith.index_cast %parallel_loop3A_147 : i32 to index
        %parallel_loop3A_489 = arith.index_cast %parallel_loop3A_487 : i32 to index
        %parallel_loop3A_490 = arith.constant 48 : index
        %parallel_loop3A_491 = tpu.vector_load %arg9[%parallel_loop3A_488, %parallel_loop3A_489, %parallel_loop3A_490] {strides = array<i32>} : memref<32x8x128xf32, #tpu.memory_space<vmem>>, vector<16xf32>,
        tpu.vector_store %arg9[%parallel_loop3A_488, %parallel_loop3A_489, %parallel_loop3A_490], %parallel_loop3A_486 {strides = array<i32>} : memref<32x8x128xf32, #tpu.memory_space<vmem>>, vector<16xf32>,
        %parallel_loop3A_492 = arith.constant 128 : i32
        %parallel_loop3A_493 = arith.muli %parallel_loop3A_147, %parallel_loop3A_492 : i32
        %parallel_loop3A_494 = arith.constant 64 : i32
        %parallel_loop3A_495 = arith.addi %parallel_loop3A_493, %parallel_loop3A_494 : i32
        %parallel_loop3A_496 = arith.index_cast %parallel_loop3A_495 : i32 to index
        %parallel_loop3A_497 = tpu.vector_load %arg7[%parallel_loop3A_496] {strides = array<i32>} : memref<4096xi32, #tpu.memory_space<vmem>>, vector<16xi32>,
        %parallel_loop3A_498 = arith.constant 0 : i32
        %parallel_loop3A_499 = arith.constant 0 : i32
        %parallel_loop3A_500 = tpu.memref_slice %arg5[%parallel_loop3A_498, %parallel_loop3A_499] : memref<8x1000xf32, #tpu.memory_space<vmem>> -> memref<1x1000xf32, #tpu.memory_space<vmem>>
        %parallel_loop3A_501 = tpu.memref_squeeze %parallel_loop3A_500 : memref<1x1000xf32, #tpu.memory_space<vmem>> -> memref<1000xf32, #tpu.memory_space<vmem>>
        %parallel_loop3A_502 = tpu.vector_load_idx %parallel_loop3A_501[%parallel_loop3A_497] : memref<1000xf32, #tpu.memory_space<vmem>>[vector<16xi32>], vector<16xf32>,
        %parallel_loop3A_503 = arith.constant 0 : i32
        %parallel_loop3A_504 = arith.index_cast %parallel_loop3A_147 : i32 to index
        %parallel_loop3A_505 = arith.index_cast %parallel_loop3A_503 : i32 to index
        %parallel_loop3A_506 = arith.constant 64 : index
        %parallel_loop3A_507 = tpu.vector_load %arg9[%parallel_loop3A_504, %parallel_loop3A_505, %parallel_loop3A_506] {strides = array<i32>} : memref<32x8x128xf32, #tpu.memory_space<vmem>>, vector<16xf32>,
        tpu.vector_store %arg9[%parallel_loop3A_504, %parallel_loop3A_505, %parallel_loop3A_506], %parallel_loop3A_502 {strides = array<i32>} : memref<32x8x128xf32, #tpu.memory_space<vmem>>, vector<16xf32>,
        %parallel_loop3A_508 = arith.constant 1 : i32
        %parallel_loop3A_509 = arith.constant 0 : i32
        %parallel_loop3A_510 = tpu.memref_slice %arg5[%parallel_loop3A_508, %parallel_loop3A_509] : memref<8x1000xf32, #tpu.memory_space<vmem>> -> memref<1x1000xf32, #tpu.memory_space<vmem>>
        %parallel_loop3A_511 = tpu.memref_squeeze %parallel_loop3A_510 : memref<1x1000xf32, #tpu.memory_space<vmem>> -> memref<1000xf32, #tpu.memory_space<vmem>>
        %parallel_loop3A_512 = tpu.vector_load_idx %parallel_loop3A_511[%parallel_loop3A_497] : memref<1000xf32, #tpu.memory_space<vmem>>[vector<16xi32>], vector<16xf32>,
        %parallel_loop3A_513 = arith.constant 1 : i32
        %parallel_loop3A_514 = arith.index_cast %parallel_loop3A_147 : i32 to index
        %parallel_loop3A_515 = arith.index_cast %parallel_loop3A_513 : i32 to index
        %parallel_loop3A_516 = arith.constant 64 : index
        %parallel_loop3A_517 = tpu.vector_load %arg9[%parallel_loop3A_514, %parallel_loop3A_515, %parallel_loop3A_516] {strides = array<i32>} : memref<32x8x128xf32, #tpu.memory_space<vmem>>, vector<16xf32>,
        tpu.vector_store %arg9[%parallel_loop3A_514, %parallel_loop3A_515, %parallel_loop3A_516], %parallel_loop3A_512 {strides = array<i32>} : memref<32x8x128xf32, #tpu.memory_space<vmem>>, vector<16xf32>,
        %parallel_loop3A_518 = arith.constant 2 : i32
        %parallel_loop3A_519 = arith.constant 0 : i32
        %parallel_loop3A_520 = tpu.memref_slice %arg5[%parallel_loop3A_518, %parallel_loop3A_519] : memref<8x1000xf32, #tpu.memory_space<vmem>> -> memref<1x1000xf32, #tpu.memory_space<vmem>>
        %parallel_loop3A_521 = tpu.memref_squeeze %parallel_loop3A_520 : memref<1x1000xf32, #tpu.memory_space<vmem>> -> memref<1000xf32, #tpu.memory_space<vmem>>
        %parallel_loop3A_522 = tpu.vector_load_idx %parallel_loop3A_521[%parallel_loop3A_497] : memref<1000xf32, #tpu.memory_space<vmem>>[vector<16xi32>], vector<16xf32>,
        %parallel_loop3A_523 = arith.constant 2 : i32
        %parallel_loop3A_524 = arith.index_cast %parallel_loop3A_147 : i32 to index
        %parallel_loop3A_525 = arith.index_cast %parallel_loop3A_523 : i32 to index
        %parallel_loop3A_526 = arith.constant 64 : index
        %parallel_loop3A_527 = tpu.vector_load %arg9[%parallel_loop3A_524, %parallel_loop3A_525, %parallel_loop3A_526] {strides = array<i32>} : memref<32x8x128xf32, #tpu.memory_space<vmem>>, vector<16xf32>,
        tpu.vector_store %arg9[%parallel_loop3A_524, %parallel_loop3A_525, %parallel_loop3A_526], %parallel_loop3A_522 {strides = array<i32>} : memref<32x8x128xf32, #tpu.memory_space<vmem>>, vector<16xf32>,
        %parallel_loop3A_528 = arith.constant 3 : i32
        %parallel_loop3A_529 = arith.constant 0 : i32
        %parallel_loop3A_530 = tpu.memref_slice %arg5[%parallel_loop3A_528, %parallel_loop3A_529] : memref<8x1000xf32, #tpu.memory_space<vmem>> -> memref<1x1000xf32, #tpu.memory_space<vmem>>
        %parallel_loop3A_531 = tpu.memref_squeeze %parallel_loop3A_530 : memref<1x1000xf32, #tpu.memory_space<vmem>> -> memref<1000xf32, #tpu.memory_space<vmem>>
        %parallel_loop3A_532 = tpu.vector_load_idx %parallel_loop3A_531[%parallel_loop3A_497] : memref<1000xf32, #tpu.memory_space<vmem>>[vector<16xi32>], vector<16xf32>,
        %parallel_loop3A_533 = arith.constant 3 : i32
        %parallel_loop3A_534 = arith.index_cast %parallel_loop3A_147 : i32 to index
        %parallel_loop3A_535 = arith.index_cast %parallel_loop3A_533 : i32 to index
        %parallel_loop3A_536 = arith.constant 64 : index
        %parallel_loop3A_537 = tpu.vector_load %arg9[%parallel_loop3A_534, %parallel_loop3A_535, %parallel_loop3A_536] {strides = array<i32>} : memref<32x8x128xf32, #tpu.memory_space<vmem>>, vector<16xf32>,
        tpu.vector_store %arg9[%parallel_loop3A_534, %parallel_loop3A_535, %parallel_loop3A_536], %parallel_loop3A_532 {strides = array<i32>} : memref<32x8x128xf32, #tpu.memory_space<vmem>>, vector<16xf32>,
        %parallel_loop3A_538 = arith.constant 4 : i32
        %parallel_loop3A_539 = arith.constant 0 : i32
        %parallel_loop3A_540 = tpu.memref_slice %arg5[%parallel_loop3A_538, %parallel_loop3A_539] : memref<8x1000xf32, #tpu.memory_space<vmem>> -> memref<1x1000xf32, #tpu.memory_space<vmem>>
        %parallel_loop3A_541 = tpu.memref_squeeze %parallel_loop3A_540 : memref<1x1000xf32, #tpu.memory_space<vmem>> -> memref<1000xf32, #tpu.memory_space<vmem>>
        %parallel_loop3A_542 = tpu.vector_load_idx %parallel_loop3A_541[%parallel_loop3A_497] : memref<1000xf32, #tpu.memory_space<vmem>>[vector<16xi32>], vector<16xf32>,
        %parallel_loop3A_543 = arith.constant 4 : i32
        %parallel_loop3A_544 = arith.index_cast %parallel_loop3A_147 : i32 to index
        %parallel_loop3A_545 = arith.index_cast %parallel_loop3A_543 : i32 to index
        %parallel_loop3A_546 = arith.constant 64 : index
        %parallel_loop3A_547 = tpu.vector_load %arg9[%parallel_loop3A_544, %parallel_loop3A_545, %parallel_loop3A_546] {strides = array<i32>} : memref<32x8x128xf32, #tpu.memory_space<vmem>>, vector<16xf32>,
        tpu.vector_store %arg9[%parallel_loop3A_544, %parallel_loop3A_545, %parallel_loop3A_546], %parallel_loop3A_542 {strides = array<i32>} : memref<32x8x128xf32, #tpu.memory_space<vmem>>, vector<16xf32>,
        %parallel_loop3A_548 = arith.constant 5 : i32
        %parallel_loop3A_549 = arith.constant 0 : i32
        %parallel_loop3A_550 = tpu.memref_slice %arg5[%parallel_loop3A_548, %parallel_loop3A_549] : memref<8x1000xf32, #tpu.memory_space<vmem>> -> memref<1x1000xf32, #tpu.memory_space<vmem>>
        %parallel_loop3A_551 = tpu.memref_squeeze %parallel_loop3A_550 : memref<1x1000xf32, #tpu.memory_space<vmem>> -> memref<1000xf32, #tpu.memory_space<vmem>>
        %parallel_loop3A_552 = tpu.vector_load_idx %parallel_loop3A_551[%parallel_loop3A_497] : memref<1000xf32, #tpu.memory_space<vmem>>[vector<16xi32>], vector<16xf32>,
        %parallel_loop3A_553 = arith.constant 5 : i32
        %parallel_loop3A_554 = arith.index_cast %parallel_loop3A_147 : i32 to index
        %parallel_loop3A_555 = arith.index_cast %parallel_loop3A_553 : i32 to index
        %parallel_loop3A_556 = arith.constant 64 : index
        %parallel_loop3A_557 = tpu.vector_load %arg9[%parallel_loop3A_554, %parallel_loop3A_555, %parallel_loop3A_556] {strides = array<i32>} : memref<32x8x128xf32, #tpu.memory_space<vmem>>, vector<16xf32>,
        tpu.vector_store %arg9[%parallel_loop3A_554, %parallel_loop3A_555, %parallel_loop3A_556], %parallel_loop3A_552 {strides = array<i32>} : memref<32x8x128xf32, #tpu.memory_space<vmem>>, vector<16xf32>,
        %parallel_loop3A_558 = arith.constant 6 : i32
        %parallel_loop3A_559 = arith.constant 0 : i32
        %parallel_loop3A_560 = tpu.memref_slice %arg5[%parallel_loop3A_558, %parallel_loop3A_559] : memref<8x1000xf32, #tpu.memory_space<vmem>> -> memref<1x1000xf32, #tpu.memory_space<vmem>>
        %parallel_loop3A_561 = tpu.memref_squeeze %parallel_loop3A_560 : memref<1x1000xf32, #tpu.memory_space<vmem>> -> memref<1000xf32, #tpu.memory_space<vmem>>
        %parallel_loop3A_562 = tpu.vector_load_idx %parallel_loop3A_561[%parallel_loop3A_497] : memref<1000xf32, #tpu.memory_space<vmem>>[vector<16xi32>], vector<16xf32>,
        %parallel_loop3A_563 = arith.constant 6 : i32
        %parallel_loop3A_564 = arith.index_cast %parallel_loop3A_147 : i32 to index
        %parallel_loop3A_565 = arith.index_cast %parallel_loop3A_563 : i32 to index
        %parallel_loop3A_566 = arith.constant 64 : index
        %parallel_loop3A_567 = tpu.vector_load %arg9[%parallel_loop3A_564, %parallel_loop3A_565, %parallel_loop3A_566] {strides = array<i32>} : memref<32x8x128xf32, #tpu.memory_space<vmem>>, vector<16xf32>,
        tpu.vector_store %arg9[%parallel_loop3A_564, %parallel_loop3A_565, %parallel_loop3A_566], %parallel_loop3A_562 {strides = array<i32>} : memref<32x8x128xf32, #tpu.memory_space<vmem>>, vector<16xf32>,
        %parallel_loop3A_568 = arith.constant 7 : i32
        %parallel_loop3A_569 = arith.constant 0 : i32
        %parallel_loop3A_570 = tpu.memref_slice %arg5[%parallel_loop3A_568, %parallel_loop3A_569] : memref<8x1000xf32, #tpu.memory_space<vmem>> -> memref<1x1000xf32, #tpu.memory_space<vmem>>
        %parallel_loop3A_571 = tpu.memref_squeeze %parallel_loop3A_570 : memref<1x1000xf32, #tpu.memory_space<vmem>> -> memref<1000xf32, #tpu.memory_space<vmem>>
        %parallel_loop3A_572 = tpu.vector_load_idx %parallel_loop3A_571[%parallel_loop3A_497] : memref<1000xf32, #tpu.memory_space<vmem>>[vector<16xi32>], vector<16xf32>,
        %parallel_loop3A_573 = arith.constant 7 : i32
        %parallel_loop3A_574 = arith.index_cast %parallel_loop3A_147 : i32 to index
        %parallel_loop3A_575 = arith.index_cast %parallel_loop3A_573 : i32 to index
        %parallel_loop3A_576 = arith.constant 64 : index
        %parallel_loop3A_577 = tpu.vector_load %arg9[%parallel_loop3A_574, %parallel_loop3A_575, %parallel_loop3A_576] {strides = array<i32>} : memref<32x8x128xf32, #tpu.memory_space<vmem>>, vector<16xf32>,
        tpu.vector_store %arg9[%parallel_loop3A_574, %parallel_loop3A_575, %parallel_loop3A_576], %parallel_loop3A_572 {strides = array<i32>} : memref<32x8x128xf32, #tpu.memory_space<vmem>>, vector<16xf32>,
        %parallel_loop3A_578 = arith.constant 128 : i32
        %parallel_loop3A_579 = arith.muli %parallel_loop3A_147, %parallel_loop3A_578 : i32
        %parallel_loop3A_580 = arith.constant 80 : i32
        %parallel_loop3A_581 = arith.addi %parallel_loop3A_579, %parallel_loop3A_580 : i32
        %parallel_loop3A_582 = arith.index_cast %parallel_loop3A_581 : i32 to index
        %parallel_loop3A_583 = tpu.vector_load %arg7[%parallel_loop3A_582] {strides = array<i32>} : memref<4096xi32, #tpu.memory_space<vmem>>, vector<16xi32>,
        %parallel_loop3A_584 = arith.constant 0 : i32
        %parallel_loop3A_585 = arith.constant 0 : i32
        %parallel_loop3A_586 = tpu.memref_slice %arg5[%parallel_loop3A_584, %parallel_loop3A_585] : memref<8x1000xf32, #tpu.memory_space<vmem>> -> memref<1x1000xf32, #tpu.memory_space<vmem>>
        %parallel_loop3A_587 = tpu.memref_squeeze %parallel_loop3A_586 : memref<1x1000xf32, #tpu.memory_space<vmem>> -> memref<1000xf32, #tpu.memory_space<vmem>>
        %parallel_loop3A_588 = tpu.vector_load_idx %parallel_loop3A_587[%parallel_loop3A_583] : memref<1000xf32, #tpu.memory_space<vmem>>[vector<16xi32>], vector<16xf32>,
        %parallel_loop3A_589 = arith.constant 0 : i32
        %parallel_loop3A_590 = arith.index_cast %parallel_loop3A_147 : i32 to index
        %parallel_loop3A_591 = arith.index_cast %parallel_loop3A_589 : i32 to index
        %parallel_loop3A_592 = arith.constant 80 : index
        %parallel_loop3A_593 = tpu.vector_load %arg9[%parallel_loop3A_590, %parallel_loop3A_591, %parallel_loop3A_592] {strides = array<i32>} : memref<32x8x128xf32, #tpu.memory_space<vmem>>, vector<16xf32>,
        tpu.vector_store %arg9[%parallel_loop3A_590, %parallel_loop3A_591, %parallel_loop3A_592], %parallel_loop3A_588 {strides = array<i32>} : memref<32x8x128xf32, #tpu.memory_space<vmem>>, vector<16xf32>,
        %parallel_loop3A_594 = arith.constant 1 : i32
        %parallel_loop3A_595 = arith.constant 0 : i32
        %parallel_loop3A_596 = tpu.memref_slice %arg5[%parallel_loop3A_594, %parallel_loop3A_595] : memref<8x1000xf32, #tpu.memory_space<vmem>> -> memref<1x1000xf32, #tpu.memory_space<vmem>>
        %parallel_loop3A_597 = tpu.memref_squeeze %parallel_loop3A_596 : memref<1x1000xf32, #tpu.memory_space<vmem>> -> memref<1000xf32, #tpu.memory_space<vmem>>
        %parallel_loop3A_598 = tpu.vector_load_idx %parallel_loop3A_597[%parallel_loop3A_583] : memref<1000xf32, #tpu.memory_space<vmem>>[vector<16xi32>], vector<16xf32>,
        %parallel_loop3A_599 = arith.constant 1 : i32
        %parallel_loop3A_600 = arith.index_cast %parallel_loop3A_147 : i32 to index
        %parallel_loop3A_601 = arith.index_cast %parallel_loop3A_599 : i32 to index
        %parallel_loop3A_602 = arith.constant 80 : index
        %parallel_loop3A_603 = tpu.vector_load %arg9[%parallel_loop3A_600, %parallel_loop3A_601, %parallel_loop3A_602] {strides = array<i32>} : memref<32x8x128xf32, #tpu.memory_space<vmem>>, vector<16xf32>,
        tpu.vector_store %arg9[%parallel_loop3A_600, %parallel_loop3A_601, %parallel_loop3A_602], %parallel_loop3A_598 {strides = array<i32>} : memref<32x8x128xf32, #tpu.memory_space<vmem>>, vector<16xf32>,
        %parallel_loop3A_604 = arith.constant 2 : i32
        %parallel_loop3A_605 = arith.constant 0 : i32
        %parallel_loop3A_606 = tpu.memref_slice %arg5[%parallel_loop3A_604, %parallel_loop3A_605] : memref<8x1000xf32, #tpu.memory_space<vmem>> -> memref<1x1000xf32, #tpu.memory_space<vmem>>
        %parallel_loop3A_607 = tpu.memref_squeeze %parallel_loop3A_606 : memref<1x1000xf32, #tpu.memory_space<vmem>> -> memref<1000xf32, #tpu.memory_space<vmem>>
        %parallel_loop3A_608 = tpu.vector_load_idx %parallel_loop3A_607[%parallel_loop3A_583] : memref<1000xf32, #tpu.memory_space<vmem>>[vector<16xi32>], vector<16xf32>,
        %parallel_loop3A_609 = arith.constant 2 : i32
        %parallel_loop3A_610 = arith.index_cast %parallel_loop3A_147 : i32 to index
        %parallel_loop3A_611 = arith.index_cast %parallel_loop3A_609 : i32 to index
        %parallel_loop3A_612 = arith.constant 80 : index
        %parallel_loop3A_613 = tpu.vector_load %arg9[%parallel_loop3A_610, %parallel_loop3A_611, %parallel_loop3A_612] {strides = array<i32>} : memref<32x8x128xf32, #tpu.memory_space<vmem>>, vector<16xf32>,
        tpu.vector_store %arg9[%parallel_loop3A_610, %parallel_loop3A_611, %parallel_loop3A_612], %parallel_loop3A_608 {strides = array<i32>} : memref<32x8x128xf32, #tpu.memory_space<vmem>>, vector<16xf32>,
        %parallel_loop3A_614 = arith.constant 3 : i32
        %parallel_loop3A_615 = arith.constant 0 : i32
        %parallel_loop3A_616 = tpu.memref_slice %arg5[%parallel_loop3A_614, %parallel_loop3A_615] : memref<8x1000xf32, #tpu.memory_space<vmem>> -> memref<1x1000xf32, #tpu.memory_space<vmem>>
        %parallel_loop3A_617 = tpu.memref_squeeze %parallel_loop3A_616 : memref<1x1000xf32, #tpu.memory_space<vmem>> -> memref<1000xf32, #tpu.memory_space<vmem>>
        %parallel_loop3A_618 = tpu.vector_load_idx %parallel_loop3A_617[%parallel_loop3A_583] : memref<1000xf32, #tpu.memory_space<vmem>>[vector<16xi32>], vector<16xf32>,
        %parallel_loop3A_619 = arith.constant 3 : i32
        %parallel_loop3A_620 = arith.index_cast %parallel_loop3A_147 : i32 to index
        %parallel_loop3A_621 = arith.index_cast %parallel_loop3A_619 : i32 to index
        %parallel_loop3A_622 = arith.constant 80 : index
        %parallel_loop3A_623 = tpu.vector_load %arg9[%parallel_loop3A_620, %parallel_loop3A_621, %parallel_loop3A_622] {strides = array<i32>} : memref<32x8x128xf32, #tpu.memory_space<vmem>>, vector<16xf32>,
        tpu.vector_store %arg9[%parallel_loop3A_620, %parallel_loop3A_621, %parallel_loop3A_622], %parallel_loop3A_618 {strides = array<i32>} : memref<32x8x128xf32, #tpu.memory_space<vmem>>, vector<16xf32>,
        %parallel_loop3A_624 = arith.constant 4 : i32
        %parallel_loop3A_625 = arith.constant 0 : i32
        %parallel_loop3A_626 = tpu.memref_slice %arg5[%parallel_loop3A_624, %parallel_loop3A_625] : memref<8x1000xf32, #tpu.memory_space<vmem>> -> memref<1x1000xf32, #tpu.memory_space<vmem>>
        %parallel_loop3A_627 = tpu.memref_squeeze %parallel_loop3A_626 : memref<1x1000xf32, #tpu.memory_space<vmem>> -> memref<1000xf32, #tpu.memory_space<vmem>>
        %parallel_loop3A_628 = tpu.vector_load_idx %parallel_loop3A_627[%parallel_loop3A_583] : memref<1000xf32, #tpu.memory_space<vmem>>[vector<16xi32>], vector<16xf32>,
        %parallel_loop3A_629 = arith.constant 4 : i32
        %parallel_loop3A_630 = arith.index_cast %parallel_loop3A_147 : i32 to index
        %parallel_loop3A_631 = arith.index_cast %parallel_loop3A_629 : i32 to index
        %parallel_loop3A_632 = arith.constant 80 : index
        %parallel_loop3A_633 = tpu.vector_load %arg9[%parallel_loop3A_630, %parallel_loop3A_631, %parallel_loop3A_632] {strides = array<i32>} : memref<32x8x128xf32, #tpu.memory_space<vmem>>, vector<16xf32>,
        tpu.vector_store %arg9[%parallel_loop3A_630, %parallel_loop3A_631, %parallel_loop3A_632], %parallel_loop3A_628 {strides = array<i32>} : memref<32x8x128xf32, #tpu.memory_space<vmem>>, vector<16xf32>,
        %parallel_loop3A_634 = arith.constant 5 : i32
        %parallel_loop3A_635 = arith.constant 0 : i32
        %parallel_loop3A_636 = tpu.memref_slice %arg5[%parallel_loop3A_634, %parallel_loop3A_635] : memref<8x1000xf32, #tpu.memory_space<vmem>> -> memref<1x1000xf32, #tpu.memory_space<vmem>>
        %parallel_loop3A_637 = tpu.memref_squeeze %parallel_loop3A_636 : memref<1x1000xf32, #tpu.memory_space<vmem>> -> memref<1000xf32, #tpu.memory_space<vmem>>
        %parallel_loop3A_638 = tpu.vector_load_idx %parallel_loop3A_637[%parallel_loop3A_583] : memref<1000xf32, #tpu.memory_space<vmem>>[vector<16xi32>], vector<16xf32>,
        %parallel_loop3A_639 = arith.constant 5 : i32
        %parallel_loop3A_640 = arith.index_cast %parallel_loop3A_147 : i32 to index
        %parallel_loop3A_641 = arith.index_cast %parallel_loop3A_639 : i32 to index
        %parallel_loop3A_642 = arith.constant 80 : index
        %parallel_loop3A_643 = tpu.vector_load %arg9[%parallel_loop3A_640, %parallel_loop3A_641, %parallel_loop3A_642] {strides = array<i32>} : memref<32x8x128xf32, #tpu.memory_space<vmem>>, vector<16xf32>,
        tpu.vector_store %arg9[%parallel_loop3A_640, %parallel_loop3A_641, %parallel_loop3A_642], %parallel_loop3A_638 {strides = array<i32>} : memref<32x8x128xf32, #tpu.memory_space<vmem>>, vector<16xf32>,
        %parallel_loop3A_644 = arith.constant 6 : i32
        %parallel_loop3A_645 = arith.constant 0 : i32
        %parallel_loop3A_646 = tpu.memref_slice %arg5[%parallel_loop3A_644, %parallel_loop3A_645] : memref<8x1000xf32, #tpu.memory_space<vmem>> -> memref<1x1000xf32, #tpu.memory_space<vmem>>
        %parallel_loop3A_647 = tpu.memref_squeeze %parallel_loop3A_646 : memref<1x1000xf32, #tpu.memory_space<vmem>> -> memref<1000xf32, #tpu.memory_space<vmem>>
        %parallel_loop3A_648 = tpu.vector_load_idx %parallel_loop3A_647[%parallel_loop3A_583] : memref<1000xf32, #tpu.memory_space<vmem>>[vector<16xi32>], vector<16xf32>,
        %parallel_loop3A_649 = arith.constant 6 : i32
        %parallel_loop3A_650 = arith.index_cast %parallel_loop3A_147 : i32 to index
        %parallel_loop3A_651 = arith.index_cast %parallel_loop3A_649 : i32 to index
        %parallel_loop3A_652 = arith.constant 80 : index
        %parallel_loop3A_653 = tpu.vector_load %arg9[%parallel_loop3A_650, %parallel_loop3A_651, %parallel_loop3A_652] {strides = array<i32>} : memref<32x8x128xf32, #tpu.memory_space<vmem>>, vector<16xf32>,
        tpu.vector_store %arg9[%parallel_loop3A_650, %parallel_loop3A_651, %parallel_loop3A_652], %parallel_loop3A_648 {strides = array<i32>} : memref<32x8x128xf32, #tpu.memory_space<vmem>>, vector<16xf32>,
        %parallel_loop3A_654 = arith.constant 7 : i32
        %parallel_loop3A_655 = arith.constant 0 : i32
        %parallel_loop3A_656 = tpu.memref_slice %arg5[%parallel_loop3A_654, %parallel_loop3A_655] : memref<8x1000xf32, #tpu.memory_space<vmem>> -> memref<1x1000xf32, #tpu.memory_space<vmem>>
        %parallel_loop3A_657 = tpu.memref_squeeze %parallel_loop3A_656 : memref<1x1000xf32, #tpu.memory_space<vmem>> -> memref<1000xf32, #tpu.memory_space<vmem>>
        %parallel_loop3A_658 = tpu.vector_load_idx %parallel_loop3A_657[%parallel_loop3A_583] : memref<1000xf32, #tpu.memory_space<vmem>>[vector<16xi32>], vector<16xf32>,
        %parallel_loop3A_659 = arith.constant 7 : i32
        %parallel_loop3A_660 = arith.index_cast %parallel_loop3A_147 : i32 to index
        %parallel_loop3A_661 = arith.index_cast %parallel_loop3A_659 : i32 to index
        %parallel_loop3A_662 = arith.constant 80 : index
        %parallel_loop3A_663 = tpu.vector_load %arg9[%parallel_loop3A_660, %parallel_loop3A_661, %parallel_loop3A_662] {strides = array<i32>} : memref<32x8x128xf32, #tpu.memory_space<vmem>>, vector<16xf32>,
        tpu.vector_store %arg9[%parallel_loop3A_660, %parallel_loop3A_661, %parallel_loop3A_662], %parallel_loop3A_658 {strides = array<i32>} : memref<32x8x128xf32, #tpu.memory_space<vmem>>, vector<16xf32>,
        %parallel_loop3A_664 = arith.constant 128 : i32
        %parallel_loop3A_665 = arith.muli %parallel_loop3A_147, %parallel_loop3A_664 : i32
        %parallel_loop3A_666 = arith.constant 96 : i32
        %parallel_loop3A_667 = arith.addi %parallel_loop3A_665, %parallel_loop3A_666 : i32
        %parallel_loop3A_668 = arith.index_cast %parallel_loop3A_667 : i32 to index
        %parallel_loop3A_669 = tpu.vector_load %arg7[%parallel_loop3A_668] {strides = array<i32>} : memref<4096xi32, #tpu.memory_space<vmem>>, vector<16xi32>,
        %parallel_loop3A_670 = arith.constant 0 : i32
        %parallel_loop3A_671 = arith.constant 0 : i32
        %parallel_loop3A_672 = tpu.memref_slice %arg5[%parallel_loop3A_670, %parallel_loop3A_671] : memref<8x1000xf32, #tpu.memory_space<vmem>> -> memref<1x1000xf32, #tpu.memory_space<vmem>>
        %parallel_loop3A_673 = tpu.memref_squeeze %parallel_loop3A_672 : memref<1x1000xf32, #tpu.memory_space<vmem>> -> memref<1000xf32, #tpu.memory_space<vmem>>
        %parallel_loop3A_674 = tpu.vector_load_idx %parallel_loop3A_673[%parallel_loop3A_669] : memref<1000xf32, #tpu.memory_space<vmem>>[vector<16xi32>], vector<16xf32>,
        %parallel_loop3A_675 = arith.constant 0 : i32
        %parallel_loop3A_676 = arith.index_cast %parallel_loop3A_147 : i32 to index
        %parallel_loop3A_677 = arith.index_cast %parallel_loop3A_675 : i32 to index
        %parallel_loop3A_678 = arith.constant 96 : index
        %parallel_loop3A_679 = tpu.vector_load %arg9[%parallel_loop3A_676, %parallel_loop3A_677, %parallel_loop3A_678] {strides = array<i32>} : memref<32x8x128xf32, #tpu.memory_space<vmem>>, vector<16xf32>,
        tpu.vector_store %arg9[%parallel_loop3A_676, %parallel_loop3A_677, %parallel_loop3A_678], %parallel_loop3A_674 {strides = array<i32>} : memref<32x8x128xf32, #tpu.memory_space<vmem>>, vector<16xf32>,
        %parallel_loop3A_680 = arith.constant 1 : i32
        %parallel_loop3A_681 = arith.constant 0 : i32
        %parallel_loop3A_682 = tpu.memref_slice %arg5[%parallel_loop3A_680, %parallel_loop3A_681] : memref<8x1000xf32, #tpu.memory_space<vmem>> -> memref<1x1000xf32, #tpu.memory_space<vmem>>
        %parallel_loop3A_683 = tpu.memref_squeeze %parallel_loop3A_682 : memref<1x1000xf32, #tpu.memory_space<vmem>> -> memref<1000xf32, #tpu.memory_space<vmem>>
        %parallel_loop3A_684 = tpu.vector_load_idx %parallel_loop3A_683[%parallel_loop3A_669] : memref<1000xf32, #tpu.memory_space<vmem>>[vector<16xi32>], vector<16xf32>,
        %parallel_loop3A_685 = arith.constant 1 : i32
        %parallel_loop3A_686 = arith.index_cast %parallel_loop3A_147 : i32 to index
        %parallel_loop3A_687 = arith.index_cast %parallel_loop3A_685 : i32 to index
        %parallel_loop3A_688 = arith.constant 96 : index
        %parallel_loop3A_689 = tpu.vector_load %arg9[%parallel_loop3A_686, %parallel_loop3A_687, %parallel_loop3A_688] {strides = array<i32>} : memref<32x8x128xf32, #tpu.memory_space<vmem>>, vector<16xf32>,
        tpu.vector_store %arg9[%parallel_loop3A_686, %parallel_loop3A_687, %parallel_loop3A_688], %parallel_loop3A_684 {strides = array<i32>} : memref<32x8x128xf32, #tpu.memory_space<vmem>>, vector<16xf32>,
        %parallel_loop3A_690 = arith.constant 2 : i32
        %parallel_loop3A_691 = arith.constant 0 : i32
        %parallel_loop3A_692 = tpu.memref_slice %arg5[%parallel_loop3A_690, %parallel_loop3A_691] : memref<8x1000xf32, #tpu.memory_space<vmem>> -> memref<1x1000xf32, #tpu.memory_space<vmem>>
        %parallel_loop3A_693 = tpu.memref_squeeze %parallel_loop3A_692 : memref<1x1000xf32, #tpu.memory_space<vmem>> -> memref<1000xf32, #tpu.memory_space<vmem>>
        %parallel_loop3A_694 = tpu.vector_load_idx %parallel_loop3A_693[%parallel_loop3A_669] : memref<1000xf32, #tpu.memory_space<vmem>>[vector<16xi32>], vector<16xf32>,
        %parallel_loop3A_695 = arith.constant 2 : i32
        %parallel_loop3A_696 = arith.index_cast %parallel_loop3A_147 : i32 to index
        %parallel_loop3A_697 = arith.index_cast %parallel_loop3A_695 : i32 to index
        %parallel_loop3A_698 = arith.constant 96 : index
        %parallel_loop3A_699 = tpu.vector_load %arg9[%parallel_loop3A_696, %parallel_loop3A_697, %parallel_loop3A_698] {strides = array<i32>} : memref<32x8x128xf32, #tpu.memory_space<vmem>>, vector<16xf32>,
        tpu.vector_store %arg9[%parallel_loop3A_696, %parallel_loop3A_697, %parallel_loop3A_698], %parallel_loop3A_694 {strides = array<i32>} : memref<32x8x128xf32, #tpu.memory_space<vmem>>, vector<16xf32>,
        %parallel_loop3A_700 = arith.constant 3 : i32
        %parallel_loop3A_701 = arith.constant 0 : i32
        %parallel_loop3A_702 = tpu.memref_slice %arg5[%parallel_loop3A_700, %parallel_loop3A_701] : memref<8x1000xf32, #tpu.memory_space<vmem>> -> memref<1x1000xf32, #tpu.memory_space<vmem>>
        %parallel_loop3A_703 = tpu.memref_squeeze %parallel_loop3A_702 : memref<1x1000xf32, #tpu.memory_space<vmem>> -> memref<1000xf32, #tpu.memory_space<vmem>>
        %parallel_loop3A_704 = tpu.vector_load_idx %parallel_loop3A_703[%parallel_loop3A_669] : memref<1000xf32, #tpu.memory_space<vmem>>[vector<16xi32>], vector<16xf32>,
        %parallel_loop3A_705 = arith.constant 3 : i32
        %parallel_loop3A_706 = arith.index_cast %parallel_loop3A_147 : i32 to index
        %parallel_loop3A_707 = arith.index_cast %parallel_loop3A_705 : i32 to index
        %parallel_loop3A_708 = arith.constant 96 : index
        %parallel_loop3A_709 = tpu.vector_load %arg9[%parallel_loop3A_706, %parallel_loop3A_707, %parallel_loop3A_708] {strides = array<i32>} : memref<32x8x128xf32, #tpu.memory_space<vmem>>, vector<16xf32>,
        tpu.vector_store %arg9[%parallel_loop3A_706, %parallel_loop3A_707, %parallel_loop3A_708], %parallel_loop3A_704 {strides = array<i32>} : memref<32x8x128xf32, #tpu.memory_space<vmem>>, vector<16xf32>,
        %parallel_loop3A_710 = arith.constant 4 : i32
        %parallel_loop3A_711 = arith.constant 0 : i32
        %parallel_loop3A_712 = tpu.memref_slice %arg5[%parallel_loop3A_710, %parallel_loop3A_711] : memref<8x1000xf32, #tpu.memory_space<vmem>> -> memref<1x1000xf32, #tpu.memory_space<vmem>>
        %parallel_loop3A_713 = tpu.memref_squeeze %parallel_loop3A_712 : memref<1x1000xf32, #tpu.memory_space<vmem>> -> memref<1000xf32, #tpu.memory_space<vmem>>
        %parallel_loop3A_714 = tpu.vector_load_idx %parallel_loop3A_713[%parallel_loop3A_669] : memref<1000xf32, #tpu.memory_space<vmem>>[vector<16xi32>], vector<16xf32>,
        %parallel_loop3A_715 = arith.constant 4 : i32
        %parallel_loop3A_716 = arith.index_cast %parallel_loop3A_147 : i32 to index
        %parallel_loop3A_717 = arith.index_cast %parallel_loop3A_715 : i32 to index
        %parallel_loop3A_718 = arith.constant 96 : index
        %parallel_loop3A_719 = tpu.vector_load %arg9[%parallel_loop3A_716, %parallel_loop3A_717, %parallel_loop3A_718] {strides = array<i32>} : memref<32x8x128xf32, #tpu.memory_space<vmem>>, vector<16xf32>,
        tpu.vector_store %arg9[%parallel_loop3A_716, %parallel_loop3A_717, %parallel_loop3A_718], %parallel_loop3A_714 {strides = array<i32>} : memref<32x8x128xf32, #tpu.memory_space<vmem>>, vector<16xf32>,
        %parallel_loop3A_720 = arith.constant 5 : i32
        %parallel_loop3A_721 = arith.constant 0 : i32
        %parallel_loop3A_722 = tpu.memref_slice %arg5[%parallel_loop3A_720, %parallel_loop3A_721] : memref<8x1000xf32, #tpu.memory_space<vmem>> -> memref<1x1000xf32, #tpu.memory_space<vmem>>
        %parallel_loop3A_723 = tpu.memref_squeeze %parallel_loop3A_722 : memref<1x1000xf32, #tpu.memory_space<vmem>> -> memref<1000xf32, #tpu.memory_space<vmem>>
        %parallel_loop3A_724 = tpu.vector_load_idx %parallel_loop3A_723[%parallel_loop3A_669] : memref<1000xf32, #tpu.memory_space<vmem>>[vector<16xi32>], vector<16xf32>,
        %parallel_loop3A_725 = arith.constant 5 : i32
        %parallel_loop3A_726 = arith.index_cast %parallel_loop3A_147 : i32 to index
        %parallel_loop3A_727 = arith.index_cast %parallel_loop3A_725 : i32 to index
        %parallel_loop3A_728 = arith.constant 96 : index
        %parallel_loop3A_729 = tpu.vector_load %arg9[%parallel_loop3A_726, %parallel_loop3A_727, %parallel_loop3A_728] {strides = array<i32>} : memref<32x8x128xf32, #tpu.memory_space<vmem>>, vector<16xf32>,
        tpu.vector_store %arg9[%parallel_loop3A_726, %parallel_loop3A_727, %parallel_loop3A_728], %parallel_loop3A_724 {strides = array<i32>} : memref<32x8x128xf32, #tpu.memory_space<vmem>>, vector<16xf32>,
        %parallel_loop3A_730 = arith.constant 6 : i32
        %parallel_loop3A_731 = arith.constant 0 : i32
        %parallel_loop3A_732 = tpu.memref_slice %arg5[%parallel_loop3A_730, %parallel_loop3A_731] : memref<8x1000xf32, #tpu.memory_space<vmem>> -> memref<1x1000xf32, #tpu.memory_space<vmem>>
        %parallel_loop3A_733 = tpu.memref_squeeze %parallel_loop3A_732 : memref<1x1000xf32, #tpu.memory_space<vmem>> -> memref<1000xf32, #tpu.memory_space<vmem>>
        %parallel_loop3A_734 = tpu.vector_load_idx %parallel_loop3A_733[%parallel_loop3A_669] : memref<1000xf32, #tpu.memory_space<vmem>>[vector<16xi32>], vector<16xf32>,
        %parallel_loop3A_735 = arith.constant 6 : i32
        %parallel_loop3A_736 = arith.index_cast %parallel_loop3A_147 : i32 to index
        %parallel_loop3A_737 = arith.index_cast %parallel_loop3A_735 : i32 to index
        %parallel_loop3A_738 = arith.constant 96 : index
        %parallel_loop3A_739 = tpu.vector_load %arg9[%parallel_loop3A_736, %parallel_loop3A_737, %parallel_loop3A_738] {strides = array<i32>} : memref<32x8x128xf32, #tpu.memory_space<vmem>>, vector<16xf32>,
        tpu.vector_store %arg9[%parallel_loop3A_736, %parallel_loop3A_737, %parallel_loop3A_738], %parallel_loop3A_734 {strides = array<i32>} : memref<32x8x128xf32, #tpu.memory_space<vmem>>, vector<16xf32>,
        %parallel_loop3A_740 = arith.constant 7 : i32
        %parallel_loop3A_741 = arith.constant 0 : i32
        %parallel_loop3A_742 = tpu.memref_slice %arg5[%parallel_loop3A_740, %parallel_loop3A_741] : memref<8x1000xf32, #tpu.memory_space<vmem>> -> memref<1x1000xf32, #tpu.memory_space<vmem>>
        %parallel_loop3A_743 = tpu.memref_squeeze %parallel_loop3A_742 : memref<1x1000xf32, #tpu.memory_space<vmem>> -> memref<1000xf32, #tpu.memory_space<vmem>>
        %parallel_loop3A_744 = tpu.vector_load_idx %parallel_loop3A_743[%parallel_loop3A_669] : memref<1000xf32, #tpu.memory_space<vmem>>[vector<16xi32>], vector<16xf32>,
        %parallel_loop3A_745 = arith.constant 7 : i32
        %parallel_loop3A_746 = arith.index_cast %parallel_loop3A_147 : i32 to index
        %parallel_loop3A_747 = arith.index_cast %parallel_loop3A_745 : i32 to index
        %parallel_loop3A_748 = arith.constant 96 : index
        %parallel_loop3A_749 = tpu.vector_load %arg9[%parallel_loop3A_746, %parallel_loop3A_747, %parallel_loop3A_748] {strides = array<i32>} : memref<32x8x128xf32, #tpu.memory_space<vmem>>, vector<16xf32>,
        tpu.vector_store %arg9[%parallel_loop3A_746, %parallel_loop3A_747, %parallel_loop3A_748], %parallel_loop3A_744 {strides = array<i32>} : memref<32x8x128xf32, #tpu.memory_space<vmem>>, vector<16xf32>,
        %parallel_loop3A_750 = arith.constant 128 : i32
        %parallel_loop3A_751 = arith.muli %parallel_loop3A_147, %parallel_loop3A_750 : i32
        %parallel_loop3A_752 = arith.constant 112 : i32
        %parallel_loop3A_753 = arith.addi %parallel_loop3A_751, %parallel_loop3A_752 : i32
        %parallel_loop3A_754 = arith.index_cast %parallel_loop3A_753 : i32 to index
        %parallel_loop3A_755 = tpu.vector_load %arg7[%parallel_loop3A_754] {strides = array<i32>} : memref<4096xi32, #tpu.memory_space<vmem>>, vector<16xi32>,
        %parallel_loop3A_756 = arith.constant 0 : i32
        %parallel_loop3A_757 = arith.constant 0 : i32
        %parallel_loop3A_758 = tpu.memref_slice %arg5[%parallel_loop3A_756, %parallel_loop3A_757] : memref<8x1000xf32, #tpu.memory_space<vmem>> -> memref<1x1000xf32, #tpu.memory_space<vmem>>
        %parallel_loop3A_759 = tpu.memref_squeeze %parallel_loop3A_758 : memref<1x1000xf32, #tpu.memory_space<vmem>> -> memref<1000xf32, #tpu.memory_space<vmem>>
        %parallel_loop3A_760 = tpu.vector_load_idx %parallel_loop3A_759[%parallel_loop3A_755] : memref<1000xf32, #tpu.memory_space<vmem>>[vector<16xi32>], vector<16xf32>,
        %parallel_loop3A_761 = arith.constant 0 : i32
        %parallel_loop3A_762 = arith.index_cast %parallel_loop3A_147 : i32 to index
        %parallel_loop3A_763 = arith.index_cast %parallel_loop3A_761 : i32 to index
        %parallel_loop3A_764 = arith.constant 112 : index
        %parallel_loop3A_765 = tpu.vector_load %arg9[%parallel_loop3A_762, %parallel_loop3A_763, %parallel_loop3A_764] {strides = array<i32>} : memref<32x8x128xf32, #tpu.memory_space<vmem>>, vector<16xf32>,
        tpu.vector_store %arg9[%parallel_loop3A_762, %parallel_loop3A_763, %parallel_loop3A_764], %parallel_loop3A_760 {strides = array<i32>} : memref<32x8x128xf32, #tpu.memory_space<vmem>>, vector<16xf32>,
        %parallel_loop3A_766 = arith.constant 1 : i32
        %parallel_loop3A_767 = arith.constant 0 : i32
        %parallel_loop3A_768 = tpu.memref_slice %arg5[%parallel_loop3A_766, %parallel_loop3A_767] : memref<8x1000xf32, #tpu.memory_space<vmem>> -> memref<1x1000xf32, #tpu.memory_space<vmem>>
        %parallel_loop3A_769 = tpu.memref_squeeze %parallel_loop3A_768 : memref<1x1000xf32, #tpu.memory_space<vmem>> -> memref<1000xf32, #tpu.memory_space<vmem>>
        %parallel_loop3A_770 = tpu.vector_load_idx %parallel_loop3A_769[%parallel_loop3A_755] : memref<1000xf32, #tpu.memory_space<vmem>>[vector<16xi32>], vector<16xf32>,
        %parallel_loop3A_771 = arith.constant 1 : i32
        %parallel_loop3A_772 = arith.index_cast %parallel_loop3A_147 : i32 to index
        %parallel_loop3A_773 = arith.index_cast %parallel_loop3A_771 : i32 to index
        %parallel_loop3A_774 = arith.constant 112 : index
        %parallel_loop3A_775 = tpu.vector_load %arg9[%parallel_loop3A_772, %parallel_loop3A_773, %parallel_loop3A_774] {strides = array<i32>} : memref<32x8x128xf32, #tpu.memory_space<vmem>>, vector<16xf32>,
        tpu.vector_store %arg9[%parallel_loop3A_772, %parallel_loop3A_773, %parallel_loop3A_774], %parallel_loop3A_770 {strides = array<i32>} : memref<32x8x128xf32, #tpu.memory_space<vmem>>, vector<16xf32>,
        %parallel_loop3A_776 = arith.constant 2 : i32
        %parallel_loop3A_777 = arith.constant 0 : i32
        %parallel_loop3A_778 = tpu.memref_slice %arg5[%parallel_loop3A_776, %parallel_loop3A_777] : memref<8x1000xf32, #tpu.memory_space<vmem>> -> memref<1x1000xf32, #tpu.memory_space<vmem>>
        %parallel_loop3A_779 = tpu.memref_squeeze %parallel_loop3A_778 : memref<1x1000xf32, #tpu.memory_space<vmem>> -> memref<1000xf32, #tpu.memory_space<vmem>>
        %parallel_loop3A_780 = tpu.vector_load_idx %parallel_loop3A_779[%parallel_loop3A_755] : memref<1000xf32, #tpu.memory_space<vmem>>[vector<16xi32>], vector<16xf32>,
        %parallel_loop3A_781 = arith.constant 2 : i32
        %parallel_loop3A_782 = arith.index_cast %parallel_loop3A_147 : i32 to index
        %parallel_loop3A_783 = arith.index_cast %parallel_loop3A_781 : i32 to index
        %parallel_loop3A_784 = arith.constant 112 : index
        %parallel_loop3A_785 = tpu.vector_load %arg9[%parallel_loop3A_782, %parallel_loop3A_783, %parallel_loop3A_784] {strides = array<i32>} : memref<32x8x128xf32, #tpu.memory_space<vmem>>, vector<16xf32>,
        tpu.vector_store %arg9[%parallel_loop3A_782, %parallel_loop3A_783, %parallel_loop3A_784], %parallel_loop3A_780 {strides = array<i32>} : memref<32x8x128xf32, #tpu.memory_space<vmem>>, vector<16xf32>,
        %parallel_loop3A_786 = arith.constant 3 : i32
        %parallel_loop3A_787 = arith.constant 0 : i32
        %parallel_loop3A_788 = tpu.memref_slice %arg5[%parallel_loop3A_786, %parallel_loop3A_787] : memref<8x1000xf32, #tpu.memory_space<vmem>> -> memref<1x1000xf32, #tpu.memory_space<vmem>>
        %parallel_loop3A_789 = tpu.memref_squeeze %parallel_loop3A_788 : memref<1x1000xf32, #tpu.memory_space<vmem>> -> memref<1000xf32, #tpu.memory_space<vmem>>
        %parallel_loop3A_790 = tpu.vector_load_idx %parallel_loop3A_789[%parallel_loop3A_755] : memref<1000xf32, #tpu.memory_space<vmem>>[vector<16xi32>], vector<16xf32>,
        %parallel_loop3A_791 = arith.constant 3 : i32
        %parallel_loop3A_792 = arith.index_cast %parallel_loop3A_147 : i32 to index
        %parallel_loop3A_793 = arith.index_cast %parallel_loop3A_791 : i32 to index
        %parallel_loop3A_794 = arith.constant 112 : index
        %parallel_loop3A_795 = tpu.vector_load %arg9[%parallel_loop3A_792, %parallel_loop3A_793, %parallel_loop3A_794] {strides = array<i32>} : memref<32x8x128xf32, #tpu.memory_space<vmem>>, vector<16xf32>,
        tpu.vector_store %arg9[%parallel_loop3A_792, %parallel_loop3A_793, %parallel_loop3A_794], %parallel_loop3A_790 {strides = array<i32>} : memref<32x8x128xf32, #tpu.memory_space<vmem>>, vector<16xf32>,
        %parallel_loop3A_796 = arith.constant 4 : i32
        %parallel_loop3A_797 = arith.constant 0 : i32
        %parallel_loop3A_798 = tpu.memref_slice %arg5[%parallel_loop3A_796, %parallel_loop3A_797] : memref<8x1000xf32, #tpu.memory_space<vmem>> -> memref<1x1000xf32, #tpu.memory_space<vmem>>
        %parallel_loop3A_799 = tpu.memref_squeeze %parallel_loop3A_798 : memref<1x1000xf32, #tpu.memory_space<vmem>> -> memref<1000xf32, #tpu.memory_space<vmem>>
        %parallel_loop3A_800 = tpu.vector_load_idx %parallel_loop3A_799[%parallel_loop3A_755] : memref<1000xf32, #tpu.memory_space<vmem>>[vector<16xi32>], vector<16xf32>,
        %parallel_loop3A_801 = arith.constant 4 : i32
        %parallel_loop3A_802 = arith.index_cast %parallel_loop3A_147 : i32 to index
        %parallel_loop3A_803 = arith.index_cast %parallel_loop3A_801 : i32 to index
        %parallel_loop3A_804 = arith.constant 112 : index
        %parallel_loop3A_805 = tpu.vector_load %arg9[%parallel_loop3A_802, %parallel_loop3A_803, %parallel_loop3A_804] {strides = array<i32>} : memref<32x8x128xf32, #tpu.memory_space<vmem>>, vector<16xf32>,
        tpu.vector_store %arg9[%parallel_loop3A_802, %parallel_loop3A_803, %parallel_loop3A_804], %parallel_loop3A_800 {strides = array<i32>} : memref<32x8x128xf32, #tpu.memory_space<vmem>>, vector<16xf32>,
        %parallel_loop3A_806 = arith.constant 5 : i32
        %parallel_loop3A_807 = arith.constant 0 : i32
        %parallel_loop3A_808 = tpu.memref_slice %arg5[%parallel_loop3A_806, %parallel_loop3A_807] : memref<8x1000xf32, #tpu.memory_space<vmem>> -> memref<1x1000xf32, #tpu.memory_space<vmem>>
        %parallel_loop3A_809 = tpu.memref_squeeze %parallel_loop3A_808 : memref<1x1000xf32, #tpu.memory_space<vmem>> -> memref<1000xf32, #tpu.memory_space<vmem>>
        %parallel_loop3A_810 = tpu.vector_load_idx %parallel_loop3A_809[%parallel_loop3A_755] : memref<1000xf32, #tpu.memory_space<vmem>>[vector<16xi32>], vector<16xf32>,
        %parallel_loop3A_811 = arith.constant 5 : i32
        %parallel_loop3A_812 = arith.index_cast %parallel_loop3A_147 : i32 to index
        %parallel_loop3A_813 = arith.index_cast %parallel_loop3A_811 : i32 to index
        %parallel_loop3A_814 = arith.constant 112 : index
        %parallel_loop3A_815 = tpu.vector_load %arg9[%parallel_loop3A_812, %parallel_loop3A_813, %parallel_loop3A_814] {strides = array<i32>} : memref<32x8x128xf32, #tpu.memory_space<vmem>>, vector<16xf32>,
        tpu.vector_store %arg9[%parallel_loop3A_812, %parallel_loop3A_813, %parallel_loop3A_814], %parallel_loop3A_810 {strides = array<i32>} : memref<32x8x128xf32, #tpu.memory_space<vmem>>, vector<16xf32>,
        %parallel_loop3A_816 = arith.constant 6 : i32
        %parallel_loop3A_817 = arith.constant 0 : i32
        %parallel_loop3A_818 = tpu.memref_slice %arg5[%parallel_loop3A_816, %parallel_loop3A_817] : memref<8x1000xf32, #tpu.memory_space<vmem>> -> memref<1x1000xf32, #tpu.memory_space<vmem>>
        %parallel_loop3A_819 = tpu.memref_squeeze %parallel_loop3A_818 : memref<1x1000xf32, #tpu.memory_space<vmem>> -> memref<1000xf32, #tpu.memory_space<vmem>>
        %parallel_loop3A_820 = tpu.vector_load_idx %parallel_loop3A_819[%parallel_loop3A_755] : memref<1000xf32, #tpu.memory_space<vmem>>[vector<16xi32>], vector<16xf32>,
        %parallel_loop3A_821 = arith.constant 6 : i32
        %parallel_loop3A_822 = arith.index_cast %parallel_loop3A_147 : i32 to index
        %parallel_loop3A_823 = arith.index_cast %parallel_loop3A_821 : i32 to index
        %parallel_loop3A_824 = arith.constant 112 : index
        %parallel_loop3A_825 = tpu.vector_load %arg9[%parallel_loop3A_822, %parallel_loop3A_823, %parallel_loop3A_824] {strides = array<i32>} : memref<32x8x128xf32, #tpu.memory_space<vmem>>, vector<16xf32>,
        tpu.vector_store %arg9[%parallel_loop3A_822, %parallel_loop3A_823, %parallel_loop3A_824], %parallel_loop3A_820 {strides = array<i32>} : memref<32x8x128xf32, #tpu.memory_space<vmem>>, vector<16xf32>,
        %parallel_loop3A_826 = arith.constant 7 : i32
        %parallel_loop3A_827 = arith.constant 0 : i32
        %parallel_loop3A_828 = tpu.memref_slice %arg5[%parallel_loop3A_826, %parallel_loop3A_827] : memref<8x1000xf32, #tpu.memory_space<vmem>> -> memref<1x1000xf32, #tpu.memory_space<vmem>>
        %parallel_loop3A_829 = tpu.memref_squeeze %parallel_loop3A_828 : memref<1x1000xf32, #tpu.memory_space<vmem>> -> memref<1000xf32, #tpu.memory_space<vmem>>
        %parallel_loop3A_830 = tpu.vector_load_idx %parallel_loop3A_829[%parallel_loop3A_755] : memref<1000xf32, #tpu.memory_space<vmem>>[vector<16xi32>], vector<16xf32>,
        %parallel_loop3A_831 = arith.constant 7 : i32
        %parallel_loop3A_832 = arith.index_cast %parallel_loop3A_147 : i32 to index
        %parallel_loop3A_833 = arith.index_cast %parallel_loop3A_831 : i32 to index
        %parallel_loop3A_834 = arith.constant 112 : index
        %parallel_loop3A_835 = tpu.vector_load %arg9[%parallel_loop3A_832, %parallel_loop3A_833, %parallel_loop3A_834] {strides = array<i32>} : memref<32x8x128xf32, #tpu.memory_space<vmem>>, vector<16xf32>,
        tpu.vector_store %arg9[%parallel_loop3A_832, %parallel_loop3A_833, %parallel_loop3A_834], %parallel_loop3A_830 {strides = array<i32>} : memref<32x8x128xf32, #tpu.memory_space<vmem>>, vector<16xf32>,
      } {sc.loop_unroll_factor = 2 : i64, sc.parallel_access}
      %dma_start3A_130 = arith.constant 0 : i32
      %dma_start3A_131 = arith.constant 0 : i32
      %dma_start3A_132 = arith.constant 0 : i32
      %dma_start3A_133 = tpu.memref_slice %arg4[%add3A_115, %select_n3A, %dma_start3A_130, %dma_start3A_131, %dma_start3A_132] : memref<200x8x32x8x128xf32, #tpu.memory_space<hbm>> -> memref<1x1x32x8x128xf32, #tpu.memory_space<hbm>>
      %dma_start3A_134 = tpu.memref_squeeze %dma_start3A_133 : memref<1x1x32x8x128xf32, #tpu.memory_space<hbm>> -> memref<32x8x128xf32, #tpu.memory_space<hbm>>
      %dma_start3A_135 = arith.constant 0 : i32
      %dma_start3A_136 = arith.constant 0 : i32
      %dma_start3A_137 = arith.constant 0 : i32
      %dma_start3A_138 = tpu.memref_slice %arg4[%add3A_115, %select_n3A, %dma_start3A_135, %dma_start3A_136, %dma_start3A_137] : memref<200x8x32x8x128xf32, #tpu.memory_space<hbm>> -> memref<1x1x32x8x128xf32, #tpu.memory_space<hbm>>
      %dma_start3A_139 = tpu.memref_squeeze %dma_start3A_138 : memref<1x1x32x8x128xf32, #tpu.memory_space<hbm>> -> memref<32x8x128xf32, #tpu.memory_space<hbm>>
      tpu.enqueue_dma source(%arg9 : memref<32x8x128xf32, #tpu.memory_space<vmem>>) target(%dma_start3A_139 : memref<32x8x128xf32, #tpu.memory_space<hbm>>) target_semaphore(%arg13 : memref<!tpu.dma_semaphore, #tpu.memory_space<semaphore_mem>>)
      %add3A_140 = arith.constant 2 : i32
      %add3A_141 = arith.addi %add3A_114, %add3A_140 : i32
      %lt3A_142 = arith.constant 50 : i32
      %lt3A_143 = arith.cmpi slt, %add3A_141, %lt3A_142 : i32
      %convert_element_type3A_144 = arith.extui %lt3A_143 : i1 to i32
      %cond3A_145 = arith.constant 0 : i32
      %cond3A_146 = arith.cmpi ne, %convert_element_type3A_144, %cond3A_145 : i32
      scf.if %cond3A_146 {
        %add3A_147 = arith.constant 2 : i32
        %add3A_148 = arith.addi %add3A_115, %add3A_147 : i32
        %dma_start3A_149 = arith.constant 0 : i32
        %dma_start3A_150 = tpu.memref_slice %arg2[%add3A_148, %dma_start3A_149] : memref<200x4096xi32, #tpu.memory_space<hbm>> -> memref<1x4096xi32, #tpu.memory_space<hbm>>
        %dma_start3A_151 = tpu.memref_squeeze %dma_start3A_150 : memref<1x4096xi32, #tpu.memory_space<hbm>> -> memref<4096xi32, #tpu.memory_space<hbm>>
        %dma_start3A_152 = arith.constant 0 : i32
        %dma_start3A_153 = tpu.memref_slice %arg2[%add3A_148, %dma_start3A_152] : memref<200x4096xi32, #tpu.memory_space<hbm>> -> memref<1x4096xi32, #tpu.memory_space<hbm>>
        %dma_start3A_154 = tpu.memref_squeeze %dma_start3A_153 : memref<1x4096xi32, #tpu.memory_space<hbm>> -> memref<4096xi32, #tpu.memory_space<hbm>>
        tpu.enqueue_dma source(%dma_start3A_154 : memref<4096xi32, #tpu.memory_space<hbm>>) target(%arg7 : memref<4096xi32, #tpu.memory_space<vmem>>) target_semaphore(%arg11 : memref<!tpu.dma_semaphore, #tpu.memory_space<semaphore_mem>>)
      } else {
      }
    }
    %scan3A_52 = arith.constant 25 : i32
    %add3A_53 = arith.constant 50 : i32
    %add3A_54 = arith.addi %mul3A_32, %add3A_53 : i32
    %sub3A_55 = arith.constant 2 : i32
    %sub3A_56 = arith.subi %add3A_54, %sub3A_55 : i32
    %dma_wait3A = arith.constant 0 : i32
    %dma_wait3A_57 = arith.constant 0 : i32
    %dma_wait3A_58 = arith.constant 0 : i32
    %dma_wait3A_59 = tpu.memref_slice %arg4[%sub3A_56, %select_n3A, %dma_wait3A, %dma_wait3A_57, %dma_wait3A_58] : memref<200x8x32x8x128xf32, #tpu.memory_space<hbm>> -> memref<1x1x32x8x128xf32, #tpu.memory_space<hbm>>
    %dma_wait3A_60 = tpu.memref_squeeze %dma_wait3A_59 : memref<1x1x32x8x128xf32, #tpu.memory_space<hbm>> -> memref<32x8x128xf32, #tpu.memory_space<hbm>>
    %dma_wait3A_61 = arith.constant 0 : i32
    %dma_wait3A_62 = arith.constant 0 : i32
    %dma_wait3A_63 = arith.constant 0 : i32
    %dma_wait3A_64 = tpu.memref_slice %arg4[%sub3A_56, %select_n3A, %dma_wait3A_61, %dma_wait3A_62, %dma_wait3A_63] : memref<200x8x32x8x128xf32, #tpu.memory_space<hbm>> -> memref<1x1x32x8x128xf32, #tpu.memory_space<hbm>>
    %dma_wait3A_65 = tpu.memref_squeeze %dma_wait3A_64 : memref<1x1x32x8x128xf32, #tpu.memory_space<hbm>> -> memref<32x8x128xf32, #tpu.memory_space<hbm>>
    tpu.wait_dma2 semaphore(%arg12 : memref<!tpu.dma_semaphore, #tpu.memory_space<semaphore_mem>>) src(%arg8 : memref<32x8x128xf32, #tpu.memory_space<vmem>>) dst(%dma_wait3A_65 : memref<32x8x128xf32, #tpu.memory_space<hbm>>)
    %add3A_66 = arith.constant 50 : i32
    %add3A_67 = arith.addi %mul3A_32, %add3A_66 : i32
    %sub3A_68 = arith.constant 1 : i32
    %sub3A_69 = arith.subi %add3A_67, %sub3A_68 : i32
    %dma_wait3A_70 = arith.constant 0 : i32
    %dma_wait3A_71 = arith.constant 0 : i32
    %dma_wait3A_72 = arith.constant 0 : i32
    %dma_wait3A_73 = tpu.memref_slice %arg4[%sub3A_69, %select_n3A, %dma_wait3A_70, %dma_wait3A_71, %dma_wait3A_72] : memref<200x8x32x8x128xf32, #tpu.memory_space<hbm>> -> memref<1x1x32x8x128xf32, #tpu.memory_space<hbm>>
    %dma_wait3A_74 = tpu.memref_squeeze %dma_wait3A_73 : memref<1x1x32x8x128xf32, #tpu.memory_space<hbm>> -> memref<32x8x128xf32, #tpu.memory_space<hbm>>
    %dma_wait3A_75 = arith.constant 0 : i32
    %dma_wait3A_76 = arith.constant 0 : i32
    %dma_wait3A_77 = arith.constant 0 : i32
    %dma_wait3A_78 = tpu.memref_slice %arg4[%sub3A_69, %select_n3A, %dma_wait3A_75, %dma_wait3A_76, %dma_wait3A_77] : memref<200x8x32x8x128xf32, #tpu.memory_space<hbm>> -> memref<1x1x32x8x128xf32, #tpu.memory_space<hbm>>
    %dma_wait3A_79 = tpu.memref_squeeze %dma_wait3A_78 : memref<1x1x32x8x128xf32, #tpu.memory_space<hbm>> -> memref<32x8x128xf32, #tpu.memory_space<hbm>>
    tpu.wait_dma2 semaphore(%arg13 : memref<!tpu.dma_semaphore, #tpu.memory_space<semaphore_mem>>) src(%arg9 : memref<32x8x128xf32, #tpu.memory_space<vmem>>) dst(%dma_wait3A_79 : memref<32x8x128xf32, #tpu.memory_space<hbm>>)
    return
  }
}

</mosaic_0001>

<sc_bundles>
// kernel: _sc_embedding_lookup.3.cloned.1.call-start
scs
__scs_entry_jumppad:
0x0: {  	(pc) =	sbr.rel $0x88, $3  }
0x1: {  	(tag) =	ssettag $0x0;
	lr =	simm.s32 $0x1  }
0x2: {  	[smem:$0x3F9F] =	sst lr;
	_ =	strace $0xD0000000  }
0x3: {  	_ = 	snop  }
0x4: {  	_ = 	snop  }
0x5: {  	_ = 	snop  }
0x6: {  	_ = 	snop  }
0x7: {  	_ = 	snop  }
__scs_overlays_trampoline_lowered:
0x8: {  	[smem:$0x3FAE] =	sst s0  }
0x9: {  	[smem:$0x3FAF] =	sst s1  }
0xa: {  	[smem:$0x3FB0] =	sst s2  }
0xb: {  	[smem:$0x3FB1] =	sst s3  }
0xc: {  	[smem:$0x3FB2] =	sst s4  }
0xd: {  	[smem:$0x3FB3] =	sst s5  }
0xe: {  	[smem:$0x3FB4] =	sst s6  }
0xf: {  	[smem:$0x3FB5] =	sst s7  }
0x10: {  	[smem:$0x3FB6] =	sst s8  }
0x11: {  	[smem:$0x3FB7] =	sst s9;
	s0 =	simm.s32 @!p0 $0x0  }
0x12: {  	s1 =	sld [smem:$0x3F9D];
	s0 =	simm.s32 @p0 $0x1  }
0x13: {  	[smem:$0x3FB8] =	sst s0;
	s0 =	simm.s32 @!p1 $0x0  }
0x14: {  	s2 =	sld [smem:$0x3F9C];
	s0 =	simm.s32 @p1 $0x1  }
0x15: {  	[smem:$0x3FB9] =	sst s0;
	s0 =	simm.s32 @!p2 $0x0  }
0x16: {  	s3 =	sld [smem:$0x3FDB];
	s0 =	simm.s32 @p2 $0x1  }
0x17: {  	s4 =	simm.s32 $0x1BF5;
	[smem:$0x3FBB] =	sst s0  }
0x18: {  	s0 =	sld [smem:$0x3F9E];
	_ =	swait.ge [sflag:s4], $0x0  }
0x19: {  	s7 =	sld [smem:$0x3F9F]  }
0x1a: {  	s8 =	sadd.s32 $0xFFFFE003, lr  }
0x1b: {  	s9 =	sadd.s32 $0xFFFFFEF7, lr;
	s5 =	simm.s32 $0xFFFFFFFF;
	p2 =	slt.u32 s8, $0xFFFFF086  }
0x1c: {  	p1 =	slt.u32 s9, $0xF7A;
	s5 =	simm.s32 @!p2 $0x0  }
0x1d: {  	s5 =	simm.s32 @p1 $0x1;
	p0 =	seq.s32 s7, s2  }
0x1e: {  	s7 =	smul.u32 @!p0 $0xF7A, s2;
	p2 =	seq.s32 @!p0 s5, $0x0  }
0x1f: {  	s9 =	smul.u32 $0xF7A, s1;
	s8 =	simm.s32 @!p0 $0x1BF5;
	p2 =	por !p2, p0  }
0x20: {  	[sflag:s8] =	ssyncset.s32 @!p0 $0xFFFFF086;
	s6 =	sadd.s32 @!p0 s3, s7;
	s7 =	simm.s32 @!p0 $0x108  }
0x21: {  	s3 =	sadd.s32 s3, s9;
	s6 =	sadd.s32 @!p0 $0x88, s6;
	s7 =	simm.s32 @p2 $0x1082  }
0x22: {  	[simem:s7], [sflag:s8] =	dma.local @!p0 [hbm:s6], $0xF7A  }
0x23: {  	s9 =	sor.u32 $0xD0000000, s2;
	s6 =	simm.s32 $0x108;
	_ =	swait.ge @!p0 [sflag:s8], $0x0  }
0x24: {  	s3 =	sadd.s32 $0x88, s3;
	s6 =	simm.s32 @!p1 $0x1082;
	[sflag:s4] =	ssyncset.s32 $0xFFFFF086  }
0x25: {  	[simem:s6], [sflag:s4] =	dma.local [hbm:s3], $0xF7A  }
0x26: {  	[smem:$0x3F9F] =	sst s1;
	(tag) =	ssettag s2;
	_ =	strace s9  }
0x27: {  	s1 =	sld [smem:$0x3FAF]  }
0x28: {  	s2 =	sld [smem:$0x3FB0]  }
0x29: {  	s4 =	sld [smem:$0x3FB2]  }
0x2a: {  	p0 =	seq.s32 s5, $0x0;
	s5 =	sld [smem:$0x3FB3]  }
0x2b: {  	s6 =	sld [smem:$0x3FB4]  }
0x2c: {  	s7 =	sld [smem:$0x3FB5]  }
0x2d: {  	s3 =	simm.s32 $0x108;
	s8 =	sld [smem:$0x3FB6]  }
0x2e: {  	s3 =	simm.s32 @!p0 $0x1082;
	s9 =	sld [smem:$0x3FB7]  }
0x2f: {  	lr =	sadd.s32 s0, s3;
	s0 =	sld [smem:$0x3FAE]  }
0x30: {  	s3 =	sld [smem:$0x3FB1]  }
0x31: {  	[smem:$0x3FBA] =	sst s10  }
0x32: {  	s10 =	sld [smem:$0x3FB8];
	_ =	sdelay $0x3  }
0x33: {  	p0 =	seq.s32 s10, $0x1;
	s10 =	sld [smem:$0x3FBA];
	_ =	sdelay $0x3  }
0x34: {  	[smem:$0x3FBA] =	sst s10  }
0x35: {  	s10 =	sld [smem:$0x3FB9];
	_ =	sdelay $0x3  }
0x36: {  	p1 =	seq.s32 s10, $0x1;
	s10 =	sld [smem:$0x3FBA];
	_ =	sdelay $0x3  }
0x37: {  	[smem:$0x3FBA] =	sst s10  }
0x38: {  	s10 =	sld [smem:$0x3FBB]  }
0x39: {  	_ = 	snop;
	(pc) =	sbr.ind lr, $3  }
0x3a: {  	_ = 	snop  }
0x3b: {  	_ = 	snop  }
0x3c: {  	p2 =	seq.s32 s10, $0x1;
	s10 =	sld [smem:$0x3FBA]  }
0x3d: {  	_ =	shalt  }
0x3e: {  	_ =	shalt  }
0x3f: {  	_ =	shalt  }
0x40: {  	_ =	shalt  }
0x41: {  	_ =	shalt  }
0x42: {  	_ =	shalt  }
0x43: {  	_ =	shalt  }
0x44: {  	_ =	shalt  }
0x45: {  	_ =	shalt  }
0x46: {  	_ =	shalt  }
0x47: {  	_ =	shalt  }
0x48: {  	_ =	shalt  }
0x49: {  	_ =	shalt  }
0x4a: {  	_ =	shalt  }
0x4b: {  	_ =	shalt  }
0x4c: {  	_ =	shalt  }
0x4d: {  	_ =	shalt  }
0x4e: {  	_ =	shalt  }
0x4f: {  	_ =	shalt  }
0x50: {  	_ =	shalt  }
0x51: {  	_ =	shalt  }
0x52: {  	_ =	shalt  }
0x53: {  	_ =	shalt  }
0x54: {  	_ =	shalt  }
0x55: {  	_ =	shalt  }
0x56: {  	_ =	shalt  }
0x57: {  	_ =	shalt  }
0x58: {  	_ =	shalt  }
0x59: {  	_ =	shalt  }
0x5a: {  	_ =	shalt  }
0x5b: {  	_ =	shalt  }
0x5c: {  	_ =	shalt  }
0x5d: {  	_ =	shalt  }
0x5e: {  	_ =	shalt  }
0x5f: {  	_ =	shalt  }
0x60: {  	_ =	shalt  }
0x61: {  	_ =	shalt  }
0x62: {  	_ =	shalt  }
0x63: {  	_ =	shalt  }
0x64: {  	_ =	shalt  }
0x65: {  	_ =	shalt  }
0x66: {  	_ =	shalt  }
0x67: {  	_ =	shalt  }
0x68: {  	_ =	shalt  }
0x69: {  	_ =	shalt  }
0x6a: {  	_ =	shalt  }
0x6b: {  	_ =	shalt  }
0x6c: {  	_ =	shalt  }
0x6d: {  	_ =	shalt  }
0x6e: {  	_ =	shalt  }
0x6f: {  	_ =	shalt  }
0x70: {  	_ =	shalt  }
0x71: {  	_ =	shalt  }
0x72: {  	_ =	shalt  }
0x73: {  	_ =	shalt  }
0x74: {  	_ =	shalt  }
0x75: {  	_ =	shalt  }
0x76: {  	_ =	shalt  }
0x77: {  	_ =	shalt  }
0x78: {  	_ =	shalt  }
0x79: {  	_ =	shalt  }
0x7a: {  	_ =	shalt  }
0x7b: {  	_ =	shalt  }
0x7c: {  	_ =	shalt  }
0x7d: {  	_ =	shalt  }
0x7e: {  	_ =	shalt  }
0x7f: {  	_ =	shalt  }
0x80: {  	_ =	shalt  }
0x81: {  	_ =	shalt  }
0x82: {  	_ =	shalt  }
0x83: {  	_ =	shalt  }
0x84: {  	_ =	shalt  }
0x85: {  	_ =	shalt  }
0x86: {  	_ =	shalt  }
0x87: {  	_ =	shalt  }
.Lfunc_end0:
.L_simem_size_0:
called_computation_lowered:
.L_overlay_start_0:
0x88: {  	s2 =	sld [smem:$0x3FD9]  }
0x89: {  	s3 =	sld [smem:$0x3FFE];
	_ =	sdelay $0x1  }
0x8a: {  	s1 =	srdreg.scid  }
0x8b: {  	s0 =	sand.u32 $0x1, s1  }
0x8c: {  	s17 =	sshll.u32 s0, $0xA;
	s2 =	sadd.s32 s3, s2  }
0x8d: {  	s2 =	sadd.s32 s2, s17  }
0x8e: {  	[smem:$0x3FC6] =	sst s2  }
0x8f: {  	_ = 	snop  }
0x90: {  	s2 =	sld [smem:$0x3FD0];
	(tm) =	ssettm $0x1  }
0x91: {  	s18 =	sld [smem:$0x3FFB];
	_ =	sdelay $0x3  }
0x92: {  	_ =	strace s18  }
0x93: {  	s3 =	sld [smem:$0x3FFC];
	_ =	sdelay $0x3  }
0x94: {  	_ =	strace s3  }
0x95: {  	s3 =	sld [smem:$0x3FFD];
	_ =	sdelay $0x3  }
0x96: {  	_ =	strace s3  }
0x97: {  	_ =	strace $0x8FFFFFFF  }
0x98: {  	s19 =	sld [smem:$0x3FDB];
	_ =	sdelay $0x1  }
0x99: {  	s4 =	simm.s32 $_scs_section_size  }
0x9a: {  	s5 =	simm.s32 $_size__tile_overlayer_lowered;
	s6 =	simm.s32 $_tile_overlayer_lowered  }
0x9b: {  	s22 =	simm.s32 $0x1BFF;
	s21 =	sshll.u32 s6, $0x1;
	s3 =	sadd.s32 s4, s19  }
0x9c: {  	s7 =	simm.s32 $0x0;
	s20 =	sshll.u32 s5, $0x1;
	s5 =	sadd.s32 s21, s3  }
0x9d: {  	[timem:s7], [sflag:s22] =	dma.local [hbm:s5], s20  }
0x9e: {  	_ =	swait.ge [sflag:s22], s20  }
0x9f: {  	s4 =	ssub.s32 $0x0, s20;
	[sflag:s22] =	ssyncset.done $0x0  }
0xa0: {  	[sflag:s22] =	ssyncadd.s32 s4;
	_ =	sdelay $0x1  }
0xa1: {  	s23 =	simm.s32 $0x1B8B  }
0xa2: {  	_ =	swait.ge [sflag:s23], $0x1  }
0xa3: {  	[sflag:s23] =	ssyncset.done $0x0  }
0xa4: {  	s25 =	simm.s32 $0x1B8E;
	s24 =	sld [smem:$0x3FFE];
	[sflag:s23] =	ssyncadd.s32 $0xFFFFFFFF  }
0xa5: {  	s26 =	simm.s32 $execute0_lowered;
	[smem:$0x3FD2] =	sst s25  }
0xa6: {  	s5 =	sshll.u32 s26, $0x1;
	_ =	strace $0x80000046;
	[dreg:$0x1] =	wrdreg $0xFFFFFFFF  }
0xa7: {  	s28 =	simm.s32 $_size_execute0_lowered;
	s3 =	sadd.s32 s3, s5;
	[dreg:$0x0] =	wrdreg $0x0  }
0xa8: {  	s5 =	sshll.u32 s28, $0x1;
	[dreg:$0x2] =	wrdreg s3  }
0xa9: {  	[dreg:$0x3] =	wrdreg s5  }
0xaa: {  	[dreg:$0x4] =	wrdreg $0xC0  }
0xab: {  	_ =	task [dreg:s7], $0x5FFFF  }
0xac: {  	[dreg:$0x1] =	wrdreg $0xFFFFFFFF  }
0xad: {  	[dreg:$0x0] =	wrdreg $0x60  }
0xae: {  	[dreg:$0x2] =	wrdreg s24  }
0xaf: {  	[dreg:$0x3] =	wrdreg s2  }
0xb0: {  	[dreg:$0x4] =	wrdreg $0x9  }
0xb1: {  	_ =	task.clear_ibuf [dreg:s7], $0x5FFFF;
	_ =	strace $0x90000046  }
0xb2: {  	s29 =	simm.s32 $0x9;
	_ =	strace $0x80000048  }
0xb3: {  	_ =	swait.ge [sflag:s29], $0x1  }
0xb4: {  	[sflag:s29] =	ssyncadd.s32 $0xFFFFFFFF  }
0xb5: {  	_ =	strace $0x90000048  }
0xb6: {  	_ =	sfence  }
0xb7: {  	s30 =	sld [smem:$0x0];
	_ =	sdelay $0x2  }
0xb8: {  	s31 =	sshll.u32 s1, $0xD;
	s1 =	sshrl.u32 s1, $0x2  }
0xb9: {  	s3 =	sand.u32 $0x4000, s31;
	s1 =	sadd.s32 s1, s30  }
0xba: {  	s0 =	sor.u32 s3, s0;
	s1 =	sshll.u32 s1, $0x11  }
0xbb: {  	s0 =	sor.u32 s1, s0  }
0xbc: {  	s0 =	sadd.s32 $0x8F2B, s0  }
0xbd: {  	[sflag:s0] =	ssyncadd.remote.s32 $0x1  }
0xbe: {  	_ =	sfence.sel $0xFFFF  }
0xbf: {  	[dreg:$0x0] =	wrdreg $0xFFFFFFFF;
	(pc) =	sbr.abs _section_cstart, $3  }
0xc0: {  	[dreg:$0x1] =	wrdreg $0xFFFFFFFF  }
0xc1: {  	_ =	task.clear_ibuf [dreg:s7], $0x2FFFF;
	_ =	strace $0x9FFFFFFF  }
0xc2: {  	(tm) =	ssettm $0x7FFFFFFF  }
0xc3: {  	_ =	shalt  }
tec
execute0_lowered:
.L_overlay_start_1:
0x0: {  	(tag) =	ssettag $0x1  }
0x1: {  	s6 =	stileid.u32;
	s0 =	rddreg [dreg:$0x0]  }
0x2: {  	s1 =	srdreg.scid;
	s2 =	rddreg [dreg:$0x1];
	s13 =	simm.s32 $0x2F40  }
0x3: {  	s14 =	simm.s32 $0x1;
	s15 =	simm.s32 $0x3E8;
	s16 =	simm.s32 $0x7D0  }
0x4: {  	s17 =	simm.s32 $0xBB8;
	s18 =	simm.s32 $0xFA0;
	s19 =	simm.s32 $0x1388  }
0x5: {  	s20 =	simm.s32 $0x1770;
	s21 =	simm.s32 $0x1B58;
	s22 =	simm.s32 $0x3F40  }
0x6: {  	s23 =	simm.s32 $0x2;
	s24 =	simm.s32 $0xBF40;
	s3 =	sshll.u32 s6, $0x1  }
0x7: {  	s1 =	sand.u32 $0x1, s1;
	s6 =	sshrl.u32 s6, $0x1;
	s3 =	sand.u32 $0x2, s3  }
0x8: {  	s7 =	smul.u32 $0x3E8, s6;
	s4 =	sor.u32 s1, s3;
	s3 =	simm.s32 $0x0  }
0x9: {  	s1 =	ssub.s32 $0x2, s1;
	s5 =	smul.u32 $0x6400, s4;
	[smem:$0x7FF] =	sst s3  }
0xa: {  	s8 =	sshrl.u32 s1, $0x1;
	s7 =	sadd.s32 s7, s0;
	_ =	strace $0x80000047  }
.Ltmp0:
0xb: {  	s1 =	ssub.s32 s1, s8;
	s7 =	sadd.s32 $0x400, s7;
	(pc) =	sbr.rel .LBB2_1-.Ltmp0, $4  }
0xc: {  	s5 =	sadd.s32 s5, s0;
	[dreg:$0x3] =	wrdreg s7;
	s31 =	smax.u32 s1, $0x1  }
0xd: {  	s28 =	simm.s32 $0x0;
	s30 =	sadd.s32 $0x2400, s5;
	[dreg:$0x6] =	wrdreg s31  }
0xe: {  	s9 =	sadd.s32 $0x2800, s0;
	s5 =	sadd.s32 $0x2600, s5;
	[dreg:$0x4] =	wrdreg s30  }
0xf: {  	s4 =	smul.u32 $0x32, s4;
	s8 =	sshll.u32 s6, $0xF;
	[dreg:$0x5] =	wrdreg s5  }
.LBB2_8:
0x10: {  	s0 =	simm.s32 $0x3  }
0x11: {  	_ =	swait.ge [sflag:s0], $0x8000  }
0x12: {  	[sflag:s0] =	ssyncset.done $0x0  }
0x13: {  	s1 =	simm.s32 $0x4;
	[sflag:s0] =	ssyncadd.s32 $0xFFFF8000  }
0x14: {  	_ =	swait.ge [sflag:s1], $0x8000  }
0x15: {  	s28 =	sadd.s32 $0x1, s28;
	s31 =	rddreg [dreg:$0x6]  }
0x16: {  	p0 =	sne.s32 s28, s31  }
.Ltmp1:
0x17: {  	_ = 	snop;
	(pc) =	sbr.rel @!p0 .LBB2_9-.Ltmp1, $3  }
0x18: {  	_ =	sdelay $0x1  }
0x19: {  	[sflag:s1] =	ssyncset.done $0x0  }
0x1a: {  	[sflag:s1] =	ssyncadd.s32 $0xFFFF8000  }
.LBB2_1:
0x1b: {  	s0 =	rddreg [dreg:$0x3];
	s26 =	simm.s32 $0x5  }
0x1c: {  	[tilespmem:s3], [sflag:$0x5] =	stream.linear.gather [hbm4b:s0+s3], $0x1F40, $0x38;
	[tilespmem:$0x13F40] =	vst v63  }
0x1d: {  	_ =	swait.ge [sflag:s26], $0x1F40  }
0x1e: {  	[sflag:s26] =	ssyncset.done $0x0  }
0x1f: {  	s1 =	simm.s32 $0x1F40;
	s30 =	rddreg [dreg:$0x4];
	[sflag:s26] =	ssyncadd.s32 $0xFFFFE0C0  }
0x20: {  	[tilespmem:s1], [sflag:$0x1] =	stream.linear.gather [hbm4b:s30+s3], $0x1000, $0x38;
	[tilespmem:$0x13F40] =	vst v63  }
0x21: {  	s29 =	simm.s32 $0x0;
	s31 =	rddreg [dreg:$0x5]  }
0x22: {  	[tilespmem:s13], [sflag:$0x2] =	stream.linear.gather [hbm4b:s31+s3], $0x1000, $0x38;
	[tilespmem:$0x13F40] =	vst v63  }
.LBB2_2:
0x23: {  	_ =	swait.ge [sflag:s14], $0x1000  }
0x24: {  	p0 =	seq.s32 s29, $0x0;
	[sflag:s14] =	ssyncset.done $0x0  }
0x25: {  	s0 =	simm.s32 @!p0 $0x3;
	[sflag:s14] =	ssyncadd.s32 $0xFFFFF000  }
0x26: {  	_ =	swait.ge @!p0 [sflag:s0], $0x8000  }
0x27: {  	[sflag:s0] =	ssyncset.done @!p0 $0x0  }
0x28: {  	s7 =	simm.s32 $0x1FC0;
	[sflag:s0] =	ssyncadd.s32 @!p0 $0xFFFF8000  }
0x29: {  	v0 =	vld [tilespmem:s7+$0x0];
	_ =	sdelay $0x7  }
0x2a: {  	v1 =	vld.idx.msk [tilespmem:v0+s3+$0x0], $0xffff;
	_ =	sdelay $0x3  }
0x2b: {  	s31 =	simm.s32 $0x4340  }
0x2c: {  	[tilespmem:s31+$0x0] =	vst v1  }
0x2d: {  	v1 =	vld.idx.msk [tilespmem:v0+s15+$0x0], $0xffff;
	_ =	sdelay $0x4  }
0x2e: {  	[tilespmem:s31+$0x80] =	vst v1  }
0x2f: {  	v1 =	vld.idx.msk [tilespmem:v0+s16+$0x0], $0xffff;
	_ =	sdelay $0x4  }
0x30: {  	v2 =	vld [tilespmem:s7+$0xFFFFFF80];
	[tilespmem:s31+$0x100] =	vst v1  }
0x31: {  	v1 =	vld.idx.msk [tilespmem:v0+s17+$0x0], $0xffff;
	_ =	sdelay $0x4  }
0x32: {  	[tilespmem:s31+$0x180] =	vst v1  }
0x33: {  	v1 =	vld.idx.msk [tilespmem:v0+s18+$0x0], $0xffff  }
0x34: {  	v3 =	vld.idx.msk [tilespmem:v2+s3+$0x0], $0xffff;
	_ =	sdelay $0x3  }
0x35: {  	[tilespmem:s31+$0x200] =	vst v1  }
0x36: {  	[tilespmem:s31+$0xFFFFFC00] =	vst v3;
	v1 =	vld.idx.msk [tilespmem:v0+s19+$0x0], $0xffff  }
0x37: {  	v3 =	vld.idx.msk [tilespmem:v2+s15+$0x0], $0xffff;
	_ =	sdelay $0x3  }
0x38: {  	[tilespmem:s31+$0x280] =	vst v1  }
0x39: {  	[tilespmem:s31+$0xFFFFFC80] =	vst v3;
	v1 =	vld.idx.msk [tilespmem:v0+s20+$0x0], $0xffff  }
0x3a: {  	v3 =	vld.idx.msk [tilespmem:v2+s16+$0x0], $0xffff;
	_ =	sdelay $0x3  }
0x3b: {  	[tilespmem:s31+$0x300] =	vst v1  }
0x3c: {  	[tilespmem:s31+$0xFFFFFD00] =	vst v3;
	v0 =	vld.idx.msk [tilespmem:v0+s21+$0x0], $0xffff  }
0x3d: {  	v1 =	vld.idx.msk [tilespmem:v2+s17+$0x0], $0xffff;
	_ =	sdelay $0x3  }
0x3e: {  	[tilespmem:s31+$0x380] =	vst v0  }
0x3f: {  	[tilespmem:s31+$0xFFFFFD80] =	vst v1;
	v0 =	vld [tilespmem:s7+$0x10]  }
0x40: {  	v1 =	vld.idx.msk [tilespmem:v2+s18+$0x0], $0xffff;
	_ =	sdelay $0x4  }
0x41: {  	[tilespmem:s31+$0xFFFFFE00] =	vst v1  }
0x42: {  	v1 =	vld.idx.msk [tilespmem:v2+s19+$0x0], $0xffff  }
0x43: {  	v3 =	vld.idx.msk [tilespmem:v0+s3+$0x0], $0xffff;
	_ =	sdelay $0x3  }
0x44: {  	[tilespmem:s31+$0xFFFFFE80] =	vst v1  }
0x45: {  	v1 =	vld.idx.msk [tilespmem:v2+s20+$0x0], $0xffff;
	[tilespmem:s31+$0x10] =	vst v3  }
0x46: {  	v3 =	vld.idx.msk [tilespmem:v0+s15+$0x0], $0xffff;
	_ =	sdelay $0x3  }
0x47: {  	[tilespmem:s31+$0xFFFFFF00] =	vst v1  }
0x48: {  	v1 =	vld.idx.msk [tilespmem:v2+s21+$0x0], $0xffff;
	[tilespmem:s31+$0x90] =	vst v3  }
0x49: {  	v3 =	vld.idx.msk [tilespmem:v0+s16+$0x0], $0xffff;
	_ =	sdelay $0x3  }
0x4a: {  	[tilespmem:s31+$0xFFFFFF80] =	vst v1  }
0x4b: {  	v1 =	vld [tilespmem:s7+$0xFFFFFF90];
	[tilespmem:s31+$0x110] =	vst v3  }
0x4c: {  	v2 =	vld.idx.msk [tilespmem:v0+s17+$0x0], $0xffff;
	_ =	sdelay $0x4  }
0x4d: {  	[tilespmem:s31+$0x190] =	vst v2  }
0x4e: {  	v2 =	vld.idx.msk [tilespmem:v0+s18+$0x0], $0xffff  }
0x4f: {  	v3 =	vld.idx.msk [tilespmem:v1+s3+$0x0], $0xffff;
	_ =	sdelay $0x3  }
0x50: {  	[tilespmem:s31+$0x210] =	vst v2  }
0x51: {  	[tilespmem:s31+$0xFFFFFC10] =	vst v3;
	v2 =	vld.idx.msk [tilespmem:v0+s19+$0x0], $0xffff  }
0x52: {  	v3 =	vld.idx.msk [tilespmem:v1+s15+$0x0], $0xffff;
	_ =	sdelay $0x3  }
0x53: {  	[tilespmem:s31+$0x290] =	vst v2  }
0x54: {  	[tilespmem:s31+$0xFFFFFC90] =	vst v3;
	v2 =	vld.idx.msk [tilespmem:v0+s20+$0x0], $0xffff  }
0x55: {  	v3 =	vld.idx.msk [tilespmem:v1+s16+$0x0], $0xffff;
	_ =	sdelay $0x3  }
0x56: {  	[tilespmem:s31+$0x310] =	vst v2  }
0x57: {  	[tilespmem:s31+$0xFFFFFD10] =	vst v3;
	v0 =	vld.idx.msk [tilespmem:v0+s21+$0x0], $0xffff  }
0x58: {  	v2 =	vld.idx.msk [tilespmem:v1+s17+$0x0], $0xffff;
	_ =	sdelay $0x3  }
0x59: {  	[tilespmem:s31+$0x390] =	vst v0  }
0x5a: {  	[tilespmem:s31+$0xFFFFFD90] =	vst v2;
	v0 =	vld [tilespmem:s7+$0x20]  }
0x5b: {  	v2 =	vld.idx.msk [tilespmem:v1+s18+$0x0], $0xffff;
	_ =	sdelay $0x4  }
0x5c: {  	[tilespmem:s31+$0xFFFFFE10] =	vst v2  }
0x5d: {  	v2 =	vld.idx.msk [tilespmem:v1+s19+$0x0], $0xffff  }
0x5e: {  	v3 =	vld.idx.msk [tilespmem:v0+s3+$0x0], $0xffff;
	_ =	sdelay $0x3  }
0x5f: {  	s0 =	simm.s32 $0x20C0;
	[tilespmem:s31+$0xFFFFFE90] =	vst v2  }
0x60: {  	v2 =	vld [tilespmem:s0+$0x0];
	[tilespmem:s31+$0x20] =	vst v3  }
0x61: {  	v3 =	vld.idx.msk [tilespmem:v0+s15+$0x0], $0xffff;
	_ =	sdelay $0x1  }
0x62: {  	v4 =	vld.idx.msk [tilespmem:v1+s20+$0x0], $0xffff;
	_ =	sdelay $0x2  }
0x63: {  	[tilespmem:s31+$0xA0] =	vst v3  }
0x64: {  	v3 =	vld.idx.msk [tilespmem:v0+s16+$0x0], $0xffff  }
0x65: {  	[tilespmem:s31+$0xFFFFFF10] =	vst v4;
	v4 =	vld.idx.msk [tilespmem:v2+s3+$0x0], $0xffff  }
0x66: {  	v1 =	vld.idx.msk [tilespmem:v1+s21+$0x0], $0xffff  }
0x67: {  	v5 =	vld [tilespmem:s0+$0xFFFFFF80];
	_ =	sdelay $0x1  }
0x68: {  	s1 =	simm.s32 $0x4B40;
	[tilespmem:s31+$0x120] =	vst v3  }
0x69: {  	[tilespmem:s1+$0x0] =	vst v4;
	v3 =	vld.idx.msk [tilespmem:v0+s17+$0x0], $0xffff  }
0x6a: {  	[tilespmem:s31+$0xFFFFFF90] =	vst v1;
	v4 =	vld.idx.msk [tilespmem:v2+s15+$0x0], $0xffff  }
0x6b: {  	v1 =	vld [tilespmem:s7+$0xFFFFFFA0];
	_ =	sdelay $0x2  }
0x6c: {  	v6 =	vld.idx.msk [tilespmem:v5+s3+$0x0], $0xffff;
	[tilespmem:s31+$0x1A0] =	vst v3  }
0x6d: {  	[tilespmem:s1+$0x80] =	vst v4;
	v3 =	vld.idx.msk [tilespmem:v0+s18+$0x0], $0xffff  }
0x6e: {  	v4 =	vld.idx.msk [tilespmem:v2+s16+$0x0], $0xffff;
	_ =	sdelay $0x2  }
0x6f: {  	[tilespmem:s1+$0xFFFFFC00] =	vst v6;
	v7 =	vld.idx.msk [tilespmem:v1+s3+$0x0], $0xffff  }
0x70: {  	v6 =	vld.idx.msk [tilespmem:v5+s15+$0x0], $0xffff;
	[tilespmem:s31+$0x220] =	vst v3  }
0x71: {  	[tilespmem:s1+$0x100] =	vst v4;
	v3 =	vld.idx.msk [tilespmem:v0+s19+$0x0], $0xffff  }
0x72: {  	v4 =	vld.idx.msk [tilespmem:v2+s17+$0x0], $0xffff;
	_ =	sdelay $0x1  }
0x73: {  	[tilespmem:s31+$0xFFFFFC20] =	vst v7  }
0x74: {  	[tilespmem:s1+$0xFFFFFC80] =	vst v6;
	v7 =	vld.idx.msk [tilespmem:v1+s15+$0x0], $0xffff  }
0x75: {  	v6 =	vld.idx.msk [tilespmem:v5+s16+$0x0], $0xffff;
	[tilespmem:s31+$0x2A0] =	vst v3  }
0x76: {  	[tilespmem:s1+$0x180] =	vst v4;
	v3 =	vld.idx.msk [tilespmem:v0+s20+$0x0], $0xffff  }
0x77: {  	v4 =	vld.idx.msk [tilespmem:v2+s18+$0x0], $0xffff;
	_ =	sdelay $0x1  }
0x78: {  	[tilespmem:s31+$0xFFFFFCA0] =	vst v7  }
0x79: {  	[tilespmem:s1+$0xFFFFFD00] =	vst v6;
	v7 =	vld.idx.msk [tilespmem:v1+s16+$0x0], $0xffff  }
0x7a: {  	[tilespmem:s31+$0x320] =	vst v3;
	v3 =	vld.idx.msk [tilespmem:v5+s17+$0x0], $0xffff  }
0x7b: {  	[tilespmem:s1+$0x200] =	vst v4;
	v0 =	vld.idx.msk [tilespmem:v0+s21+$0x0], $0xffff  }
0x7c: {  	v4 =	vld.idx.msk [tilespmem:v2+s19+$0x0], $0xffff;
	_ =	sdelay $0x1  }
0x7d: {  	[tilespmem:s31+$0xFFFFFD20] =	vst v7  }
0x7e: {  	v6 =	vld.idx.msk [tilespmem:v1+s17+$0x0], $0xffff;
	[tilespmem:s1+$0xFFFFFD80] =	vst v3  }
0x7f: {  	[tilespmem:s31+$0x3A0] =	vst v0;
	v3 =	vld.idx.msk [tilespmem:v5+s18+$0x0], $0xffff  }
0x80: {  	[tilespmem:s1+$0x280] =	vst v4;
	v0 =	vld [tilespmem:s7+$0x30]  }
0x81: {  	v4 =	vld.idx.msk [tilespmem:v2+s20+$0x0], $0xffff;
	_ =	sdelay $0x1  }
0x82: {  	[tilespmem:s31+$0xFFFFFDA0] =	vst v6  }
0x83: {  	v6 =	vld.idx.msk [tilespmem:v1+s18+$0x0], $0xffff  }
0x84: {  	[tilespmem:s1+$0xFFFFFE00] =	vst v3  }
0x85: {  	[tilespmem:s1+$0x300] =	vst v4;
	v3 =	vld.idx.msk [tilespmem:v5+s19+$0x0], $0xffff  }
0x86: {  	v2 =	vld.idx.msk [tilespmem:v2+s21+$0x0], $0xffff  }
0x87: {  	v4 =	vld.idx.msk [tilespmem:v0+s3+$0x0], $0xffff  }
0x88: {  	[tilespmem:s31+$0xFFFFFE20] =	vst v6  }
0x89: {  	v6 =	vld.idx.msk [tilespmem:v1+s19+$0x0], $0xffff  }
0x8a: {  	[tilespmem:s1+$0xFFFFFE80] =	vst v3  }
0x8b: {  	[tilespmem:s1+$0x380] =	vst v2;
	v3 =	vld.idx.msk [tilespmem:v5+s20+$0x0], $0xffff  }
0x8c: {  	[tilespmem:s31+$0x30] =	vst v4;
	v4 =	vld [tilespmem:s0+$0x10]  }
0x8d: {  	v2 =	vld.idx.msk [tilespmem:v0+s15+$0x0], $0xffff  }
0x8e: {  	[tilespmem:s31+$0xFFFFFEA0] =	vst v6  }
0x8f: {  	v6 =	vld.idx.msk [tilespmem:v1+s20+$0x0], $0xffff;
	_ =	sdelay $0x1  }
0x90: {  	[tilespmem:s1+$0xFFFFFF00] =	vst v3  }
0x91: {  	v3 =	vld.idx.msk [tilespmem:v5+s21+$0x0], $0xffff;
	[tilespmem:s31+$0xB0] =	vst v2  }
0x92: {  	v2 =	vld.idx.msk [tilespmem:v0+s16+$0x0], $0xffff  }
0x93: {  	[tilespmem:s31+$0xFFFFFF20] =	vst v6;
	v5 =	vld.idx.msk [tilespmem:v4+s3+$0x0], $0xffff  }
0x94: {  	v1 =	vld.idx.msk [tilespmem:v1+s21+$0x0], $0xffff;
	_ =	sdelay $0x2  }
0x95: {  	[tilespmem:s31+$0x130] =	vst v2  }
0x96: {  	v2 =	vld.idx.msk [tilespmem:v0+s17+$0x0], $0xffff;
	[tilespmem:s1+$0x10] =	vst v5  }
0x97: {  	[tilespmem:s31+$0xFFFFFFA0] =	vst v1;
	v5 =	vld.idx.msk [tilespmem:v4+s15+$0x0], $0xffff  }
0x98: {  	[tilespmem:s1+$0xFFFFFF80] =	vst v3;
	v3 =	vld [tilespmem:s7+$0xFFFFFFB0]  }
0x99: {  	v1 =	vld [tilespmem:s0+$0xFFFFFF90];
	_ =	sdelay $0x1  }
0x9a: {  	[tilespmem:s31+$0x1B0] =	vst v2  }
0x9b: {  	v2 =	vld.idx.msk [tilespmem:v0+s18+$0x0], $0xffff;
	[tilespmem:s1+$0x90] =	vst v5  }
0x9c: {  	v5 =	vld.idx.msk [tilespmem:v4+s16+$0x0], $0xffff;
	_ =	sdelay $0x2  }
0x9d: {  	v7 =	vld.idx.msk [tilespmem:v3+s3+$0x0], $0xffff  }
0x9e: {  	v6 =	vld.idx.msk [tilespmem:v1+s3+$0x0], $0xffff;
	[tilespmem:s31+$0x230] =	vst v2  }
0x9f: {  	v2 =	vld.idx.msk [tilespmem:v0+s19+$0x0], $0xffff;
	[tilespmem:s1+$0x110] =	vst v5  }
0xa0: {  	v5 =	vld.idx.msk [tilespmem:v4+s17+$0x0], $0xffff;
	_ =	sdelay $0x1  }
0xa1: {  	[tilespmem:s31+$0xFFFFFC30] =	vst v7  }
0xa2: {  	[tilespmem:s1+$0xFFFFFC10] =	vst v6;
	v7 =	vld.idx.msk [tilespmem:v3+s15+$0x0], $0xffff  }
0xa3: {  	v6 =	vld.idx.msk [tilespmem:v1+s15+$0x0], $0xffff;
	[tilespmem:s31+$0x2B0] =	vst v2  }
0xa4: {  	v2 =	vld.idx.msk [tilespmem:v0+s20+$0x0], $0xffff;
	[tilespmem:s1+$0x190] =	vst v5  }
0xa5: {  	v5 =	vld.idx.msk [tilespmem:v4+s18+$0x0], $0xffff;
	_ =	sdelay $0x1  }
0xa6: {  	[tilespmem:s31+$0xFFFFFCB0] =	vst v7  }
0xa7: {  	[tilespmem:s1+$0xFFFFFC90] =	vst v6;
	v7 =	vld.idx.msk [tilespmem:v3+s16+$0x0], $0xffff  }
0xa8: {  	v6 =	vld.idx.msk [tilespmem:v1+s16+$0x0], $0xffff;
	[tilespmem:s31+$0x330] =	vst v2  }
0xa9: {  	v0 =	vld.idx.msk [tilespmem:v0+s21+$0x0], $0xffff;
	[tilespmem:s1+$0x210] =	vst v5  }
0xaa: {  	v2 =	vld.idx.msk [tilespmem:v4+s19+$0x0], $0xffff;
	_ =	sdelay $0x1  }
0xab: {  	[tilespmem:s31+$0xFFFFFD30] =	vst v7  }
0xac: {  	[tilespmem:s1+$0xFFFFFD10] =	vst v6;
	v6 =	vld.idx.msk [tilespmem:v3+s17+$0x0], $0xffff  }
0xad: {  	v5 =	vld.idx.msk [tilespmem:v1+s17+$0x0], $0xffff;
	[tilespmem:s31+$0x3B0] =	vst v0  }
0xae: {  	v0 =	vld [tilespmem:s7+$0x40];
	[tilespmem:s1+$0x290] =	vst v2  }
0xaf: {  	v2 =	vld.idx.msk [tilespmem:v4+s20+$0x0], $0xffff;
	_ =	sdelay $0x1  }
0xb0: {  	[tilespmem:s31+$0xFFFFFDB0] =	vst v6  }
0xb1: {  	[tilespmem:s1+$0xFFFFFD90] =	vst v5;
	v6 =	vld.idx.msk [tilespmem:v3+s18+$0x0], $0xffff  }
0xb2: {  	v5 =	vld.idx.msk [tilespmem:v1+s18+$0x0], $0xffff  }
0xb3: {  	[tilespmem:s1+$0x310] =	vst v2  }
0xb4: {  	v4 =	vld.idx.msk [tilespmem:v4+s21+$0x0], $0xffff  }
0xb5: {  	v2 =	vld.idx.msk [tilespmem:v0+s3+$0x0], $0xffff  }
0xb6: {  	[tilespmem:s31+$0xFFFFFE30] =	vst v6  }
0xb7: {  	[tilespmem:s1+$0xFFFFFE10] =	vst v5  }
0xb8: {  	v5 =	vld.idx.msk [tilespmem:v1+s19+$0x0], $0xffff  }
0xb9: {  	v6 =	vld.idx.msk [tilespmem:v3+s19+$0x0], $0xffff;
	[tilespmem:s1+$0x390] =	vst v4  }
0xba: {  	[tilespmem:s31+$0x40] =	vst v2;
	v4 =	vld [tilespmem:s0+$0x20]  }
0xbb: {  	v2 =	vld.idx.msk [tilespmem:v0+s15+$0x0], $0xffff;
	_ =	sdelay $0x1  }
0xbc: {  	[tilespmem:s1+$0xFFFFFE90] =	vst v5  }
0xbd: {  	v5 =	vld.idx.msk [tilespmem:v1+s20+$0x0], $0xffff  }
0xbe: {  	[tilespmem:s31+$0xFFFFFEB0] =	vst v6  }
0xbf: {  	v7 =	vld.idx.msk [tilespmem:v3+s20+$0x0], $0xffff;
	[tilespmem:s31+$0xC0] =	vst v2  }
0xc0: {  	v2 =	vld.idx.msk [tilespmem:v0+s16+$0x0], $0xffff  }
0xc1: {  	s5 =	simm.s32 $0x21C0;
	v6 =	vld.idx.msk [tilespmem:v4+s3+$0x0], $0xffff  }
0xc2: {  	[tilespmem:s1+$0xFFFFFF10] =	vst v5;
	v5 =	vld [tilespmem:s5+$0x0];
	_ =	sdelay $0x1  }
0xc3: {  	[tilespmem:s31+$0xFFFFFF30] =	vst v7;
	v1 =	vld.idx.msk [tilespmem:v1+s21+$0x0], $0xffff  }
0xc4: {  	v3 =	vld.idx.msk [tilespmem:v3+s21+$0x0], $0xffff;
	[tilespmem:s31+$0x140] =	vst v2  }
0xc5: {  	v2 =	vld.idx.msk [tilespmem:v0+s17+$0x0], $0xffff;
	[tilespmem:s1+$0x20] =	vst v6  }
0xc6: {  	v6 =	vld.idx.msk [tilespmem:v4+s15+$0x0], $0xffff;
	_ =	sdelay $0x1  }
0xc7: {  	v7 =	vld [tilespmem:s5+$0xFFFFFF80];
	[tilespmem:s1+$0xFFFFFF90] =	vst v1  }
0xc8: {  	[tilespmem:s31+$0xFFFFFFB0] =	vst v3;
	v3 =	vld.idx.msk [tilespmem:v5+s3+$0x0], $0xffff  }
0xc9: {  	v1 =	vld [tilespmem:s0+$0xFFFFFFA0];
	[tilespmem:s31+$0x1C0] =	vst v2  }
0xca: {  	v2 =	vld.idx.msk [tilespmem:v0+s18+$0x0], $0xffff;
	[tilespmem:s1+$0xA0] =	vst v6  }
0xcb: {  	v6 =	vld.idx.msk [tilespmem:v4+s16+$0x0], $0xffff  }
0xcc: {  	s12 =	simm.s32 $0x5340  }
0xcd: {  	v8 =	vld [tilespmem:s7+$0xFFFFFFC0];
	[tilespmem:s12+$0x0] =	vst v3  }
0xce: {  	v3 =	vld.idx.msk [tilespmem:v5+s15+$0x0], $0xffff  }
0xcf: {  	[tilespmem:s31+$0x240] =	vst v2  }
0xd0: {  	v2 =	vld.idx.msk [tilespmem:v0+s19+$0x0], $0xffff;
	[tilespmem:s1+$0x120] =	vst v6  }
0xd1: {  	v6 =	vld.idx.msk [tilespmem:v4+s17+$0x0], $0xffff  }
0xd2: {  	v9 =	vld.idx.msk [tilespmem:v7+s3+$0x0], $0xffff  }
0xd3: {  	v10 =	vld.idx.msk [tilespmem:v1+s3+$0x0], $0xffff;
	[tilespmem:s12+$0x80] =	vst v3  }
0xd4: {  	v3 =	vld.idx.msk [tilespmem:v5+s16+$0x0], $0xffff  }
0xd5: {  	v11 =	vld.idx.msk [tilespmem:v8+s3+$0x0], $0xffff;
	[tilespmem:s31+$0x2C0] =	vst v2  }
0xd6: {  	v2 =	vld.idx.msk [tilespmem:v0+s20+$0x0], $0xffff;
	[tilespmem:s1+$0x1A0] =	vst v6  }
0xd7: {  	[tilespmem:s12+$0xFFFFFC00] =	vst v9;
	v6 =	vld.idx.msk [tilespmem:v4+s18+$0x0], $0xffff  }
0xd8: {  	v9 =	vld.idx.msk [tilespmem:v7+s15+$0x0], $0xffff;
	[tilespmem:s1+$0xFFFFFC20] =	vst v10  }
0xd9: {  	v10 =	vld.idx.msk [tilespmem:v1+s15+$0x0], $0xffff;
	[tilespmem:s12+$0x100] =	vst v3  }
0xda: {  	[tilespmem:s31+$0xFFFFFC40] =	vst v11;
	v3 =	vld.idx.msk [tilespmem:v5+s17+$0x0], $0xffff  }
0xdb: {  	[tilespmem:s31+$0x340] =	vst v2;
	v2 =	vld.idx.msk [tilespmem:v8+s15+$0x0], $0xffff  }
0xdc: {  	v0 =	vld.idx.msk [tilespmem:v0+s21+$0x0], $0xffff;
	[tilespmem:s1+$0x220] =	vst v6  }
0xdd: {  	[tilespmem:s12+$0xFFFFFC80] =	vst v9;
	v6 =	vld.idx.msk [tilespmem:v4+s19+$0x0], $0xffff  }
0xde: {  	v9 =	vld.idx.msk [tilespmem:v7+s16+$0x0], $0xffff;
	[tilespmem:s1+$0xFFFFFCA0] =	vst v10  }
0xdf: {  	v10 =	vld.idx.msk [tilespmem:v1+s16+$0x0], $0xffff;
	[tilespmem:s12+$0x180] =	vst v3  }
0xe0: {  	v3 =	vld.idx.msk [tilespmem:v5+s18+$0x0], $0xffff;
	[tilespmem:s31+$0xFFFFFCC0] =	vst v2  }
0xe1: {  	[tilespmem:s31+$0x3C0] =	vst v0;
	v2 =	vld.idx.msk [tilespmem:v8+s16+$0x0], $0xffff  }
0xe2: {  	v0 =	vld [tilespmem:s7+$0x50];
	[tilespmem:s1+$0x2A0] =	vst v6  }
0xe3: {  	v6 =	vld.idx.msk [tilespmem:v4+s20+$0x0], $0xffff  }
0xe4: {  	[tilespmem:s12+$0xFFFFFD00] =	vst v9  }
0xe5: {  	v9 =	vld.idx.msk [tilespmem:v7+s17+$0x0], $0xffff;
	[tilespmem:s1+$0xFFFFFD20] =	vst v10  }
0xe6: {  	v10 =	vld.idx.msk [tilespmem:v1+s17+$0x0], $0xffff;
	[tilespmem:s12+$0x200] =	vst v3  }
0xe7: {  	v3 =	vld.idx.msk [tilespmem:v5+s19+$0x0], $0xffff;
	[tilespmem:s31+$0xFFFFFD40] =	vst v2  }
0xe8: {  	v2 =	vld.idx.msk [tilespmem:v8+s17+$0x0], $0xffff;
	[tilespmem:s1+$0x320] =	vst v6  }
0xe9: {  	v4 =	vld.idx.msk [tilespmem:v4+s21+$0x0], $0xffff  }
0xea: {  	[tilespmem:s12+$0xFFFFFD80] =	vst v9;
	v6 =	vld.idx.msk [tilespmem:v0+s3+$0x0], $0xffff  }
0xeb: {  	v9 =	vld.idx.msk [tilespmem:v7+s18+$0x0], $0xffff;
	[tilespmem:s1+$0xFFFFFDA0] =	vst v10  }
0xec: {  	[tilespmem:s12+$0x280] =	vst v3  }
0xed: {  	v3 =	vld.idx.msk [tilespmem:v5+s20+$0x0], $0xffff;
	[tilespmem:s31+$0xFFFFFDC0] =	vst v2  }
0xee: {  	v2 =	vld.idx.msk [tilespmem:v1+s18+$0x0], $0xffff;
	[tilespmem:s1+$0x3A0] =	vst v4  }
0xef: {  	[tilespmem:s31+$0x50] =	vst v6;
	v6 =	vld [tilespmem:s0+$0x30]  }
0xf0: {  	[tilespmem:s12+$0xFFFFFE00] =	vst v9;
	v4 =	vld.idx.msk [tilespmem:v0+s15+$0x0], $0xffff  }
0xf1: {  	v9 =	vld.idx.msk [tilespmem:v7+s19+$0x0], $0xffff  }
0xf2: {  	v10 =	vld.idx.msk [tilespmem:v8+s18+$0x0], $0xffff;
	[tilespmem:s12+$0x300] =	vst v3  }
0xf3: {  	v3 =	vld.idx.msk [tilespmem:v5+s21+$0x0], $0xffff;
	[tilespmem:s1+$0xFFFFFE20] =	vst v2  }
0xf4: {  	v2 =	vld.idx.msk [tilespmem:v1+s19+$0x0], $0xffff  }
0xf5: {  	[tilespmem:s31+$0xD0] =	vst v4  }
0xf6: {  	[tilespmem:s12+$0xFFFFFE80] =	vst v9;
	v4 =	vld.idx.msk [tilespmem:v0+s16+$0x0], $0xffff  }
0xf7: {  	[tilespmem:s31+$0xFFFFFE40] =	vst v10;
	v5 =	vld.idx.msk [tilespmem:v6+s3+$0x0], $0xffff  }
0xf8: {  	v10 =	vld.idx.msk [tilespmem:v8+s19+$0x0], $0xffff;
	[tilespmem:s12+$0x380] =	vst v3  }
0xf9: {  	[tilespmem:s1+$0xFFFFFEA0] =	vst v2;
	v2 =	vld.idx.msk [tilespmem:v7+s20+$0x0], $0xffff  }
0xfa: {  	v3 =	vld [tilespmem:s5+$0x10]  }
0xfb: {  	v9 =	vld.idx.msk [tilespmem:v1+s20+$0x0], $0xffff;
	[tilespmem:s31+$0x150] =	vst v4  }
0xfc: {  	v4 =	vld.idx.msk [tilespmem:v0+s17+$0x0], $0xffff;
	[tilespmem:s1+$0x30] =	vst v5  }
0xfd: {  	[tilespmem:s31+$0xFFFFFEC0] =	vst v10;
	v5 =	vld.idx.msk [tilespmem:v6+s15+$0x0], $0xffff  }
0xfe: {  	v10 =	vld.idx.msk [tilespmem:v8+s20+$0x0], $0xffff;
	[tilespmem:s12+$0xFFFFFF00] =	vst v2  }
0xff: {  	v2 =	vld.idx.msk [tilespmem:v7+s21+$0x0], $0xffff  }
0x100: {  	[tilespmem:s1+$0xFFFFFF20] =	vst v9  }
0x101: {  	v1 =	vld.idx.msk [tilespmem:v1+s21+$0x0], $0xffff;
	[tilespmem:s31+$0x1D0] =	vst v4  }
0x102: {  	v4 =	vld.idx.msk [tilespmem:v0+s18+$0x0], $0xffff;
	[tilespmem:s1+$0xB0] =	vst v5  }
0x103: {  	[tilespmem:s31+$0xFFFFFF40] =	vst v10;
	v7 =	vld.idx.msk [tilespmem:v6+s16+$0x0], $0xffff  }
0x104: {  	[tilespmem:s12+$0xFFFFFF80] =	vst v2;
	v2 =	vld.idx.msk [tilespmem:v3+s3+$0x0], $0xffff  }
0x105: {  	v5 =	vld.idx.msk [tilespmem:v8+s21+$0x0], $0xffff  }
0x106: {  	v8 =	vld [tilespmem:s5+$0xFFFFFF90];
	[tilespmem:s1+$0xFFFFFFA0] =	vst v1  }
0x107: {  	v1 =	vld [tilespmem:s0+$0xFFFFFFB0];
	[tilespmem:s31+$0x250] =	vst v4  }
0x108: {  	v4 =	vld.idx.msk [tilespmem:v0+s19+$0x0], $0xffff;
	[tilespmem:s1+$0x130] =	vst v7  }
0x109: {  	[tilespmem:s12+$0x10] =	vst v2;
	v7 =	vld.idx.msk [tilespmem:v6+s17+$0x0], $0xffff  }
0x10a: {  	[tilespmem:s31+$0xFFFFFFC0] =	vst v5;
	v2 =	vld.idx.msk [tilespmem:v3+s15+$0x0], $0xffff  }
0x10b: {  	v5 =	vld [tilespmem:s7+$0xFFFFFFD0];
	_ =	sdelay $0x1  }
0x10c: {  	[tilespmem:s31+$0x2D0] =	vst v4  }
0x10d: {  	v4 =	vld.idx.msk [tilespmem:v0+s20+$0x0], $0xffff;
	[tilespmem:s1+$0x1B0] =	vst v7  }
0x10e: {  	v7 =	vld.idx.msk [tilespmem:v6+s18+$0x0], $0xffff  }
0x10f: {  	v9 =	vld.idx.msk [tilespmem:v8+s3+$0x0], $0xffff;
	[tilespmem:s12+$0x90] =	vst v2  }
0x110: {  	v2 =	vld.idx.msk [tilespmem:v3+s16+$0x0], $0xffff  }
0x111: {  	v10 =	vld.idx.msk [tilespmem:v1+s3+$0x0], $0xffff  }
0x112: {  	[tilespmem:s31+$0x350] =	vst v4;
	v4 =	vld.idx.msk [tilespmem:v5+s3+$0x0], $0xffff  }
0x113: {  	v0 =	vld.idx.msk [tilespmem:v0+s21+$0x0], $0xffff;
	[tilespmem:s1+$0x230] =	vst v7  }
0x114: {  	[tilespmem:s12+$0xFFFFFC10] =	vst v9;
	v7 =	vld.idx.msk [tilespmem:v6+s19+$0x0], $0xffff  }
0x115: {  	v9 =	vld.idx.msk [tilespmem:v8+s15+$0x0], $0xffff;
	[tilespmem:s12+$0x110] =	vst v2  }
0x116: {  	[tilespmem:s1+$0xFFFFFC30] =	vst v10;
	v2 =	vld.idx.msk [tilespmem:v3+s17+$0x0], $0xffff  }
0x117: {  	v10 =	vld.idx.msk [tilespmem:v1+s15+$0x0], $0xffff;
	[tilespmem:s31+$0xFFFFFC50] =	vst v4  }
0x118: {  	[tilespmem:s31+$0x3D0] =	vst v0;
	v0 =	vld.idx.msk [tilespmem:v5+s15+$0x0], $0xffff  }
0x119: {  	v4 =	vld [tilespmem:s7+$0x60];
	[tilespmem:s1+$0x2B0] =	vst v7  }
0x11a: {  	v7 =	vld.idx.msk [tilespmem:v6+s20+$0x0], $0xffff  }
0x11b: {  	[tilespmem:s12+$0x190] =	vst v2  }
0x11c: {  	[tilespmem:s12+$0xFFFFFC90] =	vst v9;
	v2 =	vld.idx.msk [tilespmem:v3+s18+$0x0], $0xffff  }
0x11d: {  	v9 =	vld.idx.msk [tilespmem:v8+s16+$0x0], $0xffff;
	[tilespmem:s1+$0xFFFFFCB0] =	vst v10  }
0x11e: {  	v10 =	vld.idx.msk [tilespmem:v1+s16+$0x0], $0xffff;
	[tilespmem:s31+$0xFFFFFCD0] =	vst v0  }
0x11f: {  	v0 =	vld.idx.msk [tilespmem:v5+s16+$0x0], $0xffff;
	[tilespmem:s1+$0x330] =	vst v7  }
0x120: {  	v6 =	vld.idx.msk [tilespmem:v6+s21+$0x0], $0xffff  }
0x121: {  	[tilespmem:s12+$0x210] =	vst v2;
	v7 =	vld.idx.msk [tilespmem:v4+s3+$0x0], $0xffff  }
0x122: {  	[tilespmem:s12+$0xFFFFFD10] =	vst v9;
	v2 =	vld.idx.msk [tilespmem:v3+s19+$0x0], $0xffff  }
0x123: {  	[tilespmem:s1+$0xFFFFFD30] =	vst v10;
	v9 =	vld.idx.msk [tilespmem:v8+s17+$0x0], $0xffff  }
0x124: {  	[tilespmem:s31+$0xFFFFFD50] =	vst v0;
	v0 =	vld.idx.msk [tilespmem:v1+s17+$0x0], $0xffff  }
0x125: {  	v10 =	vld.idx.msk [tilespmem:v5+s17+$0x0], $0xffff;
	[tilespmem:s1+$0x3B0] =	vst v6  }
0x126: {  	[tilespmem:s31+$0x60] =	vst v7;
	v7 =	vld [tilespmem:s0+$0x40]  }
0x127: {  	[tilespmem:s12+$0x290] =	vst v2;
	v6 =	vld.idx.msk [tilespmem:v4+s15+$0x0], $0xffff  }
0x128: {  	v2 =	vld.idx.msk [tilespmem:v3+s20+$0x0], $0xffff  }
0x129: {  	[tilespmem:s12+$0xFFFFFD90] =	vst v9  }
0x12a: {  	v9 =	vld.idx.msk [tilespmem:v8+s18+$0x0], $0xffff;
	[tilespmem:s1+$0xFFFFFDB0] =	vst v0  }
0x12b: {  	v0 =	vld.idx.msk [tilespmem:v1+s18+$0x0], $0xffff;
	[tilespmem:s31+$0xFFFFFDD0] =	vst v10  }
0x12c: {  	v10 =	vld.idx.msk [tilespmem:v5+s18+$0x0], $0xffff;
	[tilespmem:s31+$0xE0] =	vst v6  }
0x12d: {  	[tilespmem:s12+$0x310] =	vst v2;
	v6 =	vld.idx.msk [tilespmem:v4+s16+$0x0], $0xffff  }
0x12e: {  	v2 =	vld.idx.msk [tilespmem:v3+s21+$0x0], $0xffff  }
0x12f: {  	[tilespmem:s12+$0xFFFFFE10] =	vst v9;
	v3 =	vld.idx.msk [tilespmem:v7+s3+$0x0], $0xffff  }
0x130: {  	[tilespmem:s1+$0xFFFFFE30] =	vst v0;
	v0 =	vld.idx.msk [tilespmem:v8+s19+$0x0], $0xffff  }
0x131: {  	[tilespmem:s31+$0xFFFFFE50] =	vst v10;
	v9 =	vld.idx.msk [tilespmem:v1+s19+$0x0], $0xffff  }
0x132: {  	v10 =	vld.idx.msk [tilespmem:v5+s19+$0x0], $0xffff;
	[tilespmem:s31+$0x160] =	vst v6  }
0x133: {  	[tilespmem:s12+$0x390] =	vst v2;
	v6 =	vld.idx.msk [tilespmem:v4+s17+$0x0], $0xffff  }
0x134: {  	[tilespmem:s1+$0x40] =	vst v3;
	v3 =	vld [tilespmem:s5+$0x20]  }
0x135: {  	[tilespmem:s12+$0xFFFFFE90] =	vst v0;
	v2 =	vld.idx.msk [tilespmem:v7+s15+$0x0], $0xffff  }
0x136: {  	v0 =	vld.idx.msk [tilespmem:v8+s20+$0x0], $0xffff  }
0x137: {  	[tilespmem:s1+$0xFFFFFEB0] =	vst v9  }
0x138: {  	v9 =	vld.idx.msk [tilespmem:v1+s20+$0x0], $0xffff;
	[tilespmem:s31+$0xFFFFFED0] =	vst v10  }
0x139: {  	v10 =	vld.idx.msk [tilespmem:v5+s20+$0x0], $0xffff;
	[tilespmem:s31+$0x1E0] =	vst v6  }
0x13a: {  	v6 =	vld.idx.msk [tilespmem:v4+s18+$0x0], $0xffff;
	[tilespmem:s1+$0xC0] =	vst v2  }
0x13b: {  	[tilespmem:s12+$0xFFFFFF10] =	vst v0;
	v2 =	vld.idx.msk [tilespmem:v7+s16+$0x0], $0xffff  }
0x13c: {  	s6 =	simm.s32 $0x22C0;
	v8 =	vld.idx.msk [tilespmem:v8+s21+$0x0], $0xffff  }
0x13d: {  	[tilespmem:s1+$0xFFFFFF30] =	vst v9;
	v9 =	vld [tilespmem:s6+$0x0]  }
0x13e: {  	v0 =	vld.idx.msk [tilespmem:v3+s3+$0x0], $0xffff  }
0x13f: {  	v1 =	vld.idx.msk [tilespmem:v1+s21+$0x0], $0xffff;
	[tilespmem:s31+$0xFFFFFF50] =	vst v10  }
0x140: {  	v10 =	vld [tilespmem:s6+$0xFFFFFF80];
	[tilespmem:s31+$0x260] =	vst v6  }
0x141: {  	v6 =	vld.idx.msk [tilespmem:v4+s19+$0x0], $0xffff  }
0x142: {  	[tilespmem:s1+$0x140] =	vst v2;
	v2 =	vld.idx.msk [tilespmem:v5+s21+$0x0], $0xffff  }
0x143: {  	[tilespmem:s12+$0xFFFFFF90] =	vst v8;
	v5 =	vld.idx.msk [tilespmem:v7+s17+$0x0], $0xffff  }
0x144: {  	[tilespmem:s12+$0x20] =	vst v0;
	v8 =	vld [tilespmem:s5+$0xFFFFFFA0]  }
0x145: {  	v0 =	vld.idx.msk [tilespmem:v3+s15+$0x0], $0xffff  }
0x146: {  	v11 =	vld.idx.msk [tilespmem:v9+s3+$0x0], $0xffff;
	[tilespmem:s31+$0x2E0] =	vst v6  }
0x147: {  	[tilespmem:s1+$0xFFFFFFB0] =	vst v1;
	v6 =	vld.idx.msk [tilespmem:v4+s20+$0x0], $0xffff  }
0x148: {  	[tilespmem:s1+$0x1C0] =	vst v5;
	v5 =	vld [tilespmem:s0+$0xFFFFFFC0]  }
0x149: {  	[tilespmem:s31+$0xFFFFFFD0] =	vst v2;
	v1 =	vld.idx.msk [tilespmem:v7+s18+$0x0], $0xffff  }
0x14a: {  	[tilespmem:s12+$0xA0] =	vst v0;
	v0 =	vld [tilespmem:s7+$0xFFFFFFE0]  }
0x14b: {  	s11 =	simm.s32 $0x5B40;
	v2 =	vld.idx.msk [tilespmem:v3+s16+$0x0], $0xffff  }
0x14c: {  	[tilespmem:s11+$0x0] =	vst v11;
	v12 =	vld.idx.msk [tilespmem:v8+s3+$0x0], $0xffff  }
0x14d: {  	v14 =	vld.idx.msk [tilespmem:v9+s15+$0x0], $0xffff  }
0x14e: {  	[tilespmem:s31+$0x360] =	vst v6;
	v6 =	vld.idx.msk [tilespmem:v10+s3+$0x0], $0xffff  }
0x14f: {  	v4 =	vld.idx.msk [tilespmem:v4+s21+$0x0], $0xffff;
	[tilespmem:s1+$0x240] =	vst v1  }
0x150: {  	v1 =	vld.idx.msk [tilespmem:v7+s19+$0x0], $0xffff;
	[tilespmem:s12+$0x120] =	vst v2  }
0x151: {  	v13 =	vld.idx.msk [tilespmem:v3+s17+$0x0], $0xffff;
	[tilespmem:s12+$0xFFFFFC20] =	vst v12  }
0x152: {  	v11 =	vld.idx.msk [tilespmem:v5+s3+$0x0], $0xffff;
	[tilespmem:s11+$0x80] =	vst v14  }
0x153: {  	v52 =	vld.idx.msk [tilespmem:v9+s16+$0x0], $0xffff;
	[tilespmem:s11+$0xFFFFFC00] =	vst v6  }
0x154: {  	v6 =	vld.idx.msk [tilespmem:v8+s15+$0x0], $0xffff;
	[tilespmem:s31+$0x3E0] =	vst v4  }
0x155: {  	v4 =	vld.idx.msk [tilespmem:v10+s15+$0x0], $0xffff;
	[tilespmem:s1+$0x2C0] =	vst v1  }
0x156: {  	v1 =	vld.idx.msk [tilespmem:v7+s20+$0x0], $0xffff  }
0x157: {  	v2 =	vld [tilespmem:s7+$0x70];
	[tilespmem:s1+$0xFFFFFC40] =	vst v11  }
0x158: {  	[tilespmem:s12+$0x1A0] =	vst v13;
	v11 =	vld.idx.msk [tilespmem:v5+s15+$0x0], $0xffff  }
0x159: {  	v53 =	vld.idx.msk [tilespmem:v0+s3+$0x0], $0xffff;
	[tilespmem:s11+$0x100] =	vst v52  }
0x15a: {  	v51 =	vld.idx.msk [tilespmem:v3+s18+$0x0], $0xffff;
	[tilespmem:s12+$0xFFFFFCA0] =	vst v6  }
0x15b: {  	v54 =	vld.idx.msk [tilespmem:v8+s16+$0x0], $0xffff;
	[tilespmem:s1+$0x340] =	vst v1  }
0x15c: {  	[tilespmem:s11+$0xFFFFFC80] =	vst v4;
	v4 =	vld.idx.msk [tilespmem:v7+s21+$0x0], $0xffff  }
0x15d: {  	[tilespmem:s1+$0xFFFFFCC0] =	vst v11;
	v11 =	vld.idx.msk [tilespmem:v9+s17+$0x0], $0xffff  }
0x15e: {  	v7 =	vld.idx.msk [tilespmem:v10+s16+$0x0], $0xffff  }
0x15f: {  	[tilespmem:s12+$0x220] =	vst v51;
	v1 =	vld.idx.msk [tilespmem:v2+s3+$0x0], $0xffff  }
0x160: {  	v6 =	vld.idx.msk [tilespmem:v3+s19+$0x0], $0xffff;
	[tilespmem:s12+$0xFFFFFD20] =	vst v54  }
0x161: {  	v55 =	vld.idx.msk [tilespmem:v5+s16+$0x0], $0xffff;
	[tilespmem:s1+$0x3C0] =	vst v4  }
0x162: {  	[tilespmem:s11+$0x180] =	vst v11;
	v11 =	vld.idx.msk [tilespmem:v8+s17+$0x0], $0xffff  }
0x163: {  	[tilespmem:s11+$0xFFFFFD00] =	vst v7;
	v4 =	vld [tilespmem:s0+$0x50]  }
0x164: {  	[tilespmem:s31+$0xFFFFFC60] =	vst v53;
	v7 =	vld.idx.msk [tilespmem:v10+s17+$0x0], $0xffff  }
0x165: {  	[tilespmem:s31+$0x70] =	vst v1;
	v56 =	vld.idx.msk [tilespmem:v9+s18+$0x0], $0xffff  }
0x166: {  	[tilespmem:s12+$0x2A0] =	vst v6;
	v1 =	vld.idx.msk [tilespmem:v2+s15+$0x0], $0xffff  }
0x167: {  	[tilespmem:s1+$0xFFFFFD40] =	vst v55;
	v6 =	vld.idx.msk [tilespmem:v3+s20+$0x0], $0xffff  }
0x168: {  	v14 =	vld.idx.msk [tilespmem:v0+s15+$0x0], $0xffff;
	[tilespmem:s12+$0xFFFFFDA0] =	vst v11  }
0x169: {  	v13 =	vld.idx.msk [tilespmem:v5+s17+$0x0], $0xffff;
	[tilespmem:s11+$0xFFFFFD80] =	vst v7  }
0x16a: {  	[tilespmem:s11+$0x200] =	vst v56;
	v7 =	vld.idx.msk [tilespmem:v10+s18+$0x0], $0xffff  }
0x16b: {  	[tilespmem:s31+$0xF0] =	vst v1;
	v11 =	vld.idx.msk [tilespmem:v9+s19+$0x0], $0xffff  }
0x16c: {  	[tilespmem:s12+$0x320] =	vst v6;
	v1 =	vld.idx.msk [tilespmem:v2+s16+$0x0], $0xffff  }
0x16d: {  	v3 =	vld.idx.msk [tilespmem:v3+s21+$0x0], $0xffff  }
0x16e: {  	v6 =	vld.idx.msk [tilespmem:v4+s3+$0x0], $0xffff  }
0x16f: {  	v57 =	vld.idx.msk [tilespmem:v8+s18+$0x0], $0xffff;
	[tilespmem:s11+$0xFFFFFE00] =	vst v7  }
0x170: {  	[tilespmem:s11+$0x280] =	vst v11;
	v7 =	vld.idx.msk [tilespmem:v10+s19+$0x0], $0xffff  }
0x171: {  	[tilespmem:s31+$0x170] =	vst v1;
	v11 =	vld.idx.msk [tilespmem:v9+s20+$0x0], $0xffff  }
0x172: {  	[tilespmem:s12+$0x3A0] =	vst v3;
	v1 =	vld.idx.msk [tilespmem:v2+s17+$0x0], $0xffff  }
0x173: {  	[tilespmem:s1+$0x50] =	vst v6;
	v6 =	vld [tilespmem:s5+$0x30]  }
0x174: {  	[tilespmem:s1+$0xFFFFFDC0] =	vst v13;
	v3 =	vld.idx.msk [tilespmem:v4+s15+$0x0], $0xffff  }
0x175: {  	v13 =	vld.idx.msk [tilespmem:v5+s18+$0x0], $0xffff;
	[tilespmem:s12+$0xFFFFFE20] =	vst v57  }
0x176: {  	v12 =	vld.idx.msk [tilespmem:v8+s19+$0x0], $0xffff;
	[tilespmem:s11+$0x300] =	vst v11  }
0x177: {  	[tilespmem:s11+$0xFFFFFE80] =	vst v7;
	v7 =	vld.idx.msk [tilespmem:v9+s21+$0x0], $0xffff  }
0x178: {  	[tilespmem:s31+$0x1F0] =	vst v1;
	v9 =	vld.idx.msk [tilespmem:v10+s20+$0x0], $0xffff  }
0x179: {  	v1 =	vld.idx.msk [tilespmem:v2+s18+$0x0], $0xffff;
	[tilespmem:s1+$0xD0] =	vst v3  }
0x17a: {  	[tilespmem:s1+$0xFFFFFE40] =	vst v13;
	v3 =	vld.idx.msk [tilespmem:v4+s16+$0x0], $0xffff  }
0x17b: {  	v13 =	vld.idx.msk [tilespmem:v5+s19+$0x0], $0xffff;
	[tilespmem:s12+$0xFFFFFEA0] =	vst v12  }
0x17c: {  	v11 =	vld.idx.msk [tilespmem:v6+s3+$0x0], $0xffff;
	[tilespmem:s11+$0x380] =	vst v7  }
0x17d: {  	v12 =	vld.idx.msk [tilespmem:v8+s20+$0x0], $0xffff;
	[tilespmem:s11+$0xFFFFFF00] =	vst v9  }
0x17e: {  	[tilespmem:s31+$0x270] =	vst v1;
	v9 =	vld [tilespmem:s6+$0x10]  }
0x17f: {  	v1 =	vld.idx.msk [tilespmem:v2+s19+$0x0], $0xffff;
	[tilespmem:s1+$0x150] =	vst v3  }
0x180: {  	[tilespmem:s1+$0xFFFFFEC0] =	vst v13;
	v3 =	vld.idx.msk [tilespmem:v4+s17+$0x0], $0xffff  }
0x181: {  	[tilespmem:s12+$0x30] =	vst v11;
	v11 =	vld.idx.msk [tilespmem:v5+s20+$0x0], $0xffff  }
0x182: {  	[tilespmem:s31+$0xFFFFFCE0] =	vst v14;
	v10 =	vld.idx.msk [tilespmem:v10+s21+$0x0], $0xffff  }
0x183: {  	[tilespmem:s12+$0xFFFFFF20] =	vst v12;
	v7 =	vld.idx.msk [tilespmem:v6+s15+$0x0], $0xffff  }
0x184: {  	v14 =	vld.idx.msk [tilespmem:v0+s16+$0x0], $0xffff;
	[tilespmem:s31+$0x2F0] =	vst v1  }
0x185: {  	v1 =	vld.idx.msk [tilespmem:v8+s21+$0x0], $0xffff;
	[tilespmem:s1+$0x1D0] =	vst v3  }
0x186: {  	[tilespmem:s1+$0xFFFFFF40] =	vst v11;
	v3 =	vld.idx.msk [tilespmem:v4+s18+$0x0], $0xffff  }
0x187: {  	[tilespmem:s11+$0xFFFFFF80] =	vst v10;
	v5 =	vld.idx.msk [tilespmem:v5+s21+$0x0], $0xffff  }
0x188: {  	[tilespmem:s12+$0xB0] =	vst v7;
	v10 =	vld.idx.msk [tilespmem:v9+s3+$0x0], $0xffff  }
0x189: {  	[tilespmem:s31+$0xFFFFFD60] =	vst v14;
	v7 =	vld.idx.msk [tilespmem:v6+s16+$0x0], $0xffff  }
0x18a: {  	v8 =	vld.idx.msk [tilespmem:v0+s17+$0x0], $0xffff;
	[tilespmem:s12+$0xFFFFFFA0] =	vst v1  }
0x18b: {  	v11 =	vld [tilespmem:s6+$0xFFFFFF90];
	[tilespmem:s1+$0x250] =	vst v3  }
0x18c: {  	v59 =	vld [tilespmem:s5+$0xFFFFFFB0];
	[tilespmem:s1+$0xFFFFFFC0] =	vst v5  }
0x18d: {  	[tilespmem:s11+$0x10] =	vst v10;
	v1 =	vld.idx.msk [tilespmem:v4+s19+$0x0], $0xffff  }
0x18e: {  	[tilespmem:s12+$0x130] =	vst v7;
	v7 =	vld [tilespmem:s0+$0xFFFFFFD0]  }
0x18f: {  	v5 =	vld.idx.msk [tilespmem:v9+s15+$0x0], $0xffff  }
0x190: {  	v3 =	vld.idx.msk [tilespmem:v6+s17+$0x0], $0xffff  }
0x191: {  	[tilespmem:s31+$0xFFFFFDE0] =	vst v8  }
0x192: {  	v8 =	vld.idx.msk [tilespmem:v0+s18+$0x0], $0xffff  }
0x193: {  	v10 =	vld.idx.msk [tilespmem:v11+s3+$0x0], $0xffff;
	[tilespmem:s1+$0x2D0] =	vst v1  }
0x194: {  	[tilespmem:s11+$0x90] =	vst v5;
	v1 =	vld.idx.msk [tilespmem:v4+s20+$0x0], $0xffff  }
0x195: {  	[tilespmem:s12+$0x1B0] =	vst v3;
	v5 =	vld.idx.msk [tilespmem:v59+s3+$0x0], $0xffff  }
0x196: {  	v3 =	vld.idx.msk [tilespmem:v6+s18+$0x0], $0xffff  }
0x197: {  	[tilespmem:s31+$0xFFFFFE60] =	vst v8;
	v60 =	vld.idx.msk [tilespmem:v9+s16+$0x0], $0xffff  }
0x198: {  	[tilespmem:s11+$0xFFFFFC10] =	vst v10;
	v8 =	vld.idx.msk [tilespmem:v7+s3+$0x0], $0xffff  }
0x199: {  	[tilespmem:s1+$0x350] =	vst v1;
	v1 =	vld.idx.msk [tilespmem:v0+s19+$0x0], $0xffff  }
0x19a: {  	[tilespmem:s12+$0xFFFFFC30] =	vst v5;
	v4 =	vld.idx.msk [tilespmem:v4+s21+$0x0], $0xffff  }
0x19b: {  	[tilespmem:s12+$0x230] =	vst v3;
	v3 =	vld.idx.msk [tilespmem:v11+s15+$0x0], $0xffff  }
0x19c: {  	[tilespmem:s11+$0x110] =	vst v60;
	v10 =	vld.idx.msk [tilespmem:v59+s15+$0x0], $0xffff  }
0x19d: {  	v5 =	vld.idx.msk [tilespmem:v6+s19+$0x0], $0xffff;
	[tilespmem:s1+$0xFFFFFC50] =	vst v8  }
0x19e: {  	v8 =	vld.idx.msk [tilespmem:v9+s17+$0x0], $0xffff;
	[tilespmem:s31+$0xFFFFFEE0] =	vst v1  }
0x19f: {  	v58 =	vld.idx.msk [tilespmem:v2+s20+$0x0], $0xffff;
	[tilespmem:s1+$0x3D0] =	vst v4  }
0x1a0: {  	v4 =	vld.idx.msk [tilespmem:v7+s15+$0x0], $0xffff;
	[tilespmem:s11+$0xFFFFFC90] =	vst v3  }
0x1a1: {  	v3 =	vld.idx.msk [tilespmem:v0+s20+$0x0], $0xffff;
	[tilespmem:s12+$0xFFFFFCB0] =	vst v10  }
0x1a2: {  	v1 =	vld [tilespmem:s0+$0x60];
	[tilespmem:s12+$0x2B0] =	vst v5  }
0x1a3: {  	[tilespmem:s11+$0x190] =	vst v8;
	v8 =	vld.idx.msk [tilespmem:v59+s16+$0x0], $0xffff  }
0x1a4: {  	v10 =	vld.idx.msk [tilespmem:v6+s20+$0x0], $0xffff  }
0x1a5: {  	v5 =	vld.idx.msk [tilespmem:v11+s16+$0x0], $0xffff  }
0x1a6: {  	[tilespmem:s1+$0xFFFFFCD0] =	vst v4;
	v4 =	vld.idx.msk [tilespmem:v9+s18+$0x0], $0xffff  }
0x1a7: {  	[tilespmem:s31+$0xFFFFFF60] =	vst v3;
	v3 =	vld.idx.msk [tilespmem:v7+s16+$0x0], $0xffff  }
0x1a8: {  	v0 =	vld.idx.msk [tilespmem:v0+s21+$0x0], $0xffff;
	[tilespmem:s12+$0xFFFFFD30] =	vst v8  }
0x1a9: {  	[tilespmem:s12+$0x330] =	vst v10;
	v8 =	vld.idx.msk [tilespmem:v59+s17+$0x0], $0xffff  }
0x1aa: {  	[tilespmem:s11+$0xFFFFFD10] =	vst v5;
	v5 =	vld.idx.msk [tilespmem:v6+s21+$0x0], $0xffff  }
0x1ab: {  	v6 =	vld.idx.msk [tilespmem:v11+s17+$0x0], $0xffff  }
0x1ac: {  	v10 =	vld.idx.msk [tilespmem:v1+s3+$0x0], $0xffff;
	[tilespmem:s11+$0x210] =	vst v4  }
0x1ad: {  	v4 =	vld.idx.msk [tilespmem:v9+s19+$0x0], $0xffff;
	[tilespmem:s1+$0xFFFFFD50] =	vst v3  }
0x1ae: {  	[tilespmem:s31+$0xFFFFFFE0] =	vst v0;
	v61 =	vld.idx.msk [tilespmem:v7+s17+$0x0], $0xffff  }
0x1af: {  	v0 =	vld [tilespmem:s7+$0xFFFFFFF0];
	[tilespmem:s12+$0xFFFFFDB0] =	vst v8  }
0x1b0: {  	[tilespmem:s12+$0x3B0] =	vst v5;
	v8 =	vld.idx.msk [tilespmem:v59+s18+$0x0], $0xffff  }
0x1b1: {  	[tilespmem:s11+$0xFFFFFD90] =	vst v6;
	v3 =	vld [tilespmem:s5+$0x40]  }
0x1b2: {  	[tilespmem:s1+$0x60] =	vst v10;
	v6 =	vld.idx.msk [tilespmem:v11+s18+$0x0], $0xffff  }
0x1b3: {  	[tilespmem:s31+$0x370] =	vst v58;
	v5 =	vld.idx.msk [tilespmem:v1+s15+$0x0], $0xffff  }
0x1b4: {  	v2 =	vld.idx.msk [tilespmem:v2+s21+$0x0], $0xffff;
	[tilespmem:s11+$0x290] =	vst v4  }
0x1b5: {  	v4 =	vld.idx.msk [tilespmem:v9+s20+$0x0], $0xffff;
	[tilespmem:s1+$0xFFFFFDD0] =	vst v61  }
0x1b6: {  	v10 =	vld.idx.msk [tilespmem:v7+s18+$0x0], $0xffff;
	[tilespmem:s12+$0xFFFFFE30] =	vst v8  }
0x1b7: {  	[tilespmem:s11+$0xFFFFFE10] =	vst v6;
	v62 =	vld.idx.msk [tilespmem:v0+s3+$0x0], $0xffff  }
0x1b8: {  	[tilespmem:s1+$0xE0] =	vst v5;
	v8 =	vld.idx.msk [tilespmem:v11+s19+$0x0], $0xffff  }
0x1b9: {  	v5 =	vld.idx.msk [tilespmem:v1+s16+$0x0], $0xffff  }
0x1ba: {  	[tilespmem:s11+$0x310] =	vst v4;
	v4 =	vld.idx.msk [tilespmem:v3+s3+$0x0], $0xffff  }
0x1bb: {  	[tilespmem:s31+$0x3F0] =	vst v2;
	v6 =	vld.idx.msk [tilespmem:v9+s21+$0x0], $0xffff  }
0x1bc: {  	[tilespmem:s1+$0xFFFFFE50] =	vst v10;
	v9 =	vld.idx.msk [tilespmem:v59+s19+$0x0], $0xffff  }
0x1bd: {  	v10 =	vld.idx.msk [tilespmem:v7+s19+$0x0], $0xffff;
	[tilespmem:s31+$0xFFFFFC70] =	vst v62  }
0x1be: {  	[tilespmem:s1+$0x160] =	vst v5;
	v12 =	vld.idx.msk [tilespmem:v0+s15+$0x0], $0xffff  }
0x1bf: {  	v5 =	vld.idx.msk [tilespmem:v1+s17+$0x0], $0xffff;
	[tilespmem:s12+$0x40] =	vst v4  }
0x1c0: {  	[tilespmem:s11+$0x390] =	vst v6;
	v6 =	vld.idx.msk [tilespmem:v3+s15+$0x0], $0xffff  }
0x1c1: {  	[tilespmem:s11+$0xFFFFFE90] =	vst v8;
	v4 =	vld [tilespmem:s6+$0x20]  }
0x1c2: {  	v8 =	vld.idx.msk [tilespmem:v11+s20+$0x0], $0xffff;
	[tilespmem:s12+$0xFFFFFEB0] =	vst v9  }
0x1c3: {  	v9 =	vld.idx.msk [tilespmem:v59+s20+$0x0], $0xffff;
	[tilespmem:s1+$0xFFFFFED0] =	vst v10  }
0x1c4: {  	v10 =	vld.idx.msk [tilespmem:v7+s20+$0x0], $0xffff;
	[tilespmem:s1+$0x1E0] =	vst v5  }
0x1c5: {  	[tilespmem:s31+$0xFFFFFCF0] =	vst v12;
	v63 =	vld.idx.msk [tilespmem:v1+s18+$0x0], $0xffff  }
0x1c6: {  	v12 =	vld.idx.msk [tilespmem:v0+s16+$0x0], $0xffff;
	[tilespmem:s12+$0xC0] =	vst v6  }
0x1c7: {  	[tilespmem:s11+$0xFFFFFF10] =	vst v8;
	v2 =	vld.idx.msk [tilespmem:v3+s16+$0x0], $0xffff  }
0x1c8: {  	v11 =	vld.idx.msk [tilespmem:v11+s21+$0x0], $0xffff;
	[tilespmem:s12+$0xFFFFFF30] =	vst v9  }
0x1c9: {  	[tilespmem:s1+$0xFFFFFF50] =	vst v10;
	v8 =	vld.idx.msk [tilespmem:v4+s3+$0x0], $0xffff  }
0x1ca: {  	v5 =	vld.idx.msk [tilespmem:v59+s21+$0x0], $0xffff;
	[tilespmem:s1+$0x260] =	vst v63  }
0x1cb: {  	[tilespmem:s31+$0xFFFFFD70] =	vst v12;
	v6 =	vld.idx.msk [tilespmem:v1+s19+$0x0], $0xffff  }
0x1cc: {  	[tilespmem:s12+$0x140] =	vst v2;
	v2 =	vld.idx.msk [tilespmem:v7+s21+$0x0], $0xffff  }
0x1cd: {  	v7 =	vld.idx.msk [tilespmem:v0+s17+$0x0], $0xffff  }
0x1ce: {  	s30 =	sshll.u32 s29, $0x1;
	s25 =	simm.s32 $0x6;
	v9 =	vld.idx.msk [tilespmem:v3+s17+$0x0], $0xffff;
	[tilespmem:s11+$0x20] =	vst v8  }
0x1cf: {  	s26 =	simm.s32 $0x23C0;
	s10 =	simm.s32 $0x5B40;
	s7 =	sadd.s32 s4, s30;
	[tilespmem:s11+$0xFFFFFF90] =	vst v11;
	v10 =	vld.idx.msk [tilespmem:v4+s15+$0x0], $0xffff  }
.LBB2_3:
0x1d0: {  	v8 =	vld [tilespmem:s26+$0x0];
	s25 =	sadd.s32 $0x2, s25;
	[tilespmem:s12+$0xFFFFFFB0] =	vst v5  }
0x1d1: {  	v5 =	vld [tilespmem:s26+$0xFFFFFF80];
	p1 =	slt.u32 s25, $0x1E;
	[tilespmem:s1+$0x2E0] =	vst v6  }
0x1d2: {  	[tilespmem:s1+$0xFFFFFFD0] =	vst v2;
	v11 =	vld.idx.msk [tilespmem:v1+s20+$0x0], $0xffff  }
0x1d3: {  	v6 =	vld [tilespmem:s6+$0xFFFFFFA0];
	[tilespmem:s12+$0x1C0] =	vst v9  }
0x1d4: {  	v9 =	vld.idx.msk [tilespmem:v3+s18+$0x0], $0xffff;
	[tilespmem:s31+$0xFFFFFDF0] =	vst v7  }
0x1d5: {  	[tilespmem:s11+$0xA0] =	vst v10;
	v7 =	vld [tilespmem:s5+$0xFFFFFFC0]  }
0x1d6: {  	v10 =	vld.idx.msk [tilespmem:v4+s16+$0x0], $0xffff  }
0x1d7: {  	v2 =	vld [tilespmem:s0+$0xFFFFFFE0]  }
0x1d8: {  	v12 =	vld.idx.msk [tilespmem:v8+s3+$0x0], $0xffff;
	[tilespmem:s1+$0x360] =	vst v11  }
0x1d9: {  	v1 =	vld.idx.msk [tilespmem:v1+s21+$0x0], $0xffff  }
0x1da: {  	v11 =	vld.idx.msk [tilespmem:v5+s3+$0x0], $0xffff;
	[tilespmem:s12+$0x240] =	vst v9  }
0x1db: {  	v9 =	vld.idx.msk [tilespmem:v3+s19+$0x0], $0xffff  }
0x1dc: {  	v13 =	vld.idx.msk [tilespmem:v6+s3+$0x0], $0xffff;
	[tilespmem:s11+$0x120] =	vst v10  }
0x1dd: {  	s11 =	sadd.s32 $0x800, s11;
	v10 =	vld.idx.msk [tilespmem:v4+s17+$0x0], $0xffff  }
0x1de: {  	[tilespmem:s11+$0x0] =	vst v12;
	v12 =	vld.idx.msk [tilespmem:v7+s3+$0x0], $0xffff  }
0x1df: {  	v14 =	vld.idx.msk [tilespmem:v8+s15+$0x0], $0xffff;
	[tilespmem:s1+$0x3E0] =	vst v1  }
0x1e0: {  	[tilespmem:s11+$0xFFFFFC00] =	vst v11;
	v1 =	vld [tilespmem:s0+$0x70]  }
0x1e1: {  	v11 =	vld.idx.msk [tilespmem:v5+s15+$0x0], $0xffff;
	[tilespmem:s12+$0x2C0] =	vst v9  }
0x1e2: {  	[tilespmem:s10+$0xFFFFFC20] =	vst v13;
	v9 =	vld.idx.msk [tilespmem:v3+s20+$0x0], $0xffff  }
0x1e3: {  	v13 =	vld.idx.msk [tilespmem:v6+s15+$0x0], $0xffff;
	[tilespmem:s10+$0x1A0] =	vst v10  }
0x1e4: {  	v10 =	vld.idx.msk [tilespmem:v4+s18+$0x0], $0xffff;
	[tilespmem:s12+$0xFFFFFC40] =	vst v12  }
0x1e5: {  	[tilespmem:s11+$0x80] =	vst v14;
	v12 =	vld.idx.msk [tilespmem:v7+s15+$0x0], $0xffff  }
0x1e6: {  	v14 =	vld.idx.msk [tilespmem:v8+s16+$0x0], $0xffff  }
0x1e7: {  	[tilespmem:s11+$0xFFFFFC80] =	vst v11;
	v11 =	vld.idx.msk [tilespmem:v2+s3+$0x0], $0xffff  }
0x1e8: {  	[tilespmem:s12+$0x340] =	vst v9;
	v9 =	vld.idx.msk [tilespmem:v1+s3+$0x0], $0xffff  }
0x1e9: {  	[tilespmem:s10+$0xFFFFFCA0] =	vst v13;
	v3 =	vld.idx.msk [tilespmem:v3+s21+$0x0], $0xffff  }
0x1ea: {  	v13 =	vld.idx.msk [tilespmem:v5+s16+$0x0], $0xffff;
	[tilespmem:s10+$0x220] =	vst v10  }
0x1eb: {  	v10 =	vld.idx.msk [tilespmem:v4+s19+$0x0], $0xffff;
	[tilespmem:s12+$0xFFFFFCC0] =	vst v12  }
0x1ec: {  	[tilespmem:s11+$0x100] =	vst v14;
	v12 =	vld.idx.msk [tilespmem:v6+s16+$0x0], $0xffff  }
0x1ed: {  	v14 =	vld.idx.msk [tilespmem:v8+s17+$0x0], $0xffff;
	[tilespmem:s1+$0xFFFFFC60] =	vst v11  }
0x1ee: {  	v11 =	vld.idx.msk [tilespmem:v7+s16+$0x0], $0xffff;
	[tilespmem:s1+$0x70] =	vst v9  }
0x1ef: {  	[tilespmem:s12+$0x3C0] =	vst v3;
	v3 =	vld.idx.msk [tilespmem:v1+s15+$0x0], $0xffff  }
0x1f0: {  	[tilespmem:s11+$0xFFFFFD00] =	vst v13;
	v9 =	vld [tilespmem:s5+$0x50]  }
0x1f1: {  	v13 =	vld.idx.msk [tilespmem:v5+s17+$0x0], $0xffff;
	[tilespmem:s10+$0x2A0] =	vst v10  }
0x1f2: {  	[tilespmem:s10+$0xFFFFFD20] =	vst v12;
	v10 =	vld.idx.msk [tilespmem:v4+s20+$0x0], $0xffff  }
0x1f3: {  	[tilespmem:s11+$0x180] =	vst v14;
	v12 =	vld.idx.msk [tilespmem:v6+s17+$0x0], $0xffff  }
0x1f4: {  	v14 =	vld.idx.msk [tilespmem:v8+s18+$0x0], $0xffff;
	[tilespmem:s12+$0xFFFFFD40] =	vst v11  }
0x1f5: {  	v11 =	vld.idx.msk [tilespmem:v7+s17+$0x0], $0xffff;
	[tilespmem:s1+$0xF0] =	vst v3  }
0x1f6: {  	v3 =	vld.idx.msk [tilespmem:v1+s16+$0x0], $0xffff  }
0x1f7: {  	[tilespmem:s11+$0xFFFFFD80] =	vst v13;
	v13 =	vld.idx.msk [tilespmem:v2+s15+$0x0], $0xffff  }
0x1f8: {  	[tilespmem:s10+$0x320] =	vst v10;
	v10 =	vld.idx.msk [tilespmem:v9+s3+$0x0], $0xffff  }
0x1f9: {  	[tilespmem:s10+$0xFFFFFDA0] =	vst v12;
	v4 =	vld.idx.msk [tilespmem:v4+s21+$0x0], $0xffff  }
0x1fa: {  	v12 =	vld.idx.msk [tilespmem:v5+s18+$0x0], $0xffff;
	[tilespmem:s11+$0x200] =	vst v14  }
0x1fb: {  	v14 =	vld.idx.msk [tilespmem:v8+s19+$0x0], $0xffff;
	[tilespmem:s12+$0xFFFFFDC0] =	vst v11  }
0x1fc: {  	v11 =	vld.idx.msk [tilespmem:v6+s18+$0x0], $0xffff;
	[tilespmem:s1+$0x170] =	vst v3  }
0x1fd: {  	[tilespmem:s1+$0xFFFFFCE0] =	vst v13;
	v13 =	vld.idx.msk [tilespmem:v1+s17+$0x0], $0xffff  }
0x1fe: {  	v15 =	vld.idx.msk [tilespmem:v7+s18+$0x0], $0xffff;
	[tilespmem:s12+$0x50] =	vst v10  }
0x1ff: {  	[tilespmem:s10+$0x3A0] =	vst v4;
	v4 =	vld.idx.msk [tilespmem:v9+s15+$0x0], $0xffff  }
0x200: {  	[tilespmem:s11+$0xFFFFFE00] =	vst v12;
	v3 =	vld [tilespmem:s6+$0x30]  }
0x201: {  	v10 =	vld.idx.msk [tilespmem:v5+s19+$0x0], $0xffff;
	[tilespmem:s11+$0x280] =	vst v14  }
0x202: {  	v12 =	vld.idx.msk [tilespmem:v8+s20+$0x0], $0xffff;
	[tilespmem:s10+$0xFFFFFE20] =	vst v11  }
0x203: {  	v11 =	vld.idx.msk [tilespmem:v6+s19+$0x0], $0xffff;
	[tilespmem:s1+$0x1F0] =	vst v13  }
0x204: {  	[tilespmem:s12+$0xFFFFFE40] =	vst v15;
	v13 =	vld.idx.msk [tilespmem:v1+s18+$0x0], $0xffff  }
0x205: {  	v14 =	vld.idx.msk [tilespmem:v7+s19+$0x0], $0xffff;
	[tilespmem:s12+$0xD0] =	vst v4  }
0x206: {  	v4 =	vld.idx.msk [tilespmem:v9+s16+$0x0], $0xffff  }
0x207: {  	[tilespmem:s11+$0xFFFFFE80] =	vst v10;
	v10 =	vld.idx.msk [tilespmem:v2+s16+$0x0], $0xffff  }
0x208: {  	[tilespmem:s11+$0x300] =	vst v12;
	v12 =	vld.idx.msk [tilespmem:v3+s3+$0x0], $0xffff  }
0x209: {  	v8 =	vld.idx.msk [tilespmem:v8+s21+$0x0], $0xffff;
	[tilespmem:s10+$0xFFFFFEA0] =	vst v11  }
0x20a: {  	v11 =	vld.idx.msk [tilespmem:v5+s20+$0x0], $0xffff;
	[tilespmem:s1+$0x270] =	vst v13  }
0x20b: {  	[tilespmem:s12+$0xFFFFFEC0] =	vst v14;
	v13 =	vld.idx.msk [tilespmem:v1+s19+$0x0], $0xffff  }
0x20c: {  	v14 =	vld.idx.msk [tilespmem:v6+s20+$0x0], $0xffff;
	[tilespmem:s12+$0x150] =	vst v4  }
0x20d: {  	v15 =	vld.idx.msk [tilespmem:v9+s17+$0x0], $0xffff;
	[tilespmem:s1+$0xFFFFFD60] =	vst v10  }
0x20e: {  	[tilespmem:s10+$0x30] =	vst v12;
	v10 =	vld.idx.msk [tilespmem:v7+s20+$0x0], $0xffff  }
0x20f: {  	[tilespmem:s11+$0x380] =	vst v8;
	v8 =	vld.idx.msk [tilespmem:v3+s15+$0x0], $0xffff  }
0x210: {  	[tilespmem:s11+$0xFFFFFF00] =	vst v11;
	v4 =	vld [tilespmem:s26+$0x10]  }
0x211: {  	v5 =	vld.idx.msk [tilespmem:v5+s21+$0x0], $0xffff;
	[tilespmem:s1+$0x2F0] =	vst v13  }
0x212: {  	[tilespmem:s10+$0xFFFFFF20] =	vst v14;
	v11 =	vld.idx.msk [tilespmem:v1+s20+$0x0], $0xffff  }
0x213: {  	v6 =	vld.idx.msk [tilespmem:v6+s21+$0x0], $0xffff;
	[tilespmem:s12+$0x1D0] =	vst v15  }
0x214: {  	[tilespmem:s12+$0xFFFFFF40] =	vst v10;
	v10 =	vld.idx.msk [tilespmem:v9+s18+$0x0], $0xffff  }
0x215: {  	[tilespmem:s10+$0xB0] =	vst v8;
	v7 =	vld.idx.msk [tilespmem:v7+s21+$0x0], $0xffff  }
0x216: {  	v8 =	vld.idx.msk [tilespmem:v3+s16+$0x0], $0xffff  }
0x217: {  	[tilespmem:s11+$0xFFFFFF80] =	vst v5;
	v12 =	vld.idx.msk [tilespmem:v2+s17+$0x0], $0xffff  }
0x218: {  	v13 =	vld.idx.msk [tilespmem:v4+s3+$0x0], $0xffff;
	[tilespmem:s1+$0x370] =	vst v11  }
0x219: {  	[tilespmem:s10+$0xFFFFFFA0] =	vst v6;
	v1 =	vld.idx.msk [tilespmem:v1+s21+$0x0], $0xffff  }
0x21a: {  	v5 =	vld [tilespmem:s26+$0xFFFFFF90];
	[tilespmem:s12+$0x250] =	vst v10  }
0x21b: {  	[tilespmem:s12+$0xFFFFFFC0] =	vst v7;
	v10 =	vld.idx.msk [tilespmem:v9+s19+$0x0], $0xffff  }
0x21c: {  	v6 =	vld [tilespmem:s6+$0xFFFFFFB0];
	[tilespmem:s10+$0x130] =	vst v8  }
0x21d: {  	v8 =	vld.idx.msk [tilespmem:v3+s17+$0x0], $0xffff;
	[tilespmem:s1+$0xFFFFFDE0] =	vst v12  }
0x21e: {  	[tilespmem:s11+$0x10] =	vst v13;
	v7 =	vld [tilespmem:s5+$0xFFFFFFD0]  }
0x21f: {  	v11 =	vld.idx.msk [tilespmem:v4+s15+$0x0], $0xffff;
	[tilespmem:s1+$0x3F0] =	vst v1  }
0x220: {  	v1 =	vld.idx.msk [tilespmem:v2+s18+$0x0], $0xffff  }
0x221: {  	[tilespmem:s12+$0x2D0] =	vst v10;
	v10 =	vld.idx.msk [tilespmem:v0+s18+$0x0], $0xffff  }
0x222: {  	v12 =	vld.idx.msk [tilespmem:v9+s20+$0x0], $0xffff  }
0x223: {  	v13 =	vld.idx.msk [tilespmem:v5+s3+$0x0], $0xffff;
	[tilespmem:s10+$0x1B0] =	vst v8  }
0x224: {  	v8 =	vld.idx.msk [tilespmem:v3+s18+$0x0], $0xffff  }
0x225: {  	[tilespmem:s11+$0x90] =	vst v11;
	v11 =	vld.idx.msk [tilespmem:v6+s3+$0x0], $0xffff  }
0x226: {  	v14 =	vld.idx.msk [tilespmem:v4+s16+$0x0], $0xffff;
	[tilespmem:s1+$0xFFFFFE60] =	vst v1  }
0x227: {  	v1 =	vld.idx.msk [tilespmem:v7+s3+$0x0], $0xffff;
	[tilespmem:s31+$0xFFFFFE70] =	vst v10  }
0x228: {  	[tilespmem:s12+$0x350] =	vst v12;
	v10 =	vld.idx.msk [tilespmem:v2+s19+$0x0], $0xffff  }
0x229: {  	[tilespmem:s11+$0xFFFFFC10] =	vst v13;
	v9 =	vld.idx.msk [tilespmem:v9+s21+$0x0], $0xffff  }
0x22a: {  	v12 =	vld.idx.msk [tilespmem:v5+s15+$0x0], $0xffff;
	[tilespmem:s10+$0x230] =	vst v8  }
0x22b: {  	[tilespmem:s10+$0xFFFFFC30] =	vst v11;
	v8 =	vld.idx.msk [tilespmem:v3+s19+$0x0], $0xffff  }
0x22c: {  	[tilespmem:s11+$0x110] =	vst v14;
	v11 =	vld.idx.msk [tilespmem:v6+s15+$0x0], $0xffff  }
0x22d: {  	v13 =	vld.idx.msk [tilespmem:v4+s17+$0x0], $0xffff;
	[tilespmem:s12+$0xFFFFFC50] =	vst v1  }
0x22e: {  	v14 =	vld.idx.msk [tilespmem:v7+s15+$0x0], $0xffff;
	[tilespmem:s1+$0xFFFFFEE0] =	vst v10  }
0x22f: {  	[tilespmem:s12+$0x3D0] =	vst v9;
	v9 =	vld.idx.msk [tilespmem:v2+s20+$0x0], $0xffff  }
0x230: {  	[tilespmem:s11+$0xFFFFFC90] =	vst v12;
	v1 =	vld [tilespmem:s5+$0x60]  }
0x231: {  	v10 =	vld.idx.msk [tilespmem:v5+s16+$0x0], $0xffff;
	[tilespmem:s10+$0x2B0] =	vst v8  }
0x232: {  	[tilespmem:s10+$0xFFFFFCB0] =	vst v11;
	v8 =	vld.idx.msk [tilespmem:v3+s20+$0x0], $0xffff  }
0x233: {  	[tilespmem:s11+$0x190] =	vst v13;
	v11 =	vld.idx.msk [tilespmem:v6+s16+$0x0], $0xffff  }
0x234: {  	v12 =	vld.idx.msk [tilespmem:v4+s18+$0x0], $0xffff;
	[tilespmem:s12+$0xFFFFFCD0] =	vst v14  }
0x235: {  	v13 =	vld.idx.msk [tilespmem:v7+s16+$0x0], $0xffff;
	[tilespmem:s1+$0xFFFFFF60] =	vst v9  }
0x236: {  	v2 =	vld.idx.msk [tilespmem:v2+s21+$0x0], $0xffff  }
0x237: {  	[tilespmem:s11+$0xFFFFFD10] =	vst v10;
	v9 =	vld.idx.msk [tilespmem:v0+s19+$0x0], $0xffff  }
0x238: {  	[tilespmem:s10+$0x330] =	vst v8;
	v8 =	vld.idx.msk [tilespmem:v1+s3+$0x0], $0xffff  }
0x239: {  	[tilespmem:s10+$0xFFFFFD30] =	vst v11;
	v3 =	vld.idx.msk [tilespmem:v3+s21+$0x0], $0xffff  }
0x23a: {  	v10 =	vld.idx.msk [tilespmem:v5+s17+$0x0], $0xffff;
	[tilespmem:s11+$0x210] =	vst v12  }
0x23b: {  	v11 =	vld.idx.msk [tilespmem:v4+s19+$0x0], $0xffff;
	[tilespmem:s12+$0xFFFFFD50] =	vst v13  }
0x23c: {  	v12 =	vld.idx.msk [tilespmem:v6+s17+$0x0], $0xffff;
	[tilespmem:s1+$0xFFFFFFE0] =	vst v2  }
0x23d: {  	v2 =	vld.idx.msk [tilespmem:v7+s17+$0x0], $0xffff;
	[tilespmem:s31+$0xFFFFFEF0] =	vst v9  }
0x23e: {  	[tilespmem:s12+$0x60] =	vst v8;
	v8 =	vld [tilespmem:s0+$0xFFFFFFF0];
	s0 =	smov.u32 s5;
	s5 =	smov.u32 s6;
	s6 =	smov.u32 s26  }
0x23f: {  	[tilespmem:s10+$0x3B0] =	vst v3;
	v9 =	vld.idx.msk [tilespmem:v1+s15+$0x0], $0xffff  }
0x240: {  	[tilespmem:s11+$0xFFFFFD90] =	vst v10;
	v3 =	vld [tilespmem:s5+$0x40]  }
0x241: {  	v10 =	vld.idx.msk [tilespmem:v5+s18+$0x0], $0xffff;
	[tilespmem:s11+$0x290] =	vst v11  }
0x242: {  	v11 =	vld.idx.msk [tilespmem:v4+s20+$0x0], $0xffff;
	[tilespmem:s10+$0xFFFFFDB0] =	vst v12  }
0x243: {  	v12 =	vld.idx.msk [tilespmem:v6+s18+$0x0], $0xffff;
	[tilespmem:s12+$0xFFFFFDD0] =	vst v2  }
0x244: {  	v2 =	vld.idx.msk [tilespmem:v7+s18+$0x0], $0xffff  }
0x245: {  	[tilespmem:s12+$0xE0] =	vst v9;
	v9 =	vld.idx.msk [tilespmem:v0+s20+$0x0], $0xffff  }
0x246: {  	v13 =	vld.idx.msk [tilespmem:v1+s16+$0x0], $0xffff  }
0x247: {  	[tilespmem:s11+$0xFFFFFE10] =	vst v10;
	v10 =	vld.idx.msk [tilespmem:v8+s3+$0x0], $0xffff  }
0x248: {  	[tilespmem:s11+$0x310] =	vst v11;
	v11 =	vld.idx.msk [tilespmem:v3+s3+$0x0], $0xffff  }
0x249: {  	v4 =	vld.idx.msk [tilespmem:v4+s21+$0x0], $0xffff;
	[tilespmem:s10+$0xFFFFFE30] =	vst v12  }
0x24a: {  	v12 =	vld.idx.msk [tilespmem:v5+s19+$0x0], $0xffff;
	[tilespmem:s12+$0xFFFFFE50] =	vst v2  }
0x24b: {  	v2 =	vld.idx.msk [tilespmem:v6+s19+$0x0], $0xffff;
	[tilespmem:s31+$0xFFFFFF70] =	vst v9  }
0x24c: {  	v9 =	vld.idx.msk [tilespmem:v7+s19+$0x0], $0xffff;
	[tilespmem:s12+$0x160] =	vst v13  }
0x24d: {  	v13 =	vld.idx.msk [tilespmem:v1+s17+$0x0], $0xffff;
	[tilespmem:s1+$0xFFFFFC70] =	vst v10  }
0x24e: {  	[tilespmem:s10+$0x40] =	vst v11;
	v10 =	vld.idx.msk [tilespmem:v8+s15+$0x0], $0xffff  }
0x24f: {  	[tilespmem:s11+$0x390] =	vst v4;
	v11 =	vld.idx.msk [tilespmem:v3+s15+$0x0], $0xffff  }
0x250: {  	[tilespmem:s11+$0xFFFFFE90] =	vst v12;
	v4 =	vld [tilespmem:s26+$0x20]  }
0x251: {  	v12 =	vld.idx.msk [tilespmem:v5+s20+$0x0], $0xffff;
	[tilespmem:s10+$0xFFFFFEB0] =	vst v2  }
0x252: {  	v2 =	vld.idx.msk [tilespmem:v6+s20+$0x0], $0xffff;
	[tilespmem:s12+$0xFFFFFED0] =	vst v9  }
0x253: {  	v9 =	vld.idx.msk [tilespmem:v7+s20+$0x0], $0xffff;
	[tilespmem:s12+$0x1E0] =	vst v13  }
0x254: {  	v13 =	vld.idx.msk [tilespmem:v1+s18+$0x0], $0xffff;
	[tilespmem:s1+$0xFFFFFCF0] =	vst v10  }
0x255: {  	[tilespmem:s10+$0xC0] =	vst v11;
	v10 =	vld.idx.msk [tilespmem:v8+s16+$0x0], $0xffff  }
0x256: {  	v11 =	vld.idx.msk [tilespmem:v3+s16+$0x0], $0xffff  }
0x257: {  	[tilespmem:s11+$0xFFFFFF10] =	vst v12;
	v12 =	vld.idx.msk [tilespmem:v0+s21+$0x0], $0xffff;
	v0 =	vmov v8  }
0x258: {  	v8 =	vld.idx.msk [tilespmem:v4+s3+$0x0], $0xffff;
	[tilespmem:s10+$0xFFFFFF30] =	vst v2  }
0x259: {  	v14 =	vld.idx.msk [tilespmem:v5+s21+$0x0], $0xffff;
	[tilespmem:s12+$0xFFFFFF50] =	vst v9  }
0x25a: {  	v5 =	vld.idx.msk [tilespmem:v6+s21+$0x0], $0xffff;
	[tilespmem:s12+$0x260] =	vst v13  }
.Ltmp2:
0x25b: {  	v6 =	vld.idx.msk [tilespmem:v1+s19+$0x0], $0xffff;
	[tilespmem:s1+$0xFFFFFD70] =	vst v10;
	(pc) =	sbr.rel @p1 .LBB2_3-.Ltmp2, $4  }
0x25c: {  	[tilespmem:s10+$0x140] =	vst v11;
	v2 =	vld.idx.msk [tilespmem:v7+s21+$0x0], $0xffff  }
0x25d: {  	v9 =	vld.idx.msk [tilespmem:v3+s17+$0x0], $0xffff;
	[tilespmem:s31+$0xFFFFFFF0] =	vst v12;
	s31 =	smov.u32 s1;
	s1 =	smov.u32 s12;
	s12 =	smov.u32 s10  }
0x25e: {  	s10 =	smov.u32 s11;
	[tilespmem:s11+$0x20] =	vst v8;
	v7 =	vld.idx.msk [tilespmem:v0+s17+$0x0], $0xffff  }
0x25f: {  	s26 =	sadd.s32 $0x100, s26;
	[tilespmem:s11+$0xFFFFFF90] =	vst v14;
	v10 =	vld.idx.msk [tilespmem:v4+s15+$0x0], $0xffff  }
0x260: {  	_ =	sdelay $0x2  }
0x261: {  	[tilespmem:s1+$0x2E0] =	vst v6  }
0x262: {  	v6 =	vld.idx.msk [tilespmem:v1+s20+$0x0], $0xffff;
	_ =	sdelay $0x1  }
0x263: {  	[tilespmem:s12+$0x1C0] =	vst v9;
	v9 =	vld [tilespmem:s6+$0xFFFFFFA0]  }
0x264: {  	v8 =	vld.idx.msk [tilespmem:v3+s18+$0x0], $0xffff;
	[tilespmem:s11+$0xA0] =	vst v10  }
0x265: {  	[tilespmem:s12+$0xFFFFFFB0] =	vst v5;
	v10 =	vld.idx.msk [tilespmem:v4+s16+$0x0], $0xffff  }
0x266: {  	[tilespmem:s1+$0x360] =	vst v6;
	v6 =	vld [tilespmem:s5+$0xFFFFFFC0]  }
0x267: {  	v1 =	vld.idx.msk [tilespmem:v1+s21+$0x0], $0xffff;
	_ =	sdelay $0x1  }
0x268: {  	[tilespmem:s12+$0x240] =	vst v8  }
0x269: {  	v5 =	vld.idx.msk [tilespmem:v3+s19+$0x0], $0xffff  }
0x26a: {  	[tilespmem:s11+$0x120] =	vst v10;
	v10 =	vld.idx.msk [tilespmem:v9+s3+$0x0], $0xffff  }
0x26b: {  	v8 =	vld.idx.msk [tilespmem:v4+s17+$0x0], $0xffff;
	[tilespmem:s1+$0x3E0] =	vst v1  }
0x26c: {  	v1 =	vld [tilespmem:s0+$0x70]  }
0x26d: {  	v11 =	vld.idx.msk [tilespmem:v6+s3+$0x0], $0xffff  }
0x26e: {  	[tilespmem:s12+$0x2C0] =	vst v5  }
0x26f: {  	v5 =	vld.idx.msk [tilespmem:v3+s20+$0x0], $0xffff;
	[tilespmem:s10+$0xFFFFFC20] =	vst v10  }
0x270: {  	v10 =	vld.idx.msk [tilespmem:v9+s15+$0x0], $0xffff  }
0x271: {  	[tilespmem:s10+$0x1A0] =	vst v8  }
0x272: {  	v8 =	vld.idx.msk [tilespmem:v4+s18+$0x0], $0xffff;
	[tilespmem:s12+$0xFFFFFC40] =	vst v11  }
0x273: {  	v11 =	vld.idx.msk [tilespmem:v6+s15+$0x0], $0xffff  }
0x274: {  	[tilespmem:s12+$0x340] =	vst v5;
	v5 =	vld.idx.msk [tilespmem:v1+s3+$0x0], $0xffff  }
0x275: {  	v3 =	vld.idx.msk [tilespmem:v3+s21+$0x0], $0xffff;
	[tilespmem:s10+$0xFFFFFCA0] =	vst v10  }
0x276: {  	v10 =	vld.idx.msk [tilespmem:v9+s16+$0x0], $0xffff  }
0x277: {  	[tilespmem:s10+$0x220] =	vst v8  }
0x278: {  	v8 =	vld.idx.msk [tilespmem:v4+s19+$0x0], $0xffff;
	[tilespmem:s12+$0xFFFFFCC0] =	vst v11  }
0x279: {  	[tilespmem:s1+$0x70] =	vst v5;
	v11 =	vld.idx.msk [tilespmem:v6+s16+$0x0], $0xffff  }
0x27a: {  	[tilespmem:s12+$0x3C0] =	vst v3;
	v3 =	vld.idx.msk [tilespmem:v1+s15+$0x0], $0xffff  }
0x27b: {  	v5 =	vld [tilespmem:s5+$0x50];
	[tilespmem:s10+$0xFFFFFD20] =	vst v10  }
0x27c: {  	[tilespmem:s1+$0xFFFFFFD0] =	vst v2;
	v10 =	vld.idx.msk [tilespmem:v9+s17+$0x0], $0xffff  }
0x27d: {  	v2 =	vld [tilespmem:s0+$0xFFFFFFE0];
	[tilespmem:s10+$0x2A0] =	vst v8  }
0x27e: {  	v8 =	vld.idx.msk [tilespmem:v4+s20+$0x0], $0xffff  }
0x27f: {  	[tilespmem:s12+$0xFFFFFD40] =	vst v11  }
0x280: {  	[tilespmem:s1+$0xF0] =	vst v3;
	v11 =	vld.idx.msk [tilespmem:v6+s17+$0x0], $0xffff  }
0x281: {  	v3 =	vld.idx.msk [tilespmem:v1+s16+$0x0], $0xffff;
	[tilespmem:s10+$0xFFFFFDA0] =	vst v10  }
0x282: {  	v10 =	vld.idx.msk [tilespmem:v9+s18+$0x0], $0xffff  }
0x283: {  	[tilespmem:s10+$0x320] =	vst v8;
	v8 =	vld.idx.msk [tilespmem:v5+s3+$0x0], $0xffff  }
0x284: {  	v4 =	vld.idx.msk [tilespmem:v4+s21+$0x0], $0xffff  }
0x285: {  	[tilespmem:s12+$0xFFFFFDC0] =	vst v11  }
0x286: {  	v12 =	vld.idx.msk [tilespmem:v2+s3+$0x0], $0xffff;
	[tilespmem:s1+$0x170] =	vst v3  }
0x287: {  	v11 =	vld.idx.msk [tilespmem:v6+s18+$0x0], $0xffff;
	[tilespmem:s10+$0xFFFFFE20] =	vst v10  }
0x288: {  	v3 =	vld.idx.msk [tilespmem:v1+s17+$0x0], $0xffff;
	[tilespmem:s12+$0x50] =	vst v8  }
0x289: {  	[tilespmem:s10+$0x3A0] =	vst v4;
	v4 =	vld.idx.msk [tilespmem:v5+s15+$0x0], $0xffff  }
0x28a: {  	v10 =	vld.idx.msk [tilespmem:v9+s19+$0x0], $0xffff  }
0x28b: {  	[tilespmem:s1+$0xFFFFFC60] =	vst v12;
	v8 =	vld [tilespmem:s6+$0x30]  }
0x28c: {  	v12 =	vld.idx.msk [tilespmem:v2+s15+$0x0], $0xffff  }
0x28d: {  	[tilespmem:s1+$0x1F0] =	vst v3  }
0x28e: {  	v3 =	vld.idx.msk [tilespmem:v1+s18+$0x0], $0xffff;
	[tilespmem:s12+$0xD0] =	vst v4  }
0x28f: {  	[tilespmem:s12+$0xFFFFFE40] =	vst v11;
	v4 =	vld.idx.msk [tilespmem:v5+s16+$0x0], $0xffff  }
0x290: {  	v11 =	vld.idx.msk [tilespmem:v6+s19+$0x0], $0xffff;
	[tilespmem:s10+$0xFFFFFEA0] =	vst v10  }
0x291: {  	[tilespmem:s1+$0xFFFFFCE0] =	vst v12;
	v10 =	vld.idx.msk [tilespmem:v9+s20+$0x0], $0xffff  }
0x292: {  	[tilespmem:s31+$0xFFFFFDF0] =	vst v7;
	v7 =	vld.idx.msk [tilespmem:v2+s16+$0x0], $0xffff  }
0x293: {  	v47 =	vld.idx.msk [tilespmem:v8+s3+$0x0], $0xffff;
	[tilespmem:s1+$0x270] =	vst v3  }
0x294: {  	v3 =	vld.idx.msk [tilespmem:v1+s19+$0x0], $0xffff;
	[tilespmem:s12+$0x150] =	vst v4  }
0x295: {  	[tilespmem:s12+$0xFFFFFEC0] =	vst v11;
	v4 =	vld.idx.msk [tilespmem:v5+s17+$0x0], $0xffff  }
0x296: {  	v11 =	vld.idx.msk [tilespmem:v6+s20+$0x0], $0xffff;
	[tilespmem:s10+$0xFFFFFF20] =	vst v10  }
0x297: {  	[tilespmem:s1+$0xFFFFFD60] =	vst v7;
	v7 =	vld.idx.msk [tilespmem:v9+s21+$0x0], $0xffff  }
0x298: {  	[tilespmem:s10+$0x30] =	vst v47  }
0x299: {  	[tilespmem:s1+$0x2F0] =	vst v3  }
0x29a: {  	v9 =	vld.idx.msk [tilespmem:v8+s15+$0x0], $0xffff;
	[tilespmem:s12+$0x1D0] =	vst v4  }
0x29b: {  	v3 =	vld.idx.msk [tilespmem:v1+s20+$0x0], $0xffff;
	[tilespmem:s12+$0xFFFFFF40] =	vst v11  }
0x29c: {  	[tilespmem:s10+$0xFFFFFFA0] =	vst v7  }
0x29d: {  	v4 =	vld [tilespmem:s6+$0xFFFFFFB0];
	_ =	sdelay $0x7  }
0x29e: {  	v7 =	vld.idx.msk [tilespmem:v4+s3+$0x0], $0xffff;
	_ =	sdelay $0x4  }
0x29f: {  	[tilespmem:s10+$0xFFFFFC30] =	vst v7  }
0x2a0: {  	v7 =	vld.idx.msk [tilespmem:v4+s15+$0x0], $0xffff;
	_ =	sdelay $0x2  }
0x2a1: {  	[tilespmem:s10+$0xB0] =	vst v9  }
0x2a2: {  	v9 =	vld.idx.msk [tilespmem:v8+s16+$0x0], $0xffff  }
0x2a3: {  	[tilespmem:s10+$0xFFFFFCB0] =	vst v7  }
0x2a4: {  	v7 =	vld.idx.msk [tilespmem:v4+s16+$0x0], $0xffff;
	_ =	sdelay $0x2  }
0x2a5: {  	[tilespmem:s10+$0x130] =	vst v9  }
0x2a6: {  	v9 =	vld.idx.msk [tilespmem:v8+s17+$0x0], $0xffff  }
0x2a7: {  	[tilespmem:s10+$0xFFFFFD30] =	vst v7  }
0x2a8: {  	v7 =	vld.idx.msk [tilespmem:v4+s17+$0x0], $0xffff;
	_ =	sdelay $0x2  }
0x2a9: {  	[tilespmem:s10+$0x1B0] =	vst v9  }
0x2aa: {  	v9 =	vld.idx.msk [tilespmem:v8+s18+$0x0], $0xffff  }
0x2ab: {  	[tilespmem:s10+$0xFFFFFDB0] =	vst v7  }
0x2ac: {  	v7 =	vld.idx.msk [tilespmem:v4+s18+$0x0], $0xffff;
	_ =	sdelay $0x2  }
0x2ad: {  	[tilespmem:s10+$0x230] =	vst v9  }
0x2ae: {  	v9 =	vld.idx.msk [tilespmem:v8+s19+$0x0], $0xffff  }
0x2af: {  	[tilespmem:s10+$0xFFFFFE30] =	vst v7  }
0x2b0: {  	v7 =	vld.idx.msk [tilespmem:v4+s19+$0x0], $0xffff;
	_ =	sdelay $0x2  }
0x2b1: {  	[tilespmem:s10+$0x2B0] =	vst v9  }
0x2b2: {  	v9 =	vld.idx.msk [tilespmem:v8+s20+$0x0], $0xffff  }
0x2b3: {  	[tilespmem:s10+$0xFFFFFEB0] =	vst v7  }
0x2b4: {  	v7 =	vld.idx.msk [tilespmem:v4+s20+$0x0], $0xffff;
	_ =	sdelay $0x2  }
0x2b5: {  	[tilespmem:s10+$0x330] =	vst v9  }
0x2b6: {  	v8 =	vld.idx.msk [tilespmem:v8+s21+$0x0], $0xffff  }
0x2b7: {  	[tilespmem:s10+$0xFFFFFF30] =	vst v7  }
0x2b8: {  	v4 =	vld.idx.msk [tilespmem:v4+s21+$0x0], $0xffff;
	_ =	sdelay $0x2  }
0x2b9: {  	[tilespmem:s10+$0x3B0] =	vst v8  }
0x2ba: {  	v7 =	vld [tilespmem:s6+$0x40]  }
0x2bb: {  	[tilespmem:s10+$0xFFFFFFB0] =	vst v4  }
0x2bc: {  	v4 =	vld [tilespmem:s6+$0xFFFFFFC0];
	_ =	sdelay $0x5  }
0x2bd: {  	v8 =	vld.idx.msk [tilespmem:v7+s3+$0x0], $0xffff;
	_ =	sdelay $0x1  }
0x2be: {  	v9 =	vld.idx.msk [tilespmem:v4+s3+$0x0], $0xffff;
	_ =	sdelay $0x2  }
0x2bf: {  	[tilespmem:s10+$0x40] =	vst v8  }
0x2c0: {  	v8 =	vld.idx.msk [tilespmem:v7+s15+$0x0], $0xffff  }
0x2c1: {  	[tilespmem:s10+$0xFFFFFC40] =	vst v9  }
0x2c2: {  	v9 =	vld.idx.msk [tilespmem:v4+s15+$0x0], $0xffff;
	_ =	sdelay $0x2  }
0x2c3: {  	[tilespmem:s10+$0xC0] =	vst v8  }
0x2c4: {  	v8 =	vld.idx.msk [tilespmem:v7+s16+$0x0], $0xffff  }
0x2c5: {  	[tilespmem:s10+$0xFFFFFCC0] =	vst v9  }
0x2c6: {  	v9 =	vld.idx.msk [tilespmem:v4+s16+$0x0], $0xffff;
	_ =	sdelay $0x2  }
0x2c7: {  	[tilespmem:s10+$0x140] =	vst v8  }
0x2c8: {  	v8 =	vld.idx.msk [tilespmem:v7+s17+$0x0], $0xffff  }
0x2c9: {  	[tilespmem:s10+$0xFFFFFD40] =	vst v9  }
0x2ca: {  	v9 =	vld.idx.msk [tilespmem:v4+s17+$0x0], $0xffff;
	_ =	sdelay $0x2  }
0x2cb: {  	[tilespmem:s10+$0x1C0] =	vst v8  }
0x2cc: {  	v8 =	vld.idx.msk [tilespmem:v7+s18+$0x0], $0xffff  }
0x2cd: {  	[tilespmem:s10+$0xFFFFFDC0] =	vst v9  }
0x2ce: {  	v9 =	vld.idx.msk [tilespmem:v4+s18+$0x0], $0xffff;
	_ =	sdelay $0x2  }
0x2cf: {  	[tilespmem:s10+$0x240] =	vst v8  }
0x2d0: {  	v8 =	vld.idx.msk [tilespmem:v7+s19+$0x0], $0xffff  }
0x2d1: {  	[tilespmem:s10+$0xFFFFFE40] =	vst v9  }
0x2d2: {  	v9 =	vld.idx.msk [tilespmem:v4+s19+$0x0], $0xffff;
	_ =	sdelay $0x2  }
0x2d3: {  	[tilespmem:s10+$0x2C0] =	vst v8  }
0x2d4: {  	v8 =	vld.idx.msk [tilespmem:v7+s20+$0x0], $0xffff  }
0x2d5: {  	[tilespmem:s10+$0xFFFFFEC0] =	vst v9  }
0x2d6: {  	v9 =	vld.idx.msk [tilespmem:v4+s20+$0x0], $0xffff;
	_ =	sdelay $0x2  }
0x2d7: {  	[tilespmem:s10+$0x340] =	vst v8  }
0x2d8: {  	v7 =	vld.idx.msk [tilespmem:v7+s21+$0x0], $0xffff  }
0x2d9: {  	v6 =	vld.idx.msk [tilespmem:v6+s21+$0x0], $0xffff;
	[tilespmem:s10+$0xFFFFFF40] =	vst v9  }
0x2da: {  	v4 =	vld.idx.msk [tilespmem:v4+s21+$0x0], $0xffff;
	_ =	sdelay $0x2  }
0x2db: {  	[tilespmem:s10+$0x3C0] =	vst v7  }
0x2dc: {  	[tilespmem:s12+$0xFFFFFFC0] =	vst v6;
	v6 =	vld [tilespmem:s6+$0x50]  }
0x2dd: {  	v7 =	vld [tilespmem:s5+$0xFFFFFFD0];
	[tilespmem:s10+$0xFFFFFFC0] =	vst v4  }
0x2de: {  	v4 =	vld [tilespmem:s6+$0xFFFFFFD0];
	_ =	sdelay $0x5  }
0x2df: {  	v8 =	vld.idx.msk [tilespmem:v6+s3+$0x0], $0xffff  }
0x2e0: {  	v9 =	vld.idx.msk [tilespmem:v7+s3+$0x0], $0xffff  }
0x2e1: {  	v10 =	vld.idx.msk [tilespmem:v4+s3+$0x0], $0xffff;
	_ =	sdelay $0x2  }
0x2e2: {  	[tilespmem:s10+$0x50] =	vst v8  }
0x2e3: {  	[tilespmem:s12+$0xFFFFFC50] =	vst v9;
	v8 =	vld.idx.msk [tilespmem:v6+s15+$0x0], $0xffff  }
0x2e4: {  	v9 =	vld.idx.msk [tilespmem:v7+s15+$0x0], $0xffff;
	[tilespmem:s10+$0xFFFFFC50] =	vst v10  }
0x2e5: {  	v10 =	vld.idx.msk [tilespmem:v4+s15+$0x0], $0xffff;
	_ =	sdelay $0x2  }
0x2e6: {  	[tilespmem:s10+$0xD0] =	vst v8  }
0x2e7: {  	[tilespmem:s12+$0xFFFFFCD0] =	vst v9;
	v8 =	vld.idx.msk [tilespmem:v6+s16+$0x0], $0xffff  }
0x2e8: {  	v9 =	vld.idx.msk [tilespmem:v7+s16+$0x0], $0xffff;
	[tilespmem:s10+$0xFFFFFCD0] =	vst v10  }
0x2e9: {  	v10 =	vld.idx.msk [tilespmem:v4+s16+$0x0], $0xffff;
	_ =	sdelay $0x2  }
0x2ea: {  	[tilespmem:s10+$0x150] =	vst v8  }
0x2eb: {  	[tilespmem:s12+$0xFFFFFD50] =	vst v9;
	v8 =	vld.idx.msk [tilespmem:v6+s17+$0x0], $0xffff  }
0x2ec: {  	v9 =	vld.idx.msk [tilespmem:v7+s17+$0x0], $0xffff;
	[tilespmem:s10+$0xFFFFFD50] =	vst v10  }
0x2ed: {  	v10 =	vld.idx.msk [tilespmem:v4+s17+$0x0], $0xffff;
	_ =	sdelay $0x1  }
0x2ee: {  	v11 =	vld.idx.msk [tilespmem:v5+s18+$0x0], $0xffff  }
0x2ef: {  	[tilespmem:s10+$0x1D0] =	vst v8  }
0x2f0: {  	[tilespmem:s12+$0xFFFFFDD0] =	vst v9;
	v8 =	vld.idx.msk [tilespmem:v6+s18+$0x0], $0xffff  }
0x2f1: {  	v9 =	vld.idx.msk [tilespmem:v7+s18+$0x0], $0xffff;
	[tilespmem:s10+$0xFFFFFDD0] =	vst v10  }
0x2f2: {  	v10 =	vld.idx.msk [tilespmem:v4+s18+$0x0], $0xffff  }
0x2f3: {  	[tilespmem:s12+$0x250] =	vst v11  }
0x2f4: {  	v11 =	vld.idx.msk [tilespmem:v5+s19+$0x0], $0xffff  }
0x2f5: {  	[tilespmem:s10+$0x250] =	vst v8  }
0x2f6: {  	[tilespmem:s12+$0xFFFFFE50] =	vst v9;
	v8 =	vld.idx.msk [tilespmem:v6+s19+$0x0], $0xffff  }
0x2f7: {  	v9 =	vld.idx.msk [tilespmem:v7+s19+$0x0], $0xffff;
	[tilespmem:s10+$0xFFFFFE50] =	vst v10  }
0x2f8: {  	v10 =	vld.idx.msk [tilespmem:v4+s19+$0x0], $0xffff  }
0x2f9: {  	[tilespmem:s12+$0x2D0] =	vst v11  }
0x2fa: {  	v11 =	vld.idx.msk [tilespmem:v5+s20+$0x0], $0xffff  }
0x2fb: {  	[tilespmem:s10+$0x2D0] =	vst v8  }
0x2fc: {  	[tilespmem:s12+$0xFFFFFED0] =	vst v9;
	v8 =	vld.idx.msk [tilespmem:v6+s20+$0x0], $0xffff  }
0x2fd: {  	v9 =	vld.idx.msk [tilespmem:v7+s20+$0x0], $0xffff;
	[tilespmem:s10+$0xFFFFFED0] =	vst v10  }
0x2fe: {  	v10 =	vld.idx.msk [tilespmem:v4+s20+$0x0], $0xffff  }
0x2ff: {  	[tilespmem:s12+$0x350] =	vst v11  }
0x300: {  	v5 =	vld.idx.msk [tilespmem:v5+s21+$0x0], $0xffff  }
0x301: {  	[tilespmem:s10+$0x350] =	vst v8  }
0x302: {  	[tilespmem:s12+$0xFFFFFF50] =	vst v9;
	v6 =	vld.idx.msk [tilespmem:v6+s21+$0x0], $0xffff  }
0x303: {  	v7 =	vld.idx.msk [tilespmem:v7+s21+$0x0], $0xffff;
	[tilespmem:s10+$0xFFFFFF50] =	vst v10  }
0x304: {  	v4 =	vld.idx.msk [tilespmem:v4+s21+$0x0], $0xffff  }
0x305: {  	[tilespmem:s12+$0x3D0] =	vst v5  }
0x306: {  	v5 =	vld [tilespmem:s5+$0x60]  }
0x307: {  	[tilespmem:s10+$0x3D0] =	vst v6  }
0x308: {  	[tilespmem:s12+$0xFFFFFFD0] =	vst v7;
	v6 =	vld [tilespmem:s6+$0x60]  }
0x309: {  	v7 =	vld [tilespmem:s5+$0xFFFFFFE0];
	[tilespmem:s10+$0xFFFFFFD0] =	vst v4  }
0x30a: {  	v4 =	vld [tilespmem:s6+$0xFFFFFFE0];
	_ =	sdelay $0x3  }
0x30b: {  	v8 =	vld.idx.msk [tilespmem:v5+s3+$0x0], $0xffff;
	_ =	sdelay $0x1  }
0x30c: {  	v9 =	vld.idx.msk [tilespmem:v6+s3+$0x0], $0xffff  }
0x30d: {  	v10 =	vld.idx.msk [tilespmem:v7+s3+$0x0], $0xffff  }
0x30e: {  	v11 =	vld.idx.msk [tilespmem:v4+s3+$0x0], $0xffff  }
0x30f: {  	[tilespmem:s12+$0x60] =	vst v8  }
0x310: {  	v8 =	vld.idx.msk [tilespmem:v5+s15+$0x0], $0xffff  }
0x311: {  	[tilespmem:s10+$0x60] =	vst v9  }
0x312: {  	[tilespmem:s12+$0xFFFFFC60] =	vst v10;
	v9 =	vld.idx.msk [tilespmem:v6+s15+$0x0], $0xffff  }
0x313: {  	v10 =	vld.idx.msk [tilespmem:v7+s15+$0x0], $0xffff;
	[tilespmem:s10+$0xFFFFFC60] =	vst v11  }
0x314: {  	v11 =	vld.idx.msk [tilespmem:v4+s15+$0x0], $0xffff  }
0x315: {  	[tilespmem:s12+$0xE0] =	vst v8  }
0x316: {  	v8 =	vld.idx.msk [tilespmem:v5+s16+$0x0], $0xffff  }
0x317: {  	[tilespmem:s10+$0xE0] =	vst v9  }
0x318: {  	[tilespmem:s12+$0xFFFFFCE0] =	vst v10;
	v9 =	vld.idx.msk [tilespmem:v6+s16+$0x0], $0xffff  }
0x319: {  	v10 =	vld.idx.msk [tilespmem:v7+s16+$0x0], $0xffff;
	[tilespmem:s10+$0xFFFFFCE0] =	vst v11  }
0x31a: {  	v11 =	vld.idx.msk [tilespmem:v4+s16+$0x0], $0xffff  }
0x31b: {  	[tilespmem:s12+$0x160] =	vst v8  }
0x31c: {  	v8 =	vld.idx.msk [tilespmem:v5+s17+$0x0], $0xffff  }
0x31d: {  	v48 =	vld.idx.msk [tilespmem:v2+s17+$0x0], $0xffff;
	[tilespmem:s10+$0x160] =	vst v9  }
0x31e: {  	[tilespmem:s12+$0xFFFFFD60] =	vst v10;
	v9 =	vld.idx.msk [tilespmem:v6+s17+$0x0], $0xffff  }
0x31f: {  	v10 =	vld.idx.msk [tilespmem:v7+s17+$0x0], $0xffff;
	[tilespmem:s10+$0xFFFFFD60] =	vst v11  }
0x320: {  	v11 =	vld.idx.msk [tilespmem:v4+s17+$0x0], $0xffff  }
0x321: {  	[tilespmem:s12+$0x1E0] =	vst v8  }
0x322: {  	[tilespmem:s1+$0xFFFFFDE0] =	vst v48;
	v8 =	vld.idx.msk [tilespmem:v5+s18+$0x0], $0xffff  }
0x323: {  	v12 =	vld.idx.msk [tilespmem:v2+s18+$0x0], $0xffff;
	[tilespmem:s10+$0x1E0] =	vst v9  }
0x324: {  	[tilespmem:s12+$0xFFFFFDE0] =	vst v10;
	v9 =	vld.idx.msk [tilespmem:v6+s18+$0x0], $0xffff  }
0x325: {  	v10 =	vld.idx.msk [tilespmem:v7+s18+$0x0], $0xffff;
	[tilespmem:s10+$0xFFFFFDE0] =	vst v11  }
0x326: {  	v11 =	vld.idx.msk [tilespmem:v4+s18+$0x0], $0xffff  }
0x327: {  	[tilespmem:s12+$0x260] =	vst v8  }
0x328: {  	[tilespmem:s1+$0xFFFFFE60] =	vst v12;
	v8 =	vld.idx.msk [tilespmem:v5+s19+$0x0], $0xffff  }
0x329: {  	v12 =	vld.idx.msk [tilespmem:v2+s19+$0x0], $0xffff;
	[tilespmem:s10+$0x260] =	vst v9  }
0x32a: {  	[tilespmem:s12+$0xFFFFFE60] =	vst v10;
	v9 =	vld.idx.msk [tilespmem:v6+s19+$0x0], $0xffff  }
0x32b: {  	v10 =	vld.idx.msk [tilespmem:v7+s19+$0x0], $0xffff;
	[tilespmem:s10+$0xFFFFFE60] =	vst v11  }
0x32c: {  	v11 =	vld.idx.msk [tilespmem:v4+s19+$0x0], $0xffff  }
0x32d: {  	[tilespmem:s12+$0x2E0] =	vst v8  }
0x32e: {  	[tilespmem:s1+$0xFFFFFEE0] =	vst v12;
	v8 =	vld.idx.msk [tilespmem:v5+s20+$0x0], $0xffff  }
0x32f: {  	v12 =	vld.idx.msk [tilespmem:v2+s20+$0x0], $0xffff;
	[tilespmem:s10+$0x2E0] =	vst v9  }
0x330: {  	[tilespmem:s12+$0xFFFFFEE0] =	vst v10;
	v9 =	vld.idx.msk [tilespmem:v6+s20+$0x0], $0xffff  }
0x331: {  	v10 =	vld.idx.msk [tilespmem:v7+s20+$0x0], $0xffff;
	[tilespmem:s10+$0xFFFFFEE0] =	vst v11  }
0x332: {  	v11 =	vld.idx.msk [tilespmem:v4+s20+$0x0], $0xffff  }
0x333: {  	[tilespmem:s12+$0x360] =	vst v8  }
0x334: {  	[tilespmem:s1+$0xFFFFFF60] =	vst v12;
	v5 =	vld.idx.msk [tilespmem:v5+s21+$0x0], $0xffff  }
0x335: {  	v2 =	vld.idx.msk [tilespmem:v2+s21+$0x0], $0xffff;
	[tilespmem:s10+$0x360] =	vst v9  }
0x336: {  	[tilespmem:s12+$0xFFFFFF60] =	vst v10;
	v6 =	vld.idx.msk [tilespmem:v6+s21+$0x0], $0xffff  }
0x337: {  	v7 =	vld.idx.msk [tilespmem:v7+s21+$0x0], $0xffff;
	[tilespmem:s10+$0xFFFFFF60] =	vst v11  }
0x338: {  	v4 =	vld.idx.msk [tilespmem:v4+s21+$0x0], $0xffff  }
0x339: {  	[tilespmem:s12+$0x3E0] =	vst v5  }
0x33a: {  	[tilespmem:s1+$0xFFFFFFE0] =	vst v2;
	v2 =	vld [tilespmem:s5+$0x70]  }
0x33b: {  	v5 =	vld [tilespmem:s0+$0xFFFFFFF0];
	[tilespmem:s10+$0x3E0] =	vst v6  }
0x33c: {  	[tilespmem:s12+$0xFFFFFFE0] =	vst v7;
	v6 =	vld [tilespmem:s6+$0x70]  }
0x33d: {  	v7 =	vld [tilespmem:s5+$0xFFFFFFF0];
	[tilespmem:s10+$0xFFFFFFE0] =	vst v4  }
0x33e: {  	v4 =	vld [tilespmem:s6+$0xFFFFFFF0];
	_ =	sdelay $0x3  }
0x33f: {  	v8 =	vld.idx.msk [tilespmem:v2+s3+$0x0], $0xffff  }
0x340: {  	v9 =	vld.idx.msk [tilespmem:v5+s3+$0x0], $0xffff  }
0x341: {  	v10 =	vld.idx.msk [tilespmem:v6+s3+$0x0], $0xffff  }
0x342: {  	v11 =	vld.idx.msk [tilespmem:v7+s3+$0x0], $0xffff  }
0x343: {  	v49 =	vld.idx.msk [tilespmem:v4+s3+$0x0], $0xffff  }
0x344: {  	[tilespmem:s12+$0x70] =	vst v8  }
0x345: {  	[tilespmem:s1+$0xFFFFFC70] =	vst v9;
	v8 =	vld.idx.msk [tilespmem:v2+s15+$0x0], $0xffff  }
0x346: {  	v9 =	vld.idx.msk [tilespmem:v5+s15+$0x0], $0xffff;
	[tilespmem:s10+$0x70] =	vst v10  }
0x347: {  	[tilespmem:s12+$0xFFFFFC70] =	vst v11;
	v10 =	vld.idx.msk [tilespmem:v6+s15+$0x0], $0xffff  }
0x348: {  	v11 =	vld.idx.msk [tilespmem:v7+s15+$0x0], $0xffff;
	[tilespmem:s10+$0xFFFFFC70] =	vst v49  }
0x349: {  	v12 =	vld.idx.msk [tilespmem:v4+s15+$0x0], $0xffff  }
0x34a: {  	[tilespmem:s12+$0xF0] =	vst v8  }
0x34b: {  	[tilespmem:s1+$0xFFFFFCF0] =	vst v9;
	v8 =	vld.idx.msk [tilespmem:v2+s16+$0x0], $0xffff  }
0x34c: {  	v9 =	vld.idx.msk [tilespmem:v5+s16+$0x0], $0xffff;
	[tilespmem:s10+$0xF0] =	vst v10  }
0x34d: {  	[tilespmem:s12+$0xFFFFFCF0] =	vst v11;
	v10 =	vld.idx.msk [tilespmem:v6+s16+$0x0], $0xffff  }
0x34e: {  	v11 =	vld.idx.msk [tilespmem:v7+s16+$0x0], $0xffff;
	[tilespmem:s10+$0xFFFFFCF0] =	vst v12  }
0x34f: {  	[tilespmem:s1+$0x370] =	vst v3;
	v3 =	vld.idx.msk [tilespmem:v4+s16+$0x0], $0xffff  }
0x350: {  	v1 =	vld.idx.msk [tilespmem:v1+s21+$0x0], $0xffff;
	[tilespmem:s12+$0x170] =	vst v8  }
0x351: {  	[tilespmem:s1+$0xFFFFFD70] =	vst v9;
	v8 =	vld.idx.msk [tilespmem:v2+s17+$0x0], $0xffff  }
0x352: {  	v9 =	vld.idx.msk [tilespmem:v5+s17+$0x0], $0xffff;
	[tilespmem:s10+$0x170] =	vst v10  }
0x353: {  	[tilespmem:s12+$0xFFFFFD70] =	vst v11;
	v10 =	vld.idx.msk [tilespmem:v6+s17+$0x0], $0xffff  }
0x354: {  	v11 =	vld.idx.msk [tilespmem:v7+s17+$0x0], $0xffff;
	[tilespmem:s10+$0xFFFFFD70] =	vst v3  }
0x355: {  	[tilespmem:s1+$0x3F0] =	vst v1;
	v1 =	vld.idx.msk [tilespmem:v4+s17+$0x0], $0xffff  }
0x356: {  	[tilespmem:s12+$0x1F0] =	vst v8;
	v3 =	vld.idx.msk [tilespmem:v0+s18+$0x0], $0xffff  }
0x357: {  	[tilespmem:s1+$0xFFFFFDF0] =	vst v9;
	v8 =	vld.idx.msk [tilespmem:v2+s18+$0x0], $0xffff  }
0x358: {  	v9 =	vld.idx.msk [tilespmem:v5+s18+$0x0], $0xffff;
	[tilespmem:s10+$0x1F0] =	vst v10  }
0x359: {  	[tilespmem:s12+$0xFFFFFDF0] =	vst v11;
	v10 =	vld.idx.msk [tilespmem:v6+s18+$0x0], $0xffff  }
0x35a: {  	v11 =	vld.idx.msk [tilespmem:v7+s18+$0x0], $0xffff;
	[tilespmem:s10+$0xFFFFFDF0] =	vst v1  }
0x35b: {  	[tilespmem:s31+$0xFFFFFE70] =	vst v3;
	v1 =	vld.idx.msk [tilespmem:v4+s18+$0x0], $0xffff  }
0x35c: {  	[tilespmem:s12+$0x270] =	vst v8;
	v3 =	vld.idx.msk [tilespmem:v0+s19+$0x0], $0xffff  }
0x35d: {  	[tilespmem:s1+$0xFFFFFE70] =	vst v9;
	v8 =	vld.idx.msk [tilespmem:v2+s19+$0x0], $0xffff  }
0x35e: {  	v9 =	vld.idx.msk [tilespmem:v5+s19+$0x0], $0xffff;
	[tilespmem:s10+$0x270] =	vst v10  }
0x35f: {  	[tilespmem:s12+$0xFFFFFE70] =	vst v11;
	v10 =	vld.idx.msk [tilespmem:v6+s19+$0x0], $0xffff  }
0x360: {  	v11 =	vld.idx.msk [tilespmem:v7+s19+$0x0], $0xffff;
	[tilespmem:s10+$0xFFFFFE70] =	vst v1  }
0x361: {  	[tilespmem:s31+$0xFFFFFEF0] =	vst v3;
	v1 =	vld.idx.msk [tilespmem:v4+s19+$0x0], $0xffff  }
0x362: {  	[tilespmem:s12+$0x2F0] =	vst v8;
	v3 =	vld.idx.msk [tilespmem:v0+s20+$0x0], $0xffff  }
0x363: {  	[tilespmem:s1+$0xFFFFFEF0] =	vst v9;
	v8 =	vld.idx.msk [tilespmem:v2+s20+$0x0], $0xffff  }
0x364: {  	v9 =	vld.idx.msk [tilespmem:v5+s20+$0x0], $0xffff;
	[tilespmem:s10+$0x2F0] =	vst v10  }
0x365: {  	[tilespmem:s12+$0xFFFFFEF0] =	vst v11;
	v10 =	vld.idx.msk [tilespmem:v6+s20+$0x0], $0xffff  }
0x366: {  	v11 =	vld.idx.msk [tilespmem:v7+s20+$0x0], $0xffff;
	[tilespmem:s10+$0xFFFFFEF0] =	vst v1  }
0x367: {  	[tilespmem:s31+$0xFFFFFF70] =	vst v3;
	v1 =	vld.idx.msk [tilespmem:v4+s20+$0x0], $0xffff  }
0x368: {  	[tilespmem:s12+$0x370] =	vst v8;
	v0 =	vld.idx.msk [tilespmem:v0+s21+$0x0], $0xffff  }
0x369: {  	[tilespmem:s1+$0xFFFFFF70] =	vst v9;
	v2 =	vld.idx.msk [tilespmem:v2+s21+$0x0], $0xffff  }
0x36a: {  	v3 =	vld.idx.msk [tilespmem:v5+s21+$0x0], $0xffff;
	[tilespmem:s10+$0x370] =	vst v10  }
0x36b: {  	[tilespmem:s12+$0xFFFFFF70] =	vst v11;
	v5 =	vld.idx.msk [tilespmem:v6+s21+$0x0], $0xffff  }
0x36c: {  	v6 =	vld.idx.msk [tilespmem:v7+s21+$0x0], $0xffff;
	[tilespmem:s10+$0xFFFFFF70] =	vst v1  }
0x36d: {  	[tilespmem:s31+$0xFFFFFFF0] =	vst v0;
	v0 =	vld.idx.msk [tilespmem:v4+s21+$0x0], $0xffff  }
0x36e: {  	[tilespmem:s12+$0x3F0] =	vst v2  }
0x36f: {  	s11 =	sshll.u32 s7, $0x12;
	[tilespmem:s1+$0xFFFFFFF0] =	vst v3  }
0x370: {  	s0 =	sor.u32 s8, s11;
	[tilespmem:s10+$0x3F0] =	vst v5  }
0x371: {  	s0 =	sshrl.u32 s0, $0x3;
	[tilespmem:s12+$0xFFFFFFF0] =	vst v6  }
0x372: {  	p1 =	seq.s32 s29, $0x18;
	s0 =	sadd.s32 s2, s0;
	[tilespmem:s10+$0xFFFFFFF0] =	vst v0  }
0x373: {  	[hbm4b:s0+s3] =	stream.linear.scatter [tilespmem:s22], [sflag:$0x3], $0x8000, $0x38;
	[tilespmem:$0x13F40] =	vst v63  }
0x374: {  	s0 =	sshll.u32 @!p1 s7, $0x9  }
0x375: {  	s5 =	simm.s32 @!p1 $0x1F40;
	s1 =	simm.s32 @!p1 $0x0;
	s0 =	sadd.s32 @!p1 s0, s9  }
0x376: {  	[tilespmem:s5], [sflag:$0x1] =	stream.linear.gather @!p1 [hbm4b:s0+s1], $0x1000, $0x38;
	[tilespmem:$0x13F40] =	vst v63  }
0x377: {  	_ =	swait.ge [sflag:s23], $0x1000  }
0x378: {  	[sflag:s23] =	ssyncset.done $0x0  }
0x379: {  	s0 =	simm.s32 @!p0 $0x4;
	[sflag:s23] =	ssyncadd.s32 $0xFFFFF000  }
0x37a: {  	_ =	swait.ge @!p0 [sflag:s0], $0x8000  }
0x37b: {  	[sflag:s0] =	ssyncset.done @!p0 $0x0  }
0x37c: {  	s25 =	simm.s32 $0x2FC0;
	[sflag:s0] =	ssyncadd.s32 @!p0 $0xFFFF8000  }
0x37d: {  	v0 =	vld [tilespmem:s25+$0x0];
	_ =	sdelay $0x7  }
0x37e: {  	v1 =	vld.idx.msk [tilespmem:v0+s3+$0x0], $0xffff;
	_ =	sdelay $0x3  }
0x37f: {  	s31 =	simm.s32 $0xC340  }
0x380: {  	[tilespmem:s31+$0x0] =	vst v1  }
0x381: {  	v1 =	vld.idx.msk [tilespmem:v0+s15+$0x0], $0xffff;
	_ =	sdelay $0x4  }
0x382: {  	[tilespmem:s31+$0x80] =	vst v1  }
0x383: {  	v1 =	vld.idx.msk [tilespmem:v0+s16+$0x0], $0xffff;
	_ =	sdelay $0x4  }
0x384: {  	v2 =	vld [tilespmem:s25+$0xFFFFFF80];
	[tilespmem:s31+$0x100] =	vst v1  }
0x385: {  	v1 =	vld.idx.msk [tilespmem:v0+s17+$0x0], $0xffff;
	_ =	sdelay $0x4  }
0x386: {  	[tilespmem:s31+$0x180] =	vst v1  }
0x387: {  	v1 =	vld.idx.msk [tilespmem:v0+s18+$0x0], $0xffff  }
0x388: {  	v3 =	vld.idx.msk [tilespmem:v2+s3+$0x0], $0xffff;
	_ =	sdelay $0x3  }
0x389: {  	[tilespmem:s31+$0x200] =	vst v1  }
0x38a: {  	[tilespmem:s31+$0xFFFFFC00] =	vst v3;
	v1 =	vld.idx.msk [tilespmem:v0+s19+$0x0], $0xffff  }
0x38b: {  	v3 =	vld.idx.msk [tilespmem:v2+s15+$0x0], $0xffff;
	_ =	sdelay $0x3  }
0x38c: {  	[tilespmem:s31+$0x280] =	vst v1  }
0x38d: {  	[tilespmem:s31+$0xFFFFFC80] =	vst v3;
	v1 =	vld.idx.msk [tilespmem:v0+s20+$0x0], $0xffff  }
0x38e: {  	v3 =	vld.idx.msk [tilespmem:v2+s16+$0x0], $0xffff;
	_ =	sdelay $0x3  }
0x38f: {  	[tilespmem:s31+$0x300] =	vst v1  }
0x390: {  	[tilespmem:s31+$0xFFFFFD00] =	vst v3;
	v0 =	vld.idx.msk [tilespmem:v0+s21+$0x0], $0xffff  }
0x391: {  	v1 =	vld.idx.msk [tilespmem:v2+s17+$0x0], $0xffff;
	_ =	sdelay $0x3  }
0x392: {  	[tilespmem:s31+$0x380] =	vst v0  }
0x393: {  	[tilespmem:s31+$0xFFFFFD80] =	vst v1;
	v0 =	vld [tilespmem:s25+$0x10]  }
0x394: {  	v1 =	vld.idx.msk [tilespmem:v2+s18+$0x0], $0xffff;
	_ =	sdelay $0x4  }
0x395: {  	[tilespmem:s31+$0xFFFFFE00] =	vst v1  }
0x396: {  	v1 =	vld.idx.msk [tilespmem:v2+s19+$0x0], $0xffff  }
0x397: {  	v3 =	vld.idx.msk [tilespmem:v0+s3+$0x0], $0xffff;
	_ =	sdelay $0x3  }
0x398: {  	[tilespmem:s31+$0xFFFFFE80] =	vst v1  }
0x399: {  	v1 =	vld.idx.msk [tilespmem:v2+s20+$0x0], $0xffff;
	[tilespmem:s31+$0x10] =	vst v3  }
0x39a: {  	v3 =	vld.idx.msk [tilespmem:v0+s15+$0x0], $0xffff;
	_ =	sdelay $0x3  }
0x39b: {  	[tilespmem:s31+$0xFFFFFF00] =	vst v1  }
0x39c: {  	v1 =	vld.idx.msk [tilespmem:v2+s21+$0x0], $0xffff;
	[tilespmem:s31+$0x90] =	vst v3  }
0x39d: {  	v3 =	vld.idx.msk [tilespmem:v0+s16+$0x0], $0xffff;
	_ =	sdelay $0x3  }
0x39e: {  	[tilespmem:s31+$0xFFFFFF80] =	vst v1  }
0x39f: {  	v1 =	vld [tilespmem:s25+$0xFFFFFF90];
	[tilespmem:s31+$0x110] =	vst v3  }
0x3a0: {  	v2 =	vld.idx.msk [tilespmem:v0+s17+$0x0], $0xffff;
	_ =	sdelay $0x4  }
0x3a1: {  	[tilespmem:s31+$0x190] =	vst v2  }
0x3a2: {  	v2 =	vld.idx.msk [tilespmem:v0+s18+$0x0], $0xffff  }
0x3a3: {  	v3 =	vld.idx.msk [tilespmem:v1+s3+$0x0], $0xffff;
	_ =	sdelay $0x3  }
0x3a4: {  	[tilespmem:s31+$0x210] =	vst v2  }
0x3a5: {  	[tilespmem:s31+$0xFFFFFC10] =	vst v3;
	v2 =	vld.idx.msk [tilespmem:v0+s19+$0x0], $0xffff  }
0x3a6: {  	v3 =	vld.idx.msk [tilespmem:v1+s15+$0x0], $0xffff;
	_ =	sdelay $0x3  }
0x3a7: {  	[tilespmem:s31+$0x290] =	vst v2  }
0x3a8: {  	[tilespmem:s31+$0xFFFFFC90] =	vst v3;
	v2 =	vld.idx.msk [tilespmem:v0+s20+$0x0], $0xffff  }
0x3a9: {  	v3 =	vld.idx.msk [tilespmem:v1+s16+$0x0], $0xffff;
	_ =	sdelay $0x3  }
0x3aa: {  	[tilespmem:s31+$0x310] =	vst v2  }
0x3ab: {  	[tilespmem:s31+$0xFFFFFD10] =	vst v3;
	v0 =	vld.idx.msk [tilespmem:v0+s21+$0x0], $0xffff  }
0x3ac: {  	v2 =	vld.idx.msk [tilespmem:v1+s17+$0x0], $0xffff;
	_ =	sdelay $0x3  }
0x3ad: {  	[tilespmem:s31+$0x390] =	vst v0  }
0x3ae: {  	[tilespmem:s31+$0xFFFFFD90] =	vst v2;
	v0 =	vld [tilespmem:s25+$0x20]  }
0x3af: {  	v2 =	vld.idx.msk [tilespmem:v1+s18+$0x0], $0xffff;
	_ =	sdelay $0x4  }
0x3b0: {  	[tilespmem:s31+$0xFFFFFE10] =	vst v2  }
0x3b1: {  	v2 =	vld.idx.msk [tilespmem:v1+s19+$0x0], $0xffff  }
0x3b2: {  	v3 =	vld.idx.msk [tilespmem:v0+s3+$0x0], $0xffff;
	_ =	sdelay $0x3  }
0x3b3: {  	s0 =	simm.s32 $0x30C0;
	[tilespmem:s31+$0xFFFFFE90] =	vst v2  }
0x3b4: {  	v2 =	vld [tilespmem:s0+$0x0];
	[tilespmem:s31+$0x20] =	vst v3  }
0x3b5: {  	v3 =	vld.idx.msk [tilespmem:v0+s15+$0x0], $0xffff;
	_ =	sdelay $0x1  }
0x3b6: {  	v4 =	vld.idx.msk [tilespmem:v1+s20+$0x0], $0xffff;
	_ =	sdelay $0x2  }
0x3b7: {  	[tilespmem:s31+$0xA0] =	vst v3  }
0x3b8: {  	v3 =	vld.idx.msk [tilespmem:v0+s16+$0x0], $0xffff  }
0x3b9: {  	[tilespmem:s31+$0xFFFFFF10] =	vst v4;
	v4 =	vld.idx.msk [tilespmem:v2+s3+$0x0], $0xffff  }
0x3ba: {  	v1 =	vld.idx.msk [tilespmem:v1+s21+$0x0], $0xffff  }
0x3bb: {  	v5 =	vld [tilespmem:s0+$0xFFFFFF80];
	_ =	sdelay $0x1  }
0x3bc: {  	s1 =	simm.s32 $0xCB40;
	[tilespmem:s31+$0x120] =	vst v3  }
0x3bd: {  	[tilespmem:s1+$0x0] =	vst v4;
	v3 =	vld.idx.msk [tilespmem:v0+s17+$0x0], $0xffff  }
0x3be: {  	[tilespmem:s31+$0xFFFFFF90] =	vst v1;
	v4 =	vld.idx.msk [tilespmem:v2+s15+$0x0], $0xffff  }
0x3bf: {  	v1 =	vld [tilespmem:s25+$0xFFFFFFA0];
	_ =	sdelay $0x2  }
0x3c0: {  	v6 =	vld.idx.msk [tilespmem:v5+s3+$0x0], $0xffff;
	[tilespmem:s31+$0x1A0] =	vst v3  }
0x3c1: {  	[tilespmem:s1+$0x80] =	vst v4;
	v3 =	vld.idx.msk [tilespmem:v0+s18+$0x0], $0xffff  }
0x3c2: {  	v4 =	vld.idx.msk [tilespmem:v2+s16+$0x0], $0xffff;
	_ =	sdelay $0x2  }
0x3c3: {  	[tilespmem:s1+$0xFFFFFC00] =	vst v6;
	v7 =	vld.idx.msk [tilespmem:v1+s3+$0x0], $0xffff  }
0x3c4: {  	v6 =	vld.idx.msk [tilespmem:v5+s15+$0x0], $0xffff;
	[tilespmem:s31+$0x220] =	vst v3  }
0x3c5: {  	[tilespmem:s1+$0x100] =	vst v4;
	v3 =	vld.idx.msk [tilespmem:v0+s19+$0x0], $0xffff  }
0x3c6: {  	v4 =	vld.idx.msk [tilespmem:v2+s17+$0x0], $0xffff;
	_ =	sdelay $0x1  }
0x3c7: {  	[tilespmem:s31+$0xFFFFFC20] =	vst v7  }
0x3c8: {  	[tilespmem:s1+$0xFFFFFC80] =	vst v6;
	v7 =	vld.idx.msk [tilespmem:v1+s15+$0x0], $0xffff  }
0x3c9: {  	v6 =	vld.idx.msk [tilespmem:v5+s16+$0x0], $0xffff;
	[tilespmem:s31+$0x2A0] =	vst v3  }
0x3ca: {  	[tilespmem:s1+$0x180] =	vst v4;
	v3 =	vld.idx.msk [tilespmem:v0+s20+$0x0], $0xffff  }
0x3cb: {  	v4 =	vld.idx.msk [tilespmem:v2+s18+$0x0], $0xffff;
	_ =	sdelay $0x1  }
0x3cc: {  	[tilespmem:s31+$0xFFFFFCA0] =	vst v7  }
0x3cd: {  	[tilespmem:s1+$0xFFFFFD00] =	vst v6;
	v7 =	vld.idx.msk [tilespmem:v1+s16+$0x0], $0xffff  }
0x3ce: {  	[tilespmem:s31+$0x320] =	vst v3;
	v3 =	vld.idx.msk [tilespmem:v5+s17+$0x0], $0xffff  }
0x3cf: {  	[tilespmem:s1+$0x200] =	vst v4;
	v0 =	vld.idx.msk [tilespmem:v0+s21+$0x0], $0xffff  }
0x3d0: {  	v4 =	vld.idx.msk [tilespmem:v2+s19+$0x0], $0xffff;
	_ =	sdelay $0x1  }
0x3d1: {  	[tilespmem:s31+$0xFFFFFD20] =	vst v7  }
0x3d2: {  	v6 =	vld.idx.msk [tilespmem:v1+s17+$0x0], $0xffff;
	[tilespmem:s1+$0xFFFFFD80] =	vst v3  }
0x3d3: {  	[tilespmem:s31+$0x3A0] =	vst v0;
	v3 =	vld.idx.msk [tilespmem:v5+s18+$0x0], $0xffff  }
0x3d4: {  	[tilespmem:s1+$0x280] =	vst v4;
	v0 =	vld [tilespmem:s25+$0x30]  }
0x3d5: {  	v4 =	vld.idx.msk [tilespmem:v2+s20+$0x0], $0xffff;
	_ =	sdelay $0x1  }
0x3d6: {  	[tilespmem:s31+$0xFFFFFDA0] =	vst v6  }
0x3d7: {  	v6 =	vld.idx.msk [tilespmem:v1+s18+$0x0], $0xffff  }
0x3d8: {  	[tilespmem:s1+$0xFFFFFE00] =	vst v3  }
0x3d9: {  	[tilespmem:s1+$0x300] =	vst v4;
	v3 =	vld.idx.msk [tilespmem:v5+s19+$0x0], $0xffff  }
0x3da: {  	v2 =	vld.idx.msk [tilespmem:v2+s21+$0x0], $0xffff  }
0x3db: {  	v4 =	vld.idx.msk [tilespmem:v0+s3+$0x0], $0xffff  }
0x3dc: {  	[tilespmem:s31+$0xFFFFFE20] =	vst v6  }
0x3dd: {  	v6 =	vld.idx.msk [tilespmem:v1+s19+$0x0], $0xffff  }
0x3de: {  	[tilespmem:s1+$0xFFFFFE80] =	vst v3  }
0x3df: {  	[tilespmem:s1+$0x380] =	vst v2;
	v3 =	vld.idx.msk [tilespmem:v5+s20+$0x0], $0xffff  }
0x3e0: {  	[tilespmem:s31+$0x30] =	vst v4;
	v4 =	vld [tilespmem:s0+$0x10]  }
0x3e1: {  	v2 =	vld.idx.msk [tilespmem:v0+s15+$0x0], $0xffff  }
0x3e2: {  	[tilespmem:s31+$0xFFFFFEA0] =	vst v6  }
0x3e3: {  	v6 =	vld.idx.msk [tilespmem:v1+s20+$0x0], $0xffff;
	_ =	sdelay $0x1  }
0x3e4: {  	[tilespmem:s1+$0xFFFFFF00] =	vst v3  }
0x3e5: {  	v3 =	vld.idx.msk [tilespmem:v5+s21+$0x0], $0xffff;
	[tilespmem:s31+$0xB0] =	vst v2  }
0x3e6: {  	v2 =	vld.idx.msk [tilespmem:v0+s16+$0x0], $0xffff  }
0x3e7: {  	[tilespmem:s31+$0xFFFFFF20] =	vst v6;
	v5 =	vld.idx.msk [tilespmem:v4+s3+$0x0], $0xffff  }
0x3e8: {  	v1 =	vld.idx.msk [tilespmem:v1+s21+$0x0], $0xffff;
	_ =	sdelay $0x2  }
0x3e9: {  	[tilespmem:s31+$0x130] =	vst v2  }
0x3ea: {  	v2 =	vld.idx.msk [tilespmem:v0+s17+$0x0], $0xffff;
	[tilespmem:s1+$0x10] =	vst v5  }
0x3eb: {  	[tilespmem:s31+$0xFFFFFFA0] =	vst v1;
	v5 =	vld.idx.msk [tilespmem:v4+s15+$0x0], $0xffff  }
0x3ec: {  	[tilespmem:s1+$0xFFFFFF80] =	vst v3;
	v3 =	vld [tilespmem:s25+$0xFFFFFFB0]  }
0x3ed: {  	v1 =	vld [tilespmem:s0+$0xFFFFFF90];
	_ =	sdelay $0x1  }
0x3ee: {  	[tilespmem:s31+$0x1B0] =	vst v2  }
0x3ef: {  	v2 =	vld.idx.msk [tilespmem:v0+s18+$0x0], $0xffff;
	[tilespmem:s1+$0x90] =	vst v5  }
0x3f0: {  	v5 =	vld.idx.msk [tilespmem:v4+s16+$0x0], $0xffff;
	_ =	sdelay $0x2  }
0x3f1: {  	v7 =	vld.idx.msk [tilespmem:v3+s3+$0x0], $0xffff  }
0x3f2: {  	v6 =	vld.idx.msk [tilespmem:v1+s3+$0x0], $0xffff;
	[tilespmem:s31+$0x230] =	vst v2  }
0x3f3: {  	v2 =	vld.idx.msk [tilespmem:v0+s19+$0x0], $0xffff;
	[tilespmem:s1+$0x110] =	vst v5  }
0x3f4: {  	v5 =	vld.idx.msk [tilespmem:v4+s17+$0x0], $0xffff;
	_ =	sdelay $0x1  }
0x3f5: {  	[tilespmem:s31+$0xFFFFFC30] =	vst v7  }
0x3f6: {  	[tilespmem:s1+$0xFFFFFC10] =	vst v6;
	v7 =	vld.idx.msk [tilespmem:v3+s15+$0x0], $0xffff  }
0x3f7: {  	v6 =	vld.idx.msk [tilespmem:v1+s15+$0x0], $0xffff;
	[tilespmem:s31+$0x2B0] =	vst v2  }
0x3f8: {  	v2 =	vld.idx.msk [tilespmem:v0+s20+$0x0], $0xffff;
	[tilespmem:s1+$0x190] =	vst v5  }
0x3f9: {  	v5 =	vld.idx.msk [tilespmem:v4+s18+$0x0], $0xffff;
	_ =	sdelay $0x1  }
0x3fa: {  	[tilespmem:s31+$0xFFFFFCB0] =	vst v7  }
0x3fb: {  	[tilespmem:s1+$0xFFFFFC90] =	vst v6;
	v7 =	vld.idx.msk [tilespmem:v3+s16+$0x0], $0xffff  }
0x3fc: {  	v6 =	vld.idx.msk [tilespmem:v1+s16+$0x0], $0xffff;
	[tilespmem:s31+$0x330] =	vst v2  }
0x3fd: {  	v0 =	vld.idx.msk [tilespmem:v0+s21+$0x0], $0xffff;
	[tilespmem:s1+$0x210] =	vst v5  }
0x3fe: {  	v2 =	vld.idx.msk [tilespmem:v4+s19+$0x0], $0xffff;
	_ =	sdelay $0x1  }
0x3ff: {  	[tilespmem:s31+$0xFFFFFD30] =	vst v7  }
0x400: {  	[tilespmem:s1+$0xFFFFFD10] =	vst v6;
	v6 =	vld.idx.msk [tilespmem:v3+s17+$0x0], $0xffff  }
0x401: {  	v5 =	vld.idx.msk [tilespmem:v1+s17+$0x0], $0xffff;
	[tilespmem:s31+$0x3B0] =	vst v0  }
0x402: {  	v0 =	vld [tilespmem:s25+$0x40];
	[tilespmem:s1+$0x290] =	vst v2  }
0x403: {  	v2 =	vld.idx.msk [tilespmem:v4+s20+$0x0], $0xffff;
	_ =	sdelay $0x1  }
0x404: {  	[tilespmem:s31+$0xFFFFFDB0] =	vst v6  }
0x405: {  	[tilespmem:s1+$0xFFFFFD90] =	vst v5;
	v6 =	vld.idx.msk [tilespmem:v3+s18+$0x0], $0xffff  }
0x406: {  	v5 =	vld.idx.msk [tilespmem:v1+s18+$0x0], $0xffff  }
0x407: {  	[tilespmem:s1+$0x310] =	vst v2  }
0x408: {  	v4 =	vld.idx.msk [tilespmem:v4+s21+$0x0], $0xffff  }
0x409: {  	v2 =	vld.idx.msk [tilespmem:v0+s3+$0x0], $0xffff  }
0x40a: {  	[tilespmem:s31+$0xFFFFFE30] =	vst v6  }
0x40b: {  	[tilespmem:s1+$0xFFFFFE10] =	vst v5  }
0x40c: {  	v5 =	vld.idx.msk [tilespmem:v1+s19+$0x0], $0xffff  }
0x40d: {  	v6 =	vld.idx.msk [tilespmem:v3+s19+$0x0], $0xffff;
	[tilespmem:s1+$0x390] =	vst v4  }
0x40e: {  	[tilespmem:s31+$0x40] =	vst v2;
	v4 =	vld [tilespmem:s0+$0x20]  }
0x40f: {  	v2 =	vld.idx.msk [tilespmem:v0+s15+$0x0], $0xffff;
	_ =	sdelay $0x1  }
0x410: {  	[tilespmem:s1+$0xFFFFFE90] =	vst v5  }
0x411: {  	v5 =	vld.idx.msk [tilespmem:v1+s20+$0x0], $0xffff  }
0x412: {  	[tilespmem:s31+$0xFFFFFEB0] =	vst v6  }
0x413: {  	v7 =	vld.idx.msk [tilespmem:v3+s20+$0x0], $0xffff;
	[tilespmem:s31+$0xC0] =	vst v2  }
0x414: {  	v2 =	vld.idx.msk [tilespmem:v0+s16+$0x0], $0xffff  }
0x415: {  	s5 =	simm.s32 $0x31C0;
	v6 =	vld.idx.msk [tilespmem:v4+s3+$0x0], $0xffff  }
0x416: {  	[tilespmem:s1+$0xFFFFFF10] =	vst v5;
	v5 =	vld [tilespmem:s5+$0x0];
	_ =	sdelay $0x1  }
0x417: {  	[tilespmem:s31+$0xFFFFFF30] =	vst v7;
	v1 =	vld.idx.msk [tilespmem:v1+s21+$0x0], $0xffff  }
0x418: {  	v3 =	vld.idx.msk [tilespmem:v3+s21+$0x0], $0xffff;
	[tilespmem:s31+$0x140] =	vst v2  }
0x419: {  	v2 =	vld.idx.msk [tilespmem:v0+s17+$0x0], $0xffff;
	[tilespmem:s1+$0x20] =	vst v6  }
0x41a: {  	v6 =	vld.idx.msk [tilespmem:v4+s15+$0x0], $0xffff;
	_ =	sdelay $0x1  }
0x41b: {  	v7 =	vld [tilespmem:s5+$0xFFFFFF80];
	[tilespmem:s1+$0xFFFFFF90] =	vst v1  }
0x41c: {  	[tilespmem:s31+$0xFFFFFFB0] =	vst v3;
	v3 =	vld.idx.msk [tilespmem:v5+s3+$0x0], $0xffff  }
0x41d: {  	v1 =	vld [tilespmem:s0+$0xFFFFFFA0];
	[tilespmem:s31+$0x1C0] =	vst v2  }
0x41e: {  	v2 =	vld.idx.msk [tilespmem:v0+s18+$0x0], $0xffff;
	[tilespmem:s1+$0xA0] =	vst v6  }
0x41f: {  	v6 =	vld.idx.msk [tilespmem:v4+s16+$0x0], $0xffff  }
0x420: {  	s12 =	simm.s32 $0xD340  }
0x421: {  	v8 =	vld [tilespmem:s25+$0xFFFFFFC0];
	[tilespmem:s12+$0x0] =	vst v3  }
0x422: {  	v3 =	vld.idx.msk [tilespmem:v5+s15+$0x0], $0xffff  }
0x423: {  	[tilespmem:s31+$0x240] =	vst v2  }
0x424: {  	v2 =	vld.idx.msk [tilespmem:v0+s19+$0x0], $0xffff;
	[tilespmem:s1+$0x120] =	vst v6  }
0x425: {  	v6 =	vld.idx.msk [tilespmem:v4+s17+$0x0], $0xffff  }
0x426: {  	v9 =	vld.idx.msk [tilespmem:v7+s3+$0x0], $0xffff  }
0x427: {  	v10 =	vld.idx.msk [tilespmem:v1+s3+$0x0], $0xffff;
	[tilespmem:s12+$0x80] =	vst v3  }
0x428: {  	v3 =	vld.idx.msk [tilespmem:v5+s16+$0x0], $0xffff  }
0x429: {  	v11 =	vld.idx.msk [tilespmem:v8+s3+$0x0], $0xffff;
	[tilespmem:s31+$0x2C0] =	vst v2  }
0x42a: {  	v2 =	vld.idx.msk [tilespmem:v0+s20+$0x0], $0xffff;
	[tilespmem:s1+$0x1A0] =	vst v6  }
0x42b: {  	[tilespmem:s12+$0xFFFFFC00] =	vst v9;
	v6 =	vld.idx.msk [tilespmem:v4+s18+$0x0], $0xffff  }
0x42c: {  	v9 =	vld.idx.msk [tilespmem:v7+s15+$0x0], $0xffff;
	[tilespmem:s1+$0xFFFFFC20] =	vst v10  }
0x42d: {  	v10 =	vld.idx.msk [tilespmem:v1+s15+$0x0], $0xffff;
	[tilespmem:s12+$0x100] =	vst v3  }
0x42e: {  	[tilespmem:s31+$0xFFFFFC40] =	vst v11;
	v3 =	vld.idx.msk [tilespmem:v5+s17+$0x0], $0xffff  }
0x42f: {  	[tilespmem:s31+$0x340] =	vst v2;
	v2 =	vld.idx.msk [tilespmem:v8+s15+$0x0], $0xffff  }
0x430: {  	v0 =	vld.idx.msk [tilespmem:v0+s21+$0x0], $0xffff;
	[tilespmem:s1+$0x220] =	vst v6  }
0x431: {  	[tilespmem:s12+$0xFFFFFC80] =	vst v9;
	v6 =	vld.idx.msk [tilespmem:v4+s19+$0x0], $0xffff  }
0x432: {  	v9 =	vld.idx.msk [tilespmem:v7+s16+$0x0], $0xffff;
	[tilespmem:s1+$0xFFFFFCA0] =	vst v10  }
0x433: {  	v10 =	vld.idx.msk [tilespmem:v1+s16+$0x0], $0xffff;
	[tilespmem:s12+$0x180] =	vst v3  }
0x434: {  	v3 =	vld.idx.msk [tilespmem:v5+s18+$0x0], $0xffff;
	[tilespmem:s31+$0xFFFFFCC0] =	vst v2  }
0x435: {  	[tilespmem:s31+$0x3C0] =	vst v0;
	v2 =	vld.idx.msk [tilespmem:v8+s16+$0x0], $0xffff  }
0x436: {  	v0 =	vld [tilespmem:s25+$0x50];
	[tilespmem:s1+$0x2A0] =	vst v6  }
0x437: {  	v6 =	vld.idx.msk [tilespmem:v4+s20+$0x0], $0xffff  }
0x438: {  	[tilespmem:s12+$0xFFFFFD00] =	vst v9  }
0x439: {  	v9 =	vld.idx.msk [tilespmem:v7+s17+$0x0], $0xffff;
	[tilespmem:s1+$0xFFFFFD20] =	vst v10  }
0x43a: {  	v10 =	vld.idx.msk [tilespmem:v1+s17+$0x0], $0xffff;
	[tilespmem:s12+$0x200] =	vst v3  }
0x43b: {  	v3 =	vld.idx.msk [tilespmem:v5+s19+$0x0], $0xffff;
	[tilespmem:s31+$0xFFFFFD40] =	vst v2  }
0x43c: {  	v2 =	vld.idx.msk [tilespmem:v8+s17+$0x0], $0xffff;
	[tilespmem:s1+$0x320] =	vst v6  }
0x43d: {  	v4 =	vld.idx.msk [tilespmem:v4+s21+$0x0], $0xffff  }
0x43e: {  	[tilespmem:s12+$0xFFFFFD80] =	vst v9;
	v6 =	vld.idx.msk [tilespmem:v0+s3+$0x0], $0xffff  }
0x43f: {  	v9 =	vld.idx.msk [tilespmem:v7+s18+$0x0], $0xffff;
	[tilespmem:s1+$0xFFFFFDA0] =	vst v10  }
0x440: {  	[tilespmem:s12+$0x280] =	vst v3  }
0x441: {  	[tilespmem:s31+$0xFFFFFDC0] =	vst v2;
	v2 =	vld.idx.msk [tilespmem:v1+s18+$0x0], $0xffff  }
0x442: {  	v3 =	vld.idx.msk [tilespmem:v5+s20+$0x0], $0xffff;
	[tilespmem:s1+$0x3A0] =	vst v4  }
0x443: {  	[tilespmem:s31+$0x50] =	vst v6;
	v6 =	vld [tilespmem:s0+$0x30]  }
0x444: {  	[tilespmem:s12+$0xFFFFFE00] =	vst v9;
	v4 =	vld.idx.msk [tilespmem:v0+s15+$0x0], $0xffff  }
0x445: {  	v9 =	vld.idx.msk [tilespmem:v7+s19+$0x0], $0xffff  }
0x446: {  	v10 =	vld.idx.msk [tilespmem:v8+s18+$0x0], $0xffff;
	[tilespmem:s1+$0xFFFFFE20] =	vst v2  }
0x447: {  	[tilespmem:s12+$0x300] =	vst v3;
	v2 =	vld.idx.msk [tilespmem:v1+s19+$0x0], $0xffff  }
0x448: {  	v3 =	vld.idx.msk [tilespmem:v5+s21+$0x0], $0xffff  }
0x449: {  	[tilespmem:s31+$0xD0] =	vst v4  }
0x44a: {  	[tilespmem:s12+$0xFFFFFE80] =	vst v9;
	v4 =	vld.idx.msk [tilespmem:v0+s16+$0x0], $0xffff  }
0x44b: {  	[tilespmem:s31+$0xFFFFFE40] =	vst v10;
	v5 =	vld.idx.msk [tilespmem:v6+s3+$0x0], $0xffff  }
0x44c: {  	[tilespmem:s1+$0xFFFFFEA0] =	vst v2;
	v2 =	vld.idx.msk [tilespmem:v7+s20+$0x0], $0xffff  }
0x44d: {  	v10 =	vld.idx.msk [tilespmem:v8+s19+$0x0], $0xffff;
	[tilespmem:s12+$0x380] =	vst v3  }
0x44e: {  	v3 =	vld [tilespmem:s5+$0x10]  }
0x44f: {  	v9 =	vld.idx.msk [tilespmem:v1+s20+$0x0], $0xffff;
	[tilespmem:s31+$0x150] =	vst v4  }
0x450: {  	v4 =	vld.idx.msk [tilespmem:v0+s17+$0x0], $0xffff;
	[tilespmem:s1+$0x30] =	vst v5  }
0x451: {  	[tilespmem:s12+$0xFFFFFF00] =	vst v2;
	v5 =	vld.idx.msk [tilespmem:v6+s15+$0x0], $0xffff  }
0x452: {  	[tilespmem:s31+$0xFFFFFEC0] =	vst v10;
	v2 =	vld.idx.msk [tilespmem:v7+s21+$0x0], $0xffff  }
0x453: {  	v10 =	vld.idx.msk [tilespmem:v8+s20+$0x0], $0xffff  }
0x454: {  	[tilespmem:s1+$0xFFFFFF20] =	vst v9  }
0x455: {  	v1 =	vld.idx.msk [tilespmem:v1+s21+$0x0], $0xffff;
	[tilespmem:s31+$0x1D0] =	vst v4  }
0x456: {  	v4 =	vld.idx.msk [tilespmem:v0+s18+$0x0], $0xffff;
	[tilespmem:s1+$0xB0] =	vst v5  }
0x457: {  	[tilespmem:s12+$0xFFFFFF80] =	vst v2;
	v2 =	vld.idx.msk [tilespmem:v3+s3+$0x0], $0xffff  }
0x458: {  	[tilespmem:s31+$0xFFFFFF40] =	vst v10;
	v7 =	vld.idx.msk [tilespmem:v6+s16+$0x0], $0xffff  }
0x459: {  	v5 =	vld.idx.msk [tilespmem:v8+s21+$0x0], $0xffff  }
0x45a: {  	v8 =	vld [tilespmem:s5+$0xFFFFFF90];
	[tilespmem:s1+$0xFFFFFFA0] =	vst v1  }
0x45b: {  	v1 =	vld [tilespmem:s0+$0xFFFFFFB0];
	[tilespmem:s31+$0x250] =	vst v4  }
0x45c: {  	[tilespmem:s12+$0x10] =	vst v2;
	v4 =	vld.idx.msk [tilespmem:v0+s19+$0x0], $0xffff  }
0x45d: {  	[tilespmem:s1+$0x130] =	vst v7;
	v2 =	vld.idx.msk [tilespmem:v3+s15+$0x0], $0xffff  }
0x45e: {  	[tilespmem:s31+$0xFFFFFFC0] =	vst v5;
	v7 =	vld.idx.msk [tilespmem:v6+s17+$0x0], $0xffff  }
0x45f: {  	v5 =	vld [tilespmem:s25+$0xFFFFFFD0];
	_ =	sdelay $0x1  }
0x460: {  	[tilespmem:s31+$0x2D0] =	vst v4  }
0x461: {  	[tilespmem:s12+$0x90] =	vst v2;
	v4 =	vld.idx.msk [tilespmem:v0+s20+$0x0], $0xffff  }
0x462: {  	[tilespmem:s1+$0x1B0] =	vst v7;
	v2 =	vld.idx.msk [tilespmem:v3+s16+$0x0], $0xffff  }
0x463: {  	v7 =	vld.idx.msk [tilespmem:v6+s18+$0x0], $0xffff  }
0x464: {  	v9 =	vld.idx.msk [tilespmem:v8+s3+$0x0], $0xffff  }
0x465: {  	v10 =	vld.idx.msk [tilespmem:v1+s3+$0x0], $0xffff  }
0x466: {  	[tilespmem:s31+$0x350] =	vst v4;
	v4 =	vld.idx.msk [tilespmem:v5+s3+$0x0], $0xffff  }
0x467: {  	[tilespmem:s12+$0x110] =	vst v2;
	v0 =	vld.idx.msk [tilespmem:v0+s21+$0x0], $0xffff  }
0x468: {  	[tilespmem:s1+$0x230] =	vst v7;
	v2 =	vld.idx.msk [tilespmem:v3+s17+$0x0], $0xffff  }
0x469: {  	[tilespmem:s12+$0xFFFFFC10] =	vst v9;
	v7 =	vld.idx.msk [tilespmem:v6+s19+$0x0], $0xffff  }
0x46a: {  	v9 =	vld.idx.msk [tilespmem:v8+s15+$0x0], $0xffff;
	[tilespmem:s1+$0xFFFFFC30] =	vst v10  }
0x46b: {  	v10 =	vld.idx.msk [tilespmem:v1+s15+$0x0], $0xffff;
	[tilespmem:s31+$0xFFFFFC50] =	vst v4  }
0x46c: {  	[tilespmem:s31+$0x3D0] =	vst v0;
	v0 =	vld.idx.msk [tilespmem:v5+s15+$0x0], $0xffff  }
0x46d: {  	[tilespmem:s12+$0x190] =	vst v2;
	v4 =	vld [tilespmem:s25+$0x60]  }
0x46e: {  	[tilespmem:s1+$0x2B0] =	vst v7;
	v2 =	vld.idx.msk [tilespmem:v3+s18+$0x0], $0xffff  }
0x46f: {  	v7 =	vld.idx.msk [tilespmem:v6+s20+$0x0], $0xffff  }
0x470: {  	[tilespmem:s12+$0xFFFFFC90] =	vst v9  }
0x471: {  	v9 =	vld.idx.msk [tilespmem:v8+s16+$0x0], $0xffff;
	[tilespmem:s1+$0xFFFFFCB0] =	vst v10  }
0x472: {  	v10 =	vld.idx.msk [tilespmem:v1+s16+$0x0], $0xffff;
	[tilespmem:s31+$0xFFFFFCD0] =	vst v0  }
0x473: {  	v0 =	vld.idx.msk [tilespmem:v5+s16+$0x0], $0xffff;
	[tilespmem:s12+$0x210] =	vst v2  }
0x474: {  	[tilespmem:s1+$0x330] =	vst v7;
	v2 =	vld.idx.msk [tilespmem:v3+s19+$0x0], $0xffff  }
0x475: {  	v6 =	vld.idx.msk [tilespmem:v6+s21+$0x0], $0xffff  }
0x476: {  	[tilespmem:s12+$0xFFFFFD10] =	vst v9;
	v7 =	vld.idx.msk [tilespmem:v4+s3+$0x0], $0xffff  }
0x477: {  	[tilespmem:s1+$0xFFFFFD30] =	vst v10;
	v9 =	vld.idx.msk [tilespmem:v8+s17+$0x0], $0xffff  }
0x478: {  	[tilespmem:s31+$0xFFFFFD50] =	vst v0;
	v0 =	vld.idx.msk [tilespmem:v1+s17+$0x0], $0xffff  }
0x479: {  	v10 =	vld.idx.msk [tilespmem:v5+s17+$0x0], $0xffff;
	[tilespmem:s12+$0x290] =	vst v2  }
0x47a: {  	[tilespmem:s1+$0x3B0] =	vst v6;
	v2 =	vld.idx.msk [tilespmem:v3+s20+$0x0], $0xffff  }
0x47b: {  	[tilespmem:s31+$0x60] =	vst v7;
	v7 =	vld [tilespmem:s0+$0x40]  }
0x47c: {  	v6 =	vld.idx.msk [tilespmem:v4+s15+$0x0], $0xffff  }
0x47d: {  	[tilespmem:s12+$0xFFFFFD90] =	vst v9  }
0x47e: {  	v9 =	vld.idx.msk [tilespmem:v8+s18+$0x0], $0xffff;
	[tilespmem:s1+$0xFFFFFDB0] =	vst v0  }
0x47f: {  	v0 =	vld.idx.msk [tilespmem:v1+s18+$0x0], $0xffff;
	[tilespmem:s31+$0xFFFFFDD0] =	vst v10  }
0x480: {  	v10 =	vld.idx.msk [tilespmem:v5+s18+$0x0], $0xffff;
	[tilespmem:s12+$0x310] =	vst v2  }
0x481: {  	v2 =	vld.idx.msk [tilespmem:v3+s21+$0x0], $0xffff;
	[tilespmem:s31+$0xE0] =	vst v6  }
0x482: {  	v6 =	vld.idx.msk [tilespmem:v4+s16+$0x0], $0xffff  }
0x483: {  	[tilespmem:s12+$0xFFFFFE10] =	vst v9;
	v3 =	vld.idx.msk [tilespmem:v7+s3+$0x0], $0xffff  }
0x484: {  	[tilespmem:s1+$0xFFFFFE30] =	vst v0;
	v0 =	vld.idx.msk [tilespmem:v8+s19+$0x0], $0xffff  }
0x485: {  	[tilespmem:s31+$0xFFFFFE50] =	vst v10;
	v9 =	vld.idx.msk [tilespmem:v1+s19+$0x0], $0xffff  }
0x486: {  	v10 =	vld.idx.msk [tilespmem:v5+s19+$0x0], $0xffff;
	[tilespmem:s12+$0x390] =	vst v2  }
0x487: {  	v2 =	vld [tilespmem:s5+$0x20];
	[tilespmem:s31+$0x160] =	vst v6  }
0x488: {  	v6 =	vld.idx.msk [tilespmem:v4+s17+$0x0], $0xffff;
	[tilespmem:s1+$0x40] =	vst v3  }
0x489: {  	[tilespmem:s12+$0xFFFFFE90] =	vst v0;
	v3 =	vld.idx.msk [tilespmem:v7+s15+$0x0], $0xffff  }
0x48a: {  	v0 =	vld.idx.msk [tilespmem:v8+s20+$0x0], $0xffff  }
0x48b: {  	[tilespmem:s1+$0xFFFFFEB0] =	vst v9  }
0x48c: {  	v9 =	vld.idx.msk [tilespmem:v1+s20+$0x0], $0xffff;
	[tilespmem:s31+$0xFFFFFED0] =	vst v10  }
0x48d: {  	v10 =	vld.idx.msk [tilespmem:v5+s20+$0x0], $0xffff;
	[tilespmem:s31+$0x1E0] =	vst v6  }
0x48e: {  	v6 =	vld.idx.msk [tilespmem:v4+s18+$0x0], $0xffff;
	[tilespmem:s1+$0xC0] =	vst v3  }
0x48f: {  	[tilespmem:s12+$0xFFFFFF10] =	vst v0;
	v0 =	vld.idx.msk [tilespmem:v2+s3+$0x0], $0xffff  }
0x490: {  	v3 =	vld.idx.msk [tilespmem:v7+s16+$0x0], $0xffff  }
0x491: {  	s6 =	simm.s32 $0x32C0;
	[tilespmem:s1+$0xFFFFFF30] =	vst v9;
	v8 =	vld.idx.msk [tilespmem:v8+s21+$0x0], $0xffff  }
0x492: {  	v9 =	vld [tilespmem:s6+$0x0];
	[tilespmem:s31+$0xFFFFFF50] =	vst v10  }
0x493: {  	v1 =	vld.idx.msk [tilespmem:v1+s21+$0x0], $0xffff;
	[tilespmem:s31+$0x260] =	vst v6  }
0x494: {  	[tilespmem:s12+$0x20] =	vst v0;
	v6 =	vld.idx.msk [tilespmem:v4+s19+$0x0], $0xffff  }
0x495: {  	[tilespmem:s1+$0x140] =	vst v3;
	v3 =	vld.idx.msk [tilespmem:v5+s21+$0x0], $0xffff  }
0x496: {  	v0 =	vld.idx.msk [tilespmem:v2+s15+$0x0], $0xffff  }
0x497: {  	[tilespmem:s12+$0xFFFFFF90] =	vst v8;
	v5 =	vld.idx.msk [tilespmem:v7+s17+$0x0], $0xffff  }
0x498: {  	v8 =	vld [tilespmem:s5+$0xFFFFFFA0]  }
0x499: {  	v10 =	vld [tilespmem:s6+$0xFFFFFF80];
	[tilespmem:s1+$0xFFFFFFB0] =	vst v1  }
0x49a: {  	v11 =	vld.idx.msk [tilespmem:v9+s3+$0x0], $0xffff;
	[tilespmem:s31+$0x2E0] =	vst v6  }
0x49b: {  	[tilespmem:s12+$0xA0] =	vst v0;
	v6 =	vld.idx.msk [tilespmem:v4+s20+$0x0], $0xffff  }
0x49c: {  	[tilespmem:s1+$0x1C0] =	vst v5;
	v5 =	vld [tilespmem:s0+$0xFFFFFFC0]  }
0x49d: {  	[tilespmem:s31+$0xFFFFFFD0] =	vst v3;
	v3 =	vld.idx.msk [tilespmem:v2+s16+$0x0], $0xffff  }
0x49e: {  	v1 =	vld.idx.msk [tilespmem:v7+s18+$0x0], $0xffff  }
0x49f: {  	s10 =	simm.s32 $0xDB40;
	v0 =	vld [tilespmem:s25+$0xFFFFFFE0]  }
0x4a0: {  	[tilespmem:s10+$0x0] =	vst v11;
	v50 =	vld.idx.msk [tilespmem:v8+s3+$0x0], $0xffff  }
0x4a1: {  	v14 =	vld.idx.msk [tilespmem:v9+s15+$0x0], $0xffff  }
0x4a2: {  	[tilespmem:s31+$0x360] =	vst v6;
	v6 =	vld.idx.msk [tilespmem:v10+s3+$0x0], $0xffff  }
0x4a3: {  	v4 =	vld.idx.msk [tilespmem:v4+s21+$0x0], $0xffff;
	[tilespmem:s1+$0x240] =	vst v1  }
0x4a4: {  	[tilespmem:s12+$0x120] =	vst v3;
	v1 =	vld.idx.msk [tilespmem:v7+s19+$0x0], $0xffff  }
0x4a5: {  	v13 =	vld.idx.msk [tilespmem:v2+s17+$0x0], $0xffff;
	[tilespmem:s12+$0xFFFFFC20] =	vst v50  }
0x4a6: {  	v11 =	vld.idx.msk [tilespmem:v5+s3+$0x0], $0xffff;
	[tilespmem:s10+$0x80] =	vst v14  }
0x4a7: {  	v52 =	vld.idx.msk [tilespmem:v9+s16+$0x0], $0xffff;
	[tilespmem:s10+$0xFFFFFC00] =	vst v6  }
0x4a8: {  	v6 =	vld.idx.msk [tilespmem:v8+s15+$0x0], $0xffff;
	[tilespmem:s31+$0x3E0] =	vst v4  }
0x4a9: {  	v4 =	vld.idx.msk [tilespmem:v10+s15+$0x0], $0xffff;
	[tilespmem:s1+$0x2C0] =	vst v1  }
0x4aa: {  	v1 =	vld.idx.msk [tilespmem:v7+s20+$0x0], $0xffff  }
0x4ab: {  	v3 =	vld [tilespmem:s25+$0x70];
	[tilespmem:s1+$0xFFFFFC40] =	vst v11  }
0x4ac: {  	[tilespmem:s12+$0x1A0] =	vst v13;
	v11 =	vld.idx.msk [tilespmem:v5+s15+$0x0], $0xffff  }
0x4ad: {  	v51 =	vld.idx.msk [tilespmem:v2+s18+$0x0], $0xffff;
	[tilespmem:s10+$0x100] =	vst v52  }
0x4ae: {  	v53 =	vld.idx.msk [tilespmem:v0+s3+$0x0], $0xffff;
	[tilespmem:s12+$0xFFFFFCA0] =	vst v6  }
0x4af: {  	v54 =	vld.idx.msk [tilespmem:v8+s16+$0x0], $0xffff;
	[tilespmem:s1+$0x340] =	vst v1  }
0x4b0: {  	[tilespmem:s10+$0xFFFFFC80] =	vst v4;
	v4 =	vld.idx.msk [tilespmem:v7+s21+$0x0], $0xffff  }
0x4b1: {  	[tilespmem:s1+$0xFFFFFCC0] =	vst v11;
	v11 =	vld.idx.msk [tilespmem:v9+s17+$0x0], $0xffff  }
0x4b2: {  	[tilespmem:s12+$0x220] =	vst v51;
	v7 =	vld.idx.msk [tilespmem:v10+s16+$0x0], $0xffff  }
0x4b3: {  	v6 =	vld.idx.msk [tilespmem:v2+s19+$0x0], $0xffff  }
0x4b4: {  	v1 =	vld.idx.msk [tilespmem:v3+s3+$0x0], $0xffff;
	[tilespmem:s12+$0xFFFFFD20] =	vst v54  }
0x4b5: {  	v55 =	vld.idx.msk [tilespmem:v5+s16+$0x0], $0xffff;
	[tilespmem:s1+$0x3C0] =	vst v4  }
0x4b6: {  	[tilespmem:s10+$0x180] =	vst v11;
	v11 =	vld.idx.msk [tilespmem:v8+s17+$0x0], $0xffff  }
0x4b7: {  	[tilespmem:s10+$0xFFFFFD00] =	vst v7;
	v4 =	vld [tilespmem:s0+$0x50]  }
0x4b8: {  	[tilespmem:s31+$0xFFFFFC60] =	vst v53;
	v7 =	vld.idx.msk [tilespmem:v10+s17+$0x0], $0xffff  }
0x4b9: {  	[tilespmem:s31+$0x70] =	vst v1;
	v56 =	vld.idx.msk [tilespmem:v9+s18+$0x0], $0xffff  }
0x4ba: {  	[tilespmem:s12+$0x2A0] =	vst v6;
	v1 =	vld.idx.msk [tilespmem:v3+s15+$0x0], $0xffff  }
0x4bb: {  	v6 =	vld.idx.msk [tilespmem:v2+s20+$0x0], $0xffff;
	[tilespmem:s1+$0xFFFFFD40] =	vst v55  }
0x4bc: {  	v14 =	vld.idx.msk [tilespmem:v0+s15+$0x0], $0xffff;
	[tilespmem:s12+$0xFFFFFDA0] =	vst v11  }
0x4bd: {  	v13 =	vld.idx.msk [tilespmem:v5+s17+$0x0], $0xffff;
	[tilespmem:s10+$0xFFFFFD80] =	vst v7  }
0x4be: {  	[tilespmem:s10+$0x200] =	vst v56;
	v7 =	vld.idx.msk [tilespmem:v10+s18+$0x0], $0xffff  }
0x4bf: {  	[tilespmem:s31+$0xF0] =	vst v1;
	v11 =	vld.idx.msk [tilespmem:v9+s19+$0x0], $0xffff  }
0x4c0: {  	[tilespmem:s12+$0x320] =	vst v6;
	v1 =	vld.idx.msk [tilespmem:v3+s16+$0x0], $0xffff  }
0x4c1: {  	v2 =	vld.idx.msk [tilespmem:v2+s21+$0x0], $0xffff  }
0x4c2: {  	v6 =	vld.idx.msk [tilespmem:v4+s3+$0x0], $0xffff  }
0x4c3: {  	v57 =	vld.idx.msk [tilespmem:v8+s18+$0x0], $0xffff;
	[tilespmem:s10+$0xFFFFFE00] =	vst v7  }
0x4c4: {  	[tilespmem:s10+$0x280] =	vst v11;
	v7 =	vld.idx.msk [tilespmem:v10+s19+$0x0], $0xffff  }
0x4c5: {  	[tilespmem:s31+$0x170] =	vst v1;
	v11 =	vld.idx.msk [tilespmem:v9+s20+$0x0], $0xffff  }
0x4c6: {  	[tilespmem:s12+$0x3A0] =	vst v2;
	v1 =	vld.idx.msk [tilespmem:v3+s17+$0x0], $0xffff  }
0x4c7: {  	[tilespmem:s1+$0x50] =	vst v6;
	v6 =	vld [tilespmem:s5+$0x30]  }
0x4c8: {  	[tilespmem:s1+$0xFFFFFDC0] =	vst v13;
	v2 =	vld.idx.msk [tilespmem:v4+s15+$0x0], $0xffff  }
0x4c9: {  	v13 =	vld.idx.msk [tilespmem:v5+s18+$0x0], $0xffff;
	[tilespmem:s12+$0xFFFFFE20] =	vst v57  }
0x4ca: {  	v12 =	vld.idx.msk [tilespmem:v8+s19+$0x0], $0xffff;
	[tilespmem:s10+$0x300] =	vst v11  }
0x4cb: {  	[tilespmem:s10+$0xFFFFFE80] =	vst v7;
	v7 =	vld.idx.msk [tilespmem:v9+s21+$0x0], $0xffff  }
0x4cc: {  	[tilespmem:s31+$0x1F0] =	vst v1;
	v9 =	vld.idx.msk [tilespmem:v10+s20+$0x0], $0xffff  }
0x4cd: {  	v1 =	vld.idx.msk [tilespmem:v3+s18+$0x0], $0xffff;
	[tilespmem:s1+$0xD0] =	vst v2  }
0x4ce: {  	[tilespmem:s1+$0xFFFFFE40] =	vst v13;
	v2 =	vld.idx.msk [tilespmem:v4+s16+$0x0], $0xffff  }
0x4cf: {  	v13 =	vld.idx.msk [tilespmem:v5+s19+$0x0], $0xffff;
	[tilespmem:s12+$0xFFFFFEA0] =	vst v12  }
0x4d0: {  	v11 =	vld.idx.msk [tilespmem:v6+s3+$0x0], $0xffff;
	[tilespmem:s10+$0x380] =	vst v7  }
0x4d1: {  	v12 =	vld.idx.msk [tilespmem:v8+s20+$0x0], $0xffff;
	[tilespmem:s10+$0xFFFFFF00] =	vst v9  }
0x4d2: {  	[tilespmem:s31+$0x270] =	vst v1;
	v9 =	vld [tilespmem:s6+$0x10]  }
0x4d3: {  	v1 =	vld.idx.msk [tilespmem:v3+s19+$0x0], $0xffff;
	[tilespmem:s1+$0x150] =	vst v2  }
0x4d4: {  	[tilespmem:s1+$0xFFFFFEC0] =	vst v13;
	v2 =	vld.idx.msk [tilespmem:v4+s17+$0x0], $0xffff  }
0x4d5: {  	[tilespmem:s12+$0x30] =	vst v11;
	v11 =	vld.idx.msk [tilespmem:v5+s20+$0x0], $0xffff  }
0x4d6: {  	[tilespmem:s31+$0xFFFFFCE0] =	vst v14;
	v10 =	vld.idx.msk [tilespmem:v10+s21+$0x0], $0xffff  }
0x4d7: {  	[tilespmem:s12+$0xFFFFFF20] =	vst v12;
	v7 =	vld.idx.msk [tilespmem:v6+s15+$0x0], $0xffff  }
0x4d8: {  	v14 =	vld.idx.msk [tilespmem:v0+s16+$0x0], $0xffff;
	[tilespmem:s31+$0x2F0] =	vst v1  }
0x4d9: {  	v1 =	vld.idx.msk [tilespmem:v8+s21+$0x0], $0xffff;
	[tilespmem:s1+$0x1D0] =	vst v2  }
0x4da: {  	[tilespmem:s1+$0xFFFFFF40] =	vst v11;
	v2 =	vld.idx.msk [tilespmem:v4+s18+$0x0], $0xffff  }
0x4db: {  	[tilespmem:s10+$0xFFFFFF80] =	vst v10;
	v5 =	vld.idx.msk [tilespmem:v5+s21+$0x0], $0xffff  }
0x4dc: {  	[tilespmem:s12+$0xB0] =	vst v7;
	v10 =	vld.idx.msk [tilespmem:v9+s3+$0x0], $0xffff  }
0x4dd: {  	[tilespmem:s31+$0xFFFFFD60] =	vst v14;
	v7 =	vld.idx.msk [tilespmem:v6+s16+$0x0], $0xffff  }
0x4de: {  	v8 =	vld.idx.msk [tilespmem:v0+s17+$0x0], $0xffff;
	[tilespmem:s12+$0xFFFFFFA0] =	vst v1  }
0x4df: {  	v11 =	vld [tilespmem:s6+$0xFFFFFF90];
	[tilespmem:s1+$0x250] =	vst v2  }
0x4e0: {  	v59 =	vld [tilespmem:s5+$0xFFFFFFB0];
	[tilespmem:s1+$0xFFFFFFC0] =	vst v5  }
0x4e1: {  	[tilespmem:s10+$0x10] =	vst v10;
	v1 =	vld.idx.msk [tilespmem:v4+s19+$0x0], $0xffff  }
0x4e2: {  	[tilespmem:s12+$0x130] =	vst v7;
	v7 =	vld [tilespmem:s0+$0xFFFFFFD0]  }
0x4e3: {  	v5 =	vld.idx.msk [tilespmem:v9+s15+$0x0], $0xffff  }
0x4e4: {  	v2 =	vld.idx.msk [tilespmem:v6+s17+$0x0], $0xffff  }
0x4e5: {  	[tilespmem:s31+$0xFFFFFDE0] =	vst v8  }
0x4e6: {  	v8 =	vld.idx.msk [tilespmem:v0+s18+$0x0], $0xffff  }
0x4e7: {  	v10 =	vld.idx.msk [tilespmem:v11+s3+$0x0], $0xffff;
	[tilespmem:s1+$0x2D0] =	vst v1  }
0x4e8: {  	[tilespmem:s10+$0x90] =	vst v5;
	v1 =	vld.idx.msk [tilespmem:v4+s20+$0x0], $0xffff  }
0x4e9: {  	[tilespmem:s12+$0x1B0] =	vst v2;
	v5 =	vld.idx.msk [tilespmem:v59+s3+$0x0], $0xffff  }
0x4ea: {  	v2 =	vld.idx.msk [tilespmem:v6+s18+$0x0], $0xffff  }
0x4eb: {  	[tilespmem:s31+$0xFFFFFE60] =	vst v8;
	v60 =	vld.idx.msk [tilespmem:v9+s16+$0x0], $0xffff  }
0x4ec: {  	[tilespmem:s10+$0xFFFFFC10] =	vst v10;
	v8 =	vld.idx.msk [tilespmem:v7+s3+$0x0], $0xffff  }
0x4ed: {  	[tilespmem:s1+$0x350] =	vst v1;
	v1 =	vld.idx.msk [tilespmem:v0+s19+$0x0], $0xffff  }
0x4ee: {  	[tilespmem:s12+$0xFFFFFC30] =	vst v5;
	v4 =	vld.idx.msk [tilespmem:v4+s21+$0x0], $0xffff  }
0x4ef: {  	[tilespmem:s12+$0x230] =	vst v2;
	v2 =	vld.idx.msk [tilespmem:v11+s15+$0x0], $0xffff  }
0x4f0: {  	[tilespmem:s10+$0x110] =	vst v60;
	v10 =	vld.idx.msk [tilespmem:v59+s15+$0x0], $0xffff  }
0x4f1: {  	v5 =	vld.idx.msk [tilespmem:v6+s19+$0x0], $0xffff;
	[tilespmem:s1+$0xFFFFFC50] =	vst v8  }
0x4f2: {  	v8 =	vld.idx.msk [tilespmem:v9+s17+$0x0], $0xffff;
	[tilespmem:s31+$0xFFFFFEE0] =	vst v1  }
0x4f3: {  	v58 =	vld.idx.msk [tilespmem:v3+s20+$0x0], $0xffff;
	[tilespmem:s1+$0x3D0] =	vst v4  }
0x4f4: {  	v4 =	vld.idx.msk [tilespmem:v7+s15+$0x0], $0xffff;
	[tilespmem:s10+$0xFFFFFC90] =	vst v2  }
0x4f5: {  	v2 =	vld.idx.msk [tilespmem:v0+s20+$0x0], $0xffff;
	[tilespmem:s12+$0xFFFFFCB0] =	vst v10  }
0x4f6: {  	v1 =	vld [tilespmem:s0+$0x60];
	[tilespmem:s12+$0x2B0] =	vst v5  }
0x4f7: {  	[tilespmem:s10+$0x190] =	vst v8;
	v8 =	vld.idx.msk [tilespmem:v59+s16+$0x0], $0xffff  }
0x4f8: {  	v10 =	vld.idx.msk [tilespmem:v6+s20+$0x0], $0xffff  }
0x4f9: {  	v5 =	vld.idx.msk [tilespmem:v11+s16+$0x0], $0xffff  }
0x4fa: {  	[tilespmem:s1+$0xFFFFFCD0] =	vst v4;
	v4 =	vld.idx.msk [tilespmem:v9+s18+$0x0], $0xffff  }
0x4fb: {  	[tilespmem:s31+$0xFFFFFF60] =	vst v2;
	v2 =	vld.idx.msk [tilespmem:v7+s16+$0x0], $0xffff  }
0x4fc: {  	v0 =	vld.idx.msk [tilespmem:v0+s21+$0x0], $0xffff;
	[tilespmem:s12+$0xFFFFFD30] =	vst v8  }
0x4fd: {  	[tilespmem:s12+$0x330] =	vst v10;
	v8 =	vld.idx.msk [tilespmem:v59+s17+$0x0], $0xffff  }
0x4fe: {  	[tilespmem:s10+$0xFFFFFD10] =	vst v5;
	v5 =	vld.idx.msk [tilespmem:v6+s21+$0x0], $0xffff  }
0x4ff: {  	v6 =	vld.idx.msk [tilespmem:v11+s17+$0x0], $0xffff  }
0x500: {  	v10 =	vld.idx.msk [tilespmem:v1+s3+$0x0], $0xffff;
	[tilespmem:s10+$0x210] =	vst v4  }
0x501: {  	v4 =	vld.idx.msk [tilespmem:v9+s19+$0x0], $0xffff;
	[tilespmem:s1+$0xFFFFFD50] =	vst v2  }
0x502: {  	[tilespmem:s31+$0xFFFFFFE0] =	vst v0;
	v61 =	vld.idx.msk [tilespmem:v7+s17+$0x0], $0xffff  }
0x503: {  	v0 =	vld [tilespmem:s25+$0xFFFFFFF0];
	[tilespmem:s12+$0xFFFFFDB0] =	vst v8  }
0x504: {  	[tilespmem:s12+$0x3B0] =	vst v5;
	v8 =	vld.idx.msk [tilespmem:v59+s18+$0x0], $0xffff  }
0x505: {  	[tilespmem:s10+$0xFFFFFD90] =	vst v6;
	v2 =	vld [tilespmem:s5+$0x40]  }
0x506: {  	[tilespmem:s1+$0x60] =	vst v10;
	v6 =	vld.idx.msk [tilespmem:v11+s18+$0x0], $0xffff  }
0x507: {  	[tilespmem:s31+$0x370] =	vst v58;
	v5 =	vld.idx.msk [tilespmem:v1+s15+$0x0], $0xffff  }
0x508: {  	v3 =	vld.idx.msk [tilespmem:v3+s21+$0x0], $0xffff;
	[tilespmem:s10+$0x290] =	vst v4  }
0x509: {  	v4 =	vld.idx.msk [tilespmem:v9+s20+$0x0], $0xffff;
	[tilespmem:s1+$0xFFFFFDD0] =	vst v61  }
0x50a: {  	v10 =	vld.idx.msk [tilespmem:v7+s18+$0x0], $0xffff;
	[tilespmem:s12+$0xFFFFFE30] =	vst v8  }
0x50b: {  	[tilespmem:s10+$0xFFFFFE10] =	vst v6;
	v62 =	vld.idx.msk [tilespmem:v0+s3+$0x0], $0xffff  }
0x50c: {  	[tilespmem:s1+$0xE0] =	vst v5;
	v8 =	vld.idx.msk [tilespmem:v11+s19+$0x0], $0xffff  }
0x50d: {  	v5 =	vld.idx.msk [tilespmem:v1+s16+$0x0], $0xffff  }
0x50e: {  	[tilespmem:s10+$0x310] =	vst v4;
	v4 =	vld.idx.msk [tilespmem:v2+s3+$0x0], $0xffff  }
0x50f: {  	[tilespmem:s31+$0x3F0] =	vst v3;
	v6 =	vld.idx.msk [tilespmem:v9+s21+$0x0], $0xffff  }
0x510: {  	[tilespmem:s1+$0xFFFFFE50] =	vst v10;
	v9 =	vld.idx.msk [tilespmem:v59+s19+$0x0], $0xffff  }
0x511: {  	v10 =	vld.idx.msk [tilespmem:v7+s19+$0x0], $0xffff;
	[tilespmem:s31+$0xFFFFFC70] =	vst v62  }
0x512: {  	[tilespmem:s1+$0x160] =	vst v5;
	v12 =	vld.idx.msk [tilespmem:v0+s15+$0x0], $0xffff  }
0x513: {  	v63 =	vld.idx.msk [tilespmem:v1+s17+$0x0], $0xffff;
	[tilespmem:s12+$0x40] =	vst v4  }
0x514: {  	[tilespmem:s10+$0x390] =	vst v6;
	v4 =	vld.idx.msk [tilespmem:v2+s15+$0x0], $0xffff  }
0x515: {  	[tilespmem:s10+$0xFFFFFE90] =	vst v8;
	v5 =	vld [tilespmem:s6+$0x20]  }
0x516: {  	v6 =	vld.idx.msk [tilespmem:v11+s20+$0x0], $0xffff;
	[tilespmem:s12+$0xFFFFFEB0] =	vst v9  }
0x517: {  	v8 =	vld.idx.msk [tilespmem:v59+s20+$0x0], $0xffff;
	[tilespmem:s1+$0xFFFFFED0] =	vst v10  }
0x518: {  	v9 =	vld.idx.msk [tilespmem:v7+s20+$0x0], $0xffff;
	[tilespmem:s31+$0xFFFFFCF0] =	vst v12  }
0x519: {  	[tilespmem:s1+$0x1E0] =	vst v63;
	v12 =	vld.idx.msk [tilespmem:v0+s16+$0x0], $0xffff  }
0x51a: {  	v14 =	vld.idx.msk [tilespmem:v1+s18+$0x0], $0xffff;
	[tilespmem:s12+$0xC0] =	vst v4  }
0x51b: {  	[tilespmem:s10+$0xFFFFFF10] =	vst v6;
	v3 =	vld.idx.msk [tilespmem:v2+s16+$0x0], $0xffff  }
0x51c: {  	[tilespmem:s12+$0xFFFFFF30] =	vst v8;
	v8 =	vld.idx.msk [tilespmem:v11+s21+$0x0], $0xffff  }
0x51d: {  	v15 =	vld.idx.msk [tilespmem:v5+s3+$0x0], $0xffff  }
0x51e: {  	v10 =	vld.idx.msk [tilespmem:v59+s21+$0x0], $0xffff;
	[tilespmem:s1+$0xFFFFFF50] =	vst v9  }
0x51f: {  	v6 =	vld.idx.msk [tilespmem:v7+s21+$0x0], $0xffff;
	[tilespmem:s1+$0x260] =	vst v14  }
0x520: {  	[tilespmem:s31+$0xFFFFFD70] =	vst v12;
	v4 =	vld.idx.msk [tilespmem:v1+s19+$0x0], $0xffff  }
0x521: {  	s26 =	sadd.s32 s30, s4;
	[tilespmem:s12+$0x140] =	vst v3;
	v3 =	vld.idx.msk [tilespmem:v0+s17+$0x0], $0xffff  }
0x522: {  	s30 =	sadd.s32 $0x1, s26;
	v9 =	vld.idx.msk [tilespmem:v2+s17+$0x0], $0xffff;
	[tilespmem:s10+$0x20] =	vst v15  }
0x523: {  	s11 =	simm.s32 $0x6;
	s7 =	simm.s32 $0xDB40;
	s25 =	simm.s32 $0x33C0;
	[tilespmem:s10+$0xFFFFFF90] =	vst v8;
	v11 =	vld.idx.msk [tilespmem:v5+s15+$0x0], $0xffff  }
.LBB2_5:
0x524: {  	v8 =	vld [tilespmem:s25+$0x0];
	s11 =	sadd.s32 $0x2, s11;
	[tilespmem:s12+$0xFFFFFFB0] =	vst v10  }
0x525: {  	v7 =	vld [tilespmem:s25+$0xFFFFFF80];
	p0 =	slt.u32 s11, $0x1E;
	[tilespmem:s1+$0x2E0] =	vst v4  }
0x526: {  	[tilespmem:s1+$0xFFFFFFD0] =	vst v6;
	v10 =	vld.idx.msk [tilespmem:v1+s20+$0x0], $0xffff  }
0x527: {  	v4 =	vld [tilespmem:s6+$0xFFFFFFA0];
	[tilespmem:s12+$0x1C0] =	vst v9  }
0x528: {  	v9 =	vld.idx.msk [tilespmem:v2+s18+$0x0], $0xffff;
	[tilespmem:s31+$0xFFFFFDF0] =	vst v3  }
0x529: {  	[tilespmem:s10+$0xA0] =	vst v11;
	v6 =	vld [tilespmem:s5+$0xFFFFFFC0]  }
0x52a: {  	v11 =	vld.idx.msk [tilespmem:v5+s16+$0x0], $0xffff  }
0x52b: {  	v3 =	vld [tilespmem:s0+$0xFFFFFFE0]  }
0x52c: {  	v12 =	vld.idx.msk [tilespmem:v8+s3+$0x0], $0xffff;
	[tilespmem:s1+$0x360] =	vst v10  }
0x52d: {  	v1 =	vld.idx.msk [tilespmem:v1+s21+$0x0], $0xffff  }
0x52e: {  	v10 =	vld.idx.msk [tilespmem:v7+s3+$0x0], $0xffff;
	[tilespmem:s12+$0x240] =	vst v9  }
0x52f: {  	v9 =	vld.idx.msk [tilespmem:v2+s19+$0x0], $0xffff  }
0x530: {  	v13 =	vld.idx.msk [tilespmem:v4+s3+$0x0], $0xffff;
	[tilespmem:s10+$0x120] =	vst v11  }
0x531: {  	s10 =	sadd.s32 $0x800, s10;
	v11 =	vld.idx.msk [tilespmem:v5+s17+$0x0], $0xffff  }
0x532: {  	[tilespmem:s10+$0x0] =	vst v12;
	v12 =	vld.idx.msk [tilespmem:v6+s3+$0x0], $0xffff  }
0x533: {  	v14 =	vld.idx.msk [tilespmem:v8+s15+$0x0], $0xffff;
	[tilespmem:s1+$0x3E0] =	vst v1  }
0x534: {  	[tilespmem:s10+$0xFFFFFC00] =	vst v10;
	v1 =	vld [tilespmem:s0+$0x70]  }
0x535: {  	v10 =	vld.idx.msk [tilespmem:v7+s15+$0x0], $0xffff;
	[tilespmem:s12+$0x2C0] =	vst v9  }
0x536: {  	[tilespmem:s7+$0xFFFFFC20] =	vst v13;
	v9 =	vld.idx.msk [tilespmem:v2+s20+$0x0], $0xffff  }
0x537: {  	v13 =	vld.idx.msk [tilespmem:v4+s15+$0x0], $0xffff;
	[tilespmem:s7+$0x1A0] =	vst v11  }
0x538: {  	v11 =	vld.idx.msk [tilespmem:v5+s18+$0x0], $0xffff;
	[tilespmem:s12+$0xFFFFFC40] =	vst v12  }
0x539: {  	[tilespmem:s10+$0x80] =	vst v14;
	v12 =	vld.idx.msk [tilespmem:v6+s15+$0x0], $0xffff  }
0x53a: {  	v14 =	vld.idx.msk [tilespmem:v8+s16+$0x0], $0xffff  }
0x53b: {  	[tilespmem:s10+$0xFFFFFC80] =	vst v10;
	v10 =	vld.idx.msk [tilespmem:v3+s3+$0x0], $0xffff  }
0x53c: {  	[tilespmem:s12+$0x340] =	vst v9;
	v9 =	vld.idx.msk [tilespmem:v1+s3+$0x0], $0xffff  }
0x53d: {  	[tilespmem:s7+$0xFFFFFCA0] =	vst v13;
	v2 =	vld.idx.msk [tilespmem:v2+s21+$0x0], $0xffff  }
0x53e: {  	v13 =	vld.idx.msk [tilespmem:v7+s16+$0x0], $0xffff;
	[tilespmem:s7+$0x220] =	vst v11  }
0x53f: {  	v11 =	vld.idx.msk [tilespmem:v5+s19+$0x0], $0xffff;
	[tilespmem:s12+$0xFFFFFCC0] =	vst v12  }
0x540: {  	[tilespmem:s10+$0x100] =	vst v14;
	v12 =	vld.idx.msk [tilespmem:v4+s16+$0x0], $0xffff  }
0x541: {  	v14 =	vld.idx.msk [tilespmem:v8+s17+$0x0], $0xffff;
	[tilespmem:s1+$0xFFFFFC60] =	vst v10  }
0x542: {  	v10 =	vld.idx.msk [tilespmem:v6+s16+$0x0], $0xffff;
	[tilespmem:s1+$0x70] =	vst v9  }
0x543: {  	[tilespmem:s12+$0x3C0] =	vst v2;
	v2 =	vld.idx.msk [tilespmem:v1+s15+$0x0], $0xffff  }
0x544: {  	[tilespmem:s10+$0xFFFFFD00] =	vst v13;
	v9 =	vld [tilespmem:s5+$0x50]  }
0x545: {  	v13 =	vld.idx.msk [tilespmem:v7+s17+$0x0], $0xffff;
	[tilespmem:s7+$0x2A0] =	vst v11  }
0x546: {  	[tilespmem:s7+$0xFFFFFD20] =	vst v12;
	v11 =	vld.idx.msk [tilespmem:v5+s20+$0x0], $0xffff  }
0x547: {  	[tilespmem:s10+$0x180] =	vst v14;
	v12 =	vld.idx.msk [tilespmem:v4+s17+$0x0], $0xffff  }
0x548: {  	v14 =	vld.idx.msk [tilespmem:v8+s18+$0x0], $0xffff;
	[tilespmem:s12+$0xFFFFFD40] =	vst v10  }
0x549: {  	v10 =	vld.idx.msk [tilespmem:v6+s17+$0x0], $0xffff;
	[tilespmem:s1+$0xF0] =	vst v2  }
0x54a: {  	v2 =	vld.idx.msk [tilespmem:v1+s16+$0x0], $0xffff  }
0x54b: {  	[tilespmem:s10+$0xFFFFFD80] =	vst v13;
	v13 =	vld.idx.msk [tilespmem:v3+s15+$0x0], $0xffff  }
0x54c: {  	[tilespmem:s7+$0x320] =	vst v11;
	v11 =	vld.idx.msk [tilespmem:v9+s3+$0x0], $0xffff  }
0x54d: {  	[tilespmem:s7+$0xFFFFFDA0] =	vst v12;
	v5 =	vld.idx.msk [tilespmem:v5+s21+$0x0], $0xffff  }
0x54e: {  	v12 =	vld.idx.msk [tilespmem:v7+s18+$0x0], $0xffff;
	[tilespmem:s10+$0x200] =	vst v14  }
0x54f: {  	v14 =	vld.idx.msk [tilespmem:v8+s19+$0x0], $0xffff;
	[tilespmem:s12+$0xFFFFFDC0] =	vst v10  }
0x550: {  	v10 =	vld.idx.msk [tilespmem:v4+s18+$0x0], $0xffff;
	[tilespmem:s1+$0x170] =	vst v2  }
0x551: {  	[tilespmem:s1+$0xFFFFFCE0] =	vst v13;
	v13 =	vld.idx.msk [tilespmem:v1+s17+$0x0], $0xffff  }
0x552: {  	v15 =	vld.idx.msk [tilespmem:v6+s18+$0x0], $0xffff;
	[tilespmem:s12+$0x50] =	vst v11  }
0x553: {  	[tilespmem:s7+$0x3A0] =	vst v5;
	v5 =	vld.idx.msk [tilespmem:v9+s15+$0x0], $0xffff  }
0x554: {  	[tilespmem:s10+$0xFFFFFE00] =	vst v12;
	v2 =	vld [tilespmem:s6+$0x30]  }
0x555: {  	v11 =	vld.idx.msk [tilespmem:v7+s19+$0x0], $0xffff;
	[tilespmem:s10+$0x280] =	vst v14  }
0x556: {  	v12 =	vld.idx.msk [tilespmem:v8+s20+$0x0], $0xffff;
	[tilespmem:s7+$0xFFFFFE20] =	vst v10  }
0x557: {  	v10 =	vld.idx.msk [tilespmem:v4+s19+$0x0], $0xffff;
	[tilespmem:s1+$0x1F0] =	vst v13  }
0x558: {  	[tilespmem:s12+$0xFFFFFE40] =	vst v15;
	v13 =	vld.idx.msk [tilespmem:v1+s18+$0x0], $0xffff  }
0x559: {  	v14 =	vld.idx.msk [tilespmem:v6+s19+$0x0], $0xffff;
	[tilespmem:s12+$0xD0] =	vst v5  }
0x55a: {  	v5 =	vld.idx.msk [tilespmem:v9+s16+$0x0], $0xffff  }
0x55b: {  	[tilespmem:s10+$0xFFFFFE80] =	vst v11;
	v11 =	vld.idx.msk [tilespmem:v3+s16+$0x0], $0xffff  }
0x55c: {  	[tilespmem:s10+$0x300] =	vst v12;
	v12 =	vld.idx.msk [tilespmem:v2+s3+$0x0], $0xffff  }
0x55d: {  	v8 =	vld.idx.msk [tilespmem:v8+s21+$0x0], $0xffff;
	[tilespmem:s7+$0xFFFFFEA0] =	vst v10  }
0x55e: {  	v10 =	vld.idx.msk [tilespmem:v7+s20+$0x0], $0xffff;
	[tilespmem:s1+$0x270] =	vst v13  }
0x55f: {  	[tilespmem:s12+$0xFFFFFEC0] =	vst v14;
	v13 =	vld.idx.msk [tilespmem:v1+s19+$0x0], $0xffff  }
0x560: {  	v14 =	vld.idx.msk [tilespmem:v4+s20+$0x0], $0xffff;
	[tilespmem:s12+$0x150] =	vst v5  }
0x561: {  	v15 =	vld.idx.msk [tilespmem:v9+s17+$0x0], $0xffff;
	[tilespmem:s1+$0xFFFFFD60] =	vst v11  }
0x562: {  	[tilespmem:s7+$0x30] =	vst v12;
	v11 =	vld.idx.msk [tilespmem:v6+s20+$0x0], $0xffff  }
0x563: {  	[tilespmem:s10+$0x380] =	vst v8;
	v8 =	vld.idx.msk [tilespmem:v2+s15+$0x0], $0xffff  }
0x564: {  	[tilespmem:s10+$0xFFFFFF00] =	vst v10;
	v5 =	vld [tilespmem:s25+$0x10]  }
0x565: {  	v7 =	vld.idx.msk [tilespmem:v7+s21+$0x0], $0xffff;
	[tilespmem:s1+$0x2F0] =	vst v13  }
0x566: {  	[tilespmem:s7+$0xFFFFFF20] =	vst v14;
	v10 =	vld.idx.msk [tilespmem:v1+s20+$0x0], $0xffff  }
0x567: {  	v4 =	vld.idx.msk [tilespmem:v4+s21+$0x0], $0xffff;
	[tilespmem:s12+$0x1D0] =	vst v15  }
0x568: {  	[tilespmem:s12+$0xFFFFFF40] =	vst v11;
	v11 =	vld.idx.msk [tilespmem:v9+s18+$0x0], $0xffff  }
0x569: {  	[tilespmem:s7+$0xB0] =	vst v8;
	v6 =	vld.idx.msk [tilespmem:v6+s21+$0x0], $0xffff  }
0x56a: {  	v8 =	vld.idx.msk [tilespmem:v2+s16+$0x0], $0xffff  }
0x56b: {  	[tilespmem:s10+$0xFFFFFF80] =	vst v7;
	v7 =	vld.idx.msk [tilespmem:v3+s17+$0x0], $0xffff  }
0x56c: {  	v12 =	vld.idx.msk [tilespmem:v5+s3+$0x0], $0xffff;
	[tilespmem:s1+$0x370] =	vst v10  }
0x56d: {  	[tilespmem:s7+$0xFFFFFFA0] =	vst v4;
	v1 =	vld.idx.msk [tilespmem:v1+s21+$0x0], $0xffff  }
0x56e: {  	v4 =	vld [tilespmem:s25+$0xFFFFFF90];
	[tilespmem:s12+$0x250] =	vst v11  }
0x56f: {  	[tilespmem:s12+$0xFFFFFFC0] =	vst v6;
	v10 =	vld.idx.msk [tilespmem:v9+s19+$0x0], $0xffff  }
0x570: {  	v6 =	vld [tilespmem:s6+$0xFFFFFFB0];
	[tilespmem:s7+$0x130] =	vst v8  }
0x571: {  	v8 =	vld.idx.msk [tilespmem:v2+s17+$0x0], $0xffff;
	[tilespmem:s1+$0xFFFFFDE0] =	vst v7  }
0x572: {  	[tilespmem:s10+$0x10] =	vst v12;
	v7 =	vld [tilespmem:s5+$0xFFFFFFD0]  }
0x573: {  	v11 =	vld.idx.msk [tilespmem:v5+s15+$0x0], $0xffff;
	[tilespmem:s1+$0x3F0] =	vst v1  }
0x574: {  	v1 =	vld.idx.msk [tilespmem:v3+s18+$0x0], $0xffff  }
0x575: {  	[tilespmem:s12+$0x2D0] =	vst v10;
	v10 =	vld.idx.msk [tilespmem:v0+s18+$0x0], $0xffff  }
0x576: {  	v12 =	vld.idx.msk [tilespmem:v9+s20+$0x0], $0xffff  }
0x577: {  	v13 =	vld.idx.msk [tilespmem:v4+s3+$0x0], $0xffff;
	[tilespmem:s7+$0x1B0] =	vst v8  }
0x578: {  	v8 =	vld.idx.msk [tilespmem:v2+s18+$0x0], $0xffff  }
0x579: {  	[tilespmem:s10+$0x90] =	vst v11;
	v11 =	vld.idx.msk [tilespmem:v6+s3+$0x0], $0xffff  }
0x57a: {  	v14 =	vld.idx.msk [tilespmem:v5+s16+$0x0], $0xffff;
	[tilespmem:s1+$0xFFFFFE60] =	vst v1  }
0x57b: {  	v1 =	vld.idx.msk [tilespmem:v7+s3+$0x0], $0xffff;
	[tilespmem:s31+$0xFFFFFE70] =	vst v10  }
0x57c: {  	[tilespmem:s12+$0x350] =	vst v12;
	v10 =	vld.idx.msk [tilespmem:v3+s19+$0x0], $0xffff  }
0x57d: {  	[tilespmem:s10+$0xFFFFFC10] =	vst v13;
	v9 =	vld.idx.msk [tilespmem:v9+s21+$0x0], $0xffff  }
0x57e: {  	v12 =	vld.idx.msk [tilespmem:v4+s15+$0x0], $0xffff;
	[tilespmem:s7+$0x230] =	vst v8  }
0x57f: {  	[tilespmem:s7+$0xFFFFFC30] =	vst v11;
	v8 =	vld.idx.msk [tilespmem:v2+s19+$0x0], $0xffff  }
0x580: {  	[tilespmem:s10+$0x110] =	vst v14;
	v11 =	vld.idx.msk [tilespmem:v6+s15+$0x0], $0xffff  }
0x581: {  	v13 =	vld.idx.msk [tilespmem:v5+s17+$0x0], $0xffff;
	[tilespmem:s12+$0xFFFFFC50] =	vst v1  }
0x582: {  	v14 =	vld.idx.msk [tilespmem:v7+s15+$0x0], $0xffff;
	[tilespmem:s1+$0xFFFFFEE0] =	vst v10  }
0x583: {  	[tilespmem:s12+$0x3D0] =	vst v9;
	v9 =	vld.idx.msk [tilespmem:v3+s20+$0x0], $0xffff  }
0x584: {  	[tilespmem:s10+$0xFFFFFC90] =	vst v12;
	v1 =	vld [tilespmem:s5+$0x60]  }
0x585: {  	v10 =	vld.idx.msk [tilespmem:v4+s16+$0x0], $0xffff;
	[tilespmem:s7+$0x2B0] =	vst v8  }
0x586: {  	[tilespmem:s7+$0xFFFFFCB0] =	vst v11;
	v8 =	vld.idx.msk [tilespmem:v2+s20+$0x0], $0xffff  }
0x587: {  	[tilespmem:s10+$0x190] =	vst v13;
	v11 =	vld.idx.msk [tilespmem:v6+s16+$0x0], $0xffff  }
0x588: {  	v12 =	vld.idx.msk [tilespmem:v5+s18+$0x0], $0xffff;
	[tilespmem:s12+$0xFFFFFCD0] =	vst v14  }
0x589: {  	v13 =	vld.idx.msk [tilespmem:v7+s16+$0x0], $0xffff;
	[tilespmem:s1+$0xFFFFFF60] =	vst v9  }
0x58a: {  	v3 =	vld.idx.msk [tilespmem:v3+s21+$0x0], $0xffff  }
0x58b: {  	[tilespmem:s10+$0xFFFFFD10] =	vst v10;
	v9 =	vld.idx.msk [tilespmem:v0+s19+$0x0], $0xffff  }
0x58c: {  	[tilespmem:s7+$0x330] =	vst v8;
	v8 =	vld.idx.msk [tilespmem:v1+s3+$0x0], $0xffff  }
0x58d: {  	[tilespmem:s7+$0xFFFFFD30] =	vst v11;
	v2 =	vld.idx.msk [tilespmem:v2+s21+$0x0], $0xffff  }
0x58e: {  	v10 =	vld.idx.msk [tilespmem:v4+s17+$0x0], $0xffff;
	[tilespmem:s10+$0x210] =	vst v12  }
0x58f: {  	v11 =	vld.idx.msk [tilespmem:v5+s19+$0x0], $0xffff;
	[tilespmem:s12+$0xFFFFFD50] =	vst v13  }
0x590: {  	v12 =	vld.idx.msk [tilespmem:v6+s17+$0x0], $0xffff;
	[tilespmem:s1+$0xFFFFFFE0] =	vst v3  }
0x591: {  	v3 =	vld.idx.msk [tilespmem:v7+s17+$0x0], $0xffff;
	[tilespmem:s31+$0xFFFFFEF0] =	vst v9  }
0x592: {  	[tilespmem:s12+$0x60] =	vst v8;
	v8 =	vld [tilespmem:s0+$0xFFFFFFF0];
	s0 =	smov.u32 s5;
	s5 =	smov.u32 s6;
	s6 =	smov.u32 s25  }
0x593: {  	[tilespmem:s7+$0x3B0] =	vst v2;
	v9 =	vld.idx.msk [tilespmem:v1+s15+$0x0], $0xffff  }
0x594: {  	[tilespmem:s10+$0xFFFFFD90] =	vst v10;
	v2 =	vld [tilespmem:s5+$0x40]  }
0x595: {  	v10 =	vld.idx.msk [tilespmem:v4+s18+$0x0], $0xffff;
	[tilespmem:s10+$0x290] =	vst v11  }
0x596: {  	v11 =	vld.idx.msk [tilespmem:v5+s20+$0x0], $0xffff;
	[tilespmem:s7+$0xFFFFFDB0] =	vst v12  }
0x597: {  	v12 =	vld.idx.msk [tilespmem:v6+s18+$0x0], $0xffff;
	[tilespmem:s12+$0xFFFFFDD0] =	vst v3  }
0x598: {  	v3 =	vld.idx.msk [tilespmem:v7+s18+$0x0], $0xffff  }
0x599: {  	[tilespmem:s12+$0xE0] =	vst v9;
	v9 =	vld.idx.msk [tilespmem:v0+s20+$0x0], $0xffff  }
0x59a: {  	v13 =	vld.idx.msk [tilespmem:v1+s16+$0x0], $0xffff  }
0x59b: {  	[tilespmem:s10+$0xFFFFFE10] =	vst v10;
	v10 =	vld.idx.msk [tilespmem:v8+s3+$0x0], $0xffff  }
0x59c: {  	[tilespmem:s10+$0x310] =	vst v11;
	v11 =	vld.idx.msk [tilespmem:v2+s3+$0x0], $0xffff  }
0x59d: {  	v5 =	vld.idx.msk [tilespmem:v5+s21+$0x0], $0xffff;
	[tilespmem:s7+$0xFFFFFE30] =	vst v12  }
0x59e: {  	v12 =	vld.idx.msk [tilespmem:v4+s19+$0x0], $0xffff;
	[tilespmem:s12+$0xFFFFFE50] =	vst v3  }
0x59f: {  	v3 =	vld.idx.msk [tilespmem:v6+s19+$0x0], $0xffff;
	[tilespmem:s31+$0xFFFFFF70] =	vst v9  }
0x5a0: {  	v9 =	vld.idx.msk [tilespmem:v7+s19+$0x0], $0xffff;
	[tilespmem:s12+$0x160] =	vst v13  }
0x5a1: {  	v13 =	vld.idx.msk [tilespmem:v1+s17+$0x0], $0xffff;
	[tilespmem:s1+$0xFFFFFC70] =	vst v10  }
0x5a2: {  	[tilespmem:s7+$0x40] =	vst v11;
	v10 =	vld.idx.msk [tilespmem:v8+s15+$0x0], $0xffff  }
0x5a3: {  	[tilespmem:s10+$0x390] =	vst v5;
	v11 =	vld.idx.msk [tilespmem:v2+s15+$0x0], $0xffff  }
0x5a4: {  	[tilespmem:s10+$0xFFFFFE90] =	vst v12;
	v5 =	vld [tilespmem:s25+$0x20]  }
0x5a5: {  	v12 =	vld.idx.msk [tilespmem:v4+s20+$0x0], $0xffff;
	[tilespmem:s7+$0xFFFFFEB0] =	vst v3  }
0x5a6: {  	v3 =	vld.idx.msk [tilespmem:v6+s20+$0x0], $0xffff;
	[tilespmem:s12+$0xFFFFFED0] =	vst v9  }
0x5a7: {  	v9 =	vld.idx.msk [tilespmem:v7+s20+$0x0], $0xffff;
	[tilespmem:s12+$0x1E0] =	vst v13  }
0x5a8: {  	v13 =	vld.idx.msk [tilespmem:v1+s18+$0x0], $0xffff;
	[tilespmem:s1+$0xFFFFFCF0] =	vst v10  }
0x5a9: {  	[tilespmem:s7+$0xC0] =	vst v11;
	v11 =	vld.idx.msk [tilespmem:v8+s16+$0x0], $0xffff  }
0x5aa: {  	v14 =	vld.idx.msk [tilespmem:v2+s16+$0x0], $0xffff  }
0x5ab: {  	[tilespmem:s10+$0xFFFFFF10] =	vst v12;
	v12 =	vld.idx.msk [tilespmem:v0+s21+$0x0], $0xffff;
	v0 =	vmov v8  }
0x5ac: {  	v8 =	vld.idx.msk [tilespmem:v5+s3+$0x0], $0xffff;
	[tilespmem:s7+$0xFFFFFF30] =	vst v3  }
0x5ad: {  	v15 =	vld.idx.msk [tilespmem:v4+s21+$0x0], $0xffff;
	[tilespmem:s12+$0xFFFFFF50] =	vst v9  }
0x5ae: {  	v10 =	vld.idx.msk [tilespmem:v6+s21+$0x0], $0xffff;
	[tilespmem:s12+$0x260] =	vst v13  }
.Ltmp3:
0x5af: {  	v4 =	vld.idx.msk [tilespmem:v1+s19+$0x0], $0xffff;
	[tilespmem:s1+$0xFFFFFD70] =	vst v11;
	(pc) =	sbr.rel @p0 .LBB2_5-.Ltmp3, $4  }
0x5b0: {  	[tilespmem:s7+$0x140] =	vst v14;
	v6 =	vld.idx.msk [tilespmem:v7+s21+$0x0], $0xffff  }
0x5b1: {  	v9 =	vld.idx.msk [tilespmem:v2+s17+$0x0], $0xffff;
	[tilespmem:s31+$0xFFFFFFF0] =	vst v12;
	s31 =	smov.u32 s1;
	s1 =	smov.u32 s12;
	s12 =	smov.u32 s7  }
0x5b2: {  	s7 =	smov.u32 s10;
	[tilespmem:s10+$0x20] =	vst v8;
	v3 =	vld.idx.msk [tilespmem:v0+s17+$0x0], $0xffff  }
0x5b3: {  	s25 =	sadd.s32 $0x100, s25;
	[tilespmem:s10+$0xFFFFFF90] =	vst v15;
	v11 =	vld.idx.msk [tilespmem:v5+s15+$0x0], $0xffff  }
0x5b4: {  	v7 =	vld [tilespmem:s6+$0xFFFFFFA0];
	_ =	sdelay $0x7  }
0x5b5: {  	v8 =	vld.idx.msk [tilespmem:v7+s3+$0x0], $0xffff;
	_ =	sdelay $0x4  }
0x5b6: {  	[tilespmem:s7+$0xFFFFFC20] =	vst v8  }
0x5b7: {  	v8 =	vld.idx.msk [tilespmem:v7+s15+$0x0], $0xffff;
	_ =	sdelay $0x3  }
0x5b8: {  	[tilespmem:s10+$0xA0] =	vst v11  }
0x5b9: {  	v11 =	vld.idx.msk [tilespmem:v5+s16+$0x0], $0xffff;
	[tilespmem:s7+$0xFFFFFCA0] =	vst v8  }
0x5ba: {  	v8 =	vld.idx.msk [tilespmem:v7+s16+$0x0], $0xffff;
	_ =	sdelay $0x3  }
0x5bb: {  	[tilespmem:s10+$0x120] =	vst v11  }
0x5bc: {  	v11 =	vld.idx.msk [tilespmem:v5+s17+$0x0], $0xffff;
	[tilespmem:s7+$0xFFFFFD20] =	vst v8  }
0x5bd: {  	v8 =	vld.idx.msk [tilespmem:v7+s17+$0x0], $0xffff;
	_ =	sdelay $0x3  }
0x5be: {  	[tilespmem:s7+$0x1A0] =	vst v11  }
0x5bf: {  	v11 =	vld.idx.msk [tilespmem:v5+s18+$0x0], $0xffff;
	[tilespmem:s7+$0xFFFFFDA0] =	vst v8  }
0x5c0: {  	v8 =	vld.idx.msk [tilespmem:v7+s18+$0x0], $0xffff;
	_ =	sdelay $0x3  }
0x5c1: {  	[tilespmem:s7+$0x220] =	vst v11  }
0x5c2: {  	v11 =	vld.idx.msk [tilespmem:v5+s19+$0x0], $0xffff;
	[tilespmem:s7+$0xFFFFFE20] =	vst v8  }
0x5c3: {  	v8 =	vld.idx.msk [tilespmem:v7+s19+$0x0], $0xffff;
	_ =	sdelay $0x3  }
0x5c4: {  	[tilespmem:s7+$0x2A0] =	vst v11  }
0x5c5: {  	v11 =	vld.idx.msk [tilespmem:v5+s20+$0x0], $0xffff;
	[tilespmem:s7+$0xFFFFFEA0] =	vst v8  }
0x5c6: {  	v8 =	vld.idx.msk [tilespmem:v7+s20+$0x0], $0xffff;
	_ =	sdelay $0x3  }
0x5c7: {  	[tilespmem:s7+$0x320] =	vst v11  }
0x5c8: {  	v14 =	vld.idx.msk [tilespmem:v5+s21+$0x0], $0xffff;
	[tilespmem:s7+$0xFFFFFF20] =	vst v8  }
0x5c9: {  	v7 =	vld.idx.msk [tilespmem:v7+s21+$0x0], $0xffff;
	_ =	sdelay $0x3  }
0x5ca: {  	[tilespmem:s7+$0x3A0] =	vst v14  }
0x5cb: {  	v5 =	vld [tilespmem:s6+$0x30];
	[tilespmem:s7+$0xFFFFFFA0] =	vst v7  }
0x5cc: {  	v7 =	vld [tilespmem:s6+$0xFFFFFFB0];
	_ =	sdelay $0x6  }
0x5cd: {  	v15 =	vld.idx.msk [tilespmem:v5+s3+$0x0], $0xffff  }
0x5ce: {  	v16 =	vld.idx.msk [tilespmem:v7+s3+$0x0], $0xffff;
	_ =	sdelay $0x3  }
0x5cf: {  	[tilespmem:s7+$0x30] =	vst v15  }
0x5d0: {  	v8 =	vld.idx.msk [tilespmem:v5+s15+$0x0], $0xffff;
	[tilespmem:s7+$0xFFFFFC30] =	vst v16  }
0x5d1: {  	v11 =	vld.idx.msk [tilespmem:v7+s15+$0x0], $0xffff;
	_ =	sdelay $0x3  }
0x5d2: {  	[tilespmem:s7+$0xB0] =	vst v8  }
0x5d3: {  	v8 =	vld.idx.msk [tilespmem:v5+s16+$0x0], $0xffff;
	[tilespmem:s7+$0xFFFFFCB0] =	vst v11  }
0x5d4: {  	v11 =	vld.idx.msk [tilespmem:v7+s16+$0x0], $0xffff;
	_ =	sdelay $0x3  }
0x5d5: {  	[tilespmem:s7+$0x130] =	vst v8  }
0x5d6: {  	v8 =	vld.idx.msk [tilespmem:v5+s17+$0x0], $0xffff;
	[tilespmem:s7+$0xFFFFFD30] =	vst v11  }
0x5d7: {  	v11 =	vld.idx.msk [tilespmem:v7+s17+$0x0], $0xffff;
	_ =	sdelay $0x3  }
0x5d8: {  	[tilespmem:s7+$0x1B0] =	vst v8  }
0x5d9: {  	v8 =	vld.idx.msk [tilespmem:v5+s18+$0x0], $0xffff;
	[tilespmem:s7+$0xFFFFFDB0] =	vst v11  }
0x5da: {  	v11 =	vld.idx.msk [tilespmem:v7+s18+$0x0], $0xffff;
	_ =	sdelay $0x3  }
0x5db: {  	[tilespmem:s7+$0x230] =	vst v8  }
0x5dc: {  	v8 =	vld.idx.msk [tilespmem:v5+s19+$0x0], $0xffff;
	[tilespmem:s7+$0xFFFFFE30] =	vst v11  }
0x5dd: {  	v11 =	vld.idx.msk [tilespmem:v7+s19+$0x0], $0xffff;
	_ =	sdelay $0x3  }
0x5de: {  	[tilespmem:s7+$0x2B0] =	vst v8  }
0x5df: {  	v8 =	vld.idx.msk [tilespmem:v5+s20+$0x0], $0xffff;
	[tilespmem:s7+$0xFFFFFEB0] =	vst v11  }
0x5e0: {  	v11 =	vld.idx.msk [tilespmem:v7+s20+$0x0], $0xffff;
	_ =	sdelay $0x3  }
0x5e1: {  	[tilespmem:s7+$0x330] =	vst v8  }
0x5e2: {  	v5 =	vld.idx.msk [tilespmem:v5+s21+$0x0], $0xffff;
	[tilespmem:s7+$0xFFFFFF30] =	vst v11  }
0x5e3: {  	v7 =	vld.idx.msk [tilespmem:v7+s21+$0x0], $0xffff;
	_ =	sdelay $0x2  }
0x5e4: {  	[tilespmem:s12+$0xFFFFFFB0] =	vst v10  }
0x5e5: {  	v17 =	vld [tilespmem:s5+$0xFFFFFFC0];
	[tilespmem:s7+$0x3B0] =	vst v5  }
0x5e6: {  	v5 =	vld [tilespmem:s6+$0x40];
	[tilespmem:s7+$0xFFFFFFB0] =	vst v7  }
0x5e7: {  	v7 =	vld [tilespmem:s6+$0xFFFFFFC0];
	_ =	sdelay $0x5  }
0x5e8: {  	v19 =	vld.idx.msk [tilespmem:v17+s3+$0x0], $0xffff  }
0x5e9: {  	v18 =	vld.idx.msk [tilespmem:v5+s3+$0x0], $0xffff  }
0x5ea: {  	v12 =	vld.idx.msk [tilespmem:v7+s3+$0x0], $0xffff;
	_ =	sdelay $0x2  }
0x5eb: {  	[tilespmem:s12+$0xFFFFFC40] =	vst v19  }
0x5ec: {  	v11 =	vld.idx.msk [tilespmem:v17+s15+$0x0], $0xffff;
	[tilespmem:s7+$0x40] =	vst v18  }
0x5ed: {  	v10 =	vld.idx.msk [tilespmem:v5+s15+$0x0], $0xffff;
	[tilespmem:s7+$0xFFFFFC40] =	vst v12  }
0x5ee: {  	v12 =	vld.idx.msk [tilespmem:v7+s15+$0x0], $0xffff;
	_ =	sdelay $0x2  }
0x5ef: {  	[tilespmem:s12+$0xFFFFFCC0] =	vst v11  }
0x5f0: {  	v11 =	vld.idx.msk [tilespmem:v17+s16+$0x0], $0xffff;
	[tilespmem:s7+$0xC0] =	vst v10  }
0x5f1: {  	v10 =	vld.idx.msk [tilespmem:v5+s16+$0x0], $0xffff;
	[tilespmem:s7+$0xFFFFFCC0] =	vst v12  }
0x5f2: {  	v12 =	vld.idx.msk [tilespmem:v7+s16+$0x0], $0xffff;
	_ =	sdelay $0x2  }
0x5f3: {  	[tilespmem:s12+$0xFFFFFD40] =	vst v11  }
0x5f4: {  	v11 =	vld.idx.msk [tilespmem:v17+s17+$0x0], $0xffff;
	[tilespmem:s7+$0x140] =	vst v10  }
0x5f5: {  	v10 =	vld.idx.msk [tilespmem:v5+s17+$0x0], $0xffff;
	[tilespmem:s7+$0xFFFFFD40] =	vst v12  }
0x5f6: {  	v12 =	vld.idx.msk [tilespmem:v7+s17+$0x0], $0xffff  }
0x5f7: {  	[tilespmem:s12+$0x1C0] =	vst v9  }
0x5f8: {  	v9 =	vld.idx.msk [tilespmem:v2+s18+$0x0], $0xffff  }
0x5f9: {  	[tilespmem:s12+$0xFFFFFDC0] =	vst v11  }
0x5fa: {  	v11 =	vld.idx.msk [tilespmem:v17+s18+$0x0], $0xffff;
	[tilespmem:s7+$0x1C0] =	vst v10  }
0x5fb: {  	v10 =	vld.idx.msk [tilespmem:v5+s18+$0x0], $0xffff;
	[tilespmem:s7+$0xFFFFFDC0] =	vst v12  }
0x5fc: {  	v12 =	vld.idx.msk [tilespmem:v7+s18+$0x0], $0xffff  }
0x5fd: {  	[tilespmem:s12+$0x240] =	vst v9  }
0x5fe: {  	v9 =	vld.idx.msk [tilespmem:v2+s19+$0x0], $0xffff  }
0x5ff: {  	[tilespmem:s12+$0xFFFFFE40] =	vst v11  }
0x600: {  	v11 =	vld.idx.msk [tilespmem:v17+s19+$0x0], $0xffff;
	[tilespmem:s7+$0x240] =	vst v10  }
0x601: {  	v10 =	vld.idx.msk [tilespmem:v5+s19+$0x0], $0xffff;
	[tilespmem:s7+$0xFFFFFE40] =	vst v12  }
0x602: {  	v12 =	vld.idx.msk [tilespmem:v7+s19+$0x0], $0xffff  }
0x603: {  	[tilespmem:s12+$0x2C0] =	vst v9  }
0x604: {  	v9 =	vld.idx.msk [tilespmem:v2+s20+$0x0], $0xffff  }
0x605: {  	[tilespmem:s12+$0xFFFFFEC0] =	vst v11  }
0x606: {  	v11 =	vld.idx.msk [tilespmem:v17+s20+$0x0], $0xffff;
	[tilespmem:s7+$0x2C0] =	vst v10  }
0x607: {  	v10 =	vld.idx.msk [tilespmem:v5+s20+$0x0], $0xffff;
	[tilespmem:s7+$0xFFFFFEC0] =	vst v12  }
0x608: {  	v12 =	vld.idx.msk [tilespmem:v7+s20+$0x0], $0xffff  }
0x609: {  	[tilespmem:s12+$0x340] =	vst v9  }
0x60a: {  	v20 =	vld.idx.msk [tilespmem:v2+s21+$0x0], $0xffff  }
0x60b: {  	[tilespmem:s12+$0xFFFFFF40] =	vst v11  }
0x60c: {  	v8 =	vld.idx.msk [tilespmem:v17+s21+$0x0], $0xffff;
	[tilespmem:s7+$0x340] =	vst v10  }
0x60d: {  	v5 =	vld.idx.msk [tilespmem:v5+s21+$0x0], $0xffff;
	[tilespmem:s7+$0xFFFFFF40] =	vst v12  }
0x60e: {  	v7 =	vld.idx.msk [tilespmem:v7+s21+$0x0], $0xffff  }
0x60f: {  	[tilespmem:s12+$0x3C0] =	vst v20  }
0x610: {  	v2 =	vld [tilespmem:s5+$0x50]  }
0x611: {  	[tilespmem:s12+$0xFFFFFFC0] =	vst v8  }
0x612: {  	v8 =	vld [tilespmem:s5+$0xFFFFFFD0];
	[tilespmem:s7+$0x3C0] =	vst v5  }
0x613: {  	v5 =	vld [tilespmem:s6+$0x50];
	[tilespmem:s7+$0xFFFFFFC0] =	vst v7  }
0x614: {  	v7 =	vld [tilespmem:s6+$0xFFFFFFD0];
	_ =	sdelay $0x3  }
0x615: {  	v9 =	vld.idx.msk [tilespmem:v2+s3+$0x0], $0xffff;
	_ =	sdelay $0x1  }
0x616: {  	v11 =	vld.idx.msk [tilespmem:v8+s3+$0x0], $0xffff  }
0x617: {  	v10 =	vld.idx.msk [tilespmem:v5+s3+$0x0], $0xffff  }
0x618: {  	v12 =	vld.idx.msk [tilespmem:v7+s3+$0x0], $0xffff  }
0x619: {  	[tilespmem:s12+$0x50] =	vst v9  }
0x61a: {  	v9 =	vld.idx.msk [tilespmem:v2+s15+$0x0], $0xffff  }
0x61b: {  	[tilespmem:s12+$0xFFFFFC50] =	vst v11  }
0x61c: {  	v11 =	vld.idx.msk [tilespmem:v8+s15+$0x0], $0xffff;
	[tilespmem:s7+$0x50] =	vst v10  }
0x61d: {  	v10 =	vld.idx.msk [tilespmem:v5+s15+$0x0], $0xffff;
	[tilespmem:s7+$0xFFFFFC50] =	vst v12  }
0x61e: {  	v12 =	vld.idx.msk [tilespmem:v7+s15+$0x0], $0xffff  }
0x61f: {  	[tilespmem:s12+$0xD0] =	vst v9  }
0x620: {  	v9 =	vld.idx.msk [tilespmem:v2+s16+$0x0], $0xffff  }
0x621: {  	[tilespmem:s12+$0xFFFFFCD0] =	vst v11  }
0x622: {  	v11 =	vld.idx.msk [tilespmem:v8+s16+$0x0], $0xffff;
	[tilespmem:s7+$0xD0] =	vst v10  }
0x623: {  	v10 =	vld.idx.msk [tilespmem:v5+s16+$0x0], $0xffff;
	[tilespmem:s7+$0xFFFFFCD0] =	vst v12  }
0x624: {  	v12 =	vld.idx.msk [tilespmem:v7+s16+$0x0], $0xffff  }
0x625: {  	[tilespmem:s12+$0x150] =	vst v9  }
0x626: {  	v9 =	vld.idx.msk [tilespmem:v2+s17+$0x0], $0xffff  }
0x627: {  	[tilespmem:s12+$0xFFFFFD50] =	vst v11  }
0x628: {  	v11 =	vld.idx.msk [tilespmem:v8+s17+$0x0], $0xffff;
	[tilespmem:s7+$0x150] =	vst v10  }
0x629: {  	v10 =	vld.idx.msk [tilespmem:v5+s17+$0x0], $0xffff;
	[tilespmem:s7+$0xFFFFFD50] =	vst v12  }
0x62a: {  	v12 =	vld.idx.msk [tilespmem:v7+s17+$0x0], $0xffff  }
0x62b: {  	[tilespmem:s12+$0x1D0] =	vst v9  }
0x62c: {  	v9 =	vld.idx.msk [tilespmem:v2+s18+$0x0], $0xffff  }
0x62d: {  	[tilespmem:s12+$0xFFFFFDD0] =	vst v11  }
0x62e: {  	v11 =	vld.idx.msk [tilespmem:v8+s18+$0x0], $0xffff;
	[tilespmem:s7+$0x1D0] =	vst v10  }
0x62f: {  	v10 =	vld.idx.msk [tilespmem:v5+s18+$0x0], $0xffff;
	[tilespmem:s7+$0xFFFFFDD0] =	vst v12  }
0x630: {  	v12 =	vld.idx.msk [tilespmem:v7+s18+$0x0], $0xffff  }
0x631: {  	[tilespmem:s12+$0x250] =	vst v9  }
0x632: {  	v9 =	vld.idx.msk [tilespmem:v2+s19+$0x0], $0xffff  }
0x633: {  	[tilespmem:s12+$0xFFFFFE50] =	vst v11  }
0x634: {  	v11 =	vld.idx.msk [tilespmem:v8+s19+$0x0], $0xffff;
	[tilespmem:s7+$0x250] =	vst v10  }
0x635: {  	v10 =	vld.idx.msk [tilespmem:v5+s19+$0x0], $0xffff;
	[tilespmem:s7+$0xFFFFFE50] =	vst v12  }
0x636: {  	v12 =	vld.idx.msk [tilespmem:v7+s19+$0x0], $0xffff  }
0x637: {  	[tilespmem:s12+$0x2D0] =	vst v9  }
0x638: {  	v9 =	vld.idx.msk [tilespmem:v2+s20+$0x0], $0xffff  }
0x639: {  	[tilespmem:s12+$0xFFFFFED0] =	vst v11  }
0x63a: {  	v11 =	vld.idx.msk [tilespmem:v8+s20+$0x0], $0xffff;
	[tilespmem:s7+$0x2D0] =	vst v10  }
0x63b: {  	v10 =	vld.idx.msk [tilespmem:v5+s20+$0x0], $0xffff;
	[tilespmem:s7+$0xFFFFFED0] =	vst v12  }
0x63c: {  	[tilespmem:s1+$0xFFFFFFD0] =	vst v6;
	v12 =	vld.idx.msk [tilespmem:v7+s20+$0x0], $0xffff  }
0x63d: {  	v6 =	vld [tilespmem:s0+$0xFFFFFFE0];
	[tilespmem:s12+$0x350] =	vst v9  }
0x63e: {  	v2 =	vld.idx.msk [tilespmem:v2+s21+$0x0], $0xffff  }
0x63f: {  	[tilespmem:s12+$0xFFFFFF50] =	vst v11  }
0x640: {  	v8 =	vld.idx.msk [tilespmem:v8+s21+$0x0], $0xffff;
	[tilespmem:s7+$0x350] =	vst v10  }
0x641: {  	v5 =	vld.idx.msk [tilespmem:v5+s21+$0x0], $0xffff;
	[tilespmem:s7+$0xFFFFFF50] =	vst v12  }
0x642: {  	v7 =	vld.idx.msk [tilespmem:v7+s21+$0x0], $0xffff  }
0x643: {  	[tilespmem:s12+$0x3D0] =	vst v2  }
0x644: {  	v2 =	vld [tilespmem:s5+$0x60]  }
0x645: {  	v21 =	vld.idx.msk [tilespmem:v6+s3+$0x0], $0xffff;
	[tilespmem:s12+$0xFFFFFFD0] =	vst v8  }
0x646: {  	v8 =	vld [tilespmem:s5+$0xFFFFFFE0];
	[tilespmem:s7+$0x3D0] =	vst v5  }
0x647: {  	v5 =	vld [tilespmem:s6+$0x60];
	[tilespmem:s7+$0xFFFFFFD0] =	vst v7  }
0x648: {  	v7 =	vld [tilespmem:s6+$0xFFFFFFE0];
	_ =	sdelay $0x1  }
0x649: {  	[tilespmem:s1+$0xFFFFFC60] =	vst v21  }
0x64a: {  	v27 =	vld.idx.msk [tilespmem:v6+s15+$0x0], $0xffff  }
0x64b: {  	v9 =	vld.idx.msk [tilespmem:v2+s3+$0x0], $0xffff;
	_ =	sdelay $0x1  }
0x64c: {  	v23 =	vld.idx.msk [tilespmem:v8+s3+$0x0], $0xffff  }
0x64d: {  	v22 =	vld.idx.msk [tilespmem:v5+s3+$0x0], $0xffff  }
0x64e: {  	[tilespmem:s1+$0xFFFFFCE0] =	vst v27;
	v24 =	vld.idx.msk [tilespmem:v7+s3+$0x0], $0xffff  }
0x64f: {  	[tilespmem:s12+$0x60] =	vst v9;
	v11 =	vld.idx.msk [tilespmem:v6+s16+$0x0], $0xffff  }
0x650: {  	[tilespmem:s1+$0x2E0] =	vst v4;
	v26 =	vld.idx.msk [tilespmem:v2+s15+$0x0], $0xffff  }
0x651: {  	v25 =	vld.idx.msk [tilespmem:v1+s20+$0x0], $0xffff;
	[tilespmem:s12+$0xFFFFFC60] =	vst v23  }
0x652: {  	v29 =	vld.idx.msk [tilespmem:v8+s15+$0x0], $0xffff;
	[tilespmem:s7+$0x60] =	vst v22  }
0x653: {  	v28 =	vld.idx.msk [tilespmem:v5+s15+$0x0], $0xffff;
	[tilespmem:s7+$0xFFFFFC60] =	vst v24  }
0x654: {  	[tilespmem:s1+$0xFFFFFD60] =	vst v11;
	v30 =	vld.idx.msk [tilespmem:v7+s15+$0x0], $0xffff  }
0x655: {  	[tilespmem:s12+$0xE0] =	vst v26;
	v11 =	vld.idx.msk [tilespmem:v6+s17+$0x0], $0xffff  }
0x656: {  	[tilespmem:s1+$0x360] =	vst v25;
	v10 =	vld.idx.msk [tilespmem:v2+s16+$0x0], $0xffff  }
0x657: {  	v31 =	vld.idx.msk [tilespmem:v1+s21+$0x0], $0xffff;
	[tilespmem:s12+$0xFFFFFCE0] =	vst v29  }
0x658: {  	v33 =	vld.idx.msk [tilespmem:v8+s16+$0x0], $0xffff;
	[tilespmem:s7+$0xE0] =	vst v28  }
0x659: {  	v32 =	vld.idx.msk [tilespmem:v5+s16+$0x0], $0xffff;
	[tilespmem:s7+$0xFFFFFCE0] =	vst v30  }
0x65a: {  	[tilespmem:s1+$0xFFFFFDE0] =	vst v11;
	v34 =	vld.idx.msk [tilespmem:v7+s16+$0x0], $0xffff  }
0x65b: {  	[tilespmem:s12+$0x160] =	vst v10;
	v11 =	vld.idx.msk [tilespmem:v6+s18+$0x0], $0xffff  }
0x65c: {  	[tilespmem:s1+$0x3E0] =	vst v31;
	v10 =	vld.idx.msk [tilespmem:v2+s17+$0x0], $0xffff  }
0x65d: {  	v35 =	vld [tilespmem:s0+$0x70];
	[tilespmem:s12+$0xFFFFFD60] =	vst v33  }
0x65e: {  	v12 =	vld.idx.msk [tilespmem:v8+s17+$0x0], $0xffff;
	[tilespmem:s7+$0x160] =	vst v32  }
0x65f: {  	v4 =	vld.idx.msk [tilespmem:v5+s17+$0x0], $0xffff;
	[tilespmem:s7+$0xFFFFFD60] =	vst v34  }
0x660: {  	[tilespmem:s1+$0xFFFFFE60] =	vst v11;
	v1 =	vld.idx.msk [tilespmem:v7+s17+$0x0], $0xffff  }
0x661: {  	[tilespmem:s12+$0x1E0] =	vst v10;
	v38 =	vld.idx.msk [tilespmem:v6+s19+$0x0], $0xffff  }
0x662: {  	v10 =	vld.idx.msk [tilespmem:v2+s18+$0x0], $0xffff  }
0x663: {  	[tilespmem:s12+$0xFFFFFDE0] =	vst v12  }
0x664: {  	v12 =	vld.idx.msk [tilespmem:v8+s18+$0x0], $0xffff;
	[tilespmem:s7+$0x1E0] =	vst v4  }
0x665: {  	v4 =	vld.idx.msk [tilespmem:v5+s18+$0x0], $0xffff;
	[tilespmem:s7+$0xFFFFFDE0] =	vst v1  }
0x666: {  	[tilespmem:s1+$0xFFFFFEE0] =	vst v38;
	v1 =	vld.idx.msk [tilespmem:v7+s18+$0x0], $0xffff  }
0x667: {  	[tilespmem:s12+$0x260] =	vst v10;
	v44 =	vld.idx.msk [tilespmem:v6+s20+$0x0], $0xffff  }
0x668: {  	v37 =	vld.idx.msk [tilespmem:v2+s19+$0x0], $0xffff  }
0x669: {  	v36 =	vld.idx.msk [tilespmem:v35+s3+$0x0], $0xffff;
	[tilespmem:s12+$0xFFFFFE60] =	vst v12  }
0x66a: {  	v40 =	vld.idx.msk [tilespmem:v8+s19+$0x0], $0xffff;
	[tilespmem:s7+$0x260] =	vst v4  }
0x66b: {  	v39 =	vld.idx.msk [tilespmem:v5+s19+$0x0], $0xffff;
	[tilespmem:s7+$0xFFFFFE60] =	vst v1  }
0x66c: {  	[tilespmem:s1+$0xFFFFFF60] =	vst v44;
	v41 =	vld.idx.msk [tilespmem:v7+s19+$0x0], $0xffff  }
0x66d: {  	[tilespmem:s12+$0x2E0] =	vst v37;
	v6 =	vld.idx.msk [tilespmem:v6+s21+$0x0], $0xffff  }
0x66e: {  	[tilespmem:s1+$0x70] =	vst v36;
	v43 =	vld.idx.msk [tilespmem:v2+s20+$0x0], $0xffff  }
0x66f: {  	v42 =	vld.idx.msk [tilespmem:v35+s15+$0x0], $0xffff;
	[tilespmem:s12+$0xFFFFFEE0] =	vst v40  }
0x670: {  	v46 =	vld.idx.msk [tilespmem:v8+s20+$0x0], $0xffff;
	[tilespmem:s7+$0x2E0] =	vst v39  }
0x671: {  	v45 =	vld.idx.msk [tilespmem:v5+s20+$0x0], $0xffff;
	[tilespmem:s7+$0xFFFFFEE0] =	vst v41  }
0x672: {  	[tilespmem:s1+$0xFFFFFFE0] =	vst v6;
	v47 =	vld.idx.msk [tilespmem:v7+s20+$0x0], $0xffff  }
0x673: {  	[tilespmem:s12+$0x360] =	vst v43;
	v6 =	vld [tilespmem:s0+$0xFFFFFFF0]  }
0x674: {  	v2 =	vld.idx.msk [tilespmem:v2+s21+$0x0], $0xffff  }
0x675: {  	[tilespmem:s12+$0xFFFFFF60] =	vst v46  }
0x676: {  	v49 =	vld.idx.msk [tilespmem:v8+s21+$0x0], $0xffff;
	[tilespmem:s7+$0x360] =	vst v45  }
0x677: {  	v1 =	vld.idx.msk [tilespmem:v5+s21+$0x0], $0xffff;
	[tilespmem:s7+$0xFFFFFF60] =	vst v47  }
0x678: {  	[tilespmem:s1+$0xF0] =	vst v42;
	v50 =	vld.idx.msk [tilespmem:v7+s21+$0x0], $0xffff  }
0x679: {  	v48 =	vld.idx.msk [tilespmem:v35+s16+$0x0], $0xffff;
	[tilespmem:s12+$0x3E0] =	vst v2  }
0x67a: {  	v2 =	vld [tilespmem:s5+$0x70]  }
0x67b: {  	v53 =	vld.idx.msk [tilespmem:v6+s3+$0x0], $0xffff;
	[tilespmem:s12+$0xFFFFFFE0] =	vst v49  }
0x67c: {  	v5 =	vld [tilespmem:s5+$0xFFFFFFF0];
	[tilespmem:s7+$0x3E0] =	vst v1  }
0x67d: {  	v1 =	vld [tilespmem:s6+$0x70];
	[tilespmem:s7+$0xFFFFFFE0] =	vst v50  }
0x67e: {  	v4 =	vld [tilespmem:s6+$0xFFFFFFF0];
	_ =	sdelay $0x1  }
0x67f: {  	[tilespmem:s1+$0x170] =	vst v48  }
0x680: {  	v51 =	vld.idx.msk [tilespmem:v35+s17+$0x0], $0xffff  }
0x681: {  	[tilespmem:s1+$0xFFFFFC70] =	vst v53;
	v52 =	vld.idx.msk [tilespmem:v2+s3+$0x0], $0xffff  }
0x682: {  	v10 =	vld.idx.msk [tilespmem:v6+s15+$0x0], $0xffff  }
0x683: {  	v55 =	vld.idx.msk [tilespmem:v5+s3+$0x0], $0xffff  }
0x684: {  	[tilespmem:s31+$0xFFFFFDF0] =	vst v3;
	v54 =	vld.idx.msk [tilespmem:v1+s3+$0x0], $0xffff  }
0x685: {  	[tilespmem:s1+$0x1F0] =	vst v51;
	v56 =	vld.idx.msk [tilespmem:v4+s3+$0x0], $0xffff  }
0x686: {  	[tilespmem:s12+$0x70] =	vst v52;
	v7 =	vld.idx.msk [tilespmem:v35+s18+$0x0], $0xffff  }
0x687: {  	[tilespmem:s1+$0xFFFFFCF0] =	vst v10;
	v8 =	vld.idx.msk [tilespmem:v2+s15+$0x0], $0xffff  }
0x688: {  	v60 =	vld.idx.msk [tilespmem:v0+s18+$0x0], $0xffff;
	[tilespmem:s12+$0xFFFFFC70] =	vst v55  }
0x689: {  	v59 =	vld.idx.msk [tilespmem:v5+s15+$0x0], $0xffff;
	[tilespmem:s7+$0x70] =	vst v54  }
0x68a: {  	v58 =	vld.idx.msk [tilespmem:v1+s15+$0x0], $0xffff;
	[tilespmem:s7+$0xFFFFFC70] =	vst v56  }
0x68b: {  	[tilespmem:s1+$0x270] =	vst v7;
	v7 =	vld.idx.msk [tilespmem:v4+s15+$0x0], $0xffff  }
0x68c: {  	v10 =	vld.idx.msk [tilespmem:v6+s16+$0x0], $0xffff;
	[tilespmem:s12+$0xF0] =	vst v8  }
0x68d: {  	[tilespmem:s31+$0xFFFFFE70] =	vst v60;
	v8 =	vld.idx.msk [tilespmem:v2+s16+$0x0], $0xffff  }
0x68e: {  	v57 =	vld.idx.msk [tilespmem:v35+s19+$0x0], $0xffff;
	[tilespmem:s12+$0xFFFFFCF0] =	vst v59  }
0x68f: {  	v11 =	vld.idx.msk [tilespmem:v5+s16+$0x0], $0xffff;
	[tilespmem:s7+$0xF0] =	vst v58  }
0x690: {  	v3 =	vld.idx.msk [tilespmem:v1+s16+$0x0], $0xffff;
	[tilespmem:s7+$0xFFFFFCF0] =	vst v7  }
0x691: {  	[tilespmem:s1+$0xFFFFFD70] =	vst v10;
	v7 =	vld.idx.msk [tilespmem:v4+s16+$0x0], $0xffff  }
0x692: {  	v10 =	vld.idx.msk [tilespmem:v6+s17+$0x0], $0xffff;
	[tilespmem:s12+$0x170] =	vst v8  }
0x693: {  	v8 =	vld.idx.msk [tilespmem:v2+s17+$0x0], $0xffff;
	[tilespmem:s1+$0x2F0] =	vst v57  }
0x694: {  	v12 =	vld.idx.msk [tilespmem:v35+s20+$0x0], $0xffff;
	[tilespmem:s12+$0xFFFFFD70] =	vst v11  }
0x695: {  	v11 =	vld.idx.msk [tilespmem:v5+s17+$0x0], $0xffff;
	[tilespmem:s7+$0x170] =	vst v3  }
0x696: {  	v3 =	vld.idx.msk [tilespmem:v1+s17+$0x0], $0xffff;
	[tilespmem:s7+$0xFFFFFD70] =	vst v7  }
0x697: {  	[tilespmem:s1+$0xFFFFFDF0] =	vst v10;
	v7 =	vld.idx.msk [tilespmem:v4+s17+$0x0], $0xffff  }
0x698: {  	v10 =	vld.idx.msk [tilespmem:v6+s18+$0x0], $0xffff;
	[tilespmem:s12+$0x1F0] =	vst v8  }
0x699: {  	v8 =	vld.idx.msk [tilespmem:v2+s18+$0x0], $0xffff;
	[tilespmem:s1+$0x370] =	vst v12  }
0x69a: {  	v9 =	vld.idx.msk [tilespmem:v35+s21+$0x0], $0xffff;
	[tilespmem:s12+$0xFFFFFDF0] =	vst v11  }
0x69b: {  	v11 =	vld.idx.msk [tilespmem:v5+s18+$0x0], $0xffff;
	[tilespmem:s7+$0x1F0] =	vst v3  }
0x69c: {  	v3 =	vld.idx.msk [tilespmem:v1+s18+$0x0], $0xffff;
	[tilespmem:s7+$0xFFFFFDF0] =	vst v7  }
0x69d: {  	[tilespmem:s1+$0xFFFFFE70] =	vst v10;
	v7 =	vld.idx.msk [tilespmem:v4+s18+$0x0], $0xffff  }
0x69e: {  	v10 =	vld.idx.msk [tilespmem:v6+s19+$0x0], $0xffff;
	[tilespmem:s12+$0x270] =	vst v8  }
0x69f: {  	v8 =	vld.idx.msk [tilespmem:v2+s19+$0x0], $0xffff;
	[tilespmem:s1+$0x3F0] =	vst v9  }
0x6a0: {  	v9 =	vld.idx.msk [tilespmem:v0+s19+$0x0], $0xffff;
	[tilespmem:s12+$0xFFFFFE70] =	vst v11  }
0x6a1: {  	v11 =	vld.idx.msk [tilespmem:v5+s19+$0x0], $0xffff;
	[tilespmem:s7+$0x270] =	vst v3  }
0x6a2: {  	v3 =	vld.idx.msk [tilespmem:v1+s19+$0x0], $0xffff;
	[tilespmem:s7+$0xFFFFFE70] =	vst v7  }
0x6a3: {  	[tilespmem:s1+$0xFFFFFEF0] =	vst v10;
	v7 =	vld.idx.msk [tilespmem:v4+s19+$0x0], $0xffff  }
0x6a4: {  	v10 =	vld.idx.msk [tilespmem:v6+s20+$0x0], $0xffff;
	[tilespmem:s12+$0x2F0] =	vst v8  }
0x6a5: {  	v8 =	vld.idx.msk [tilespmem:v2+s20+$0x0], $0xffff;
	[tilespmem:s31+$0xFFFFFEF0] =	vst v9  }
0x6a6: {  	v9 =	vld.idx.msk [tilespmem:v0+s20+$0x0], $0xffff;
	[tilespmem:s12+$0xFFFFFEF0] =	vst v11  }
0x6a7: {  	v11 =	vld.idx.msk [tilespmem:v5+s20+$0x0], $0xffff;
	[tilespmem:s7+$0x2F0] =	vst v3  }
0x6a8: {  	v3 =	vld.idx.msk [tilespmem:v1+s20+$0x0], $0xffff;
	[tilespmem:s7+$0xFFFFFEF0] =	vst v7  }
0x6a9: {  	[tilespmem:s1+$0xFFFFFF70] =	vst v10;
	v7 =	vld.idx.msk [tilespmem:v4+s20+$0x0], $0xffff  }
0x6aa: {  	v6 =	vld.idx.msk [tilespmem:v6+s21+$0x0], $0xffff;
	[tilespmem:s12+$0x370] =	vst v8  }
0x6ab: {  	v2 =	vld.idx.msk [tilespmem:v2+s21+$0x0], $0xffff;
	[tilespmem:s31+$0xFFFFFF70] =	vst v9  }
0x6ac: {  	v61 =	vld.idx.msk [tilespmem:v0+s21+$0x0], $0xffff;
	[tilespmem:s12+$0xFFFFFF70] =	vst v11  }
0x6ad: {  	v62 =	vld.idx.msk [tilespmem:v5+s21+$0x0], $0xffff;
	[tilespmem:s7+$0x370] =	vst v3  }
0x6ae: {  	v1 =	vld.idx.msk [tilespmem:v1+s21+$0x0], $0xffff;
	[tilespmem:s7+$0xFFFFFF70] =	vst v7  }
0x6af: {  	[tilespmem:s1+$0xFFFFFFF0] =	vst v6;
	v63 =	vld.idx.msk [tilespmem:v4+s21+$0x0], $0xffff  }
0x6b0: {  	[tilespmem:s12+$0x3F0] =	vst v2  }
.Ltmp4:
0x6b1: {  	[tilespmem:s31+$0xFFFFFFF0] =	vst v61;
	s31 =	sshll.u32 s30, $0x12;
	(pc) =	sbr.rel @p1 .LBB2_8-.Ltmp4, $4  }
0x6b2: {  	s0 =	sor.u32 s8, s31;
	[tilespmem:s12+$0xFFFFFFF0] =	vst v62  }
0x6b3: {  	s0 =	sshrl.u32 s0, $0x3;
	[tilespmem:s7+$0x3F0] =	vst v1  }
0x6b4: {  	s0 =	sadd.s32 s2, s0;
	[tilespmem:s7+$0xFFFFFFF0] =	vst v63  }
0x6b5: {  	[hbm4b:s0+s3] =	stream.linear.scatter [tilespmem:s24], [sflag:$0x4], $0x8000, $0x38;
	[tilespmem:$0x13F40] =	vst v63  }
.Ltmp5:
0x6b6: {  	(pc) =	sbr.rel .LBB2_2-.Ltmp5, $4  }
0x6b7: {  	_ = 	snop  }
0x6b8: {  	s0 =	sshll.u32 s30, $0x9  }
0x6b9: {  	s29 =	sadd.s32 $0x1, s29;
	s0 =	sadd.s32 s0, s9  }
0x6ba: {  	[tilespmem:s13], [sflag:$0x2] =	stream.linear.gather [hbm4b:s0+s3], $0x1000, $0x38;
	[tilespmem:$0x13F40] =	vst v63  }
.LBB2_9:
0x6bb: {  	_ =	sfence.sel $0x180000  }
0x6bc: {  	[bflag:$0x0] =	sbarrier.arrive $0xFFFF  }
0x6bd: {  	_ =	strace $0x90000047  }
0x6be: {  	s0 =	stileid.u32;
	[bflag:$0x2] =	sbarrier.arrive $0xFFFF  }
0x6bf: {  	p0 =	sne.s32 s0, $0x0;
	s0 =	rddreg [dreg:$0x2]  }
0x6c0: {  	s0 =	sadd.s32 @!p0 $0x100000, s0  }
0x6c1: {  	[sflag:s0] =	ssyncadd.tile.s32 @!p0 $0x1;
	_ =	shalt  }
.Lfunc_end2:
_tile_overlayer_lowered:
.L_overlay_start_2:
0x6c2: {  	(tag) =	ssettag $0x2  }
0x6c3: {  	s0 =	rddreg [dreg:$0x0];
	s2 =	stileid.u32  }
0x6c4: {  	s1 =	rddreg [dreg:$0x1];
	p0 =	sne.s32 s2, $0x0  }
0x6c5: {  	s3 =	rddreg [dreg:$0x2];
	[bflag:$0x3] =	sbarrier.arrive $0xFFFF;
	s2 =	simm.s32 @!p0 $0x1C05  }
0x6c6: {  	[timem:s3], [sflag:s2] =	dma.local @!p0 [hbm:s0], s1  }
0x6c7: {  	s0 =	simm.s32 @!p0 $0x5  }
0x6c8: {  	_ =	swait.ge @!p0 [sflag:s0], s1  }
0x6c9: {  	s1 =	ssub.s32 @!p0 $0x0, s1;
	[sflag:s0] =	ssyncset.done @!p0 $0x0  }
0x6ca: {  	[sflag:s0] =	ssyncadd.s32 @!p0 s1  }
0x6cb: {  	[bflag:$0x3] =	sbarrier.arrive $0xFFFF  }
0x6cc: {  	_ =	shalt  }

</sc_bundles>
